<compile_context>
chip_gen: v7x
topology: tpu7x:2x2x1
jax: 0.10.2.dev20260603
libtpu: 0.0.44.dev20260713+nightly
codegen_flags: <defaults>
</compile_context>

<pallas_src>
import functools

import jax
import jax.numpy as jnp
from jax import lax
from jax.experimental import pallas as pl
from jax.experimental.pallas import tpu as pltpu
from jax.experimental.pallas import tpu_sc as plsc

N = 50000
E = 800000
G = 512
NAI = 4
NAF = 64
NRBF = 10
NCONV = 3
NH = 64

NSC = 2
NTILE = 16

NP = 50176
EC = 64
EPT = 50048
NCHUNK = EPT // EC
E_PAD = EPT * NTILE

HALF = NP // 2
SPROWS = HALF + 16
ZPT = SPROWS // NTILE
ZCH = ZPT // EC
ZREM = ZPT - ZCH * EC
OCH = 14
OC = HALF // NTILE // OCH

GP = 528
NPT = NP // (NSC * NTILE)
PCH = 14
PC = NPT // PCH

_STEP = 6.0 / (NRBF - 1)
_COEFF = -0.5 / _STEP ** 2



def _ef_body(attr_ref, beW_ref, beb_ref, ef0_ref, ef1_ref, ef2_ref):
    a = attr_ref[0, 0, :]
    offs = jnp.arange(NRBF, dtype=jnp.int32).astype(jnp.float32) * _STEP
    d = a[:, None] - offs[None, :]
    ea = jnp.exp(_COEFF * d * d)
    outs = (ef0_ref, ef1_ref, ef2_ref)
    for i in range(NCONV):
        outs[i][...] = ea @ beW_ref[i] + beb_ref[i][None, :]


def _tc_ef(attr_p, be_W, be_b):
    eshape = jax.ShapeDtypeStruct((E_PAD, NAF), jnp.float32)
    attr2 = attr_p.reshape(E_PAD // 2048, 1, 2048)
    return pl.pallas_call(
        _ef_body,
        grid=(E_PAD // 2048,),
        in_specs=[
            pl.BlockSpec((1, 1, 2048), lambda i: (i, 0, 0)),
            pl.BlockSpec((NCONV, NRBF, NAF), lambda i: (0, 0, 0)),
            pl.BlockSpec((NCONV, NAF), lambda i: (0, 0)),
        ],
        out_specs=[pl.BlockSpec((2048, NAF), lambda i: (i, 0))] * NCONV,
        out_shape=[eshape] * NCONV,
    )(attr2, be_W, be_b)


def _emb_body(x_ref, eW_ref, eb_ref, w1_ref, b1_ref, h_ref, hs_ref):
    h = x_ref[...] @ eW_ref[...] + eb_ref[...]
    h_ref[...] = h
    hs_ref[...] = h @ w1_ref[...] + b1_ref[...]


def _tc_emb(xp, emb_W, emb_b, w1, b1):
    hshape = jax.ShapeDtypeStruct((NP, NAF), jnp.float32)
    return pl.pallas_call(
        _emb_body,
        grid=(NP // 1024,),
        in_specs=[
            pl.BlockSpec((1024, NAI), lambda i: (i, 0)),
            pl.BlockSpec((NAI, NAF), lambda i: (0, 0)),
            pl.BlockSpec((1, NAF), lambda i: (0, 0)),
            pl.BlockSpec((NAF, NAF), lambda i: (0, 0)),
            pl.BlockSpec((1, NAF), lambda i: (0, 0)),
        ],
        out_specs=[pl.BlockSpec((1024, NAF), lambda i: (i, 0))] * 2,
        out_shape=[hshape, hshape],
    )(xp, emb_W, emb_b.reshape(1, NAF), w1, b1.reshape(1, NAF))


def _softplus(t):
    return jnp.maximum(t, 0.0) + jnp.log1p(jnp.exp(-jnp.abs(t)))


def _post_body(h_ref, agg_ref, w2_ref, b2_ref, w1_ref, b1_ref, h_out, hs_out):
    t = h_ref[...] + agg_ref[...] @ w2_ref[...] + b2_ref[...]
    hn = _softplus(t)
    h_out[...] = hn
    hs_out[...] = hn @ w1_ref[...] + b1_ref[...]


def _tc_post(h, agg, w2, b2, w1, b1):
    hshape = jax.ShapeDtypeStruct((NP, NAF), jnp.float32)
    return pl.pallas_call(
        _post_body,
        grid=(NP // 1024,),
        in_specs=[
            pl.BlockSpec((1024, NAF), lambda i: (i, 0)),
            pl.BlockSpec((1024, NAF), lambda i: (i, 0)),
            pl.BlockSpec((NAF, NAF), lambda i: (0, 0)),
            pl.BlockSpec((1, NAF), lambda i: (0, 0)),
            pl.BlockSpec((NAF, NAF), lambda i: (0, 0)),
            pl.BlockSpec((1, NAF), lambda i: (0, 0)),
        ],
        out_specs=[pl.BlockSpec((1024, NAF), lambda i: (i, 0))] * 2,
        out_shape=[hshape, hshape],
    )(h, agg, w2, b2.reshape(1, NAF), w1, b1.reshape(1, NAF))


def _post_last_body(h_ref, agg_ref, w2_ref, b2_ref, h_out):
    t = h_ref[...] + agg_ref[...] @ w2_ref[...] + b2_ref[...]
    h_out[...] = _softplus(t)


def _tc_post_last(h, agg, w2, b2):
    return pl.pallas_call(
        _post_last_body,
        grid=(NP // 1024,),
        in_specs=[
            pl.BlockSpec((1024, NAF), lambda i: (i, 0)),
            pl.BlockSpec((1024, NAF), lambda i: (i, 0)),
            pl.BlockSpec((NAF, NAF), lambda i: (0, 0)),
            pl.BlockSpec((1, NAF), lambda i: (0, 0)),
        ],
        out_specs=pl.BlockSpec((1024, NAF), lambda i: (i, 0)),
        out_shape=jax.ShapeDtypeStruct((NP, NAF), jnp.float32),
    )(h, agg, w2, b2.reshape(1, NAF))


def _head_body(ps_ref, pc_ref, u_ref, fcW_ref, fcb_ref,
               hbW1_ref, hbb1_ref, hbW2_ref, hbb2_ref,
               heW1_ref, heb1_ref, heW2_ref, heb2_ref,
               bg_ref, eh_ref):
    sums = ps_ref[0:G, :] + ps_ref[GP:GP + G, :]
    cnt = pc_ref[0:G, 0:1] + pc_ref[GP:GP + G, 0:1]
    c = sums / jnp.maximum(cnt, 1.0)
    fcW = fcW_ref[...]
    z = c @ fcW[0:NAF, :] + u_ref[...] @ fcW[NAF:NAF + 2, :] + fcb_ref[...]
    z = jnp.maximum(z, 0.0)
    bg_raw = (jnp.maximum(z @ hbW1_ref[...] + hbb1_ref[...], 0.0)
              @ hbW2_ref[...] + hbb2_ref[...])
    bg_ref[...] = jnp.log1p(jnp.maximum(bg_raw, 0.0))
    eh_ref[...] = (jnp.maximum(z @ heW1_ref[...] + heb1_ref[...], 0.0)
                   @ heW2_ref[...] + heb2_ref[...])


def _tc_head(psum, pcnt, u, fc_W, fc_b, hb_W1, hb_b1, hb_W2, hb_b2,
             he_W1, he_b1, he_W2, he_b2):
    whole = lambda a: pl.BlockSpec(a.shape, lambda: tuple(0 for _ in a.shape))
    args = (psum, pcnt, u, fc_W, fc_b.reshape(1, 2 * NH),
            hb_W1, hb_b1.reshape(1, NH), hb_W2, hb_b2.reshape(1, 1),
            he_W1, he_b1.reshape(1, NH), he_W2, he_b2.reshape(1, 1))
    oshape = jax.ShapeDtypeStruct((G, 1), jnp.float32)
    return pl.pallas_call(
        _head_body,
        in_specs=[whole(a) for a in args],
        out_specs=[pl.BlockSpec((G, 1), lambda: (0, 0))] * 2,
        out_shape=[oshape, oshape],
    )(*args)



@functools.lru_cache(maxsize=None)
def _sc_mesh():
    return plsc.VectorSubcoreMesh(
        core_axis_name="c", subcore_axis_name="s", num_cores=NSC,
        num_subcores=NTILE)


def _conv_body(hs_hbm, ef_hbm, src_hbm, dst_hbm, agg_hbm,
               srcv0, dstv0, idxv0, hsr0, efr0, msg0,
               srcv1, dstv1, idxv1, hsr1, efr1, msg1,
               lsem0, gsem0, ssem0, lsem1, gsem1, ssem1, aggsp):
    c = lax.axis_index("c")
    s = lax.axis_index("s")
    base = c * HALF
    B = ((srcv0, dstv0, idxv0, hsr0, efr0, msg0, lsem0, gsem0, ssem0),
         (srcv1, dstv1, idxv1, hsr1, efr1, msg1, lsem1, gsem1, ssem1))

    @pl.loop(0, EC)
    def _zfill(r):
        for j in range(NAF // 16):
            msg0[r, pl.ds(j * 16, 16)] = jnp.zeros((16,), jnp.float32)

    @pl.loop(0, ZCH)
    def _zcopy(r):
        row0 = s * ZPT + r * EC
        pltpu.sync_copy(msg0, aggsp.at[pl.ds(row0, EC)])

    pltpu.sync_copy(msg0.at[pl.ds(0, ZREM)],
                    aggsp.at[pl.ds(s * ZPT + ZCH * EC, ZREM)])

    plsc.subcore_barrier()

    tb = s * EPT

    def lin_issue(k, buf):
        srcv, dstv, _, _, efr, _, lsem, _, _ = buf
        off = pl.multiple_of(tb + k * EC, EC)
        pltpu.async_copy(src_hbm.at[pl.ds(off, EC)], srcv, lsem)
        pltpu.async_copy(dst_hbm.at[pl.ds(off, EC)], dstv, lsem)
        pltpu.async_copy(ef_hbm.at[pl.ds(off, EC)], efr, lsem)

    def lin_wait(k, buf):
        srcv, dstv, _, _, efr, _, lsem, _, _ = buf
        off = pl.multiple_of(tb + k * EC, EC)
        pltpu.make_async_copy(src_hbm.at[pl.ds(off, EC)], srcv, lsem).wait()
        pltpu.make_async_copy(dst_hbm.at[pl.ds(off, EC)], dstv, lsem).wait()
        pltpu.make_async_copy(ef_hbm.at[pl.ds(off, EC)], efr, lsem).wait()

    def step(k, buf, nxt, do_scatter_wait, issue_pred=True):
        srcv, dstv, idxv, hsr, efr, msg, lsem, gsem, ssem = buf
        lin_wait(k, buf)
        pltpu.async_copy(hs_hbm.at[srcv], hsr, gsem)
        if nxt is not None:
            if issue_pred is True:
                lin_issue(k + 1, nxt)
            else:
                pl.when(issue_pred)(lambda: lin_issue(k + 1, nxt))
        if do_scatter_wait is not None:
            w = lambda: pltpu.make_async_copy(
                msg, aggsp.at[idxv], ssem).wait()
            if do_scatter_wait is True:
                w()
            else:
                pl.when(do_scatter_wait)(w)

        @pl.loop(0, EC // 16)
        def _idx(g):
            o = pl.multiple_of(g * 16, 16)
            d = dstv[pl.ds(o, 16)]
            loc = d - base
            inr = (loc >= 0) & (loc < HALF)
            idxv[pl.ds(o, 16)] = jnp.where(inr, loc, HALF)

        pltpu.make_async_copy(hs_hbm.at[srcv], hsr, gsem).wait()

        @pl.loop(0, EC, unroll=2)
        def _mul(r):
            for j in range(NAF // 16):
                sl = pl.ds(j * 16, 16)
                msg[r, sl] = hsr[r, sl] * efr[r, sl]

        pltpu.async_copy(msg, aggsp.at[idxv], ssem, add=True)

    lin_issue(0, B[0])

    @pl.loop(0, NCHUNK // 2)
    def _round(r):
        step(2 * r, B[0], B[1], r >= 1)
        step(2 * r + 1, B[1], B[0], r >= 1,
             issue_pred=r < NCHUNK // 2 - 1)

    pltpu.make_async_copy(msg0, aggsp.at[idxv0], ssem0).wait()
    pltpu.make_async_copy(msg1, aggsp.at[idxv1], ssem1).wait()

    plsc.subcore_barrier()

    @pl.loop(0, OCH)
    def _out(r):
        row0 = pl.multiple_of((s * OCH + r) * OC, 16)
        pltpu.sync_copy(aggsp.at[pl.ds(row0, OC)],
                        agg_hbm.at[pl.ds(base + row0, OC)])


@functools.lru_cache(maxsize=None)
def _sc_conv_kernel():
    return pl.kernel(
        _conv_body,
        out_type=jax.ShapeDtypeStruct((NP, NAF), jnp.float32),
        mesh=_sc_mesh(),
        compiler_params=pltpu.CompilerParams(use_tc_tiling_on_sc=False),
        scratch_types=(
            [pltpu.VMEM((EC,), jnp.int32)] * 3
            + [pltpu.VMEM((EC, NAF), jnp.float32)] * 3
            + [pltpu.VMEM((EC,), jnp.int32)] * 3
            + [pltpu.VMEM((EC, NAF), jnp.float32)] * 3
            + [pltpu.SemaphoreType.DMA] * 6
            + [pltpu.VMEM_SHARED((SPROWS, NAF), jnp.float32)]
        ),
    )


def _sc_conv(hs_hbm, ef_hbm, src_hbm, dst_hbm):
    return _sc_conv_kernel()(hs_hbm, ef_hbm, src_hbm, dst_hbm)


def _pool_body(h_hbm, batch_hbm, psum_hbm, pcnt_hbm,
               bidv, hbuf, obuf, psum_sp, pcnt_sp):
    c = lax.axis_index("c")
    s = lax.axis_index("s")

    @pl.loop(0, PC)
    def _fill(r):
        for j in range(NAF // 16):
            hbuf[r, pl.ds(j * 16, 16)] = jnp.zeros((16,), jnp.float32)
            obuf[r, pl.ds(j * 16, 16)] = jnp.ones((16,), jnp.float32)

    zrows = GP // NTILE
    pltpu.sync_copy(hbuf.at[pl.ds(0, zrows)], psum_sp.at[pl.ds(s * zrows, zrows)])
    pltpu.sync_copy(hbuf.at[pl.ds(0, zrows)], pcnt_sp.at[pl.ds(s * zrows, zrows)])
    plsc.subcore_barrier()

    nb0 = (c * NTILE + s) * NPT

    @pl.loop(0, PCH)
    def _chunk(k):
        off = pl.multiple_of(nb0 + k * PC, 16)
        pltpu.sync_copy(batch_hbm.at[pl.ds(off, PC)], bidv)
        pltpu.sync_copy(h_hbm.at[pl.ds(off, PC)], hbuf)
        pltpu.sync_copy(hbuf, psum_sp.at[bidv], add=True)
        pltpu.sync_copy(obuf, pcnt_sp.at[bidv], add=True)

    plsc.subcore_barrier()

    row0 = s * zrows
    pltpu.sync_copy(psum_sp.at[pl.ds(row0, zrows)],
                    psum_hbm.at[pl.ds(c * GP + row0, zrows)])
    pltpu.sync_copy(pcnt_sp.at[pl.ds(row0, zrows)],
                    pcnt_hbm.at[pl.ds(c * GP + row0, zrows)])


@functools.lru_cache(maxsize=None)
def _sc_pool_kernel():
    return pl.kernel(
        _pool_body,
        out_type=[jax.ShapeDtypeStruct((NSC * GP, NAF), jnp.float32),
                  jax.ShapeDtypeStruct((NSC * GP, NAF), jnp.float32)],
        mesh=_sc_mesh(),
        compiler_params=pltpu.CompilerParams(use_tc_tiling_on_sc=False),
        scratch_types=[
            pltpu.VMEM((PC,), jnp.int32),
            pltpu.VMEM((PC, NAF), jnp.float32),
            pltpu.VMEM((PC, NAF), jnp.float32),
            pltpu.VMEM_SHARED((GP, NAF), jnp.float32),
            pltpu.VMEM_SHARED((GP, NAF), jnp.float32),
        ],
    )


def _sc_pool(h_hbm, batch_hbm):
    return _sc_pool_kernel()(h_hbm, batch_hbm)



def kernel(x, edge_index, edge_attr, batch, u,
           emb_W, emb_b, b1_W, b1_b, be_W, be_b, b2_W, b2_b,
           fc_W, fc_b, hb_W1, hb_b1, hb_W2, hb_b2, he_W1, he_b1, he_W2, he_b2):
    xp = jnp.pad(x, ((0, NP - N), (0, 0)))
    srcp = jnp.pad(edge_index[0], (0, E_PAD - E))
    dstp = jnp.pad(edge_index[1], (0, E_PAD - E), constant_values=3 * HALF)
    attrp = jnp.pad(edge_attr, (0, E_PAD - E))
    batchp = jnp.pad(batch, (0, NP - N), constant_values=G)

    efs = _tc_ef(attrp, be_W, be_b)
    h, hs = _tc_emb(xp, emb_W, emb_b, b1_W[0], b1_b[0])
    for i in range(NCONV):
        agg = _sc_conv(hs, efs[i], srcp, dstp)
        if i + 1 < NCONV:
            h, hs = _tc_post(h, agg, b2_W[i], b2_b[i], b1_W[i + 1], b1_b[i + 1])
        else:
            h = _tc_post_last(h, agg, b2_W[i], b2_b[i])

    psum, pcnt = _sc_pool(h, batchp)
    return _tc_head(psum, pcnt, u, fc_W, fc_b, hb_W1, hb_b1, hb_W2, hb_b2,
                    he_W1, he_b1, he_W2, he_b2)

# --- scband reference (transcript-rebuilt; emitter-appended) ---
"""Pipeline reference for scband-crystall-gnn-28200755265620 (READ-ONLY COPY).

The authoritative reference and input builder live on the scoring server;
editing this copy changes nothing except your own understanding.
"""

import jax, jax.numpy as jnp
import numpy as np

N = 50000
E = 800000
G = 512
NAI = 4
NAF = 64
NGF = 2
NRBF = 10
NCONV = 3
NH = 64


def setup_inputs(seed: int = 0) -> dict:
    key = jax.random.key(seed)
    ks = jax.random.split(key, 32)
    x = jax.random.normal(ks[0], (N, NAI), dtype=jnp.float32)
    edge_index = jax.random.randint(ks[1], (2, E), 0, N, dtype=jnp.int32)
    edge_attr = jax.random.uniform(ks[2], (E,), dtype=jnp.float32) * 6.0
    batch = jnp.sort(jax.random.randint(ks[3], (N,), 0, G, dtype=jnp.int32))
    u = jax.random.normal(ks[4], (G, NGF), dtype=jnp.float32)
    s = 0.1
    emb_W = jax.random.normal(ks[5], (NAI, NAF), dtype=jnp.float32) * s
    emb_b = jnp.zeros((NAF,), jnp.float32)
    b1_W = jax.random.normal(ks[6], (NCONV, NAF, NAF), dtype=jnp.float32) * s
    b1_b = jnp.zeros((NCONV, NAF), jnp.float32)
    be_W = jax.random.normal(ks[7], (NCONV, NRBF, NAF), dtype=jnp.float32) * s
    be_b = jnp.zeros((NCONV, NAF), jnp.float32)
    b2_W = jax.random.normal(ks[8], (NCONV, NAF, NAF), dtype=jnp.float32) * s
    b2_b = jnp.zeros((NCONV, NAF), jnp.float32)
    fc_W = jax.random.normal(ks[9], (NAF + NGF, 2 * NH), dtype=jnp.float32) * s
    fc_b = jnp.zeros((2 * NH,), jnp.float32)
    hb_W1 = jax.random.normal(ks[10], (2 * NH, NH), dtype=jnp.float32) * s
    hb_b1 = jnp.zeros((NH,), jnp.float32)
    hb_W2 = jax.random.normal(ks[11], (NH, 1), dtype=jnp.float32) * s
    hb_b2 = jnp.zeros((1,), jnp.float32)
    he_W1 = jax.random.normal(ks[12], (2 * NH, NH), dtype=jnp.float32) * s
    he_b1 = jnp.zeros((NH,), jnp.float32)
    he_W2 = jax.random.normal(ks[13], (NH, 1), dtype=jnp.float32) * s
    he_b2 = jnp.zeros((1,), jnp.float32)
    return {
        "x": x, "edge_index": edge_index, "edge_attr": edge_attr, "batch": batch, "u": u,
        "emb_W": emb_W, "emb_b": emb_b,
        "b1_W": b1_W, "b1_b": b1_b, "be_W": be_W, "be_b": be_b, "b2_W": b2_W, "b2_b": b2_b,
        "fc_W": fc_W, "fc_b": fc_b,
        "hb_W1": hb_W1, "hb_b1": hb_b1, "hb_W2": hb_W2, "hb_b2": hb_b2,
        "he_W1": he_W1, "he_b1": he_b1, "he_W2": he_W2, "he_b2": he_b2,
    }


def reference(x, edge_index, edge_attr, batch, u,
              emb_W, emb_b, b1_W, b1_b, be_W, be_b, b2_W, b2_b,
              fc_W, fc_b, hb_W1, hb_b1, hb_W2, hb_b2, he_W1, he_b1, he_W2, he_b2):
    # Gaussian smearing of scalar distances: [E] -> [E, NRBF]
    offset = jnp.linspace(0.0, 6.0, NRBF)
    coeff = -0.5 / (offset[1] - offset[0]) ** 2
    ea = jnp.exp(coeff * (edge_attr[:, None] - offset[None, :]) ** 2)

    h = x @ emb_W + emb_b
    src = edge_index[0]
    dst = edge_index[1]
    for i in range(NCONV):
        # InteractionBlock: gather source node messages, modulate by edge filter, scatter-add to dst
        msg = (h @ b1_W[i] + b1_b[i])[src] * (ea @ be_W[i] + be_b[i])
        agg = jax.ops.segment_sum(msg, dst, num_segments=N)
        h = h + (agg @ b2_W[i] + b2_b[i])
        h = jax.nn.softplus(h)

    # global_mean_pool over graph ids
    sums = jax.ops.segment_sum(h, batch, num_segments=G)
    cnt = jax.ops.segment_sum(jnp.ones((N,), jnp.float32), batch, num_segments=G)
    c = sums / jnp.maximum(cnt, 1.0)[:, None]

    c = jnp.concatenate([c, u], axis=1)
    c = jax.nn.relu(c @ fc_W + fc_b)
    bg_raw = jax.nn.relu(c @ hb_W1 + hb_b1) @ hb_W2 + hb_b2
    out_bg = jnp.log1p(jnp.clip(bg_raw, 0.0, None))
    out_ehull = jax.nn.relu(c @ he_W1 + he_b1) @ he_W2 + he_b2
    return (out_bg, out_ehull)

if __name__ == "__main__":
    import jax
    _d = setup_inputs()
    print(jax.jit(kernel)(*tuple(_d.values())))

</pallas_src>

<mosaic_0001>
#map = affine_map<(d0, d1) -> (0, 0)>
#map1 = affine_map<(d0, d1) -> (0)>
module attributes {stable_mosaic.version = 14 : i64} {
  func.func @_conv_body(%arg0: i32, %arg1: i32, %arg2: memref<50176x64xf32, #tpu.memory_space<hbm>>, %arg3: memref<800768x64xf32, #tpu.memory_space<hbm>>, %arg4: memref<800768xi32, #tpu.memory_space<hbm>>, %arg5: memref<800768xi32, #tpu.memory_space<hbm>>, %arg6: memref<50176x64xf32, #tpu.memory_space<hbm>>, %arg7: memref<64xi32, #tpu.memory_space<vmem>>, %arg8: memref<64xi32, #tpu.memory_space<vmem>>, %arg9: memref<64xi32, #tpu.memory_space<vmem>>, %arg10: memref<64x64xf32, #tpu.memory_space<vmem>>, %arg11: memref<64x64xf32, #tpu.memory_space<vmem>>, %arg12: memref<64x64xf32, #tpu.memory_space<vmem>>, %arg13: memref<64xi32, #tpu.memory_space<vmem>>, %arg14: memref<64xi32, #tpu.memory_space<vmem>>, %arg15: memref<64xi32, #tpu.memory_space<vmem>>, %arg16: memref<64x64xf32, #tpu.memory_space<vmem>>, %arg17: memref<64x64xf32, #tpu.memory_space<vmem>>, %arg18: memref<64x64xf32, #tpu.memory_space<vmem>>, %arg19: memref<!tpu.dma_semaphore, #tpu.memory_space<semaphore_mem>>, %arg20: memref<!tpu.dma_semaphore, #tpu.memory_space<semaphore_mem>>, %arg21: memref<!tpu.dma_semaphore, #tpu.memory_space<semaphore_mem>>, %arg22: memref<!tpu.dma_semaphore, #tpu.memory_space<semaphore_mem>>, %arg23: memref<!tpu.dma_semaphore, #tpu.memory_space<semaphore_mem>>, %arg24: memref<!tpu.dma_semaphore, #tpu.memory_space<semaphore_mem>>, %arg25: memref<25104x64xf32, #tpu.memory_space<vmem_shared>>) attributes {dimension_semantics = [#tpu.dimension_semantics<core_parallel>, #tpu.dimension_semantics<subcore_parallel>], iteration_bounds = array<i64: 2, 16>, scalar_prefetch = 0 : i64, scratch_operands = 19 : i64, tpu.core_type = #tpu.core_type<sc_vector_subcore>, window_params = [{transform_indices = #map}, {transform_indices = #map}, {transform_indices = #map1}, {transform_indices = #map1}, {transform_indices = #map}]} {
    %mul3A = arith.constant 25088 : i32
    %mul3A_0 = arith.muli %arg0, %mul3A : i32
    %scan3A = arith.constant 0 : i32
    %scan3A_1 = arith.constant 64 : i32
    %scan3A_2 = arith.addi %scan3A, %scan3A_1 : i32
    %scan3A_3 = arith.constant 1 : i32
    scf.for %scan3A_40 = %scan3A to %scan3A_2 step %scan3A_3  : i32 {
      %mul3A_41 = arith.constant 1 : i32
      %mul3A_42 = arith.muli %scan3A_40, %mul3A_41 : i32
      %add3A_43 = arith.constant 0 : i32
      %add3A_44 = arith.addi %add3A_43, %mul3A_42 : i32
      %broadcast_in_dim3A = arith.constant 0.000000e+00 : f32
      %broadcast_in_dim3A_45 = vector.broadcast %broadcast_in_dim3A : f32 to vector<16xf32>
      %swap3A = arith.index_cast %add3A_44 : i32 to index
      %swap3A_46 = arith.constant 0 : index
      %swap3A_47 = tpu.vector_load %arg12[%swap3A, %swap3A_46] {strides = array<i32>} : memref<64x64xf32, #tpu.memory_space<vmem>>, vector<1x16xf32>,
      %swap3A_48 = vector.shape_cast %swap3A_47 : vector<1x16xf32> to vector<16xf32>
      %swap3A_49 = vector.shape_cast %broadcast_in_dim3A_45 : vector<16xf32> to vector<1x16xf32>
      tpu.vector_store %arg12[%swap3A, %swap3A_46], %swap3A_49 {strides = array<i32>} : memref<64x64xf32, #tpu.memory_space<vmem>>, vector<1x16xf32>,
      %broadcast_in_dim3A_50 = arith.constant 0.000000e+00 : f32
      %broadcast_in_dim3A_51 = vector.broadcast %broadcast_in_dim3A_50 : f32 to vector<16xf32>
      %swap3A_52 = arith.index_cast %add3A_44 : i32 to index
      %swap3A_53 = arith.constant 16 : index
      %swap3A_54 = tpu.vector_load %arg12[%swap3A_52, %swap3A_53] {strides = array<i32>} : memref<64x64xf32, #tpu.memory_space<vmem>>, vector<1x16xf32>,
      %swap3A_55 = vector.shape_cast %swap3A_54 : vector<1x16xf32> to vector<16xf32>
      %swap3A_56 = vector.shape_cast %broadcast_in_dim3A_51 : vector<16xf32> to vector<1x16xf32>
      tpu.vector_store %arg12[%swap3A_52, %swap3A_53], %swap3A_56 {strides = array<i32>} : memref<64x64xf32, #tpu.memory_space<vmem>>, vector<1x16xf32>,
      %broadcast_in_dim3A_57 = arith.constant 0.000000e+00 : f32
      %broadcast_in_dim3A_58 = vector.broadcast %broadcast_in_dim3A_57 : f32 to vector<16xf32>
      %swap3A_59 = arith.index_cast %add3A_44 : i32 to index
      %swap3A_60 = arith.constant 32 : index
      %swap3A_61 = tpu.vector_load %arg12[%swap3A_59, %swap3A_60] {strides = array<i32>} : memref<64x64xf32, #tpu.memory_space<vmem>>, vector<1x16xf32>,
      %swap3A_62 = vector.shape_cast %swap3A_61 : vector<1x16xf32> to vector<16xf32>
      %swap3A_63 = vector.shape_cast %broadcast_in_dim3A_58 : vector<16xf32> to vector<1x16xf32>
      tpu.vector_store %arg12[%swap3A_59, %swap3A_60], %swap3A_63 {strides = array<i32>} : memref<64x64xf32, #tpu.memory_space<vmem>>, vector<1x16xf32>,
      %broadcast_in_dim3A_64 = arith.constant 0.000000e+00 : f32
      %broadcast_in_dim3A_65 = vector.broadcast %broadcast_in_dim3A_64 : f32 to vector<16xf32>
      %swap3A_66 = arith.index_cast %add3A_44 : i32 to index
      %swap3A_67 = arith.constant 48 : index
      %swap3A_68 = tpu.vector_load %arg12[%swap3A_66, %swap3A_67] {strides = array<i32>} : memref<64x64xf32, #tpu.memory_space<vmem>>, vector<1x16xf32>,
      %swap3A_69 = vector.shape_cast %swap3A_68 : vector<1x16xf32> to vector<16xf32>
      %swap3A_70 = vector.shape_cast %broadcast_in_dim3A_65 : vector<16xf32> to vector<1x16xf32>
      tpu.vector_store %arg12[%swap3A_66, %swap3A_67], %swap3A_70 {strides = array<i32>} : memref<64x64xf32, #tpu.memory_space<vmem>>, vector<1x16xf32>,
    }
    %scan3A_4 = arith.constant 64 : i32
    %scan3A_5 = arith.constant 0 : i32
    %scan3A_6 = arith.constant 24 : i32
    %scan3A_7 = arith.addi %scan3A_5, %scan3A_6 : i32
    %scan3A_8 = arith.constant 1 : i32
    scf.for %scan3A_40 = %scan3A_5 to %scan3A_7 step %scan3A_8  : i32 {
      %mul3A_41 = arith.constant 1 : i32
      %mul3A_42 = arith.muli %scan3A_40, %mul3A_41 : i32
      %add3A_43 = arith.constant 0 : i32
      %add3A_44 = arith.addi %add3A_43, %mul3A_42 : i32
      %mul3A_45 = arith.constant 1569 : i32
      %mul3A_46 = arith.muli %arg1, %mul3A_45 : i32
      %mul3A_47 = arith.constant 64 : i32
      %mul3A_48 = arith.muli %add3A_44, %mul3A_47 : i32
      %add3A_49 = arith.addi %mul3A_46, %mul3A_48 : i32
      "tpu.region"() ({
        %run_scoped3A = tpu.sem_alloc : memref<!tpu.dma_semaphore, #tpu.memory_space<semaphore_mem>>
        %dma_start3A_50 = arith.constant 0 : i32
        %dma_start3A_51 = tpu.memref_slice %arg25[%add3A_49, %dma_start3A_50] : memref<25104x64xf32, #tpu.memory_space<vmem_shared>> -> memref<64x64xf32, #tpu.memory_space<vmem_shared>>
        %dma_start3A_52 = arith.constant 0 : i32
        %dma_start3A_53 = tpu.memref_slice %arg25[%add3A_49, %dma_start3A_52] : memref<25104x64xf32, #tpu.memory_space<vmem_shared>> -> memref<64x64xf32, #tpu.memory_space<vmem_shared>>
        tpu.enqueue_dma source(%arg12 : memref<64x64xf32, #tpu.memory_space<vmem>>) target(%dma_start3A_53 : memref<64x64xf32, #tpu.memory_space<vmem_shared>>) target_semaphore(%run_scoped3A : memref<!tpu.dma_semaphore, #tpu.memory_space<semaphore_mem>>)
        %dma_wait3A_54 = arith.constant 0 : i32
        %dma_wait3A_55 = tpu.memref_slice %arg25[%add3A_49, %dma_wait3A_54] : memref<25104x64xf32, #tpu.memory_space<vmem_shared>> -> memref<64x64xf32, #tpu.memory_space<vmem_shared>>
        %dma_wait3A_56 = arith.constant 0 : i32
        %dma_wait3A_57 = tpu.memref_slice %arg25[%add3A_49, %dma_wait3A_56] : memref<25104x64xf32, #tpu.memory_space<vmem_shared>> -> memref<64x64xf32, #tpu.memory_space<vmem_shared>>
        tpu.wait_dma2 semaphore(%run_scoped3A : memref<!tpu.dma_semaphore, #tpu.memory_space<semaphore_mem>>) src(%arg12 : memref<64x64xf32, #tpu.memory_space<vmem>>) dst(%dma_wait3A_57 : memref<64x64xf32, #tpu.memory_space<vmem_shared>>)
        tpu.yield
      }) : () -> ()
    }
    %scan3A_9 = arith.constant 24 : i32
    %mul3A_10 = arith.constant 1569 : i32
    %mul3A_11 = arith.muli %arg1, %mul3A_10 : i32
    %add3A = arith.constant 1536 : i32
    %add3A_12 = arith.addi %mul3A_11, %add3A : i32
    "tpu.region"() ({
      %run_scoped3A = tpu.sem_alloc : memref<!tpu.dma_semaphore, #tpu.memory_space<semaphore_mem>>
      %dma_start3A_40 = arith.constant 0 : i32
      %dma_start3A_41 = arith.constant 0 : i32
      %dma_start3A_42 = tpu.memref_slice %arg12[%dma_start3A_40, %dma_start3A_41] : memref<64x64xf32, #tpu.memory_space<vmem>> -> memref<33x64xf32, #tpu.memory_space<vmem>>
      %dma_start3A_43 = arith.constant 0 : i32
      %dma_start3A_44 = tpu.memref_slice %arg25[%add3A_12, %dma_start3A_43] : memref<25104x64xf32, #tpu.memory_space<vmem_shared>> -> memref<33x64xf32, #tpu.memory_space<vmem_shared>>
      %dma_start3A_45 = arith.constant 0 : i32
      %dma_start3A_46 = tpu.memref_slice %arg25[%add3A_12, %dma_start3A_45] : memref<25104x64xf32, #tpu.memory_space<vmem_shared>> -> memref<33x64xf32, #tpu.memory_space<vmem_shared>>
      %dma_start3A_47 = arith.constant 0 : i32
      %dma_start3A_48 = arith.constant 0 : i32
      %dma_start3A_49 = tpu.memref_slice %arg12[%dma_start3A_47, %dma_start3A_48] : memref<64x64xf32, #tpu.memory_space<vmem>> -> memref<33x64xf32, #tpu.memory_space<vmem>>
      tpu.enqueue_dma source(%dma_start3A_49 : memref<33x64xf32, #tpu.memory_space<vmem>>) target(%dma_start3A_46 : memref<33x64xf32, #tpu.memory_space<vmem_shared>>) target_semaphore(%run_scoped3A : memref<!tpu.dma_semaphore, #tpu.memory_space<semaphore_mem>>)
      %dma_wait3A_50 = arith.constant 0 : i32
      %dma_wait3A_51 = arith.constant 0 : i32
      %dma_wait3A_52 = tpu.memref_slice %arg12[%dma_wait3A_50, %dma_wait3A_51] : memref<64x64xf32, #tpu.memory_space<vmem>> -> memref<33x64xf32, #tpu.memory_space<vmem>>
      %dma_wait3A_53 = arith.constant 0 : i32
      %dma_wait3A_54 = tpu.memref_slice %arg25[%add3A_12, %dma_wait3A_53] : memref<25104x64xf32, #tpu.memory_space<vmem_shared>> -> memref<33x64xf32, #tpu.memory_space<vmem_shared>>
      %dma_wait3A_55 = arith.constant 0 : i32
      %dma_wait3A_56 = tpu.memref_slice %arg25[%add3A_12, %dma_wait3A_55] : memref<25104x64xf32, #tpu.memory_space<vmem_shared>> -> memref<33x64xf32, #tpu.memory_space<vmem_shared>>
      %dma_wait3A_57 = arith.constant 0 : i32
      %dma_wait3A_58 = arith.constant 0 : i32
      %dma_wait3A_59 = tpu.memref_slice %arg12[%dma_wait3A_57, %dma_wait3A_58] : memref<64x64xf32, #tpu.memory_space<vmem>> -> memref<33x64xf32, #tpu.memory_space<vmem>>
      tpu.wait_dma2 semaphore(%run_scoped3A : memref<!tpu.dma_semaphore, #tpu.memory_space<semaphore_mem>>) src(%dma_wait3A_59 : memref<33x64xf32, #tpu.memory_space<vmem>>) dst(%dma_wait3A_56 : memref<33x64xf32, #tpu.memory_space<vmem_shared>>)
      tpu.yield
    }) : () -> ()
    %barrier3A = arith.constant 0 : index
    tpu.barrier barrier_id(%barrier3A)
    %mul3A_13 = arith.constant 50048 : i32
    %mul3A_14 = arith.muli %arg1, %mul3A_13 : i32
    %add3A_15 = arith.constant 0 : i32
    %add3A_16 = arith.addi %mul3A_14, %add3A_15 : i32
    %multiple_of3A = tpu.assume_multiple %add3A_16, 64 : i32
    %dma_start3A = tpu.memref_slice %arg4[%multiple_of3A] : memref<800768xi32, #tpu.memory_space<hbm>> -> memref<64xi32, #tpu.memory_space<hbm>>
    %dma_start3A_17 = tpu.memref_slice %arg4[%multiple_of3A] : memref<800768xi32, #tpu.memory_space<hbm>> -> memref<64xi32, #tpu.memory_space<hbm>>
    tpu.enqueue_dma source(%dma_start3A_17 : memref<64xi32, #tpu.memory_space<hbm>>) target(%arg7 : memref<64xi32, #tpu.memory_space<vmem>>) target_semaphore(%arg19 : memref<!tpu.dma_semaphore, #tpu.memory_space<semaphore_mem>>)
    %dma_start3A_18 = tpu.memref_slice %arg5[%multiple_of3A] : memref<800768xi32, #tpu.memory_space<hbm>> -> memref<64xi32, #tpu.memory_space<hbm>>
    %dma_start3A_19 = tpu.memref_slice %arg5[%multiple_of3A] : memref<800768xi32, #tpu.memory_space<hbm>> -> memref<64xi32, #tpu.memory_space<hbm>>
    tpu.enqueue_dma source(%dma_start3A_19 : memref<64xi32, #tpu.memory_space<hbm>>) target(%arg8 : memref<64xi32, #tpu.memory_space<vmem>>) target_semaphore(%arg19 : memref<!tpu.dma_semaphore, #tpu.memory_space<semaphore_mem>>)
    %dma_start3A_20 = arith.constant 0 : i32
    %dma_start3A_21 = tpu.memref_slice %arg3[%multiple_of3A, %dma_start3A_20] : memref<800768x64xf32, #tpu.memory_space<hbm>> -> memref<64x64xf32, #tpu.memory_space<hbm>>
    %dma_start3A_22 = arith.constant 0 : i32
    %dma_start3A_23 = tpu.memref_slice %arg3[%multiple_of3A, %dma_start3A_22] : memref<800768x64xf32, #tpu.memory_space<hbm>> -> memref<64x64xf32, #tpu.memory_space<hbm>>
    tpu.enqueue_dma source(%dma_start3A_23 : memref<64x64xf32, #tpu.memory_space<hbm>>) target(%arg11 : memref<64x64xf32, #tpu.memory_space<vmem>>) target_semaphore(%arg19 : memref<!tpu.dma_semaphore, #tpu.memory_space<semaphore_mem>>)
    %scan3A_24 = arith.constant 0 : i32
    %scan3A_25 = arith.constant 391 : i32
    %scan3A_26 = arith.addi %scan3A_24, %scan3A_25 : i32
    %scan3A_27 = arith.constant 1 : i32
    scf.for %scan3A_40 = %scan3A_24 to %scan3A_26 step %scan3A_27  : i32 {
      %mul3A_41 = arith.constant 1 : i32
      %mul3A_42 = arith.muli %scan3A_40, %mul3A_41 : i32
      %add3A_43 = arith.constant 0 : i32
      %add3A_44 = arith.addi %add3A_43, %mul3A_42 : i32
      %mul3A_45 = arith.constant 2 : i32
      %mul3A_46 = arith.muli %mul3A_45, %add3A_44 : i32
      %ge3A = arith.constant 1 : i32
      %ge3A_47 = arith.cmpi sge, %add3A_44, %ge3A : i32
      %mul3A_48 = arith.constant 64 : i32
      %mul3A_49 = arith.muli %mul3A_46, %mul3A_48 : i32
      %add3A_50 = arith.addi %mul3A_14, %mul3A_49 : i32
      %multiple_of3A_51 = tpu.assume_multiple %add3A_50, 64 : i32
      %dma_wait3A_52 = tpu.memref_slice %arg4[%multiple_of3A_51] : memref<800768xi32, #tpu.memory_space<hbm>> -> memref<64xi32, #tpu.memory_space<hbm>>
      %dma_wait3A_53 = tpu.memref_slice %arg4[%multiple_of3A_51] : memref<800768xi32, #tpu.memory_space<hbm>> -> memref<64xi32, #tpu.memory_space<hbm>>
      tpu.wait_dma2 semaphore(%arg19 : memref<!tpu.dma_semaphore, #tpu.memory_space<semaphore_mem>>) src(%dma_wait3A_53 : memref<64xi32, #tpu.memory_space<hbm>>) dst(%arg7 : memref<64xi32, #tpu.memory_space<vmem>>)
      %dma_wait3A_54 = tpu.memref_slice %arg5[%multiple_of3A_51] : memref<800768xi32, #tpu.memory_space<hbm>> -> memref<64xi32, #tpu.memory_space<hbm>>
      %dma_wait3A_55 = tpu.memref_slice %arg5[%multiple_of3A_51] : memref<800768xi32, #tpu.memory_space<hbm>> -> memref<64xi32, #tpu.memory_space<hbm>>
      tpu.wait_dma2 semaphore(%arg19 : memref<!tpu.dma_semaphore, #tpu.memory_space<semaphore_mem>>) src(%dma_wait3A_55 : memref<64xi32, #tpu.memory_space<hbm>>) dst(%arg8 : memref<64xi32, #tpu.memory_space<vmem>>)
      %dma_wait3A_56 = arith.constant 0 : i32
      %dma_wait3A_57 = tpu.memref_slice %arg3[%multiple_of3A_51, %dma_wait3A_56] : memref<800768x64xf32, #tpu.memory_space<hbm>> -> memref<64x64xf32, #tpu.memory_space<hbm>>
      %dma_wait3A_58 = arith.constant 0 : i32
      %dma_wait3A_59 = tpu.memref_slice %arg3[%multiple_of3A_51, %dma_wait3A_58] : memref<800768x64xf32, #tpu.memory_space<hbm>> -> memref<64x64xf32, #tpu.memory_space<hbm>>
      tpu.wait_dma2 semaphore(%arg19 : memref<!tpu.dma_semaphore, #tpu.memory_space<semaphore_mem>>) src(%dma_wait3A_59 : memref<64x64xf32, #tpu.memory_space<hbm>>) dst(%arg11 : memref<64x64xf32, #tpu.memory_space<vmem>>)
      %dma_start3A_60 = arith.constant 0 : i32
      %dma_start3A_61 = arith.constant 0 : i32
      %dma_start3A_62 = tpu.memref_slice %arg2[%dma_start3A_60, %dma_start3A_61] : memref<50176x64xf32, #tpu.memory_space<hbm>> -> memref<50176x64xf32, #tpu.memory_space<hbm>>
      tpu.enqueue_indirect_dma source(%dma_start3A_62 : memref<50176x64xf32, #tpu.memory_space<hbm>>) target(%arg10 : memref<64x64xf32, #tpu.memory_space<vmem>>) offsets(%arg7 : memref<64xi32, #tpu.memory_space<vmem>>) semaphore(%arg20 : memref<!tpu.dma_semaphore, #tpu.memory_space<semaphore_mem>>)
      %add3A_63 = arith.constant 1 : i32
      %add3A_64 = arith.addi %mul3A_46, %add3A_63 : i32
      %mul3A_65 = arith.constant 64 : i32
      %mul3A_66 = arith.muli %add3A_64, %mul3A_65 : i32
      %add3A_67 = arith.addi %mul3A_14, %mul3A_66 : i32
      %multiple_of3A_68 = tpu.assume_multiple %add3A_67, 64 : i32
      %dma_start3A_69 = tpu.memref_slice %arg4[%multiple_of3A_68] : memref<800768xi32, #tpu.memory_space<hbm>> -> memref<64xi32, #tpu.memory_space<hbm>>
      %dma_start3A_70 = tpu.memref_slice %arg4[%multiple_of3A_68] : memref<800768xi32, #tpu.memory_space<hbm>> -> memref<64xi32, #tpu.memory_space<hbm>>
      tpu.enqueue_dma source(%dma_start3A_70 : memref<64xi32, #tpu.memory_space<hbm>>) target(%arg13 : memref<64xi32, #tpu.memory_space<vmem>>) target_semaphore(%arg22 : memref<!tpu.dma_semaphore, #tpu.memory_space<semaphore_mem>>)
      %dma_start3A_71 = tpu.memref_slice %arg5[%multiple_of3A_68] : memref<800768xi32, #tpu.memory_space<hbm>> -> memref<64xi32, #tpu.memory_space<hbm>>
      %dma_start3A_72 = tpu.memref_slice %arg5[%multiple_of3A_68] : memref<800768xi32, #tpu.memory_space<hbm>> -> memref<64xi32, #tpu.memory_space<hbm>>
      tpu.enqueue_dma source(%dma_start3A_72 : memref<64xi32, #tpu.memory_space<hbm>>) target(%arg14 : memref<64xi32, #tpu.memory_space<vmem>>) target_semaphore(%arg22 : memref<!tpu.dma_semaphore, #tpu.memory_space<semaphore_mem>>)
      %dma_start3A_73 = arith.constant 0 : i32
      %dma_start3A_74 = tpu.memref_slice %arg3[%multiple_of3A_68, %dma_start3A_73] : memref<800768x64xf32, #tpu.memory_space<hbm>> -> memref<64x64xf32, #tpu.memory_space<hbm>>
      %dma_start3A_75 = arith.constant 0 : i32
      %dma_start3A_76 = tpu.memref_slice %arg3[%multiple_of3A_68, %dma_start3A_75] : memref<800768x64xf32, #tpu.memory_space<hbm>> -> memref<64x64xf32, #tpu.memory_space<hbm>>
      tpu.enqueue_dma source(%dma_start3A_76 : memref<64x64xf32, #tpu.memory_space<hbm>>) target(%arg17 : memref<64x64xf32, #tpu.memory_space<vmem>>) target_semaphore(%arg22 : memref<!tpu.dma_semaphore, #tpu.memory_space<semaphore_mem>>)
      %convert_element_type3A = arith.extui %ge3A_47 : i1 to i32
      %cond3A = arith.constant 0 : i32
      %cond3A_77 = arith.cmpi ne, %convert_element_type3A, %cond3A : i32
      scf.if %cond3A_77 {
        %dma_wait3A_138 = arith.constant 0 : i32
        %dma_wait3A_139 = arith.constant 0 : i32
        %dma_wait3A_140 = tpu.memref_slice %arg25[%dma_wait3A_138, %dma_wait3A_139] : memref<25104x64xf32, #tpu.memory_space<vmem_shared>> -> memref<25104x64xf32, #tpu.memory_space<vmem_shared>>
        tpu.wait_indirect_dma semaphore(%arg21 : memref<!tpu.dma_semaphore, #tpu.memory_space<semaphore_mem>>) src(%arg12 : memref<64x64xf32, #tpu.memory_space<vmem>>) dst(%dma_wait3A_140 : memref<25104x64xf32, #tpu.memory_space<vmem_shared>>)
      } else {
      }
      %scan3A_78 = arith.constant 0 : i32
      %scan3A_79 = arith.constant 4 : i32
      %scan3A_80 = arith.addi %scan3A_78, %scan3A_79 : i32
      %scan3A_81 = arith.constant 1 : i32
      scf.for %scan3A_138 = %scan3A_78 to %scan3A_80 step %scan3A_81  : i32 {
        %mul3A_139 = arith.constant 1 : i32
        %mul3A_140 = arith.muli %scan3A_138, %mul3A_139 : i32
        %add3A_141 = arith.constant 0 : i32
        %add3A_142 = arith.addi %add3A_141, %mul3A_140 : i32
        %mul3A_143 = arith.constant 16 : i32
        %mul3A_144 = arith.muli %add3A_142, %mul3A_143 : i32
        %multiple_of3A_145 = tpu.assume_multiple %mul3A_144, 16 : i32
        %get3A = arith.index_cast %multiple_of3A_145 : i32 to index
        %get3A_146 = tpu.vector_load %arg8[%get3A] {strides = array<i32>} : memref<64xi32, #tpu.memory_space<vmem>>, vector<16xi32>,
        %get3A_147 = vector.shape_cast %get3A_146 : vector<16xi32> to vector<16xi32>
        %sub3A = vector.broadcast %mul3A_0 : i32 to vector<16xi32>
        %sub3A_148 = arith.subi %get3A_147, %sub3A : vector<16xi32>
        %ge3A_149 = arith.constant 0 : i32
        %ge3A_150 = vector.broadcast %ge3A_149 : i32 to vector<16xi32>
        %ge3A_151 = arith.cmpi sge, %sub3A_148, %ge3A_150 : vector<16xi32>
        %lt3A_152 = arith.constant 25088 : i32
        %lt3A_153 = vector.broadcast %lt3A_152 : i32 to vector<16xi32>
        %lt3A_154 = arith.cmpi slt, %sub3A_148, %lt3A_153 : vector<16xi32>
        %and3A = arith.andi %ge3A_151, %lt3A_154 : vector<16xi1>
        %jit3A = arith.constant 25088 : i32
        %broadcast_in_dim3A = vector.broadcast %jit3A : i32 to vector<16xi32>
        %select_n3A = arith.select %and3A, %sub3A_148, %broadcast_in_dim3A : vector<16xi1>, vector<16xi32>
        %swap3A = arith.index_cast %multiple_of3A_145 : i32 to index
        %swap3A_155 = tpu.vector_load %arg9[%swap3A] {strides = array<i32>} : memref<64xi32, #tpu.memory_space<vmem>>, vector<16xi32>,
        %swap3A_156 = vector.shape_cast %swap3A_155 : vector<16xi32> to vector<16xi32>
        %swap3A_157 = vector.shape_cast %select_n3A : vector<16xi32> to vector<16xi32>
        tpu.vector_store %arg9[%swap3A], %swap3A_157 {strides = array<i32>} : memref<64xi32, #tpu.memory_space<vmem>>, vector<16xi32>,
      }
      %scan3A_82 = arith.constant 4 : i32
      %dma_wait3A_83 = arith.constant 0 : i32
      %dma_wait3A_84 = arith.constant 0 : i32
      %dma_wait3A_85 = tpu.memref_slice %arg2[%dma_wait3A_83, %dma_wait3A_84] : memref<50176x64xf32, #tpu.memory_space<hbm>> -> memref<50176x64xf32, #tpu.memory_space<hbm>>
      tpu.wait_indirect_dma semaphore(%arg20 : memref<!tpu.dma_semaphore, #tpu.memory_space<semaphore_mem>>) src(%dma_wait3A_85 : memref<50176x64xf32, #tpu.memory_space<hbm>>) dst(%arg10 : memref<64x64xf32, #tpu.memory_space<vmem>>)
      %scan3A_86 = arith.constant 0 : i32
      %scan3A_87 = arith.constant 64 : i32
      %scan3A_88 = arith.addi %scan3A_86, %scan3A_87 : i32
      %scan3A_89 = arith.constant 2 : i32
      scf.for %scan3A_138 = %scan3A_86 to %scan3A_88 step %scan3A_89  : i32 {
        %mul3A_139 = arith.constant 1 : i32
        %mul3A_140 = arith.muli %scan3A_138, %mul3A_139 : i32
        %add3A_141 = arith.constant 0 : i32
        %add3A_142 = arith.addi %add3A_141, %mul3A_140 : i32
        %get3A = arith.index_cast %add3A_142 : i32 to index
        %get3A_143 = arith.constant 0 : index
        %get3A_144 = tpu.vector_load %arg10[%get3A, %get3A_143] {strides = array<i32>} : memref<64x64xf32, #tpu.memory_space<vmem>>, vector<1x16xf32>,
        %get3A_145 = vector.shape_cast %get3A_144 : vector<1x16xf32> to vector<16xf32>
        %get3A_146 = arith.index_cast %add3A_142 : i32 to index
        %get3A_147 = arith.constant 0 : index
        %get3A_148 = tpu.vector_load %arg11[%get3A_146, %get3A_147] {strides = array<i32>} : memref<64x64xf32, #tpu.memory_space<vmem>>, vector<1x16xf32>,
        %get3A_149 = vector.shape_cast %get3A_148 : vector<1x16xf32> to vector<16xf32>
        %mul3A_150 = arith.mulf %get3A_145, %get3A_149 : vector<16xf32>
        %swap3A = arith.index_cast %add3A_142 : i32 to index
        %swap3A_151 = arith.constant 0 : index
        %swap3A_152 = tpu.vector_load %arg12[%swap3A, %swap3A_151] {strides = array<i32>} : memref<64x64xf32, #tpu.memory_space<vmem>>, vector<1x16xf32>,
        %swap3A_153 = vector.shape_cast %swap3A_152 : vector<1x16xf32> to vector<16xf32>
        %swap3A_154 = vector.shape_cast %mul3A_150 : vector<16xf32> to vector<1x16xf32>
        tpu.vector_store %arg12[%swap3A, %swap3A_151], %swap3A_154 {strides = array<i32>} : memref<64x64xf32, #tpu.memory_space<vmem>>, vector<1x16xf32>,
        %get3A_155 = arith.index_cast %add3A_142 : i32 to index
        %get3A_156 = arith.constant 16 : index
        %get3A_157 = tpu.vector_load %arg10[%get3A_155, %get3A_156] {strides = array<i32>} : memref<64x64xf32, #tpu.memory_space<vmem>>, vector<1x16xf32>,
        %get3A_158 = vector.shape_cast %get3A_157 : vector<1x16xf32> to vector<16xf32>
        %get3A_159 = arith.index_cast %add3A_142 : i32 to index
        %get3A_160 = arith.constant 16 : index
        %get3A_161 = tpu.vector_load %arg11[%get3A_159, %get3A_160] {strides = array<i32>} : memref<64x64xf32, #tpu.memory_space<vmem>>, vector<1x16xf32>,
        %get3A_162 = vector.shape_cast %get3A_161 : vector<1x16xf32> to vector<16xf32>
        %mul3A_163 = arith.mulf %get3A_158, %get3A_162 : vector<16xf32>
        %swap3A_164 = arith.index_cast %add3A_142 : i32 to index
        %swap3A_165 = arith.constant 16 : index
        %swap3A_166 = tpu.vector_load %arg12[%swap3A_164, %swap3A_165] {strides = array<i32>} : memref<64x64xf32, #tpu.memory_space<vmem>>, vector<1x16xf32>,
        %swap3A_167 = vector.shape_cast %swap3A_166 : vector<1x16xf32> to vector<16xf32>
        %swap3A_168 = vector.shape_cast %mul3A_163 : vector<16xf32> to vector<1x16xf32>
        tpu.vector_store %arg12[%swap3A_164, %swap3A_165], %swap3A_168 {strides = array<i32>} : memref<64x64xf32, #tpu.memory_space<vmem>>, vector<1x16xf32>,
        %get3A_169 = arith.index_cast %add3A_142 : i32 to index
        %get3A_170 = arith.constant 32 : index
        %get3A_171 = tpu.vector_load %arg10[%get3A_169, %get3A_170] {strides = array<i32>} : memref<64x64xf32, #tpu.memory_space<vmem>>, vector<1x16xf32>,
        %get3A_172 = vector.shape_cast %get3A_171 : vector<1x16xf32> to vector<16xf32>
        %get3A_173 = arith.index_cast %add3A_142 : i32 to index
        %get3A_174 = arith.constant 32 : index
        %get3A_175 = tpu.vector_load %arg11[%get3A_173, %get3A_174] {strides = array<i32>} : memref<64x64xf32, #tpu.memory_space<vmem>>, vector<1x16xf32>,
        %get3A_176 = vector.shape_cast %get3A_175 : vector<1x16xf32> to vector<16xf32>
        %mul3A_177 = arith.mulf %get3A_172, %get3A_176 : vector<16xf32>
        %swap3A_178 = arith.index_cast %add3A_142 : i32 to index
        %swap3A_179 = arith.constant 32 : index
        %swap3A_180 = tpu.vector_load %arg12[%swap3A_178, %swap3A_179] {strides = array<i32>} : memref<64x64xf32, #tpu.memory_space<vmem>>, vector<1x16xf32>,
        %swap3A_181 = vector.shape_cast %swap3A_180 : vector<1x16xf32> to vector<16xf32>
        %swap3A_182 = vector.shape_cast %mul3A_177 : vector<16xf32> to vector<1x16xf32>
        tpu.vector_store %arg12[%swap3A_178, %swap3A_179], %swap3A_182 {strides = array<i32>} : memref<64x64xf32, #tpu.memory_space<vmem>>, vector<1x16xf32>,
        %get3A_183 = arith.index_cast %add3A_142 : i32 to index
        %get3A_184 = arith.constant 48 : index
        %get3A_185 = tpu.vector_load %arg10[%get3A_183, %get3A_184] {strides = array<i32>} : memref<64x64xf32, #tpu.memory_space<vmem>>, vector<1x16xf32>,
        %get3A_186 = vector.shape_cast %get3A_185 : vector<1x16xf32> to vector<16xf32>
        %get3A_187 = arith.index_cast %add3A_142 : i32 to index
        %get3A_188 = arith.constant 48 : index
        %get3A_189 = tpu.vector_load %arg11[%get3A_187, %get3A_188] {strides = array<i32>} : memref<64x64xf32, #tpu.memory_space<vmem>>, vector<1x16xf32>,
        %get3A_190 = vector.shape_cast %get3A_189 : vector<1x16xf32> to vector<16xf32>
        %mul3A_191 = arith.mulf %get3A_186, %get3A_190 : vector<16xf32>
        %swap3A_192 = arith.index_cast %add3A_142 : i32 to index
        %swap3A_193 = arith.constant 48 : index
        %swap3A_194 = tpu.vector_load %arg12[%swap3A_192, %swap3A_193] {strides = array<i32>} : memref<64x64xf32, #tpu.memory_space<vmem>>, vector<1x16xf32>,
        %swap3A_195 = vector.shape_cast %swap3A_194 : vector<1x16xf32> to vector<16xf32>
        %swap3A_196 = vector.shape_cast %mul3A_191 : vector<16xf32> to vector<1x16xf32>
        tpu.vector_store %arg12[%swap3A_192, %swap3A_193], %swap3A_196 {strides = array<i32>} : memref<64x64xf32, #tpu.memory_space<vmem>>, vector<1x16xf32>,
        %scan3A_197 = arith.constant 1 : i32
        %scan3A_198 = arith.addi %scan3A_138, %scan3A_197 : i32
        %mul3A_199 = arith.constant 1 : i32
        %mul3A_200 = arith.muli %scan3A_198, %mul3A_199 : i32
        %add3A_201 = arith.constant 0 : i32
        %add3A_202 = arith.addi %add3A_201, %mul3A_200 : i32
        %get3A_203 = arith.index_cast %add3A_202 : i32 to index
        %get3A_204 = arith.constant 0 : index
        %get3A_205 = tpu.vector_load %arg10[%get3A_203, %get3A_204] {strides = array<i32>} : memref<64x64xf32, #tpu.memory_space<vmem>>, vector<1x16xf32>,
        %get3A_206 = vector.shape_cast %get3A_205 : vector<1x16xf32> to vector<16xf32>
        %get3A_207 = arith.index_cast %add3A_202 : i32 to index
        %get3A_208 = arith.constant 0 : index
        %get3A_209 = tpu.vector_load %arg11[%get3A_207, %get3A_208] {strides = array<i32>} : memref<64x64xf32, #tpu.memory_space<vmem>>, vector<1x16xf32>,
        %get3A_210 = vector.shape_cast %get3A_209 : vector<1x16xf32> to vector<16xf32>
        %mul3A_211 = arith.mulf %get3A_206, %get3A_210 : vector<16xf32>
        %swap3A_212 = arith.index_cast %add3A_202 : i32 to index
        %swap3A_213 = arith.constant 0 : index
        %swap3A_214 = tpu.vector_load %arg12[%swap3A_212, %swap3A_213] {strides = array<i32>} : memref<64x64xf32, #tpu.memory_space<vmem>>, vector<1x16xf32>,
        %swap3A_215 = vector.shape_cast %swap3A_214 : vector<1x16xf32> to vector<16xf32>
        %swap3A_216 = vector.shape_cast %mul3A_211 : vector<16xf32> to vector<1x16xf32>
        tpu.vector_store %arg12[%swap3A_212, %swap3A_213], %swap3A_216 {strides = array<i32>} : memref<64x64xf32, #tpu.memory_space<vmem>>, vector<1x16xf32>,
        %get3A_217 = arith.index_cast %add3A_202 : i32 to index
        %get3A_218 = arith.constant 16 : index
        %get3A_219 = tpu.vector_load %arg10[%get3A_217, %get3A_218] {strides = array<i32>} : memref<64x64xf32, #tpu.memory_space<vmem>>, vector<1x16xf32>,
        %get3A_220 = vector.shape_cast %get3A_219 : vector<1x16xf32> to vector<16xf32>
        %get3A_221 = arith.index_cast %add3A_202 : i32 to index
        %get3A_222 = arith.constant 16 : index
        %get3A_223 = tpu.vector_load %arg11[%get3A_221, %get3A_222] {strides = array<i32>} : memref<64x64xf32, #tpu.memory_space<vmem>>, vector<1x16xf32>,
        %get3A_224 = vector.shape_cast %get3A_223 : vector<1x16xf32> to vector<16xf32>
        %mul3A_225 = arith.mulf %get3A_220, %get3A_224 : vector<16xf32>
        %swap3A_226 = arith.index_cast %add3A_202 : i32 to index
        %swap3A_227 = arith.constant 16 : index
        %swap3A_228 = tpu.vector_load %arg12[%swap3A_226, %swap3A_227] {strides = array<i32>} : memref<64x64xf32, #tpu.memory_space<vmem>>, vector<1x16xf32>,
        %swap3A_229 = vector.shape_cast %swap3A_228 : vector<1x16xf32> to vector<16xf32>
        %swap3A_230 = vector.shape_cast %mul3A_225 : vector<16xf32> to vector<1x16xf32>
        tpu.vector_store %arg12[%swap3A_226, %swap3A_227], %swap3A_230 {strides = array<i32>} : memref<64x64xf32, #tpu.memory_space<vmem>>, vector<1x16xf32>,
        %get3A_231 = arith.index_cast %add3A_202 : i32 to index
        %get3A_232 = arith.constant 32 : index
        %get3A_233 = tpu.vector_load %arg10[%get3A_231, %get3A_232] {strides = array<i32>} : memref<64x64xf32, #tpu.memory_space<vmem>>, vector<1x16xf32>,
        %get3A_234 = vector.shape_cast %get3A_233 : vector<1x16xf32> to vector<16xf32>
        %get3A_235 = arith.index_cast %add3A_202 : i32 to index
        %get3A_236 = arith.constant 32 : index
        %get3A_237 = tpu.vector_load %arg11[%get3A_235, %get3A_236] {strides = array<i32>} : memref<64x64xf32, #tpu.memory_space<vmem>>, vector<1x16xf32>,
        %get3A_238 = vector.shape_cast %get3A_237 : vector<1x16xf32> to vector<16xf32>
        %mul3A_239 = arith.mulf %get3A_234, %get3A_238 : vector<16xf32>
        %swap3A_240 = arith.index_cast %add3A_202 : i32 to index
        %swap3A_241 = arith.constant 32 : index
        %swap3A_242 = tpu.vector_load %arg12[%swap3A_240, %swap3A_241] {strides = array<i32>} : memref<64x64xf32, #tpu.memory_space<vmem>>, vector<1x16xf32>,
        %swap3A_243 = vector.shape_cast %swap3A_242 : vector<1x16xf32> to vector<16xf32>
        %swap3A_244 = vector.shape_cast %mul3A_239 : vector<16xf32> to vector<1x16xf32>
        tpu.vector_store %arg12[%swap3A_240, %swap3A_241], %swap3A_244 {strides = array<i32>} : memref<64x64xf32, #tpu.memory_space<vmem>>, vector<1x16xf32>,
        %get3A_245 = arith.index_cast %add3A_202 : i32 to index
        %get3A_246 = arith.constant 48 : index
        %get3A_247 = tpu.vector_load %arg10[%get3A_245, %get3A_246] {strides = array<i32>} : memref<64x64xf32, #tpu.memory_space<vmem>>, vector<1x16xf32>,
        %get3A_248 = vector.shape_cast %get3A_247 : vector<1x16xf32> to vector<16xf32>
        %get3A_249 = arith.index_cast %add3A_202 : i32 to index
        %get3A_250 = arith.constant 48 : index
        %get3A_251 = tpu.vector_load %arg11[%get3A_249, %get3A_250] {strides = array<i32>} : memref<64x64xf32, #tpu.memory_space<vmem>>, vector<1x16xf32>,
        %get3A_252 = vector.shape_cast %get3A_251 : vector<1x16xf32> to vector<16xf32>
        %mul3A_253 = arith.mulf %get3A_248, %get3A_252 : vector<16xf32>
        %swap3A_254 = arith.index_cast %add3A_202 : i32 to index
        %swap3A_255 = arith.constant 48 : index
        %swap3A_256 = tpu.vector_load %arg12[%swap3A_254, %swap3A_255] {strides = array<i32>} : memref<64x64xf32, #tpu.memory_space<vmem>>, vector<1x16xf32>,
        %swap3A_257 = vector.shape_cast %swap3A_256 : vector<1x16xf32> to vector<16xf32>
        %swap3A_258 = vector.shape_cast %mul3A_253 : vector<16xf32> to vector<1x16xf32>
        tpu.vector_store %arg12[%swap3A_254, %swap3A_255], %swap3A_258 {strides = array<i32>} : memref<64x64xf32, #tpu.memory_space<vmem>>, vector<1x16xf32>,
      }
      %scan3A_90 = arith.constant 64 : i32
      %dma_start3A_91 = arith.constant 0 : i32
      %dma_start3A_92 = arith.constant 0 : i32
      %dma_start3A_93 = tpu.memref_slice %arg25[%dma_start3A_91, %dma_start3A_92] : memref<25104x64xf32, #tpu.memory_space<vmem_shared>> -> memref<25104x64xf32, #tpu.memory_space<vmem_shared>>
      tpu.enqueue_indirect_dma source(%arg12 : memref<64x64xf32, #tpu.memory_space<vmem>>) target(%dma_start3A_93 : memref<25104x64xf32, #tpu.memory_space<vmem_shared>>) offsets(%arg9 : memref<64xi32, #tpu.memory_space<vmem>>) semaphore(%arg21 : memref<!tpu.dma_semaphore, #tpu.memory_space<semaphore_mem>>) {add = true}
      %mul3A_94 = arith.constant 2 : i32
      %mul3A_95 = arith.muli %mul3A_94, %add3A_44 : i32
      %add3A_96 = arith.constant 1 : i32
      %add3A_97 = arith.addi %mul3A_95, %add3A_96 : i32
      %ge3A_98 = arith.constant 1 : i32
      %ge3A_99 = arith.cmpi sge, %add3A_44, %ge3A_98 : i32
      %lt3A = arith.constant 390 : i32
      %lt3A_100 = arith.cmpi slt, %add3A_44, %lt3A : i32
      %mul3A_101 = arith.constant 64 : i32
      %mul3A_102 = arith.muli %add3A_97, %mul3A_101 : i32
      %add3A_103 = arith.addi %mul3A_14, %mul3A_102 : i32
      %multiple_of3A_104 = tpu.assume_multiple %add3A_103, 64 : i32
      %dma_wait3A_105 = tpu.memref_slice %arg4[%multiple_of3A_104] : memref<800768xi32, #tpu.memory_space<hbm>> -> memref<64xi32, #tpu.memory_space<hbm>>
      %dma_wait3A_106 = tpu.memref_slice %arg4[%multiple_of3A_104] : memref<800768xi32, #tpu.memory_space<hbm>> -> memref<64xi32, #tpu.memory_space<hbm>>
      tpu.wait_dma2 semaphore(%arg22 : memref<!tpu.dma_semaphore, #tpu.memory_space<semaphore_mem>>) src(%dma_wait3A_106 : memref<64xi32, #tpu.memory_space<hbm>>) dst(%arg13 : memref<64xi32, #tpu.memory_space<vmem>>)
      %dma_wait3A_107 = tpu.memref_slice %arg5[%multiple_of3A_104] : memref<800768xi32, #tpu.memory_space<hbm>> -> memref<64xi32, #tpu.memory_space<hbm>>
      %dma_wait3A_108 = tpu.memref_slice %arg5[%multiple_of3A_104] : memref<800768xi32, #tpu.memory_space<hbm>> -> memref<64xi32, #tpu.memory_space<hbm>>
      tpu.wait_dma2 semaphore(%arg22 : memref<!tpu.dma_semaphore, #tpu.memory_space<semaphore_mem>>) src(%dma_wait3A_108 : memref<64xi32, #tpu.memory_space<hbm>>) dst(%arg14 : memref<64xi32, #tpu.memory_space<vmem>>)
      %dma_wait3A_109 = arith.constant 0 : i32
      %dma_wait3A_110 = tpu.memref_slice %arg3[%multiple_of3A_104, %dma_wait3A_109] : memref<800768x64xf32, #tpu.memory_space<hbm>> -> memref<64x64xf32, #tpu.memory_space<hbm>>
      %dma_wait3A_111 = arith.constant 0 : i32
      %dma_wait3A_112 = tpu.memref_slice %arg3[%multiple_of3A_104, %dma_wait3A_111] : memref<800768x64xf32, #tpu.memory_space<hbm>> -> memref<64x64xf32, #tpu.memory_space<hbm>>
      tpu.wait_dma2 semaphore(%arg22 : memref<!tpu.dma_semaphore, #tpu.memory_space<semaphore_mem>>) src(%dma_wait3A_112 : memref<64x64xf32, #tpu.memory_space<hbm>>) dst(%arg17 : memref<64x64xf32, #tpu.memory_space<vmem>>)
      %dma_start3A_113 = arith.constant 0 : i32
      %dma_start3A_114 = arith.constant 0 : i32
      %dma_start3A_115 = tpu.memref_slice %arg2[%dma_start3A_113, %dma_start3A_114] : memref<50176x64xf32, #tpu.memory_space<hbm>> -> memref<50176x64xf32, #tpu.memory_space<hbm>>
      tpu.enqueue_indirect_dma source(%dma_start3A_115 : memref<50176x64xf32, #tpu.memory_space<hbm>>) target(%arg16 : memref<64x64xf32, #tpu.memory_space<vmem>>) offsets(%arg13 : memref<64xi32, #tpu.memory_space<vmem>>) semaphore(%arg23 : memref<!tpu.dma_semaphore, #tpu.memory_space<semaphore_mem>>)
      %convert_element_type3A_116 = arith.extui %lt3A_100 : i1 to i32
      %cond3A_117 = arith.constant 0 : i32
      %cond3A_118 = arith.cmpi ne, %convert_element_type3A_116, %cond3A_117 : i32
      scf.if %cond3A_118 {
        %add3A_138 = arith.constant 1 : i32
        %add3A_139 = arith.addi %add3A_97, %add3A_138 : i32
        %mul3A_140 = arith.constant 64 : i32
        %mul3A_141 = arith.muli %add3A_139, %mul3A_140 : i32
        %add3A_142 = arith.addi %mul3A_14, %mul3A_141 : i32
        %multiple_of3A_143 = tpu.assume_multiple %add3A_142, 64 : i32
        %dma_start3A_144 = tpu.memref_slice %arg4[%multiple_of3A_143] : memref<800768xi32, #tpu.memory_space<hbm>> -> memref<64xi32, #tpu.memory_space<hbm>>
        %dma_start3A_145 = tpu.memref_slice %arg4[%multiple_of3A_143] : memref<800768xi32, #tpu.memory_space<hbm>> -> memref<64xi32, #tpu.memory_space<hbm>>
        tpu.enqueue_dma source(%dma_start3A_145 : memref<64xi32, #tpu.memory_space<hbm>>) target(%arg7 : memref<64xi32, #tpu.memory_space<vmem>>) target_semaphore(%arg19 : memref<!tpu.dma_semaphore, #tpu.memory_space<semaphore_mem>>)
        %dma_start3A_146 = tpu.memref_slice %arg5[%multiple_of3A_143] : memref<800768xi32, #tpu.memory_space<hbm>> -> memref<64xi32, #tpu.memory_space<hbm>>
        %dma_start3A_147 = tpu.memref_slice %arg5[%multiple_of3A_143] : memref<800768xi32, #tpu.memory_space<hbm>> -> memref<64xi32, #tpu.memory_space<hbm>>
        tpu.enqueue_dma source(%dma_start3A_147 : memref<64xi32, #tpu.memory_space<hbm>>) target(%arg8 : memref<64xi32, #tpu.memory_space<vmem>>) target_semaphore(%arg19 : memref<!tpu.dma_semaphore, #tpu.memory_space<semaphore_mem>>)
        %dma_start3A_148 = arith.constant 0 : i32
        %dma_start3A_149 = tpu.memref_slice %arg3[%multiple_of3A_143, %dma_start3A_148] : memref<800768x64xf32, #tpu.memory_space<hbm>> -> memref<64x64xf32, #tpu.memory_space<hbm>>
        %dma_start3A_150 = arith.constant 0 : i32
        %dma_start3A_151 = tpu.memref_slice %arg3[%multiple_of3A_143, %dma_start3A_150] : memref<800768x64xf32, #tpu.memory_space<hbm>> -> memref<64x64xf32, #tpu.memory_space<hbm>>
        tpu.enqueue_dma source(%dma_start3A_151 : memref<64x64xf32, #tpu.memory_space<hbm>>) target(%arg11 : memref<64x64xf32, #tpu.memory_space<vmem>>) target_semaphore(%arg19 : memref<!tpu.dma_semaphore, #tpu.memory_space<semaphore_mem>>)
      } else {
      }
      %convert_element_type3A_119 = arith.extui %ge3A_99 : i1 to i32
      %cond3A_120 = arith.constant 0 : i32
      %cond3A_121 = arith.cmpi ne, %convert_element_type3A_119, %cond3A_120 : i32
      scf.if %cond3A_121 {
        %dma_wait3A_138 = arith.constant 0 : i32
        %dma_wait3A_139 = arith.constant 0 : i32
        %dma_wait3A_140 = tpu.memref_slice %arg25[%dma_wait3A_138, %dma_wait3A_139] : memref<25104x64xf32, #tpu.memory_space<vmem_shared>> -> memref<25104x64xf32, #tpu.memory_space<vmem_shared>>
        tpu.wait_indirect_dma semaphore(%arg24 : memref<!tpu.dma_semaphore, #tpu.memory_space<semaphore_mem>>) src(%arg18 : memref<64x64xf32, #tpu.memory_space<vmem>>) dst(%dma_wait3A_140 : memref<25104x64xf32, #tpu.memory_space<vmem_shared>>)
      } else {
      }
      %scan3A_122 = arith.constant 0 : i32
      %scan3A_123 = arith.constant 4 : i32
      %scan3A_124 = arith.addi %scan3A_122, %scan3A_123 : i32
      %scan3A_125 = arith.constant 1 : i32
      scf.for %scan3A_138 = %scan3A_122 to %scan3A_124 step %scan3A_125  : i32 {
        %mul3A_139 = arith.constant 1 : i32
        %mul3A_140 = arith.muli %scan3A_138, %mul3A_139 : i32
        %add3A_141 = arith.constant 0 : i32
        %add3A_142 = arith.addi %add3A_141, %mul3A_140 : i32
        %mul3A_143 = arith.constant 16 : i32
        %mul3A_144 = arith.muli %add3A_142, %mul3A_143 : i32
        %multiple_of3A_145 = tpu.assume_multiple %mul3A_144, 16 : i32
        %get3A = arith.index_cast %multiple_of3A_145 : i32 to index
        %get3A_146 = tpu.vector_load %arg14[%get3A] {strides = array<i32>} : memref<64xi32, #tpu.memory_space<vmem>>, vector<16xi32>,
        %get3A_147 = vector.shape_cast %get3A_146 : vector<16xi32> to vector<16xi32>
        %sub3A = vector.broadcast %mul3A_0 : i32 to vector<16xi32>
        %sub3A_148 = arith.subi %get3A_147, %sub3A : vector<16xi32>
        %ge3A_149 = arith.constant 0 : i32
        %ge3A_150 = vector.broadcast %ge3A_149 : i32 to vector<16xi32>
        %ge3A_151 = arith.cmpi sge, %sub3A_148, %ge3A_150 : vector<16xi32>
        %lt3A_152 = arith.constant 25088 : i32
        %lt3A_153 = vector.broadcast %lt3A_152 : i32 to vector<16xi32>
        %lt3A_154 = arith.cmpi slt, %sub3A_148, %lt3A_153 : vector<16xi32>
        %and3A = arith.andi %ge3A_151, %lt3A_154 : vector<16xi1>
        %jit3A = arith.constant 25088 : i32
        %broadcast_in_dim3A = vector.broadcast %jit3A : i32 to vector<16xi32>
        %select_n3A = arith.select %and3A, %sub3A_148, %broadcast_in_dim3A : vector<16xi1>, vector<16xi32>
        %swap3A = arith.index_cast %multiple_of3A_145 : i32 to index
        %swap3A_155 = tpu.vector_load %arg15[%swap3A] {strides = array<i32>} : memref<64xi32, #tpu.memory_space<vmem>>, vector<16xi32>,
        %swap3A_156 = vector.shape_cast %swap3A_155 : vector<16xi32> to vector<16xi32>
        %swap3A_157 = vector.shape_cast %select_n3A : vector<16xi32> to vector<16xi32>
        tpu.vector_store %arg15[%swap3A], %swap3A_157 {strides = array<i32>} : memref<64xi32, #tpu.memory_space<vmem>>, vector<16xi32>,
      }
      %scan3A_126 = arith.constant 4 : i32
      %dma_wait3A_127 = arith.constant 0 : i32
      %dma_wait3A_128 = arith.constant 0 : i32
      %dma_wait3A_129 = tpu.memref_slice %arg2[%dma_wait3A_127, %dma_wait3A_128] : memref<50176x64xf32, #tpu.memory_space<hbm>> -> memref<50176x64xf32, #tpu.memory_space<hbm>>
      tpu.wait_indirect_dma semaphore(%arg23 : memref<!tpu.dma_semaphore, #tpu.memory_space<semaphore_mem>>) src(%dma_wait3A_129 : memref<50176x64xf32, #tpu.memory_space<hbm>>) dst(%arg16 : memref<64x64xf32, #tpu.memory_space<vmem>>)
      %scan3A_130 = arith.constant 0 : i32
      %scan3A_131 = arith.constant 64 : i32
      %scan3A_132 = arith.addi %scan3A_130, %scan3A_131 : i32
      %scan3A_133 = arith.constant 2 : i32
      scf.for %scan3A_138 = %scan3A_130 to %scan3A_132 step %scan3A_133  : i32 {
        %mul3A_139 = arith.constant 1 : i32
        %mul3A_140 = arith.muli %scan3A_138, %mul3A_139 : i32
        %add3A_141 = arith.constant 0 : i32
        %add3A_142 = arith.addi %add3A_141, %mul3A_140 : i32
        %get3A = arith.index_cast %add3A_142 : i32 to index
        %get3A_143 = arith.constant 0 : index
        %get3A_144 = tpu.vector_load %arg16[%get3A, %get3A_143] {strides = array<i32>} : memref<64x64xf32, #tpu.memory_space<vmem>>, vector<1x16xf32>,
        %get3A_145 = vector.shape_cast %get3A_144 : vector<1x16xf32> to vector<16xf32>
        %get3A_146 = arith.index_cast %add3A_142 : i32 to index
        %get3A_147 = arith.constant 0 : index
        %get3A_148 = tpu.vector_load %arg17[%get3A_146, %get3A_147] {strides = array<i32>} : memref<64x64xf32, #tpu.memory_space<vmem>>, vector<1x16xf32>,
        %get3A_149 = vector.shape_cast %get3A_148 : vector<1x16xf32> to vector<16xf32>
        %mul3A_150 = arith.mulf %get3A_145, %get3A_149 : vector<16xf32>
        %swap3A = arith.index_cast %add3A_142 : i32 to index
        %swap3A_151 = arith.constant 0 : index
        %swap3A_152 = tpu.vector_load %arg18[%swap3A, %swap3A_151] {strides = array<i32>} : memref<64x64xf32, #tpu.memory_space<vmem>>, vector<1x16xf32>,
        %swap3A_153 = vector.shape_cast %swap3A_152 : vector<1x16xf32> to vector<16xf32>
        %swap3A_154 = vector.shape_cast %mul3A_150 : vector<16xf32> to vector<1x16xf32>
        tpu.vector_store %arg18[%swap3A, %swap3A_151], %swap3A_154 {strides = array<i32>} : memref<64x64xf32, #tpu.memory_space<vmem>>, vector<1x16xf32>,
        %get3A_155 = arith.index_cast %add3A_142 : i32 to index
        %get3A_156 = arith.constant 16 : index
        %get3A_157 = tpu.vector_load %arg16[%get3A_155, %get3A_156] {strides = array<i32>} : memref<64x64xf32, #tpu.memory_space<vmem>>, vector<1x16xf32>,
        %get3A_158 = vector.shape_cast %get3A_157 : vector<1x16xf32> to vector<16xf32>
        %get3A_159 = arith.index_cast %add3A_142 : i32 to index
        %get3A_160 = arith.constant 16 : index
        %get3A_161 = tpu.vector_load %arg17[%get3A_159, %get3A_160] {strides = array<i32>} : memref<64x64xf32, #tpu.memory_space<vmem>>, vector<1x16xf32>,
        %get3A_162 = vector.shape_cast %get3A_161 : vector<1x16xf32> to vector<16xf32>
        %mul3A_163 = arith.mulf %get3A_158, %get3A_162 : vector<16xf32>
        %swap3A_164 = arith.index_cast %add3A_142 : i32 to index
        %swap3A_165 = arith.constant 16 : index
        %swap3A_166 = tpu.vector_load %arg18[%swap3A_164, %swap3A_165] {strides = array<i32>} : memref<64x64xf32, #tpu.memory_space<vmem>>, vector<1x16xf32>,
        %swap3A_167 = vector.shape_cast %swap3A_166 : vector<1x16xf32> to vector<16xf32>
        %swap3A_168 = vector.shape_cast %mul3A_163 : vector<16xf32> to vector<1x16xf32>
        tpu.vector_store %arg18[%swap3A_164, %swap3A_165], %swap3A_168 {strides = array<i32>} : memref<64x64xf32, #tpu.memory_space<vmem>>, vector<1x16xf32>,
        %get3A_169 = arith.index_cast %add3A_142 : i32 to index
        %get3A_170 = arith.constant 32 : index
        %get3A_171 = tpu.vector_load %arg16[%get3A_169, %get3A_170] {strides = array<i32>} : memref<64x64xf32, #tpu.memory_space<vmem>>, vector<1x16xf32>,
        %get3A_172 = vector.shape_cast %get3A_171 : vector<1x16xf32> to vector<16xf32>
        %get3A_173 = arith.index_cast %add3A_142 : i32 to index
        %get3A_174 = arith.constant 32 : index
        %get3A_175 = tpu.vector_load %arg17[%get3A_173, %get3A_174] {strides = array<i32>} : memref<64x64xf32, #tpu.memory_space<vmem>>, vector<1x16xf32>,
        %get3A_176 = vector.shape_cast %get3A_175 : vector<1x16xf32> to vector<16xf32>
        %mul3A_177 = arith.mulf %get3A_172, %get3A_176 : vector<16xf32>
        %swap3A_178 = arith.index_cast %add3A_142 : i32 to index
        %swap3A_179 = arith.constant 32 : index
        %swap3A_180 = tpu.vector_load %arg18[%swap3A_178, %swap3A_179] {strides = array<i32>} : memref<64x64xf32, #tpu.memory_space<vmem>>, vector<1x16xf32>,
        %swap3A_181 = vector.shape_cast %swap3A_180 : vector<1x16xf32> to vector<16xf32>
        %swap3A_182 = vector.shape_cast %mul3A_177 : vector<16xf32> to vector<1x16xf32>
        tpu.vector_store %arg18[%swap3A_178, %swap3A_179], %swap3A_182 {strides = array<i32>} : memref<64x64xf32, #tpu.memory_space<vmem>>, vector<1x16xf32>,
        %get3A_183 = arith.index_cast %add3A_142 : i32 to index
        %get3A_184 = arith.constant 48 : index
        %get3A_185 = tpu.vector_load %arg16[%get3A_183, %get3A_184] {strides = array<i32>} : memref<64x64xf32, #tpu.memory_space<vmem>>, vector<1x16xf32>,
        %get3A_186 = vector.shape_cast %get3A_185 : vector<1x16xf32> to vector<16xf32>
        %get3A_187 = arith.index_cast %add3A_142 : i32 to index
        %get3A_188 = arith.constant 48 : index
        %get3A_189 = tpu.vector_load %arg17[%get3A_187, %get3A_188] {strides = array<i32>} : memref<64x64xf32, #tpu.memory_space<vmem>>, vector<1x16xf32>,
        %get3A_190 = vector.shape_cast %get3A_189 : vector<1x16xf32> to vector<16xf32>
        %mul3A_191 = arith.mulf %get3A_186, %get3A_190 : vector<16xf32>
        %swap3A_192 = arith.index_cast %add3A_142 : i32 to index
        %swap3A_193 = arith.constant 48 : index
        %swap3A_194 = tpu.vector_load %arg18[%swap3A_192, %swap3A_193] {strides = array<i32>} : memref<64x64xf32, #tpu.memory_space<vmem>>, vector<1x16xf32>,
        %swap3A_195 = vector.shape_cast %swap3A_194 : vector<1x16xf32> to vector<16xf32>
        %swap3A_196 = vector.shape_cast %mul3A_191 : vector<16xf32> to vector<1x16xf32>
        tpu.vector_store %arg18[%swap3A_192, %swap3A_193], %swap3A_196 {strides = array<i32>} : memref<64x64xf32, #tpu.memory_space<vmem>>, vector<1x16xf32>,
        %scan3A_197 = arith.constant 1 : i32
        %scan3A_198 = arith.addi %scan3A_138, %scan3A_197 : i32
        %mul3A_199 = arith.constant 1 : i32
        %mul3A_200 = arith.muli %scan3A_198, %mul3A_199 : i32
        %add3A_201 = arith.constant 0 : i32
        %add3A_202 = arith.addi %add3A_201, %mul3A_200 : i32
        %get3A_203 = arith.index_cast %add3A_202 : i32 to index
        %get3A_204 = arith.constant 0 : index
        %get3A_205 = tpu.vector_load %arg16[%get3A_203, %get3A_204] {strides = array<i32>} : memref<64x64xf32, #tpu.memory_space<vmem>>, vector<1x16xf32>,
        %get3A_206 = vector.shape_cast %get3A_205 : vector<1x16xf32> to vector<16xf32>
        %get3A_207 = arith.index_cast %add3A_202 : i32 to index
        %get3A_208 = arith.constant 0 : index
        %get3A_209 = tpu.vector_load %arg17[%get3A_207, %get3A_208] {strides = array<i32>} : memref<64x64xf32, #tpu.memory_space<vmem>>, vector<1x16xf32>,
        %get3A_210 = vector.shape_cast %get3A_209 : vector<1x16xf32> to vector<16xf32>
        %mul3A_211 = arith.mulf %get3A_206, %get3A_210 : vector<16xf32>
        %swap3A_212 = arith.index_cast %add3A_202 : i32 to index
        %swap3A_213 = arith.constant 0 : index
        %swap3A_214 = tpu.vector_load %arg18[%swap3A_212, %swap3A_213] {strides = array<i32>} : memref<64x64xf32, #tpu.memory_space<vmem>>, vector<1x16xf32>,
        %swap3A_215 = vector.shape_cast %swap3A_214 : vector<1x16xf32> to vector<16xf32>
        %swap3A_216 = vector.shape_cast %mul3A_211 : vector<16xf32> to vector<1x16xf32>
        tpu.vector_store %arg18[%swap3A_212, %swap3A_213], %swap3A_216 {strides = array<i32>} : memref<64x64xf32, #tpu.memory_space<vmem>>, vector<1x16xf32>,
        %get3A_217 = arith.index_cast %add3A_202 : i32 to index
        %get3A_218 = arith.constant 16 : index
        %get3A_219 = tpu.vector_load %arg16[%get3A_217, %get3A_218] {strides = array<i32>} : memref<64x64xf32, #tpu.memory_space<vmem>>, vector<1x16xf32>,
        %get3A_220 = vector.shape_cast %get3A_219 : vector<1x16xf32> to vector<16xf32>
        %get3A_221 = arith.index_cast %add3A_202 : i32 to index
        %get3A_222 = arith.constant 16 : index
        %get3A_223 = tpu.vector_load %arg17[%get3A_221, %get3A_222] {strides = array<i32>} : memref<64x64xf32, #tpu.memory_space<vmem>>, vector<1x16xf32>,
        %get3A_224 = vector.shape_cast %get3A_223 : vector<1x16xf32> to vector<16xf32>
        %mul3A_225 = arith.mulf %get3A_220, %get3A_224 : vector<16xf32>
        %swap3A_226 = arith.index_cast %add3A_202 : i32 to index
        %swap3A_227 = arith.constant 16 : index
        %swap3A_228 = tpu.vector_load %arg18[%swap3A_226, %swap3A_227] {strides = array<i32>} : memref<64x64xf32, #tpu.memory_space<vmem>>, vector<1x16xf32>,
        %swap3A_229 = vector.shape_cast %swap3A_228 : vector<1x16xf32> to vector<16xf32>
        %swap3A_230 = vector.shape_cast %mul3A_225 : vector<16xf32> to vector<1x16xf32>
        tpu.vector_store %arg18[%swap3A_226, %swap3A_227], %swap3A_230 {strides = array<i32>} : memref<64x64xf32, #tpu.memory_space<vmem>>, vector<1x16xf32>,
        %get3A_231 = arith.index_cast %add3A_202 : i32 to index
        %get3A_232 = arith.constant 32 : index
        %get3A_233 = tpu.vector_load %arg16[%get3A_231, %get3A_232] {strides = array<i32>} : memref<64x64xf32, #tpu.memory_space<vmem>>, vector<1x16xf32>,
        %get3A_234 = vector.shape_cast %get3A_233 : vector<1x16xf32> to vector<16xf32>
        %get3A_235 = arith.index_cast %add3A_202 : i32 to index
        %get3A_236 = arith.constant 32 : index
        %get3A_237 = tpu.vector_load %arg17[%get3A_235, %get3A_236] {strides = array<i32>} : memref<64x64xf32, #tpu.memory_space<vmem>>, vector<1x16xf32>,
        %get3A_238 = vector.shape_cast %get3A_237 : vector<1x16xf32> to vector<16xf32>
        %mul3A_239 = arith.mulf %get3A_234, %get3A_238 : vector<16xf32>
        %swap3A_240 = arith.index_cast %add3A_202 : i32 to index
        %swap3A_241 = arith.constant 32 : index
        %swap3A_242 = tpu.vector_load %arg18[%swap3A_240, %swap3A_241] {strides = array<i32>} : memref<64x64xf32, #tpu.memory_space<vmem>>, vector<1x16xf32>,
        %swap3A_243 = vector.shape_cast %swap3A_242 : vector<1x16xf32> to vector<16xf32>
        %swap3A_244 = vector.shape_cast %mul3A_239 : vector<16xf32> to vector<1x16xf32>
        tpu.vector_store %arg18[%swap3A_240, %swap3A_241], %swap3A_244 {strides = array<i32>} : memref<64x64xf32, #tpu.memory_space<vmem>>, vector<1x16xf32>,
        %get3A_245 = arith.index_cast %add3A_202 : i32 to index
        %get3A_246 = arith.constant 48 : index
        %get3A_247 = tpu.vector_load %arg16[%get3A_245, %get3A_246] {strides = array<i32>} : memref<64x64xf32, #tpu.memory_space<vmem>>, vector<1x16xf32>,
        %get3A_248 = vector.shape_cast %get3A_247 : vector<1x16xf32> to vector<16xf32>
        %get3A_249 = arith.index_cast %add3A_202 : i32 to index
        %get3A_250 = arith.constant 48 : index
        %get3A_251 = tpu.vector_load %arg17[%get3A_249, %get3A_250] {strides = array<i32>} : memref<64x64xf32, #tpu.memory_space<vmem>>, vector<1x16xf32>,
        %get3A_252 = vector.shape_cast %get3A_251 : vector<1x16xf32> to vector<16xf32>
        %mul3A_253 = arith.mulf %get3A_248, %get3A_252 : vector<16xf32>
        %swap3A_254 = arith.index_cast %add3A_202 : i32 to index
        %swap3A_255 = arith.constant 48 : index
        %swap3A_256 = tpu.vector_load %arg18[%swap3A_254, %swap3A_255] {strides = array<i32>} : memref<64x64xf32, #tpu.memory_space<vmem>>, vector<1x16xf32>,
        %swap3A_257 = vector.shape_cast %swap3A_256 : vector<1x16xf32> to vector<16xf32>
        %swap3A_258 = vector.shape_cast %mul3A_253 : vector<16xf32> to vector<1x16xf32>
        tpu.vector_store %arg18[%swap3A_254, %swap3A_255], %swap3A_258 {strides = array<i32>} : memref<64x64xf32, #tpu.memory_space<vmem>>, vector<1x16xf32>,
      }
      %scan3A_134 = arith.constant 64 : i32
      %dma_start3A_135 = arith.constant 0 : i32
      %dma_start3A_136 = arith.constant 0 : i32
      %dma_start3A_137 = tpu.memref_slice %arg25[%dma_start3A_135, %dma_start3A_136] : memref<25104x64xf32, #tpu.memory_space<vmem_shared>> -> memref<25104x64xf32, #tpu.memory_space<vmem_shared>>
      tpu.enqueue_indirect_dma source(%arg18 : memref<64x64xf32, #tpu.memory_space<vmem>>) target(%dma_start3A_137 : memref<25104x64xf32, #tpu.memory_space<vmem_shared>>) offsets(%arg15 : memref<64xi32, #tpu.memory_space<vmem>>) semaphore(%arg24 : memref<!tpu.dma_semaphore, #tpu.memory_space<semaphore_mem>>) {add = true}
    }
    %scan3A_28 = arith.constant 391 : i32
    %dma_wait3A = arith.constant 0 : i32
    %dma_wait3A_29 = arith.constant 0 : i32
    %dma_wait3A_30 = tpu.memref_slice %arg25[%dma_wait3A, %dma_wait3A_29] : memref<25104x64xf32, #tpu.memory_space<vmem_shared>> -> memref<25104x64xf32, #tpu.memory_space<vmem_shared>>
    tpu.wait_indirect_dma semaphore(%arg21 : memref<!tpu.dma_semaphore, #tpu.memory_space<semaphore_mem>>) src(%arg12 : memref<64x64xf32, #tpu.memory_space<vmem>>) dst(%dma_wait3A_30 : memref<25104x64xf32, #tpu.memory_space<vmem_shared>>)
    %dma_wait3A_31 = arith.constant 0 : i32
    %dma_wait3A_32 = arith.constant 0 : i32
    %dma_wait3A_33 = tpu.memref_slice %arg25[%dma_wait3A_31, %dma_wait3A_32] : memref<25104x64xf32, #tpu.memory_space<vmem_shared>> -> memref<25104x64xf32, #tpu.memory_space<vmem_shared>>
    tpu.wait_indirect_dma semaphore(%arg24 : memref<!tpu.dma_semaphore, #tpu.memory_space<semaphore_mem>>) src(%arg18 : memref<64x64xf32, #tpu.memory_space<vmem>>) dst(%dma_wait3A_33 : memref<25104x64xf32, #tpu.memory_space<vmem_shared>>)
    %barrier3A_34 = arith.constant 0 : index
    tpu.barrier barrier_id(%barrier3A_34)
    %scan3A_35 = arith.constant 0 : i32
    %scan3A_36 = arith.constant 14 : i32
    %scan3A_37 = arith.addi %scan3A_35, %scan3A_36 : i32
    %scan3A_38 = arith.constant 1 : i32
    scf.for %scan3A_40 = %scan3A_35 to %scan3A_37 step %scan3A_38  : i32 {
      %mul3A_41 = arith.constant 1 : i32
      %mul3A_42 = arith.muli %scan3A_40, %mul3A_41 : i32
      %add3A_43 = arith.constant 0 : i32
      %add3A_44 = arith.addi %add3A_43, %mul3A_42 : i32
      %mul3A_45 = arith.constant 14 : i32
      %mul3A_46 = arith.muli %arg1, %mul3A_45 : i32
      %add3A_47 = arith.addi %mul3A_46, %add3A_44 : i32
      %mul3A_48 = arith.constant 112 : i32
      %mul3A_49 = arith.muli %add3A_47, %mul3A_48 : i32
      %multiple_of3A_50 = tpu.assume_multiple %mul3A_49, 16 : i32
      %add3A_51 = arith.addi %mul3A_0, %multiple_of3A_50 : i32
      "tpu.region"() ({
        %run_scoped3A = tpu.sem_alloc : memref<!tpu.dma_semaphore, #tpu.memory_space<semaphore_mem>>
        %dma_start3A_52 = arith.constant 0 : i32
        %dma_start3A_53 = tpu.memref_slice %arg6[%add3A_51, %dma_start3A_52] : memref<50176x64xf32, #tpu.memory_space<hbm>> -> memref<112x64xf32, #tpu.memory_space<hbm>>
        %dma_start3A_54 = arith.constant 0 : i32
        %dma_start3A_55 = tpu.memref_slice %arg25[%multiple_of3A_50, %dma_start3A_54] : memref<25104x64xf32, #tpu.memory_space<vmem_shared>> -> memref<112x64xf32, #tpu.memory_space<vmem_shared>>
        tpu.enqueue_dma source(%dma_start3A_55 : memref<112x64xf32, #tpu.memory_space<vmem_shared>>) target(%dma_start3A_53 : memref<112x64xf32, #tpu.memory_space<hbm>>) target_semaphore(%run_scoped3A : memref<!tpu.dma_semaphore, #tpu.memory_space<semaphore_mem>>)
        %dma_wait3A_56 = arith.constant 0 : i32
        %dma_wait3A_57 = tpu.memref_slice %arg6[%add3A_51, %dma_wait3A_56] : memref<50176x64xf32, #tpu.memory_space<hbm>> -> memref<112x64xf32, #tpu.memory_space<hbm>>
        %dma_wait3A_58 = arith.constant 0 : i32
        %dma_wait3A_59 = tpu.memref_slice %arg25[%multiple_of3A_50, %dma_wait3A_58] : memref<25104x64xf32, #tpu.memory_space<vmem_shared>> -> memref<112x64xf32, #tpu.memory_space<vmem_shared>>
        tpu.wait_dma2 semaphore(%run_scoped3A : memref<!tpu.dma_semaphore, #tpu.memory_space<semaphore_mem>>) src(%dma_wait3A_59 : memref<112x64xf32, #tpu.memory_space<vmem_shared>>) dst(%dma_wait3A_57 : memref<112x64xf32, #tpu.memory_space<hbm>>)
        tpu.yield
      }) : () -> ()
    }
    %scan3A_39 = arith.constant 14 : i32
    return
  }
}

#map = affine_map<(d0, d1) -> (0, 0)>
#map1 = affine_map<(d0, d1) -> (0)>
module attributes {stable_mosaic.version = 14 : i64} {
  func.func @_conv_body(%arg0: i32, %arg1: i32, %arg2: memref<50176x64xf32, #tpu.memory_space<hbm>>, %arg3: memref<800768x64xf32, #tpu.memory_space<hbm>>, %arg4: memref<800768xi32, #tpu.memory_space<hbm>>, %arg5: memref<800768xi32, #tpu.memory_space<hbm>>, %arg6: memref<50176x64xf32, #tpu.memory_space<hbm>>, %arg7: memref<64xi32, #tpu.memory_space<vmem>>, %arg8: memref<64xi32, #tpu.memory_space<vmem>>, %arg9: memref<64xi32, #tpu.memory_space<vmem>>, %arg10: memref<64x64xf32, #tpu.memory_space<vmem>>, %arg11: memref<64x64xf32, #tpu.memory_space<vmem>>, %arg12: memref<64x64xf32, #tpu.memory_space<vmem>>, %arg13: memref<64xi32, #tpu.memory_space<vmem>>, %arg14: memref<64xi32, #tpu.memory_space<vmem>>, %arg15: memref<64xi32, #tpu.memory_space<vmem>>, %arg16: memref<64x64xf32, #tpu.memory_space<vmem>>, %arg17: memref<64x64xf32, #tpu.memory_space<vmem>>, %arg18: memref<64x64xf32, #tpu.memory_space<vmem>>, %arg19: memref<!tpu.dma_semaphore, #tpu.memory_space<semaphore_mem>>, %arg20: memref<!tpu.dma_semaphore, #tpu.memory_space<semaphore_mem>>, %arg21: memref<!tpu.dma_semaphore, #tpu.memory_space<semaphore_mem>>, %arg22: memref<!tpu.dma_semaphore, #tpu.memory_space<semaphore_mem>>, %arg23: memref<!tpu.dma_semaphore, #tpu.memory_space<semaphore_mem>>, %arg24: memref<!tpu.dma_semaphore, #tpu.memory_space<semaphore_mem>>, %arg25: memref<25104x64xf32, #tpu.memory_space<vmem_shared>>) attributes {dimension_semantics = [#tpu.dimension_semantics<core_parallel>, #tpu.dimension_semantics<subcore_parallel>], iteration_bounds = array<i64: 2, 16>, scalar_prefetch = 0 : i64, scratch_operands = 19 : i64, tpu.core_type = #tpu.core_type<sc_vector_subcore>, window_params = [{transform_indices = #map}, {transform_indices = #map}, {transform_indices = #map1}, {transform_indices = #map1}, {transform_indices = #map}]} {
    %mul3A = arith.constant 25088 : i32
    %mul3A_0 = arith.muli %arg0, %mul3A : i32
    %scan3A = arith.constant 0 : i32
    %scan3A_1 = arith.constant 64 : i32
    %scan3A_2 = arith.addi %scan3A, %scan3A_1 : i32
    %scan3A_3 = arith.constant 1 : i32
    scf.for %scan3A_40 = %scan3A to %scan3A_2 step %scan3A_3  : i32 {
      %mul3A_41 = arith.constant 1 : i32
      %mul3A_42 = arith.muli %scan3A_40, %mul3A_41 : i32
      %add3A_43 = arith.constant 0 : i32
      %add3A_44 = arith.addi %add3A_43, %mul3A_42 : i32
      %broadcast_in_dim3A = arith.constant 0.000000e+00 : f32
      %broadcast_in_dim3A_45 = vector.broadcast %broadcast_in_dim3A : f32 to vector<16xf32>
      %swap3A = arith.index_cast %add3A_44 : i32 to index
      %swap3A_46 = arith.constant 0 : index
      %swap3A_47 = tpu.vector_load %arg12[%swap3A, %swap3A_46] {strides = array<i32>} : memref<64x64xf32, #tpu.memory_space<vmem>>, vector<1x16xf32>,
      %swap3A_48 = vector.shape_cast %swap3A_47 : vector<1x16xf32> to vector<16xf32>
      %swap3A_49 = vector.shape_cast %broadcast_in_dim3A_45 : vector<16xf32> to vector<1x16xf32>
      tpu.vector_store %arg12[%swap3A, %swap3A_46], %swap3A_49 {strides = array<i32>} : memref<64x64xf32, #tpu.memory_space<vmem>>, vector<1x16xf32>,
      %broadcast_in_dim3A_50 = arith.constant 0.000000e+00 : f32
      %broadcast_in_dim3A_51 = vector.broadcast %broadcast_in_dim3A_50 : f32 to vector<16xf32>
      %swap3A_52 = arith.index_cast %add3A_44 : i32 to index
      %swap3A_53 = arith.constant 16 : index
      %swap3A_54 = tpu.vector_load %arg12[%swap3A_52, %swap3A_53] {strides = array<i32>} : memref<64x64xf32, #tpu.memory_space<vmem>>, vector<1x16xf32>,
      %swap3A_55 = vector.shape_cast %swap3A_54 : vector<1x16xf32> to vector<16xf32>
      %swap3A_56 = vector.shape_cast %broadcast_in_dim3A_51 : vector<16xf32> to vector<1x16xf32>
      tpu.vector_store %arg12[%swap3A_52, %swap3A_53], %swap3A_56 {strides = array<i32>} : memref<64x64xf32, #tpu.memory_space<vmem>>, vector<1x16xf32>,
      %broadcast_in_dim3A_57 = arith.constant 0.000000e+00 : f32
      %broadcast_in_dim3A_58 = vector.broadcast %broadcast_in_dim3A_57 : f32 to vector<16xf32>
      %swap3A_59 = arith.index_cast %add3A_44 : i32 to index
      %swap3A_60 = arith.constant 32 : index
      %swap3A_61 = tpu.vector_load %arg12[%swap3A_59, %swap3A_60] {strides = array<i32>} : memref<64x64xf32, #tpu.memory_space<vmem>>, vector<1x16xf32>,
      %swap3A_62 = vector.shape_cast %swap3A_61 : vector<1x16xf32> to vector<16xf32>
      %swap3A_63 = vector.shape_cast %broadcast_in_dim3A_58 : vector<16xf32> to vector<1x16xf32>
      tpu.vector_store %arg12[%swap3A_59, %swap3A_60], %swap3A_63 {strides = array<i32>} : memref<64x64xf32, #tpu.memory_space<vmem>>, vector<1x16xf32>,
      %broadcast_in_dim3A_64 = arith.constant 0.000000e+00 : f32
      %broadcast_in_dim3A_65 = vector.broadcast %broadcast_in_dim3A_64 : f32 to vector<16xf32>
      %swap3A_66 = arith.index_cast %add3A_44 : i32 to index
      %swap3A_67 = arith.constant 48 : index
      %swap3A_68 = tpu.vector_load %arg12[%swap3A_66, %swap3A_67] {strides = array<i32>} : memref<64x64xf32, #tpu.memory_space<vmem>>, vector<1x16xf32>,
      %swap3A_69 = vector.shape_cast %swap3A_68 : vector<1x16xf32> to vector<16xf32>
      %swap3A_70 = vector.shape_cast %broadcast_in_dim3A_65 : vector<16xf32> to vector<1x16xf32>
      tpu.vector_store %arg12[%swap3A_66, %swap3A_67], %swap3A_70 {strides = array<i32>} : memref<64x64xf32, #tpu.memory_space<vmem>>, vector<1x16xf32>,
    }
    %scan3A_4 = arith.constant 64 : i32
    %scan3A_5 = arith.constant 0 : i32
    %scan3A_6 = arith.constant 24 : i32
    %scan3A_7 = arith.addi %scan3A_5, %scan3A_6 : i32
    %scan3A_8 = arith.constant 1 : i32
    scf.for %scan3A_40 = %scan3A_5 to %scan3A_7 step %scan3A_8  : i32 {
      %mul3A_41 = arith.constant 1 : i32
      %mul3A_42 = arith.muli %scan3A_40, %mul3A_41 : i32
      %add3A_43 = arith.constant 0 : i32
      %add3A_44 = arith.addi %add3A_43, %mul3A_42 : i32
      %mul3A_45 = arith.constant 1569 : i32
      %mul3A_46 = arith.muli %arg1, %mul3A_45 : i32
      %mul3A_47 = arith.constant 64 : i32
      %mul3A_48 = arith.muli %add3A_44, %mul3A_47 : i32
      %add3A_49 = arith.addi %mul3A_46, %mul3A_48 : i32
      "tpu.region"() ({
        %run_scoped3A = tpu.sem_alloc : memref<!tpu.dma_semaphore, #tpu.memory_space<semaphore_mem>>
        %dma_start3A_50 = arith.constant 0 : i32
        %dma_start3A_51 = tpu.memref_slice %arg25[%add3A_49, %dma_start3A_50] : memref<25104x64xf32, #tpu.memory_space<vmem_shared>> -> memref<64x64xf32, #tpu.memory_space<vmem_shared>>
        %dma_start3A_52 = arith.constant 0 : i32
        %dma_start3A_53 = tpu.memref_slice %arg25[%add3A_49, %dma_start3A_52] : memref<25104x64xf32, #tpu.memory_space<vmem_shared>> -> memref<64x64xf32, #tpu.memory_space<vmem_shared>>
        tpu.enqueue_dma source(%arg12 : memref<64x64xf32, #tpu.memory_space<vmem>>) target(%dma_start3A_53 : memref<64x64xf32, #tpu.memory_space<vmem_shared>>) target_semaphore(%run_scoped3A : memref<!tpu.dma_semaphore, #tpu.memory_space<semaphore_mem>>)
        %dma_wait3A_54 = arith.constant 0 : i32
        %dma_wait3A_55 = tpu.memref_slice %arg25[%add3A_49, %dma_wait3A_54] : memref<25104x64xf32, #tpu.memory_space<vmem_shared>> -> memref<64x64xf32, #tpu.memory_space<vmem_shared>>
        %dma_wait3A_56 = arith.constant 0 : i32
        %dma_wait3A_57 = tpu.memref_slice %arg25[%add3A_49, %dma_wait3A_56] : memref<25104x64xf32, #tpu.memory_space<vmem_shared>> -> memref<64x64xf32, #tpu.memory_space<vmem_shared>>
        tpu.wait_dma2 semaphore(%run_scoped3A : memref<!tpu.dma_semaphore, #tpu.memory_space<semaphore_mem>>) src(%arg12 : memref<64x64xf32, #tpu.memory_space<vmem>>) dst(%dma_wait3A_57 : memref<64x64xf32, #tpu.memory_space<vmem_shared>>)
        tpu.yield
      }) : () -> ()
    }
    %scan3A_9 = arith.constant 24 : i32
    %mul3A_10 = arith.constant 1569 : i32
    %mul3A_11 = arith.muli %arg1, %mul3A_10 : i32
    %add3A = arith.constant 1536 : i32
    %add3A_12 = arith.addi %mul3A_11, %add3A : i32
    "tpu.region"() ({
      %run_scoped3A = tpu.sem_alloc : memref<!tpu.dma_semaphore, #tpu.memory_space<semaphore_mem>>
      %dma_start3A_40 = arith.constant 0 : i32
      %dma_start3A_41 = arith.constant 0 : i32
      %dma_start3A_42 = tpu.memref_slice %arg12[%dma_start3A_40, %dma_start3A_41] : memref<64x64xf32, #tpu.memory_space<vmem>> -> memref<33x64xf32, #tpu.memory_space<vmem>>
      %dma_start3A_43 = arith.constant 0 : i32
      %dma_start3A_44 = tpu.memref_slice %arg25[%add3A_12, %dma_start3A_43] : memref<25104x64xf32, #tpu.memory_space<vmem_shared>> -> memref<33x64xf32, #tpu.memory_space<vmem_shared>>
      %dma_start3A_45 = arith.constant 0 : i32
      %dma_start3A_46 = tpu.memref_slice %arg25[%add3A_12, %dma_start3A_45] : memref<25104x64xf32, #tpu.memory_space<vmem_shared>> -> memref<33x64xf32, #tpu.memory_space<vmem_shared>>
      %dma_start3A_47 = arith.constant 0 : i32
      %dma_start3A_48 = arith.constant 0 : i32
      %dma_start3A_49 = tpu.memref_slice %arg12[%dma_start3A_47, %dma_start3A_48] : memref<64x64xf32, #tpu.memory_space<vmem>> -> memref<33x64xf32, #tpu.memory_space<vmem>>
      tpu.enqueue_dma source(%dma_start3A_49 : memref<33x64xf32, #tpu.memory_space<vmem>>) target(%dma_start3A_46 : memref<33x64xf32, #tpu.memory_space<vmem_shared>>) target_semaphore(%run_scoped3A : memref<!tpu.dma_semaphore, #tpu.memory_space<semaphore_mem>>)
      %dma_wait3A_50 = arith.constant 0 : i32
      %dma_wait3A_51 = arith.constant 0 : i32
      %dma_wait3A_52 = tpu.memref_slice %arg12[%dma_wait3A_50, %dma_wait3A_51] : memref<64x64xf32, #tpu.memory_space<vmem>> -> memref<33x64xf32, #tpu.memory_space<vmem>>
      %dma_wait3A_53 = arith.constant 0 : i32
      %dma_wait3A_54 = tpu.memref_slice %arg25[%add3A_12, %dma_wait3A_53] : memref<25104x64xf32, #tpu.memory_space<vmem_shared>> -> memref<33x64xf32, #tpu.memory_space<vmem_shared>>
      %dma_wait3A_55 = arith.constant 0 : i32
      %dma_wait3A_56 = tpu.memref_slice %arg25[%add3A_12, %dma_wait3A_55] : memref<25104x64xf32, #tpu.memory_space<vmem_shared>> -> memref<33x64xf32, #tpu.memory_space<vmem_shared>>
      %dma_wait3A_57 = arith.constant 0 : i32
      %dma_wait3A_58 = arith.constant 0 : i32
      %dma_wait3A_59 = tpu.memref_slice %arg12[%dma_wait3A_57, %dma_wait3A_58] : memref<64x64xf32, #tpu.memory_space<vmem>> -> memref<33x64xf32, #tpu.memory_space<vmem>>
      tpu.wait_dma2 semaphore(%run_scoped3A : memref<!tpu.dma_semaphore, #tpu.memory_space<semaphore_mem>>) src(%dma_wait3A_59 : memref<33x64xf32, #tpu.memory_space<vmem>>) dst(%dma_wait3A_56 : memref<33x64xf32, #tpu.memory_space<vmem_shared>>)
      tpu.yield
    }) : () -> ()
    %barrier3A = arith.constant 0 : index
    tpu.barrier barrier_id(%barrier3A)
    %mul3A_13 = arith.constant 50048 : i32
    %mul3A_14 = arith.muli %arg1, %mul3A_13 : i32
    %add3A_15 = arith.constant 0 : i32
    %add3A_16 = arith.addi %mul3A_14, %add3A_15 : i32
    %multiple_of3A = tpu.assume_multiple %add3A_16, 64 : i32
    %dma_start3A = tpu.memref_slice %arg4[%multiple_of3A] : memref<800768xi32, #tpu.memory_space<hbm>> -> memref<64xi32, #tpu.memory_space<hbm>>
    %dma_start3A_17 = tpu.memref_slice %arg4[%multiple_of3A] : memref<800768xi32, #tpu.memory_space<hbm>> -> memref<64xi32, #tpu.memory_space<hbm>>
    tpu.enqueue_dma source(%dma_start3A_17 : memref<64xi32, #tpu.memory_space<hbm>>) target(%arg7 : memref<64xi32, #tpu.memory_space<vmem>>) target_semaphore(%arg19 : memref<!tpu.dma_semaphore, #tpu.memory_space<semaphore_mem>>)
    %dma_start3A_18 = tpu.memref_slice %arg5[%multiple_of3A] : memref<800768xi32, #tpu.memory_space<hbm>> -> memref<64xi32, #tpu.memory_space<hbm>>
    %dma_start3A_19 = tpu.memref_slice %arg5[%multiple_of3A] : memref<800768xi32, #tpu.memory_space<hbm>> -> memref<64xi32, #tpu.memory_space<hbm>>
    tpu.enqueue_dma source(%dma_start3A_19 : memref<64xi32, #tpu.memory_space<hbm>>) target(%arg8 : memref<64xi32, #tpu.memory_space<vmem>>) target_semaphore(%arg19 : memref<!tpu.dma_semaphore, #tpu.memory_space<semaphore_mem>>)
    %dma_start3A_20 = arith.constant 0 : i32
    %dma_start3A_21 = tpu.memref_slice %arg3[%multiple_of3A, %dma_start3A_20] : memref<800768x64xf32, #tpu.memory_space<hbm>> -> memref<64x64xf32, #tpu.memory_space<hbm>>
    %dma_start3A_22 = arith.constant 0 : i32
    %dma_start3A_23 = tpu.memref_slice %arg3[%multiple_of3A, %dma_start3A_22] : memref<800768x64xf32, #tpu.memory_space<hbm>> -> memref<64x64xf32, #tpu.memory_space<hbm>>
    tpu.enqueue_dma source(%dma_start3A_23 : memref<64x64xf32, #tpu.memory_space<hbm>>) target(%arg11 : memref<64x64xf32, #tpu.memory_space<vmem>>) target_semaphore(%arg19 : memref<!tpu.dma_semaphore, #tpu.memory_space<semaphore_mem>>)
    %scan3A_24 = arith.constant 0 : i32
    %scan3A_25 = arith.constant 391 : i32
    %scan3A_26 = arith.addi %scan3A_24, %scan3A_25 : i32
    %scan3A_27 = arith.constant 1 : i32
    scf.for %scan3A_40 = %scan3A_24 to %scan3A_26 step %scan3A_27  : i32 {
      %mul3A_41 = arith.constant 1 : i32
      %mul3A_42 = arith.muli %scan3A_40, %mul3A_41 : i32
      %add3A_43 = arith.constant 0 : i32
      %add3A_44 = arith.addi %add3A_43, %mul3A_42 : i32
      %mul3A_45 = arith.constant 2 : i32
      %mul3A_46 = arith.muli %mul3A_45, %add3A_44 : i32
      %ge3A = arith.constant 1 : i32
      %ge3A_47 = arith.cmpi sge, %add3A_44, %ge3A : i32
      %mul3A_48 = arith.constant 64 : i32
      %mul3A_49 = arith.muli %mul3A_46, %mul3A_48 : i32
      %add3A_50 = arith.addi %mul3A_14, %mul3A_49 : i32
      %multiple_of3A_51 = tpu.assume_multiple %add3A_50, 64 : i32
      %dma_wait3A_52 = tpu.memref_slice %arg4[%multiple_of3A_51] : memref<800768xi32, #tpu.memory_space<hbm>> -> memref<64xi32, #tpu.memory_space<hbm>>
      %dma_wait3A_53 = tpu.memref_slice %arg4[%multiple_of3A_51] : memref<800768xi32, #tpu.memory_space<hbm>> -> memref<64xi32, #tpu.memory_space<hbm>>
      tpu.wait_dma2 semaphore(%arg19 : memref<!tpu.dma_semaphore, #tpu.memory_space<semaphore_mem>>) src(%dma_wait3A_53 : memref<64xi32, #tpu.memory_space<hbm>>) dst(%arg7 : memref<64xi32, #tpu.memory_space<vmem>>)
      %dma_wait3A_54 = tpu.memref_slice %arg5[%multiple_of3A_51] : memref<800768xi32, #tpu.memory_space<hbm>> -> memref<64xi32, #tpu.memory_space<hbm>>
      %dma_wait3A_55 = tpu.memref_slice %arg5[%multiple_of3A_51] : memref<800768xi32, #tpu.memory_space<hbm>> -> memref<64xi32, #tpu.memory_space<hbm>>
      tpu.wait_dma2 semaphore(%arg19 : memref<!tpu.dma_semaphore, #tpu.memory_space<semaphore_mem>>) src(%dma_wait3A_55 : memref<64xi32, #tpu.memory_space<hbm>>) dst(%arg8 : memref<64xi32, #tpu.memory_space<vmem>>)
      %dma_wait3A_56 = arith.constant 0 : i32
      %dma_wait3A_57 = tpu.memref_slice %arg3[%multiple_of3A_51, %dma_wait3A_56] : memref<800768x64xf32, #tpu.memory_space<hbm>> -> memref<64x64xf32, #tpu.memory_space<hbm>>
      %dma_wait3A_58 = arith.constant 0 : i32
      %dma_wait3A_59 = tpu.memref_slice %arg3[%multiple_of3A_51, %dma_wait3A_58] : memref<800768x64xf32, #tpu.memory_space<hbm>> -> memref<64x64xf32, #tpu.memory_space<hbm>>
      tpu.wait_dma2 semaphore(%arg19 : memref<!tpu.dma_semaphore, #tpu.memory_space<semaphore_mem>>) src(%dma_wait3A_59 : memref<64x64xf32, #tpu.memory_space<hbm>>) dst(%arg11 : memref<64x64xf32, #tpu.memory_space<vmem>>)
      %dma_start3A_60 = arith.constant 0 : i32
      %dma_start3A_61 = arith.constant 0 : i32
      %dma_start3A_62 = tpu.memref_slice %arg2[%dma_start3A_60, %dma_start3A_61] : memref<50176x64xf32, #tpu.memory_space<hbm>> -> memref<50176x64xf32, #tpu.memory_space<hbm>>
      tpu.enqueue_indirect_dma source(%dma_start3A_62 : memref<50176x64xf32, #tpu.memory_space<hbm>>) target(%arg10 : memref<64x64xf32, #tpu.memory_space<vmem>>) offsets(%arg7 : memref<64xi32, #tpu.memory_space<vmem>>) semaphore(%arg20 : memref<!tpu.dma_semaphore, #tpu.memory_space<semaphore_mem>>)
      %add3A_63 = arith.constant 1 : i32
      %add3A_64 = arith.addi %mul3A_46, %add3A_63 : i32
      %mul3A_65 = arith.constant 64 : i32
      %mul3A_66 = arith.muli %add3A_64, %mul3A_65 : i32
      %add3A_67 = arith.addi %mul3A_14, %mul3A_66 : i32
      %multiple_of3A_68 = tpu.assume_multiple %add3A_67, 64 : i32
      %dma_start3A_69 = tpu.memref_slice %arg4[%multiple_of3A_68] : memref<800768xi32, #tpu.memory_space<hbm>> -> memref<64xi32, #tpu.memory_space<hbm>>
      %dma_start3A_70 = tpu.memref_slice %arg4[%multiple_of3A_68] : memref<800768xi32, #tpu.memory_space<hbm>> -> memref<64xi32, #tpu.memory_space<hbm>>
      tpu.enqueue_dma source(%dma_start3A_70 : memref<64xi32, #tpu.memory_space<hbm>>) target(%arg13 : memref<64xi32, #tpu.memory_space<vmem>>) target_semaphore(%arg22 : memref<!tpu.dma_semaphore, #tpu.memory_space<semaphore_mem>>)
      %dma_start3A_71 = tpu.memref_slice %arg5[%multiple_of3A_68] : memref<800768xi32, #tpu.memory_space<hbm>> -> memref<64xi32, #tpu.memory_space<hbm>>
      %dma_start3A_72 = tpu.memref_slice %arg5[%multiple_of3A_68] : memref<800768xi32, #tpu.memory_space<hbm>> -> memref<64xi32, #tpu.memory_space<hbm>>
      tpu.enqueue_dma source(%dma_start3A_72 : memref<64xi32, #tpu.memory_space<hbm>>) target(%arg14 : memref<64xi32, #tpu.memory_space<vmem>>) target_semaphore(%arg22 : memref<!tpu.dma_semaphore, #tpu.memory_space<semaphore_mem>>)
      %dma_start3A_73 = arith.constant 0 : i32
      %dma_start3A_74 = tpu.memref_slice %arg3[%multiple_of3A_68, %dma_start3A_73] : memref<800768x64xf32, #tpu.memory_space<hbm>> -> memref<64x64xf32, #tpu.memory_space<hbm>>
      %dma_start3A_75 = arith.constant 0 : i32
      %dma_start3A_76 = tpu.memref_slice %arg3[%multiple_of3A_68, %dma_start3A_75] : memref<800768x64xf32, #tpu.memory_space<hbm>> -> memref<64x64xf32, #tpu.memory_space<hbm>>
      tpu.enqueue_dma source(%dma_start3A_76 : memref<64x64xf32, #tpu.memory_space<hbm>>) target(%arg17 : memref<64x64xf32, #tpu.memory_space<vmem>>) target_semaphore(%arg22 : memref<!tpu.dma_semaphore, #tpu.memory_space<semaphore_mem>>)
      %convert_element_type3A = arith.extui %ge3A_47 : i1 to i32
      %cond3A = arith.constant 0 : i32
      %cond3A_77 = arith.cmpi ne, %convert_element_type3A, %cond3A : i32
      scf.if %cond3A_77 {
        %dma_wait3A_138 = arith.constant 0 : i32
        %dma_wait3A_139 = arith.constant 0 : i32
        %dma_wait3A_140 = tpu.memref_slice %arg25[%dma_wait3A_138, %dma_wait3A_139] : memref<25104x64xf32, #tpu.memory_space<vmem_shared>> -> memref<25104x64xf32, #tpu.memory_space<vmem_shared>>
        tpu.wait_indirect_dma semaphore(%arg21 : memref<!tpu.dma_semaphore, #tpu.memory_space<semaphore_mem>>) src(%arg12 : memref<64x64xf32, #tpu.memory_space<vmem>>) dst(%dma_wait3A_140 : memref<25104x64xf32, #tpu.memory_space<vmem_shared>>)
      } else {
      }
      %scan3A_78 = arith.constant 0 : i32
      %scan3A_79 = arith.constant 4 : i32
      %scan3A_80 = arith.addi %scan3A_78, %scan3A_79 : i32
      %scan3A_81 = arith.constant 1 : i32
      scf.for %scan3A_138 = %scan3A_78 to %scan3A_80 step %scan3A_81  : i32 {
        %mul3A_139 = arith.constant 1 : i32
        %mul3A_140 = arith.muli %scan3A_138, %mul3A_139 : i32
        %add3A_141 = arith.constant 0 : i32
        %add3A_142 = arith.addi %add3A_141, %mul3A_140 : i32
        %mul3A_143 = arith.constant 16 : i32
        %mul3A_144 = arith.muli %add3A_142, %mul3A_143 : i32
        %multiple_of3A_145 = tpu.assume_multiple %mul3A_144, 16 : i32
        %get3A = arith.index_cast %multiple_of3A_145 : i32 to index
        %get3A_146 = tpu.vector_load %arg8[%get3A] {strides = array<i32>} : memref<64xi32, #tpu.memory_space<vmem>>, vector<16xi32>,
        %get3A_147 = vector.shape_cast %get3A_146 : vector<16xi32> to vector<16xi32>
        %sub3A = vector.broadcast %mul3A_0 : i32 to vector<16xi32>
        %sub3A_148 = arith.subi %get3A_147, %sub3A : vector<16xi32>
        %ge3A_149 = arith.constant 0 : i32
        %ge3A_150 = vector.broadcast %ge3A_149 : i32 to vector<16xi32>
        %ge3A_151 = arith.cmpi sge, %sub3A_148, %ge3A_150 : vector<16xi32>
        %lt3A_152 = arith.constant 25088 : i32
        %lt3A_153 = vector.broadcast %lt3A_152 : i32 to vector<16xi32>
        %lt3A_154 = arith.cmpi slt, %sub3A_148, %lt3A_153 : vector<16xi32>
        %and3A = arith.andi %ge3A_151, %lt3A_154 : vector<16xi1>
        %jit3A = arith.constant 25088 : i32
        %broadcast_in_dim3A = vector.broadcast %jit3A : i32 to vector<16xi32>
        %select_n3A = arith.select %and3A, %sub3A_148, %broadcast_in_dim3A : vector<16xi1>, vector<16xi32>
        %swap3A = arith.index_cast %multiple_of3A_145 : i32 to index
        %swap3A_155 = tpu.vector_load %arg9[%swap3A] {strides = array<i32>} : memref<64xi32, #tpu.memory_space<vmem>>, vector<16xi32>,
        %swap3A_156 = vector.shape_cast %swap3A_155 : vector<16xi32> to vector<16xi32>
        %swap3A_157 = vector.shape_cast %select_n3A : vector<16xi32> to vector<16xi32>
        tpu.vector_store %arg9[%swap3A], %swap3A_157 {strides = array<i32>} : memref<64xi32, #tpu.memory_space<vmem>>, vector<16xi32>,
      }
      %scan3A_82 = arith.constant 4 : i32
      %dma_wait3A_83 = arith.constant 0 : i32
      %dma_wait3A_84 = arith.constant 0 : i32
      %dma_wait3A_85 = tpu.memref_slice %arg2[%dma_wait3A_83, %dma_wait3A_84] : memref<50176x64xf32, #tpu.memory_space<hbm>> -> memref<50176x64xf32, #tpu.memory_space<hbm>>
      tpu.wait_indirect_dma semaphore(%arg20 : memref<!tpu.dma_semaphore, #tpu.memory_space<semaphore_mem>>) src(%dma_wait3A_85 : memref<50176x64xf32, #tpu.memory_space<hbm>>) dst(%arg10 : memref<64x64xf32, #tpu.memory_space<vmem>>)
      %scan3A_86 = arith.constant 0 : i32
      %scan3A_87 = arith.constant 64 : i32
      %scan3A_88 = arith.addi %scan3A_86, %scan3A_87 : i32
      %scan3A_89 = arith.constant 2 : i32
      scf.for %scan3A_138 = %scan3A_86 to %scan3A_88 step %scan3A_89  : i32 {
        %mul3A_139 = arith.constant 1 : i32
        %mul3A_140 = arith.muli %scan3A_138, %mul3A_139 : i32
        %add3A_141 = arith.constant 0 : i32
        %add3A_142 = arith.addi %add3A_141, %mul3A_140 : i32
        %get3A = arith.index_cast %add3A_142 : i32 to index
        %get3A_143 = arith.constant 0 : index
        %get3A_144 = tpu.vector_load %arg10[%get3A, %get3A_143] {strides = array<i32>} : memref<64x64xf32, #tpu.memory_space<vmem>>, vector<1x16xf32>,
        %get3A_145 = vector.shape_cast %get3A_144 : vector<1x16xf32> to vector<16xf32>
        %get3A_146 = arith.index_cast %add3A_142 : i32 to index
        %get3A_147 = arith.constant 0 : index
        %get3A_148 = tpu.vector_load %arg11[%get3A_146, %get3A_147] {strides = array<i32>} : memref<64x64xf32, #tpu.memory_space<vmem>>, vector<1x16xf32>,
        %get3A_149 = vector.shape_cast %get3A_148 : vector<1x16xf32> to vector<16xf32>
        %mul3A_150 = arith.mulf %get3A_145, %get3A_149 : vector<16xf32>
        %swap3A = arith.index_cast %add3A_142 : i32 to index
        %swap3A_151 = arith.constant 0 : index
        %swap3A_152 = tpu.vector_load %arg12[%swap3A, %swap3A_151] {strides = array<i32>} : memref<64x64xf32, #tpu.memory_space<vmem>>, vector<1x16xf32>,
        %swap3A_153 = vector.shape_cast %swap3A_152 : vector<1x16xf32> to vector<16xf32>
        %swap3A_154 = vector.shape_cast %mul3A_150 : vector<16xf32> to vector<1x16xf32>
        tpu.vector_store %arg12[%swap3A, %swap3A_151], %swap3A_154 {strides = array<i32>} : memref<64x64xf32, #tpu.memory_space<vmem>>, vector<1x16xf32>,
        %get3A_155 = arith.index_cast %add3A_142 : i32 to index
        %get3A_156 = arith.constant 16 : index
        %get3A_157 = tpu.vector_load %arg10[%get3A_155, %get3A_156] {strides = array<i32>} : memref<64x64xf32, #tpu.memory_space<vmem>>, vector<1x16xf32>,
        %get3A_158 = vector.shape_cast %get3A_157 : vector<1x16xf32> to vector<16xf32>
        %get3A_159 = arith.index_cast %add3A_142 : i32 to index
        %get3A_160 = arith.constant 16 : index
        %get3A_161 = tpu.vector_load %arg11[%get3A_159, %get3A_160] {strides = array<i32>} : memref<64x64xf32, #tpu.memory_space<vmem>>, vector<1x16xf32>,
        %get3A_162 = vector.shape_cast %get3A_161 : vector<1x16xf32> to vector<16xf32>
        %mul3A_163 = arith.mulf %get3A_158, %get3A_162 : vector<16xf32>
        %swap3A_164 = arith.index_cast %add3A_142 : i32 to index
        %swap3A_165 = arith.constant 16 : index
        %swap3A_166 = tpu.vector_load %arg12[%swap3A_164, %swap3A_165] {strides = array<i32>} : memref<64x64xf32, #tpu.memory_space<vmem>>, vector<1x16xf32>,
        %swap3A_167 = vector.shape_cast %swap3A_166 : vector<1x16xf32> to vector<16xf32>
        %swap3A_168 = vector.shape_cast %mul3A_163 : vector<16xf32> to vector<1x16xf32>
        tpu.vector_store %arg12[%swap3A_164, %swap3A_165], %swap3A_168 {strides = array<i32>} : memref<64x64xf32, #tpu.memory_space<vmem>>, vector<1x16xf32>,
        %get3A_169 = arith.index_cast %add3A_142 : i32 to index
        %get3A_170 = arith.constant 32 : index
        %get3A_171 = tpu.vector_load %arg10[%get3A_169, %get3A_170] {strides = array<i32>} : memref<64x64xf32, #tpu.memory_space<vmem>>, vector<1x16xf32>,
        %get3A_172 = vector.shape_cast %get3A_171 : vector<1x16xf32> to vector<16xf32>
        %get3A_173 = arith.index_cast %add3A_142 : i32 to index
        %get3A_174 = arith.constant 32 : index
        %get3A_175 = tpu.vector_load %arg11[%get3A_173, %get3A_174] {strides = array<i32>} : memref<64x64xf32, #tpu.memory_space<vmem>>, vector<1x16xf32>,
        %get3A_176 = vector.shape_cast %get3A_175 : vector<1x16xf32> to vector<16xf32>
        %mul3A_177 = arith.mulf %get3A_172, %get3A_176 : vector<16xf32>
        %swap3A_178 = arith.index_cast %add3A_142 : i32 to index
        %swap3A_179 = arith.constant 32 : index
        %swap3A_180 = tpu.vector_load %arg12[%swap3A_178, %swap3A_179] {strides = array<i32>} : memref<64x64xf32, #tpu.memory_space<vmem>>, vector<1x16xf32>,
        %swap3A_181 = vector.shape_cast %swap3A_180 : vector<1x16xf32> to vector<16xf32>
        %swap3A_182 = vector.shape_cast %mul3A_177 : vector<16xf32> to vector<1x16xf32>
        tpu.vector_store %arg12[%swap3A_178, %swap3A_179], %swap3A_182 {strides = array<i32>} : memref<64x64xf32, #tpu.memory_space<vmem>>, vector<1x16xf32>,
        %get3A_183 = arith.index_cast %add3A_142 : i32 to index
        %get3A_184 = arith.constant 48 : index
        %get3A_185 = tpu.vector_load %arg10[%get3A_183, %get3A_184] {strides = array<i32>} : memref<64x64xf32, #tpu.memory_space<vmem>>, vector<1x16xf32>,
        %get3A_186 = vector.shape_cast %get3A_185 : vector<1x16xf32> to vector<16xf32>
        %get3A_187 = arith.index_cast %add3A_142 : i32 to index
        %get3A_188 = arith.constant 48 : index
        %get3A_189 = tpu.vector_load %arg11[%get3A_187, %get3A_188] {strides = array<i32>} : memref<64x64xf32, #tpu.memory_space<vmem>>, vector<1x16xf32>,
        %get3A_190 = vector.shape_cast %get3A_189 : vector<1x16xf32> to vector<16xf32>
        %mul3A_191 = arith.mulf %get3A_186, %get3A_190 : vector<16xf32>
        %swap3A_192 = arith.index_cast %add3A_142 : i32 to index
        %swap3A_193 = arith.constant 48 : index
        %swap3A_194 = tpu.vector_load %arg12[%swap3A_192, %swap3A_193] {strides = array<i32>} : memref<64x64xf32, #tpu.memory_space<vmem>>, vector<1x16xf32>,
        %swap3A_195 = vector.shape_cast %swap3A_194 : vector<1x16xf32> to vector<16xf32>
        %swap3A_196 = vector.shape_cast %mul3A_191 : vector<16xf32> to vector<1x16xf32>
        tpu.vector_store %arg12[%swap3A_192, %swap3A_193], %swap3A_196 {strides = array<i32>} : memref<64x64xf32, #tpu.memory_space<vmem>>, vector<1x16xf32>,
        %scan3A_197 = arith.constant 1 : i32
        %scan3A_198 = arith.addi %scan3A_138, %scan3A_197 : i32
        %mul3A_199 = arith.constant 1 : i32
        %mul3A_200 = arith.muli %scan3A_198, %mul3A_199 : i32
        %add3A_201 = arith.constant 0 : i32
        %add3A_202 = arith.addi %add3A_201, %mul3A_200 : i32
        %get3A_203 = arith.index_cast %add3A_202 : i32 to index
        %get3A_204 = arith.constant 0 : index
        %get3A_205 = tpu.vector_load %arg10[%get3A_203, %get3A_204] {strides = array<i32>} : memref<64x64xf32, #tpu.memory_space<vmem>>, vector<1x16xf32>,
        %get3A_206 = vector.shape_cast %get3A_205 : vector<1x16xf32> to vector<16xf32>
        %get3A_207 = arith.index_cast %add3A_202 : i32 to index
        %get3A_208 = arith.constant 0 : index
        %get3A_209 = tpu.vector_load %arg11[%get3A_207, %get3A_208] {strides = array<i32>} : memref<64x64xf32, #tpu.memory_space<vmem>>, vector<1x16xf32>,
        %get3A_210 = vector.shape_cast %get3A_209 : vector<1x16xf32> to vector<16xf32>
        %mul3A_211 = arith.mulf %get3A_206, %get3A_210 : vector<16xf32>
        %swap3A_212 = arith.index_cast %add3A_202 : i32 to index
        %swap3A_213 = arith.constant 0 : index
        %swap3A_214 = tpu.vector_load %arg12[%swap3A_212, %swap3A_213] {strides = array<i32>} : memref<64x64xf32, #tpu.memory_space<vmem>>, vector<1x16xf32>,
        %swap3A_215 = vector.shape_cast %swap3A_214 : vector<1x16xf32> to vector<16xf32>
        %swap3A_216 = vector.shape_cast %mul3A_211 : vector<16xf32> to vector<1x16xf32>
        tpu.vector_store %arg12[%swap3A_212, %swap3A_213], %swap3A_216 {strides = array<i32>} : memref<64x64xf32, #tpu.memory_space<vmem>>, vector<1x16xf32>,
        %get3A_217 = arith.index_cast %add3A_202 : i32 to index
        %get3A_218 = arith.constant 16 : index
        %get3A_219 = tpu.vector_load %arg10[%get3A_217, %get3A_218] {strides = array<i32>} : memref<64x64xf32, #tpu.memory_space<vmem>>, vector<1x16xf32>,
        %get3A_220 = vector.shape_cast %get3A_219 : vector<1x16xf32> to vector<16xf32>
        %get3A_221 = arith.index_cast %add3A_202 : i32 to index
        %get3A_222 = arith.constant 16 : index
        %get3A_223 = tpu.vector_load %arg11[%get3A_221, %get3A_222] {strides = array<i32>} : memref<64x64xf32, #tpu.memory_space<vmem>>, vector<1x16xf32>,
        %get3A_224 = vector.shape_cast %get3A_223 : vector<1x16xf32> to vector<16xf32>
        %mul3A_225 = arith.mulf %get3A_220, %get3A_224 : vector<16xf32>
        %swap3A_226 = arith.index_cast %add3A_202 : i32 to index
        %swap3A_227 = arith.constant 16 : index
        %swap3A_228 = tpu.vector_load %arg12[%swap3A_226, %swap3A_227] {strides = array<i32>} : memref<64x64xf32, #tpu.memory_space<vmem>>, vector<1x16xf32>,
        %swap3A_229 = vector.shape_cast %swap3A_228 : vector<1x16xf32> to vector<16xf32>
        %swap3A_230 = vector.shape_cast %mul3A_225 : vector<16xf32> to vector<1x16xf32>
        tpu.vector_store %arg12[%swap3A_226, %swap3A_227], %swap3A_230 {strides = array<i32>} : memref<64x64xf32, #tpu.memory_space<vmem>>, vector<1x16xf32>,
        %get3A_231 = arith.index_cast %add3A_202 : i32 to index
        %get3A_232 = arith.constant 32 : index
        %get3A_233 = tpu.vector_load %arg10[%get3A_231, %get3A_232] {strides = array<i32>} : memref<64x64xf32, #tpu.memory_space<vmem>>, vector<1x16xf32>,
        %get3A_234 = vector.shape_cast %get3A_233 : vector<1x16xf32> to vector<16xf32>
        %get3A_235 = arith.index_cast %add3A_202 : i32 to index
        %get3A_236 = arith.constant 32 : index
        %get3A_237 = tpu.vector_load %arg11[%get3A_235, %get3A_236] {strides = array<i32>} : memref<64x64xf32, #tpu.memory_space<vmem>>, vector<1x16xf32>,
        %get3A_238 = vector.shape_cast %get3A_237 : vector<1x16xf32> to vector<16xf32>
        %mul3A_239 = arith.mulf %get3A_234, %get3A_238 : vector<16xf32>
        %swap3A_240 = arith.index_cast %add3A_202 : i32 to index
        %swap3A_241 = arith.constant 32 : index
        %swap3A_242 = tpu.vector_load %arg12[%swap3A_240, %swap3A_241] {strides = array<i32>} : memref<64x64xf32, #tpu.memory_space<vmem>>, vector<1x16xf32>,
        %swap3A_243 = vector.shape_cast %swap3A_242 : vector<1x16xf32> to vector<16xf32>
        %swap3A_244 = vector.shape_cast %mul3A_239 : vector<16xf32> to vector<1x16xf32>
        tpu.vector_store %arg12[%swap3A_240, %swap3A_241], %swap3A_244 {strides = array<i32>} : memref<64x64xf32, #tpu.memory_space<vmem>>, vector<1x16xf32>,
        %get3A_245 = arith.index_cast %add3A_202 : i32 to index
        %get3A_246 = arith.constant 48 : index
        %get3A_247 = tpu.vector_load %arg10[%get3A_245, %get3A_246] {strides = array<i32>} : memref<64x64xf32, #tpu.memory_space<vmem>>, vector<1x16xf32>,
        %get3A_248 = vector.shape_cast %get3A_247 : vector<1x16xf32> to vector<16xf32>
        %get3A_249 = arith.index_cast %add3A_202 : i32 to index
        %get3A_250 = arith.constant 48 : index
        %get3A_251 = tpu.vector_load %arg11[%get3A_249, %get3A_250] {strides = array<i32>} : memref<64x64xf32, #tpu.memory_space<vmem>>, vector<1x16xf32>,
        %get3A_252 = vector.shape_cast %get3A_251 : vector<1x16xf32> to vector<16xf32>
        %mul3A_253 = arith.mulf %get3A_248, %get3A_252 : vector<16xf32>
        %swap3A_254 = arith.index_cast %add3A_202 : i32 to index
        %swap3A_255 = arith.constant 48 : index
        %swap3A_256 = tpu.vector_load %arg12[%swap3A_254, %swap3A_255] {strides = array<i32>} : memref<64x64xf32, #tpu.memory_space<vmem>>, vector<1x16xf32>,
        %swap3A_257 = vector.shape_cast %swap3A_256 : vector<1x16xf32> to vector<16xf32>
        %swap3A_258 = vector.shape_cast %mul3A_253 : vector<16xf32> to vector<1x16xf32>
        tpu.vector_store %arg12[%swap3A_254, %swap3A_255], %swap3A_258 {strides = array<i32>} : memref<64x64xf32, #tpu.memory_space<vmem>>, vector<1x16xf32>,
      }
      %scan3A_90 = arith.constant 64 : i32
      %dma_start3A_91 = arith.constant 0 : i32
      %dma_start3A_92 = arith.constant 0 : i32
      %dma_start3A_93 = tpu.memref_slice %arg25[%dma_start3A_91, %dma_start3A_92] : memref<25104x64xf32, #tpu.memory_space<vmem_shared>> -> memref<25104x64xf32, #tpu.memory_space<vmem_shared>>
      tpu.enqueue_indirect_dma source(%arg12 : memref<64x64xf32, #tpu.memory_space<vmem>>) target(%dma_start3A_93 : memref<25104x64xf32, #tpu.memory_space<vmem_shared>>) offsets(%arg9 : memref<64xi32, #tpu.memory_space<vmem>>) semaphore(%arg21 : memref<!tpu.dma_semaphore, #tpu.memory_space<semaphore_mem>>) {add = true}
      %mul3A_94 = arith.constant 2 : i32
      %mul3A_95 = arith.muli %mul3A_94, %add3A_44 : i32
      %add3A_96 = arith.constant 1 : i32
      %add3A_97 = arith.addi %mul3A_95, %add3A_96 : i32
      %ge3A_98 = arith.constant 1 : i32
      %ge3A_99 = arith.cmpi sge, %add3A_44, %ge3A_98 : i32
      %lt3A = arith.constant 390 : i32
      %lt3A_100 = arith.cmpi slt, %add3A_44, %lt3A : i32
      %mul3A_101 = arith.constant 64 : i32
      %mul3A_102 = arith.muli %add3A_97, %mul3A_101 : i32
      %add3A_103 = arith.addi %mul3A_14, %mul3A_102 : i32
      %multiple_of3A_104 = tpu.assume_multiple %add3A_103, 64 : i32
      %dma_wait3A_105 = tpu.memref_slice %arg4[%multiple_of3A_104] : memref<800768xi32, #tpu.memory_space<hbm>> -> memref<64xi32, #tpu.memory_space<hbm>>
      %dma_wait3A_106 = tpu.memref_slice %arg4[%multiple_of3A_104] : memref<800768xi32, #tpu.memory_space<hbm>> -> memref<64xi32, #tpu.memory_space<hbm>>
      tpu.wait_dma2 semaphore(%arg22 : memref<!tpu.dma_semaphore, #tpu.memory_space<semaphore_mem>>) src(%dma_wait3A_106 : memref<64xi32, #tpu.memory_space<hbm>>) dst(%arg13 : memref<64xi32, #tpu.memory_space<vmem>>)
      %dma_wait3A_107 = tpu.memref_slice %arg5[%multiple_of3A_104] : memref<800768xi32, #tpu.memory_space<hbm>> -> memref<64xi32, #tpu.memory_space<hbm>>
      %dma_wait3A_108 = tpu.memref_slice %arg5[%multiple_of3A_104] : memref<800768xi32, #tpu.memory_space<hbm>> -> memref<64xi32, #tpu.memory_space<hbm>>
      tpu.wait_dma2 semaphore(%arg22 : memref<!tpu.dma_semaphore, #tpu.memory_space<semaphore_mem>>) src(%dma_wait3A_108 : memref<64xi32, #tpu.memory_space<hbm>>) dst(%arg14 : memref<64xi32, #tpu.memory_space<vmem>>)
      %dma_wait3A_109 = arith.constant 0 : i32
      %dma_wait3A_110 = tpu.memref_slice %arg3[%multiple_of3A_104, %dma_wait3A_109] : memref<800768x64xf32, #tpu.memory_space<hbm>> -> memref<64x64xf32, #tpu.memory_space<hbm>>
      %dma_wait3A_111 = arith.constant 0 : i32
      %dma_wait3A_112 = tpu.memref_slice %arg3[%multiple_of3A_104, %dma_wait3A_111] : memref<800768x64xf32, #tpu.memory_space<hbm>> -> memref<64x64xf32, #tpu.memory_space<hbm>>
      tpu.wait_dma2 semaphore(%arg22 : memref<!tpu.dma_semaphore, #tpu.memory_space<semaphore_mem>>) src(%dma_wait3A_112 : memref<64x64xf32, #tpu.memory_space<hbm>>) dst(%arg17 : memref<64x64xf32, #tpu.memory_space<vmem>>)
      %dma_start3A_113 = arith.constant 0 : i32
      %dma_start3A_114 = arith.constant 0 : i32
      %dma_start3A_115 = tpu.memref_slice %arg2[%dma_start3A_113, %dma_start3A_114] : memref<50176x64xf32, #tpu.memory_space<hbm>> -> memref<50176x64xf32, #tpu.memory_space<hbm>>
      tpu.enqueue_indirect_dma source(%dma_start3A_115 : memref<50176x64xf32, #tpu.memory_space<hbm>>) target(%arg16 : memref<64x64xf32, #tpu.memory_space<vmem>>) offsets(%arg13 : memref<64xi32, #tpu.memory_space<vmem>>) semaphore(%arg23 : memref<!tpu.dma_semaphore, #tpu.memory_space<semaphore_mem>>)
      %convert_element_type3A_116 = arith.extui %lt3A_100 : i1 to i32
      %cond3A_117 = arith.constant 0 : i32
      %cond3A_118 = arith.cmpi ne, %convert_element_type3A_116, %cond3A_117 : i32
      scf.if %cond3A_118 {
        %add3A_138 = arith.constant 1 : i32
        %add3A_139 = arith.addi %add3A_97, %add3A_138 : i32
        %mul3A_140 = arith.constant 64 : i32
        %mul3A_141 = arith.muli %add3A_139, %mul3A_140 : i32
        %add3A_142 = arith.addi %mul3A_14, %mul3A_141 : i32
        %multiple_of3A_143 = tpu.assume_multiple %add3A_142, 64 : i32
        %dma_start3A_144 = tpu.memref_slice %arg4[%multiple_of3A_143] : memref<800768xi32, #tpu.memory_space<hbm>> -> memref<64xi32, #tpu.memory_space<hbm>>
        %dma_start3A_145 = tpu.memref_slice %arg4[%multiple_of3A_143] : memref<800768xi32, #tpu.memory_space<hbm>> -> memref<64xi32, #tpu.memory_space<hbm>>
        tpu.enqueue_dma source(%dma_start3A_145 : memref<64xi32, #tpu.memory_space<hbm>>) target(%arg7 : memref<64xi32, #tpu.memory_space<vmem>>) target_semaphore(%arg19 : memref<!tpu.dma_semaphore, #tpu.memory_space<semaphore_mem>>)
        %dma_start3A_146 = tpu.memref_slice %arg5[%multiple_of3A_143] : memref<800768xi32, #tpu.memory_space<hbm>> -> memref<64xi32, #tpu.memory_space<hbm>>
        %dma_start3A_147 = tpu.memref_slice %arg5[%multiple_of3A_143] : memref<800768xi32, #tpu.memory_space<hbm>> -> memref<64xi32, #tpu.memory_space<hbm>>
        tpu.enqueue_dma source(%dma_start3A_147 : memref<64xi32, #tpu.memory_space<hbm>>) target(%arg8 : memref<64xi32, #tpu.memory_space<vmem>>) target_semaphore(%arg19 : memref<!tpu.dma_semaphore, #tpu.memory_space<semaphore_mem>>)
        %dma_start3A_148 = arith.constant 0 : i32
        %dma_start3A_149 = tpu.memref_slice %arg3[%multiple_of3A_143, %dma_start3A_148] : memref<800768x64xf32, #tpu.memory_space<hbm>> -> memref<64x64xf32, #tpu.memory_space<hbm>>
        %dma_start3A_150 = arith.constant 0 : i32
        %dma_start3A_151 = tpu.memref_slice %arg3[%multiple_of3A_143, %dma_start3A_150] : memref<800768x64xf32, #tpu.memory_space<hbm>> -> memref<64x64xf32, #tpu.memory_space<hbm>>
        tpu.enqueue_dma source(%dma_start3A_151 : memref<64x64xf32, #tpu.memory_space<hbm>>) target(%arg11 : memref<64x64xf32, #tpu.memory_space<vmem>>) target_semaphore(%arg19 : memref<!tpu.dma_semaphore, #tpu.memory_space<semaphore_mem>>)
      } else {
      }
      %convert_element_type3A_119 = arith.extui %ge3A_99 : i1 to i32
      %cond3A_120 = arith.constant 0 : i32
      %cond3A_121 = arith.cmpi ne, %convert_element_type3A_119, %cond3A_120 : i32
      scf.if %cond3A_121 {
        %dma_wait3A_138 = arith.constant 0 : i32
        %dma_wait3A_139 = arith.constant 0 : i32
        %dma_wait3A_140 = tpu.memref_slice %arg25[%dma_wait3A_138, %dma_wait3A_139] : memref<25104x64xf32, #tpu.memory_space<vmem_shared>> -> memref<25104x64xf32, #tpu.memory_space<vmem_shared>>
        tpu.wait_indirect_dma semaphore(%arg24 : memref<!tpu.dma_semaphore, #tpu.memory_space<semaphore_mem>>) src(%arg18 : memref<64x64xf32, #tpu.memory_space<vmem>>) dst(%dma_wait3A_140 : memref<25104x64xf32, #tpu.memory_space<vmem_shared>>)
      } else {
      }
      %scan3A_122 = arith.constant 0 : i32
      %scan3A_123 = arith.constant 4 : i32
      %scan3A_124 = arith.addi %scan3A_122, %scan3A_123 : i32
      %scan3A_125 = arith.constant 1 : i32
      scf.for %scan3A_138 = %scan3A_122 to %scan3A_124 step %scan3A_125  : i32 {
        %mul3A_139 = arith.constant 1 : i32
        %mul3A_140 = arith.muli %scan3A_138, %mul3A_139 : i32
        %add3A_141 = arith.constant 0 : i32
        %add3A_142 = arith.addi %add3A_141, %mul3A_140 : i32
        %mul3A_143 = arith.constant 16 : i32
        %mul3A_144 = arith.muli %add3A_142, %mul3A_143 : i32
        %multiple_of3A_145 = tpu.assume_multiple %mul3A_144, 16 : i32
        %get3A = arith.index_cast %multiple_of3A_145 : i32 to index
        %get3A_146 = tpu.vector_load %arg14[%get3A] {strides = array<i32>} : memref<64xi32, #tpu.memory_space<vmem>>, vector<16xi32>,
        %get3A_147 = vector.shape_cast %get3A_146 : vector<16xi32> to vector<16xi32>
        %sub3A = vector.broadcast %mul3A_0 : i32 to vector<16xi32>
        %sub3A_148 = arith.subi %get3A_147, %sub3A : vector<16xi32>
        %ge3A_149 = arith.constant 0 : i32
        %ge3A_150 = vector.broadcast %ge3A_149 : i32 to vector<16xi32>
        %ge3A_151 = arith.cmpi sge, %sub3A_148, %ge3A_150 : vector<16xi32>
        %lt3A_152 = arith.constant 25088 : i32
        %lt3A_153 = vector.broadcast %lt3A_152 : i32 to vector<16xi32>
        %lt3A_154 = arith.cmpi slt, %sub3A_148, %lt3A_153 : vector<16xi32>
        %and3A = arith.andi %ge3A_151, %lt3A_154 : vector<16xi1>
        %jit3A = arith.constant 25088 : i32
        %broadcast_in_dim3A = vector.broadcast %jit3A : i32 to vector<16xi32>
        %select_n3A = arith.select %and3A, %sub3A_148, %broadcast_in_dim3A : vector<16xi1>, vector<16xi32>
        %swap3A = arith.index_cast %multiple_of3A_145 : i32 to index
        %swap3A_155 = tpu.vector_load %arg15[%swap3A] {strides = array<i32>} : memref<64xi32, #tpu.memory_space<vmem>>, vector<16xi32>,
        %swap3A_156 = vector.shape_cast %swap3A_155 : vector<16xi32> to vector<16xi32>
        %swap3A_157 = vector.shape_cast %select_n3A : vector<16xi32> to vector<16xi32>
        tpu.vector_store %arg15[%swap3A], %swap3A_157 {strides = array<i32>} : memref<64xi32, #tpu.memory_space<vmem>>, vector<16xi32>,
      }
      %scan3A_126 = arith.constant 4 : i32
      %dma_wait3A_127 = arith.constant 0 : i32
      %dma_wait3A_128 = arith.constant 0 : i32
      %dma_wait3A_129 = tpu.memref_slice %arg2[%dma_wait3A_127, %dma_wait3A_128] : memref<50176x64xf32, #tpu.memory_space<hbm>> -> memref<50176x64xf32, #tpu.memory_space<hbm>>
      tpu.wait_indirect_dma semaphore(%arg23 : memref<!tpu.dma_semaphore, #tpu.memory_space<semaphore_mem>>) src(%dma_wait3A_129 : memref<50176x64xf32, #tpu.memory_space<hbm>>) dst(%arg16 : memref<64x64xf32, #tpu.memory_space<vmem>>)
      %scan3A_130 = arith.constant 0 : i32
      %scan3A_131 = arith.constant 64 : i32
      %scan3A_132 = arith.addi %scan3A_130, %scan3A_131 : i32
      %scan3A_133 = arith.constant 2 : i32
      scf.for %scan3A_138 = %scan3A_130 to %scan3A_132 step %scan3A_133  : i32 {
        %mul3A_139 = arith.constant 1 : i32
        %mul3A_140 = arith.muli %scan3A_138, %mul3A_139 : i32
        %add3A_141 = arith.constant 0 : i32
        %add3A_142 = arith.addi %add3A_141, %mul3A_140 : i32
        %get3A = arith.index_cast %add3A_142 : i32 to index
        %get3A_143 = arith.constant 0 : index
        %get3A_144 = tpu.vector_load %arg16[%get3A, %get3A_143] {strides = array<i32>} : memref<64x64xf32, #tpu.memory_space<vmem>>, vector<1x16xf32>,
        %get3A_145 = vector.shape_cast %get3A_144 : vector<1x16xf32> to vector<16xf32>
        %get3A_146 = arith.index_cast %add3A_142 : i32 to index
        %get3A_147 = arith.constant 0 : index
        %get3A_148 = tpu.vector_load %arg17[%get3A_146, %get3A_147] {strides = array<i32>} : memref<64x64xf32, #tpu.memory_space<vmem>>, vector<1x16xf32>,
        %get3A_149 = vector.shape_cast %get3A_148 : vector<1x16xf32> to vector<16xf32>
        %mul3A_150 = arith.mulf %get3A_145, %get3A_149 : vector<16xf32>
        %swap3A = arith.index_cast %add3A_142 : i32 to index
        %swap3A_151 = arith.constant 0 : index
        %swap3A_152 = tpu.vector_load %arg18[%swap3A, %swap3A_151] {strides = array<i32>} : memref<64x64xf32, #tpu.memory_space<vmem>>, vector<1x16xf32>,
        %swap3A_153 = vector.shape_cast %swap3A_152 : vector<1x16xf32> to vector<16xf32>
        %swap3A_154 = vector.shape_cast %mul3A_150 : vector<16xf32> to vector<1x16xf32>
        tpu.vector_store %arg18[%swap3A, %swap3A_151], %swap3A_154 {strides = array<i32>} : memref<64x64xf32, #tpu.memory_space<vmem>>, vector<1x16xf32>,
        %get3A_155 = arith.index_cast %add3A_142 : i32 to index
        %get3A_156 = arith.constant 16 : index
        %get3A_157 = tpu.vector_load %arg16[%get3A_155, %get3A_156] {strides = array<i32>} : memref<64x64xf32, #tpu.memory_space<vmem>>, vector<1x16xf32>,
        %get3A_158 = vector.shape_cast %get3A_157 : vector<1x16xf32> to vector<16xf32>
        %get3A_159 = arith.index_cast %add3A_142 : i32 to index
        %get3A_160 = arith.constant 16 : index
        %get3A_161 = tpu.vector_load %arg17[%get3A_159, %get3A_160] {strides = array<i32>} : memref<64x64xf32, #tpu.memory_space<vmem>>, vector<1x16xf32>,
        %get3A_162 = vector.shape_cast %get3A_161 : vector<1x16xf32> to vector<16xf32>
        %mul3A_163 = arith.mulf %get3A_158, %get3A_162 : vector<16xf32>
        %swap3A_164 = arith.index_cast %add3A_142 : i32 to index
        %swap3A_165 = arith.constant 16 : index
        %swap3A_166 = tpu.vector_load %arg18[%swap3A_164, %swap3A_165] {strides = array<i32>} : memref<64x64xf32, #tpu.memory_space<vmem>>, vector<1x16xf32>,
        %swap3A_167 = vector.shape_cast %swap3A_166 : vector<1x16xf32> to vector<16xf32>
        %swap3A_168 = vector.shape_cast %mul3A_163 : vector<16xf32> to vector<1x16xf32>
        tpu.vector_store %arg18[%swap3A_164, %swap3A_165], %swap3A_168 {strides = array<i32>} : memref<64x64xf32, #tpu.memory_space<vmem>>, vector<1x16xf32>,
        %get3A_169 = arith.index_cast %add3A_142 : i32 to index
        %get3A_170 = arith.constant 32 : index
        %get3A_171 = tpu.vector_load %arg16[%get3A_169, %get3A_170] {strides = array<i32>} : memref<64x64xf32, #tpu.memory_space<vmem>>, vector<1x16xf32>,
        %get3A_172 = vector.shape_cast %get3A_171 : vector<1x16xf32> to vector<16xf32>
        %get3A_173 = arith.index_cast %add3A_142 : i32 to index
        %get3A_174 = arith.constant 32 : index
        %get3A_175 = tpu.vector_load %arg17[%get3A_173, %get3A_174] {strides = array<i32>} : memref<64x64xf32, #tpu.memory_space<vmem>>, vector<1x16xf32>,
        %get3A_176 = vector.shape_cast %get3A_175 : vector<1x16xf32> to vector<16xf32>
        %mul3A_177 = arith.mulf %get3A_172, %get3A_176 : vector<16xf32>
        %swap3A_178 = arith.index_cast %add3A_142 : i32 to index
        %swap3A_179 = arith.constant 32 : index
        %swap3A_180 = tpu.vector_load %arg18[%swap3A_178, %swap3A_179] {strides = array<i32>} : memref<64x64xf32, #tpu.memory_space<vmem>>, vector<1x16xf32>,
        %swap3A_181 = vector.shape_cast %swap3A_180 : vector<1x16xf32> to vector<16xf32>
        %swap3A_182 = vector.shape_cast %mul3A_177 : vector<16xf32> to vector<1x16xf32>
        tpu.vector_store %arg18[%swap3A_178, %swap3A_179], %swap3A_182 {strides = array<i32>} : memref<64x64xf32, #tpu.memory_space<vmem>>, vector<1x16xf32>,
        %get3A_183 = arith.index_cast %add3A_142 : i32 to index
        %get3A_184 = arith.constant 48 : index
        %get3A_185 = tpu.vector_load %arg16[%get3A_183, %get3A_184] {strides = array<i32>} : memref<64x64xf32, #tpu.memory_space<vmem>>, vector<1x16xf32>,
        %get3A_186 = vector.shape_cast %get3A_185 : vector<1x16xf32> to vector<16xf32>
        %get3A_187 = arith.index_cast %add3A_142 : i32 to index
        %get3A_188 = arith.constant 48 : index
        %get3A_189 = tpu.vector_load %arg17[%get3A_187, %get3A_188] {strides = array<i32>} : memref<64x64xf32, #tpu.memory_space<vmem>>, vector<1x16xf32>,
        %get3A_190 = vector.shape_cast %get3A_189 : vector<1x16xf32> to vector<16xf32>
        %mul3A_191 = arith.mulf %get3A_186, %get3A_190 : vector<16xf32>
        %swap3A_192 = arith.index_cast %add3A_142 : i32 to index
        %swap3A_193 = arith.constant 48 : index
        %swap3A_194 = tpu.vector_load %arg18[%swap3A_192, %swap3A_193] {strides = array<i32>} : memref<64x64xf32, #tpu.memory_space<vmem>>, vector<1x16xf32>,
        %swap3A_195 = vector.shape_cast %swap3A_194 : vector<1x16xf32> to vector<16xf32>
        %swap3A_196 = vector.shape_cast %mul3A_191 : vector<16xf32> to vector<1x16xf32>
        tpu.vector_store %arg18[%swap3A_192, %swap3A_193], %swap3A_196 {strides = array<i32>} : memref<64x64xf32, #tpu.memory_space<vmem>>, vector<1x16xf32>,
        %scan3A_197 = arith.constant 1 : i32
        %scan3A_198 = arith.addi %scan3A_138, %scan3A_197 : i32
        %mul3A_199 = arith.constant 1 : i32
        %mul3A_200 = arith.muli %scan3A_198, %mul3A_199 : i32
        %add3A_201 = arith.constant 0 : i32
        %add3A_202 = arith.addi %add3A_201, %mul3A_200 : i32
        %get3A_203 = arith.index_cast %add3A_202 : i32 to index
        %get3A_204 = arith.constant 0 : index
        %get3A_205 = tpu.vector_load %arg16[%get3A_203, %get3A_204] {strides = array<i32>} : memref<64x64xf32, #tpu.memory_space<vmem>>, vector<1x16xf32>,
        %get3A_206 = vector.shape_cast %get3A_205 : vector<1x16xf32> to vector<16xf32>
        %get3A_207 = arith.index_cast %add3A_202 : i32 to index
        %get3A_208 = arith.constant 0 : index
        %get3A_209 = tpu.vector_load %arg17[%get3A_207, %get3A_208] {strides = array<i32>} : memref<64x64xf32, #tpu.memory_space<vmem>>, vector<1x16xf32>,
        %get3A_210 = vector.shape_cast %get3A_209 : vector<1x16xf32> to vector<16xf32>
        %mul3A_211 = arith.mulf %get3A_206, %get3A_210 : vector<16xf32>
        %swap3A_212 = arith.index_cast %add3A_202 : i32 to index
        %swap3A_213 = arith.constant 0 : index
        %swap3A_214 = tpu.vector_load %arg18[%swap3A_212, %swap3A_213] {strides = array<i32>} : memref<64x64xf32, #tpu.memory_space<vmem>>, vector<1x16xf32>,
        %swap3A_215 = vector.shape_cast %swap3A_214 : vector<1x16xf32> to vector<16xf32>
        %swap3A_216 = vector.shape_cast %mul3A_211 : vector<16xf32> to vector<1x16xf32>
        tpu.vector_store %arg18[%swap3A_212, %swap3A_213], %swap3A_216 {strides = array<i32>} : memref<64x64xf32, #tpu.memory_space<vmem>>, vector<1x16xf32>,
        %get3A_217 = arith.index_cast %add3A_202 : i32 to index
        %get3A_218 = arith.constant 16 : index
        %get3A_219 = tpu.vector_load %arg16[%get3A_217, %get3A_218] {strides = array<i32>} : memref<64x64xf32, #tpu.memory_space<vmem>>, vector<1x16xf32>,
        %get3A_220 = vector.shape_cast %get3A_219 : vector<1x16xf32> to vector<16xf32>
        %get3A_221 = arith.index_cast %add3A_202 : i32 to index
        %get3A_222 = arith.constant 16 : index
        %get3A_223 = tpu.vector_load %arg17[%get3A_221, %get3A_222] {strides = array<i32>} : memref<64x64xf32, #tpu.memory_space<vmem>>, vector<1x16xf32>,
        %get3A_224 = vector.shape_cast %get3A_223 : vector<1x16xf32> to vector<16xf32>
        %mul3A_225 = arith.mulf %get3A_220, %get3A_224 : vector<16xf32>
        %swap3A_226 = arith.index_cast %add3A_202 : i32 to index
        %swap3A_227 = arith.constant 16 : index
        %swap3A_228 = tpu.vector_load %arg18[%swap3A_226, %swap3A_227] {strides = array<i32>} : memref<64x64xf32, #tpu.memory_space<vmem>>, vector<1x16xf32>,
        %swap3A_229 = vector.shape_cast %swap3A_228 : vector<1x16xf32> to vector<16xf32>
        %swap3A_230 = vector.shape_cast %mul3A_225 : vector<16xf32> to vector<1x16xf32>
        tpu.vector_store %arg18[%swap3A_226, %swap3A_227], %swap3A_230 {strides = array<i32>} : memref<64x64xf32, #tpu.memory_space<vmem>>, vector<1x16xf32>,
        %get3A_231 = arith.index_cast %add3A_202 : i32 to index
        %get3A_232 = arith.constant 32 : index
        %get3A_233 = tpu.vector_load %arg16[%get3A_231, %get3A_232] {strides = array<i32>} : memref<64x64xf32, #tpu.memory_space<vmem>>, vector<1x16xf32>,
        %get3A_234 = vector.shape_cast %get3A_233 : vector<1x16xf32> to vector<16xf32>
        %get3A_235 = arith.index_cast %add3A_202 : i32 to index
        %get3A_236 = arith.constant 32 : index
        %get3A_237 = tpu.vector_load %arg17[%get3A_235, %get3A_236] {strides = array<i32>} : memref<64x64xf32, #tpu.memory_space<vmem>>, vector<1x16xf32>,
        %get3A_238 = vector.shape_cast %get3A_237 : vector<1x16xf32> to vector<16xf32>
        %mul3A_239 = arith.mulf %get3A_234, %get3A_238 : vector<16xf32>
        %swap3A_240 = arith.index_cast %add3A_202 : i32 to index
        %swap3A_241 = arith.constant 32 : index
        %swap3A_242 = tpu.vector_load %arg18[%swap3A_240, %swap3A_241] {strides = array<i32>} : memref<64x64xf32, #tpu.memory_space<vmem>>, vector<1x16xf32>,
        %swap3A_243 = vector.shape_cast %swap3A_242 : vector<1x16xf32> to vector<16xf32>
        %swap3A_244 = vector.shape_cast %mul3A_239 : vector<16xf32> to vector<1x16xf32>
        tpu.vector_store %arg18[%swap3A_240, %swap3A_241], %swap3A_244 {strides = array<i32>} : memref<64x64xf32, #tpu.memory_space<vmem>>, vector<1x16xf32>,
        %get3A_245 = arith.index_cast %add3A_202 : i32 to index
        %get3A_246 = arith.constant 48 : index
        %get3A_247 = tpu.vector_load %arg16[%get3A_245, %get3A_246] {strides = array<i32>} : memref<64x64xf32, #tpu.memory_space<vmem>>, vector<1x16xf32>,
        %get3A_248 = vector.shape_cast %get3A_247 : vector<1x16xf32> to vector<16xf32>
        %get3A_249 = arith.index_cast %add3A_202 : i32 to index
        %get3A_250 = arith.constant 48 : index
        %get3A_251 = tpu.vector_load %arg17[%get3A_249, %get3A_250] {strides = array<i32>} : memref<64x64xf32, #tpu.memory_space<vmem>>, vector<1x16xf32>,
        %get3A_252 = vector.shape_cast %get3A_251 : vector<1x16xf32> to vector<16xf32>
        %mul3A_253 = arith.mulf %get3A_248, %get3A_252 : vector<16xf32>
        %swap3A_254 = arith.index_cast %add3A_202 : i32 to index
        %swap3A_255 = arith.constant 48 : index
        %swap3A_256 = tpu.vector_load %arg18[%swap3A_254, %swap3A_255] {strides = array<i32>} : memref<64x64xf32, #tpu.memory_space<vmem>>, vector<1x16xf32>,
        %swap3A_257 = vector.shape_cast %swap3A_256 : vector<1x16xf32> to vector<16xf32>
        %swap3A_258 = vector.shape_cast %mul3A_253 : vector<16xf32> to vector<1x16xf32>
        tpu.vector_store %arg18[%swap3A_254, %swap3A_255], %swap3A_258 {strides = array<i32>} : memref<64x64xf32, #tpu.memory_space<vmem>>, vector<1x16xf32>,
      }
      %scan3A_134 = arith.constant 64 : i32
      %dma_start3A_135 = arith.constant 0 : i32
      %dma_start3A_136 = arith.constant 0 : i32
      %dma_start3A_137 = tpu.memref_slice %arg25[%dma_start3A_135, %dma_start3A_136] : memref<25104x64xf32, #tpu.memory_space<vmem_shared>> -> memref<25104x64xf32, #tpu.memory_space<vmem_shared>>
      tpu.enqueue_indirect_dma source(%arg18 : memref<64x64xf32, #tpu.memory_space<vmem>>) target(%dma_start3A_137 : memref<25104x64xf32, #tpu.memory_space<vmem_shared>>) offsets(%arg15 : memref<64xi32, #tpu.memory_space<vmem>>) semaphore(%arg24 : memref<!tpu.dma_semaphore, #tpu.memory_space<semaphore_mem>>) {add = true}
    }
    %scan3A_28 = arith.constant 391 : i32
    %dma_wait3A = arith.constant 0 : i32
    %dma_wait3A_29 = arith.constant 0 : i32
    %dma_wait3A_30 = tpu.memref_slice %arg25[%dma_wait3A, %dma_wait3A_29] : memref<25104x64xf32, #tpu.memory_space<vmem_shared>> -> memref<25104x64xf32, #tpu.memory_space<vmem_shared>>
    tpu.wait_indirect_dma semaphore(%arg21 : memref<!tpu.dma_semaphore, #tpu.memory_space<semaphore_mem>>) src(%arg12 : memref<64x64xf32, #tpu.memory_space<vmem>>) dst(%dma_wait3A_30 : memref<25104x64xf32, #tpu.memory_space<vmem_shared>>)
    %dma_wait3A_31 = arith.constant 0 : i32
    %dma_wait3A_32 = arith.constant 0 : i32
    %dma_wait3A_33 = tpu.memref_slice %arg25[%dma_wait3A_31, %dma_wait3A_32] : memref<25104x64xf32, #tpu.memory_space<vmem_shared>> -> memref<25104x64xf32, #tpu.memory_space<vmem_shared>>
    tpu.wait_indirect_dma semaphore(%arg24 : memref<!tpu.dma_semaphore, #tpu.memory_space<semaphore_mem>>) src(%arg18 : memref<64x64xf32, #tpu.memory_space<vmem>>) dst(%dma_wait3A_33 : memref<25104x64xf32, #tpu.memory_space<vmem_shared>>)
    %barrier3A_34 = arith.constant 0 : index
    tpu.barrier barrier_id(%barrier3A_34)
    %scan3A_35 = arith.constant 0 : i32
    %scan3A_36 = arith.constant 14 : i32
    %scan3A_37 = arith.addi %scan3A_35, %scan3A_36 : i32
    %scan3A_38 = arith.constant 1 : i32
    scf.for %scan3A_40 = %scan3A_35 to %scan3A_37 step %scan3A_38  : i32 {
      %mul3A_41 = arith.constant 1 : i32
      %mul3A_42 = arith.muli %scan3A_40, %mul3A_41 : i32
      %add3A_43 = arith.constant 0 : i32
      %add3A_44 = arith.addi %add3A_43, %mul3A_42 : i32
      %mul3A_45 = arith.constant 14 : i32
      %mul3A_46 = arith.muli %arg1, %mul3A_45 : i32
      %add3A_47 = arith.addi %mul3A_46, %add3A_44 : i32
      %mul3A_48 = arith.constant 112 : i32
      %mul3A_49 = arith.muli %add3A_47, %mul3A_48 : i32
      %multiple_of3A_50 = tpu.assume_multiple %mul3A_49, 16 : i32
      %add3A_51 = arith.addi %mul3A_0, %multiple_of3A_50 : i32
      "tpu.region"() ({
        %run_scoped3A = tpu.sem_alloc : memref<!tpu.dma_semaphore, #tpu.memory_space<semaphore_mem>>
        %dma_start3A_52 = arith.constant 0 : i32
        %dma_start3A_53 = tpu.memref_slice %arg6[%add3A_51, %dma_start3A_52] : memref<50176x64xf32, #tpu.memory_space<hbm>> -> memref<112x64xf32, #tpu.memory_space<hbm>>
        %dma_start3A_54 = arith.constant 0 : i32
        %dma_start3A_55 = tpu.memref_slice %arg25[%multiple_of3A_50, %dma_start3A_54] : memref<25104x64xf32, #tpu.memory_space<vmem_shared>> -> memref<112x64xf32, #tpu.memory_space<vmem_shared>>
        tpu.enqueue_dma source(%dma_start3A_55 : memref<112x64xf32, #tpu.memory_space<vmem_shared>>) target(%dma_start3A_53 : memref<112x64xf32, #tpu.memory_space<hbm>>) target_semaphore(%run_scoped3A : memref<!tpu.dma_semaphore, #tpu.memory_space<semaphore_mem>>)
        %dma_wait3A_56 = arith.constant 0 : i32
        %dma_wait3A_57 = tpu.memref_slice %arg6[%add3A_51, %dma_wait3A_56] : memref<50176x64xf32, #tpu.memory_space<hbm>> -> memref<112x64xf32, #tpu.memory_space<hbm>>
        %dma_wait3A_58 = arith.constant 0 : i32
        %dma_wait3A_59 = tpu.memref_slice %arg25[%multiple_of3A_50, %dma_wait3A_58] : memref<25104x64xf32, #tpu.memory_space<vmem_shared>> -> memref<112x64xf32, #tpu.memory_space<vmem_shared>>
        tpu.wait_dma2 semaphore(%run_scoped3A : memref<!tpu.dma_semaphore, #tpu.memory_space<semaphore_mem>>) src(%dma_wait3A_59 : memref<112x64xf32, #tpu.memory_space<vmem_shared>>) dst(%dma_wait3A_57 : memref<112x64xf32, #tpu.memory_space<hbm>>)
        tpu.yield
      }) : () -> ()
    }
    %scan3A_39 = arith.constant 14 : i32
    return
  }
}

#map = affine_map<(d0, d1) -> (0, 0)>
#map1 = affine_map<(d0, d1) -> (0)>
module attributes {stable_mosaic.version = 14 : i64} {
  func.func @_conv_body(%arg0: i32, %arg1: i32, %arg2: memref<50176x64xf32, #tpu.memory_space<hbm>>, %arg3: memref<800768x64xf32, #tpu.memory_space<hbm>>, %arg4: memref<800768xi32, #tpu.memory_space<hbm>>, %arg5: memref<800768xi32, #tpu.memory_space<hbm>>, %arg6: memref<50176x64xf32, #tpu.memory_space<hbm>>, %arg7: memref<64xi32, #tpu.memory_space<vmem>>, %arg8: memref<64xi32, #tpu.memory_space<vmem>>, %arg9: memref<64xi32, #tpu.memory_space<vmem>>, %arg10: memref<64x64xf32, #tpu.memory_space<vmem>>, %arg11: memref<64x64xf32, #tpu.memory_space<vmem>>, %arg12: memref<64x64xf32, #tpu.memory_space<vmem>>, %arg13: memref<64xi32, #tpu.memory_space<vmem>>, %arg14: memref<64xi32, #tpu.memory_space<vmem>>, %arg15: memref<64xi32, #tpu.memory_space<vmem>>, %arg16: memref<64x64xf32, #tpu.memory_space<vmem>>, %arg17: memref<64x64xf32, #tpu.memory_space<vmem>>, %arg18: memref<64x64xf32, #tpu.memory_space<vmem>>, %arg19: memref<!tpu.dma_semaphore, #tpu.memory_space<semaphore_mem>>, %arg20: memref<!tpu.dma_semaphore, #tpu.memory_space<semaphore_mem>>, %arg21: memref<!tpu.dma_semaphore, #tpu.memory_space<semaphore_mem>>, %arg22: memref<!tpu.dma_semaphore, #tpu.memory_space<semaphore_mem>>, %arg23: memref<!tpu.dma_semaphore, #tpu.memory_space<semaphore_mem>>, %arg24: memref<!tpu.dma_semaphore, #tpu.memory_space<semaphore_mem>>, %arg25: memref<25104x64xf32, #tpu.memory_space<vmem_shared>>) attributes {dimension_semantics = [#tpu.dimension_semantics<core_parallel>, #tpu.dimension_semantics<subcore_parallel>], iteration_bounds = array<i64: 2, 16>, scalar_prefetch = 0 : i64, scratch_operands = 19 : i64, tpu.core_type = #tpu.core_type<sc_vector_subcore>, window_params = [{transform_indices = #map}, {transform_indices = #map}, {transform_indices = #map1}, {transform_indices = #map1}, {transform_indices = #map}]} {
    %mul3A = arith.constant 25088 : i32
    %mul3A_0 = arith.muli %arg0, %mul3A : i32
    %scan3A = arith.constant 0 : i32
    %scan3A_1 = arith.constant 64 : i32
    %scan3A_2 = arith.addi %scan3A, %scan3A_1 : i32
    %scan3A_3 = arith.constant 1 : i32
    scf.for %scan3A_40 = %scan3A to %scan3A_2 step %scan3A_3  : i32 {
      %mul3A_41 = arith.constant 1 : i32
      %mul3A_42 = arith.muli %scan3A_40, %mul3A_41 : i32
      %add3A_43 = arith.constant 0 : i32
      %add3A_44 = arith.addi %add3A_43, %mul3A_42 : i32
      %broadcast_in_dim3A = arith.constant 0.000000e+00 : f32
      %broadcast_in_dim3A_45 = vector.broadcast %broadcast_in_dim3A : f32 to vector<16xf32>
      %swap3A = arith.index_cast %add3A_44 : i32 to index
      %swap3A_46 = arith.constant 0 : index
      %swap3A_47 = tpu.vector_load %arg12[%swap3A, %swap3A_46] {strides = array<i32>} : memref<64x64xf32, #tpu.memory_space<vmem>>, vector<1x16xf32>,
      %swap3A_48 = vector.shape_cast %swap3A_47 : vector<1x16xf32> to vector<16xf32>
      %swap3A_49 = vector.shape_cast %broadcast_in_dim3A_45 : vector<16xf32> to vector<1x16xf32>
      tpu.vector_store %arg12[%swap3A, %swap3A_46], %swap3A_49 {strides = array<i32>} : memref<64x64xf32, #tpu.memory_space<vmem>>, vector<1x16xf32>,
      %broadcast_in_dim3A_50 = arith.constant 0.000000e+00 : f32
      %broadcast_in_dim3A_51 = vector.broadcast %broadcast_in_dim3A_50 : f32 to vector<16xf32>
      %swap3A_52 = arith.index_cast %add3A_44 : i32 to index
      %swap3A_53 = arith.constant 16 : index
      %swap3A_54 = tpu.vector_load %arg12[%swap3A_52, %swap3A_53] {strides = array<i32>} : memref<64x64xf32, #tpu.memory_space<vmem>>, vector<1x16xf32>,
      %swap3A_55 = vector.shape_cast %swap3A_54 : vector<1x16xf32> to vector<16xf32>
      %swap3A_56 = vector.shape_cast %broadcast_in_dim3A_51 : vector<16xf32> to vector<1x16xf32>
      tpu.vector_store %arg12[%swap3A_52, %swap3A_53], %swap3A_56 {strides = array<i32>} : memref<64x64xf32, #tpu.memory_space<vmem>>, vector<1x16xf32>,
      %broadcast_in_dim3A_57 = arith.constant 0.000000e+00 : f32
      %broadcast_in_dim3A_58 = vector.broadcast %broadcast_in_dim3A_57 : f32 to vector<16xf32>
      %swap3A_59 = arith.index_cast %add3A_44 : i32 to index
      %swap3A_60 = arith.constant 32 : index
      %swap3A_61 = tpu.vector_load %arg12[%swap3A_59, %swap3A_60] {strides = array<i32>} : memref<64x64xf32, #tpu.memory_space<vmem>>, vector<1x16xf32>,
      %swap3A_62 = vector.shape_cast %swap3A_61 : vector<1x16xf32> to vector<16xf32>
      %swap3A_63 = vector.shape_cast %broadcast_in_dim3A_58 : vector<16xf32> to vector<1x16xf32>
      tpu.vector_store %arg12[%swap3A_59, %swap3A_60], %swap3A_63 {strides = array<i32>} : memref<64x64xf32, #tpu.memory_space<vmem>>, vector<1x16xf32>,
      %broadcast_in_dim3A_64 = arith.constant 0.000000e+00 : f32
      %broadcast_in_dim3A_65 = vector.broadcast %broadcast_in_dim3A_64 : f32 to vector<16xf32>
      %swap3A_66 = arith.index_cast %add3A_44 : i32 to index
      %swap3A_67 = arith.constant 48 : index
      %swap3A_68 = tpu.vector_load %arg12[%swap3A_66, %swap3A_67] {strides = array<i32>} : memref<64x64xf32, #tpu.memory_space<vmem>>, vector<1x16xf32>,
      %swap3A_69 = vector.shape_cast %swap3A_68 : vector<1x16xf32> to vector<16xf32>
      %swap3A_70 = vector.shape_cast %broadcast_in_dim3A_65 : vector<16xf32> to vector<1x16xf32>
      tpu.vector_store %arg12[%swap3A_66, %swap3A_67], %swap3A_70 {strides = array<i32>} : memref<64x64xf32, #tpu.memory_space<vmem>>, vector<1x16xf32>,
    }
    %scan3A_4 = arith.constant 64 : i32
    %scan3A_5 = arith.constant 0 : i32
    %scan3A_6 = arith.constant 24 : i32
    %scan3A_7 = arith.addi %scan3A_5, %scan3A_6 : i32
    %scan3A_8 = arith.constant 1 : i32
    scf.for %scan3A_40 = %scan3A_5 to %scan3A_7 step %scan3A_8  : i32 {
      %mul3A_41 = arith.constant 1 : i32
      %mul3A_42 = arith.muli %scan3A_40, %mul3A_41 : i32
      %add3A_43 = arith.constant 0 : i32
      %add3A_44 = arith.addi %add3A_43, %mul3A_42 : i32
      %mul3A_45 = arith.constant 1569 : i32
      %mul3A_46 = arith.muli %arg1, %mul3A_45 : i32
      %mul3A_47 = arith.constant 64 : i32
      %mul3A_48 = arith.muli %add3A_44, %mul3A_47 : i32
      %add3A_49 = arith.addi %mul3A_46, %mul3A_48 : i32
      "tpu.region"() ({
        %run_scoped3A = tpu.sem_alloc : memref<!tpu.dma_semaphore, #tpu.memory_space<semaphore_mem>>
        %dma_start3A_50 = arith.constant 0 : i32
        %dma_start3A_51 = tpu.memref_slice %arg25[%add3A_49, %dma_start3A_50] : memref<25104x64xf32, #tpu.memory_space<vmem_shared>> -> memref<64x64xf32, #tpu.memory_space<vmem_shared>>
        %dma_start3A_52 = arith.constant 0 : i32
        %dma_start3A_53 = tpu.memref_slice %arg25[%add3A_49, %dma_start3A_52] : memref<25104x64xf32, #tpu.memory_space<vmem_shared>> -> memref<64x64xf32, #tpu.memory_space<vmem_shared>>
        tpu.enqueue_dma source(%arg12 : memref<64x64xf32, #tpu.memory_space<vmem>>) target(%dma_start3A_53 : memref<64x64xf32, #tpu.memory_space<vmem_shared>>) target_semaphore(%run_scoped3A : memref<!tpu.dma_semaphore, #tpu.memory_space<semaphore_mem>>)
        %dma_wait3A_54 = arith.constant 0 : i32
        %dma_wait3A_55 = tpu.memref_slice %arg25[%add3A_49, %dma_wait3A_54] : memref<25104x64xf32, #tpu.memory_space<vmem_shared>> -> memref<64x64xf32, #tpu.memory_space<vmem_shared>>
        %dma_wait3A_56 = arith.constant 0 : i32
        %dma_wait3A_57 = tpu.memref_slice %arg25[%add3A_49, %dma_wait3A_56] : memref<25104x64xf32, #tpu.memory_space<vmem_shared>> -> memref<64x64xf32, #tpu.memory_space<vmem_shared>>
        tpu.wait_dma2 semaphore(%run_scoped3A : memref<!tpu.dma_semaphore, #tpu.memory_space<semaphore_mem>>) src(%arg12 : memref<64x64xf32, #tpu.memory_space<vmem>>) dst(%dma_wait3A_57 : memref<64x64xf32, #tpu.memory_space<vmem_shared>>)
        tpu.yield
      }) : () -> ()
    }
    %scan3A_9 = arith.constant 24 : i32
    %mul3A_10 = arith.constant 1569 : i32
    %mul3A_11 = arith.muli %arg1, %mul3A_10 : i32
    %add3A = arith.constant 1536 : i32
    %add3A_12 = arith.addi %mul3A_11, %add3A : i32
    "tpu.region"() ({
      %run_scoped3A = tpu.sem_alloc : memref<!tpu.dma_semaphore, #tpu.memory_space<semaphore_mem>>
      %dma_start3A_40 = arith.constant 0 : i32
      %dma_start3A_41 = arith.constant 0 : i32
      %dma_start3A_42 = tpu.memref_slice %arg12[%dma_start3A_40, %dma_start3A_41] : memref<64x64xf32, #tpu.memory_space<vmem>> -> memref<33x64xf32, #tpu.memory_space<vmem>>
      %dma_start3A_43 = arith.constant 0 : i32
      %dma_start3A_44 = tpu.memref_slice %arg25[%add3A_12, %dma_start3A_43] : memref<25104x64xf32, #tpu.memory_space<vmem_shared>> -> memref<33x64xf32, #tpu.memory_space<vmem_shared>>
      %dma_start3A_45 = arith.constant 0 : i32
      %dma_start3A_46 = tpu.memref_slice %arg25[%add3A_12, %dma_start3A_45] : memref<25104x64xf32, #tpu.memory_space<vmem_shared>> -> memref<33x64xf32, #tpu.memory_space<vmem_shared>>
      %dma_start3A_47 = arith.constant 0 : i32
      %dma_start3A_48 = arith.constant 0 : i32
      %dma_start3A_49 = tpu.memref_slice %arg12[%dma_start3A_47, %dma_start3A_48] : memref<64x64xf32, #tpu.memory_space<vmem>> -> memref<33x64xf32, #tpu.memory_space<vmem>>
      tpu.enqueue_dma source(%dma_start3A_49 : memref<33x64xf32, #tpu.memory_space<vmem>>) target(%dma_start3A_46 : memref<33x64xf32, #tpu.memory_space<vmem_shared>>) target_semaphore(%run_scoped3A : memref<!tpu.dma_semaphore, #tpu.memory_space<semaphore_mem>>)
      %dma_wait3A_50 = arith.constant 0 : i32
      %dma_wait3A_51 = arith.constant 0 : i32
      %dma_wait3A_52 = tpu.memref_slice %arg12[%dma_wait3A_50, %dma_wait3A_51] : memref<64x64xf32, #tpu.memory_space<vmem>> -> memref<33x64xf32, #tpu.memory_space<vmem>>
      %dma_wait3A_53 = arith.constant 0 : i32
      %dma_wait3A_54 = tpu.memref_slice %arg25[%add3A_12, %dma_wait3A_53] : memref<25104x64xf32, #tpu.memory_space<vmem_shared>> -> memref<33x64xf32, #tpu.memory_space<vmem_shared>>
      %dma_wait3A_55 = arith.constant 0 : i32
      %dma_wait3A_56 = tpu.memref_slice %arg25[%add3A_12, %dma_wait3A_55] : memref<25104x64xf32, #tpu.memory_space<vmem_shared>> -> memref<33x64xf32, #tpu.memory_space<vmem_shared>>
      %dma_wait3A_57 = arith.constant 0 : i32
      %dma_wait3A_58 = arith.constant 0 : i32
      %dma_wait3A_59 = tpu.memref_slice %arg12[%dma_wait3A_57, %dma_wait3A_58] : memref<64x64xf32, #tpu.memory_space<vmem>> -> memref<33x64xf32, #tpu.memory_space<vmem>>
      tpu.wait_dma2 semaphore(%run_scoped3A : memref<!tpu.dma_semaphore, #tpu.memory_space<semaphore_mem>>) src(%dma_wait3A_59 : memref<33x64xf32, #tpu.memory_space<vmem>>) dst(%dma_wait3A_56 : memref<33x64xf32, #tpu.memory_space<vmem_shared>>)
      tpu.yield
    }) : () -> ()
    %barrier3A = arith.constant 0 : index
    tpu.barrier barrier_id(%barrier3A)
    %mul3A_13 = arith.constant 50048 : i32
    %mul3A_14 = arith.muli %arg1, %mul3A_13 : i32
    %add3A_15 = arith.constant 0 : i32
    %add3A_16 = arith.addi %mul3A_14, %add3A_15 : i32
    %multiple_of3A = tpu.assume_multiple %add3A_16, 64 : i32
    %dma_start3A = tpu.memref_slice %arg4[%multiple_of3A] : memref<800768xi32, #tpu.memory_space<hbm>> -> memref<64xi32, #tpu.memory_space<hbm>>
    %dma_start3A_17 = tpu.memref_slice %arg4[%multiple_of3A] : memref<800768xi32, #tpu.memory_space<hbm>> -> memref<64xi32, #tpu.memory_space<hbm>>
    tpu.enqueue_dma source(%dma_start3A_17 : memref<64xi32, #tpu.memory_space<hbm>>) target(%arg7 : memref<64xi32, #tpu.memory_space<vmem>>) target_semaphore(%arg19 : memref<!tpu.dma_semaphore, #tpu.memory_space<semaphore_mem>>)
    %dma_start3A_18 = tpu.memref_slice %arg5[%multiple_of3A] : memref<800768xi32, #tpu.memory_space<hbm>> -> memref<64xi32, #tpu.memory_space<hbm>>
    %dma_start3A_19 = tpu.memref_slice %arg5[%multiple_of3A] : memref<800768xi32, #tpu.memory_space<hbm>> -> memref<64xi32, #tpu.memory_space<hbm>>
    tpu.enqueue_dma source(%dma_start3A_19 : memref<64xi32, #tpu.memory_space<hbm>>) target(%arg8 : memref<64xi32, #tpu.memory_space<vmem>>) target_semaphore(%arg19 : memref<!tpu.dma_semaphore, #tpu.memory_space<semaphore_mem>>)
    %dma_start3A_20 = arith.constant 0 : i32
    %dma_start3A_21 = tpu.memref_slice %arg3[%multiple_of3A, %dma_start3A_20] : memref<800768x64xf32, #tpu.memory_space<hbm>> -> memref<64x64xf32, #tpu.memory_space<hbm>>
    %dma_start3A_22 = arith.constant 0 : i32
    %dma_start3A_23 = tpu.memref_slice %arg3[%multiple_of3A, %dma_start3A_22] : memref<800768x64xf32, #tpu.memory_space<hbm>> -> memref<64x64xf32, #tpu.memory_space<hbm>>
    tpu.enqueue_dma source(%dma_start3A_23 : memref<64x64xf32, #tpu.memory_space<hbm>>) target(%arg11 : memref<64x64xf32, #tpu.memory_space<vmem>>) target_semaphore(%arg19 : memref<!tpu.dma_semaphore, #tpu.memory_space<semaphore_mem>>)
    %scan3A_24 = arith.constant 0 : i32
    %scan3A_25 = arith.constant 391 : i32
    %scan3A_26 = arith.addi %scan3A_24, %scan3A_25 : i32
    %scan3A_27 = arith.constant 1 : i32
    scf.for %scan3A_40 = %scan3A_24 to %scan3A_26 step %scan3A_27  : i32 {
      %mul3A_41 = arith.constant 1 : i32
      %mul3A_42 = arith.muli %scan3A_40, %mul3A_41 : i32
      %add3A_43 = arith.constant 0 : i32
      %add3A_44 = arith.addi %add3A_43, %mul3A_42 : i32
      %mul3A_45 = arith.constant 2 : i32
      %mul3A_46 = arith.muli %mul3A_45, %add3A_44 : i32
      %ge3A = arith.constant 1 : i32
      %ge3A_47 = arith.cmpi sge, %add3A_44, %ge3A : i32
      %mul3A_48 = arith.constant 64 : i32
      %mul3A_49 = arith.muli %mul3A_46, %mul3A_48 : i32
      %add3A_50 = arith.addi %mul3A_14, %mul3A_49 : i32
      %multiple_of3A_51 = tpu.assume_multiple %add3A_50, 64 : i32
      %dma_wait3A_52 = tpu.memref_slice %arg4[%multiple_of3A_51] : memref<800768xi32, #tpu.memory_space<hbm>> -> memref<64xi32, #tpu.memory_space<hbm>>
      %dma_wait3A_53 = tpu.memref_slice %arg4[%multiple_of3A_51] : memref<800768xi32, #tpu.memory_space<hbm>> -> memref<64xi32, #tpu.memory_space<hbm>>
      tpu.wait_dma2 semaphore(%arg19 : memref<!tpu.dma_semaphore, #tpu.memory_space<semaphore_mem>>) src(%dma_wait3A_53 : memref<64xi32, #tpu.memory_space<hbm>>) dst(%arg7 : memref<64xi32, #tpu.memory_space<vmem>>)
      %dma_wait3A_54 = tpu.memref_slice %arg5[%multiple_of3A_51] : memref<800768xi32, #tpu.memory_space<hbm>> -> memref<64xi32, #tpu.memory_space<hbm>>
      %dma_wait3A_55 = tpu.memref_slice %arg5[%multiple_of3A_51] : memref<800768xi32, #tpu.memory_space<hbm>> -> memref<64xi32, #tpu.memory_space<hbm>>
      tpu.wait_dma2 semaphore(%arg19 : memref<!tpu.dma_semaphore, #tpu.memory_space<semaphore_mem>>) src(%dma_wait3A_55 : memref<64xi32, #tpu.memory_space<hbm>>) dst(%arg8 : memref<64xi32, #tpu.memory_space<vmem>>)
      %dma_wait3A_56 = arith.constant 0 : i32
      %dma_wait3A_57 = tpu.memref_slice %arg3[%multiple_of3A_51, %dma_wait3A_56] : memref<800768x64xf32, #tpu.memory_space<hbm>> -> memref<64x64xf32, #tpu.memory_space<hbm>>
      %dma_wait3A_58 = arith.constant 0 : i32
      %dma_wait3A_59 = tpu.memref_slice %arg3[%multiple_of3A_51, %dma_wait3A_58] : memref<800768x64xf32, #tpu.memory_space<hbm>> -> memref<64x64xf32, #tpu.memory_space<hbm>>
      tpu.wait_dma2 semaphore(%arg19 : memref<!tpu.dma_semaphore, #tpu.memory_space<semaphore_mem>>) src(%dma_wait3A_59 : memref<64x64xf32, #tpu.memory_space<hbm>>) dst(%arg11 : memref<64x64xf32, #tpu.memory_space<vmem>>)
      %dma_start3A_60 = arith.constant 0 : i32
      %dma_start3A_61 = arith.constant 0 : i32
      %dma_start3A_62 = tpu.memref_slice %arg2[%dma_start3A_60, %dma_start3A_61] : memref<50176x64xf32, #tpu.memory_space<hbm>> -> memref<50176x64xf32, #tpu.memory_space<hbm>>
      tpu.enqueue_indirect_dma source(%dma_start3A_62 : memref<50176x64xf32, #tpu.memory_space<hbm>>) target(%arg10 : memref<64x64xf32, #tpu.memory_space<vmem>>) offsets(%arg7 : memref<64xi32, #tpu.memory_space<vmem>>) semaphore(%arg20 : memref<!tpu.dma_semaphore, #tpu.memory_space<semaphore_mem>>)
      %add3A_63 = arith.constant 1 : i32
      %add3A_64 = arith.addi %mul3A_46, %add3A_63 : i32
      %mul3A_65 = arith.constant 64 : i32
      %mul3A_66 = arith.muli %add3A_64, %mul3A_65 : i32
      %add3A_67 = arith.addi %mul3A_14, %mul3A_66 : i32
      %multiple_of3A_68 = tpu.assume_multiple %add3A_67, 64 : i32
      %dma_start3A_69 = tpu.memref_slice %arg4[%multiple_of3A_68] : memref<800768xi32, #tpu.memory_space<hbm>> -> memref<64xi32, #tpu.memory_space<hbm>>
      %dma_start3A_70 = tpu.memref_slice %arg4[%multiple_of3A_68] : memref<800768xi32, #tpu.memory_space<hbm>> -> memref<64xi32, #tpu.memory_space<hbm>>
      tpu.enqueue_dma source(%dma_start3A_70 : memref<64xi32, #tpu.memory_space<hbm>>) target(%arg13 : memref<64xi32, #tpu.memory_space<vmem>>) target_semaphore(%arg22 : memref<!tpu.dma_semaphore, #tpu.memory_space<semaphore_mem>>)
      %dma_start3A_71 = tpu.memref_slice %arg5[%multiple_of3A_68] : memref<800768xi32, #tpu.memory_space<hbm>> -> memref<64xi32, #tpu.memory_space<hbm>>
      %dma_start3A_72 = tpu.memref_slice %arg5[%multiple_of3A_68] : memref<800768xi32, #tpu.memory_space<hbm>> -> memref<64xi32, #tpu.memory_space<hbm>>
      tpu.enqueue_dma source(%dma_start3A_72 : memref<64xi32, #tpu.memory_space<hbm>>) target(%arg14 : memref<64xi32, #tpu.memory_space<vmem>>) target_semaphore(%arg22 : memref<!tpu.dma_semaphore, #tpu.memory_space<semaphore_mem>>)
      %dma_start3A_73 = arith.constant 0 : i32
      %dma_start3A_74 = tpu.memref_slice %arg3[%multiple_of3A_68, %dma_start3A_73] : memref<800768x64xf32, #tpu.memory_space<hbm>> -> memref<64x64xf32, #tpu.memory_space<hbm>>
      %dma_start3A_75 = arith.constant 0 : i32
      %dma_start3A_76 = tpu.memref_slice %arg3[%multiple_of3A_68, %dma_start3A_75] : memref<800768x64xf32, #tpu.memory_space<hbm>> -> memref<64x64xf32, #tpu.memory_space<hbm>>
      tpu.enqueue_dma source(%dma_start3A_76 : memref<64x64xf32, #tpu.memory_space<hbm>>) target(%arg17 : memref<64x64xf32, #tpu.memory_space<vmem>>) target_semaphore(%arg22 : memref<!tpu.dma_semaphore, #tpu.memory_space<semaphore_mem>>)
      %convert_element_type3A = arith.extui %ge3A_47 : i1 to i32
      %cond3A = arith.constant 0 : i32
      %cond3A_77 = arith.cmpi ne, %convert_element_type3A, %cond3A : i32
      scf.if %cond3A_77 {
        %dma_wait3A_138 = arith.constant 0 : i32
        %dma_wait3A_139 = arith.constant 0 : i32
        %dma_wait3A_140 = tpu.memref_slice %arg25[%dma_wait3A_138, %dma_wait3A_139] : memref<25104x64xf32, #tpu.memory_space<vmem_shared>> -> memref<25104x64xf32, #tpu.memory_space<vmem_shared>>
        tpu.wait_indirect_dma semaphore(%arg21 : memref<!tpu.dma_semaphore, #tpu.memory_space<semaphore_mem>>) src(%arg12 : memref<64x64xf32, #tpu.memory_space<vmem>>) dst(%dma_wait3A_140 : memref<25104x64xf32, #tpu.memory_space<vmem_shared>>)
      } else {
      }
      %scan3A_78 = arith.constant 0 : i32
      %scan3A_79 = arith.constant 4 : i32
      %scan3A_80 = arith.addi %scan3A_78, %scan3A_79 : i32
      %scan3A_81 = arith.constant 1 : i32
      scf.for %scan3A_138 = %scan3A_78 to %scan3A_80 step %scan3A_81  : i32 {
        %mul3A_139 = arith.constant 1 : i32
        %mul3A_140 = arith.muli %scan3A_138, %mul3A_139 : i32
        %add3A_141 = arith.constant 0 : i32
        %add3A_142 = arith.addi %add3A_141, %mul3A_140 : i32
        %mul3A_143 = arith.constant 16 : i32
        %mul3A_144 = arith.muli %add3A_142, %mul3A_143 : i32
        %multiple_of3A_145 = tpu.assume_multiple %mul3A_144, 16 : i32
        %get3A = arith.index_cast %multiple_of3A_145 : i32 to index
        %get3A_146 = tpu.vector_load %arg8[%get3A] {strides = array<i32>} : memref<64xi32, #tpu.memory_space<vmem>>, vector<16xi32>,
        %get3A_147 = vector.shape_cast %get3A_146 : vector<16xi32> to vector<16xi32>
        %sub3A = vector.broadcast %mul3A_0 : i32 to vector<16xi32>
        %sub3A_148 = arith.subi %get3A_147, %sub3A : vector<16xi32>
        %ge3A_149 = arith.constant 0 : i32
        %ge3A_150 = vector.broadcast %ge3A_149 : i32 to vector<16xi32>
        %ge3A_151 = arith.cmpi sge, %sub3A_148, %ge3A_150 : vector<16xi32>
        %lt3A_152 = arith.constant 25088 : i32
        %lt3A_153 = vector.broadcast %lt3A_152 : i32 to vector<16xi32>
        %lt3A_154 = arith.cmpi slt, %sub3A_148, %lt3A_153 : vector<16xi32>
        %and3A = arith.andi %ge3A_151, %lt3A_154 : vector<16xi1>
        %jit3A = arith.constant 25088 : i32
        %broadcast_in_dim3A = vector.broadcast %jit3A : i32 to vector<16xi32>
        %select_n3A = arith.select %and3A, %sub3A_148, %broadcast_in_dim3A : vector<16xi1>, vector<16xi32>
        %swap3A = arith.index_cast %multiple_of3A_145 : i32 to index
        %swap3A_155 = tpu.vector_load %arg9[%swap3A] {strides = array<i32>} : memref<64xi32, #tpu.memory_space<vmem>>, vector<16xi32>,
        %swap3A_156 = vector.shape_cast %swap3A_155 : vector<16xi32> to vector<16xi32>
        %swap3A_157 = vector.shape_cast %select_n3A : vector<16xi32> to vector<16xi32>
        tpu.vector_store %arg9[%swap3A], %swap3A_157 {strides = array<i32>} : memref<64xi32, #tpu.memory_space<vmem>>, vector<16xi32>,
      }
      %scan3A_82 = arith.constant 4 : i32
      %dma_wait3A_83 = arith.constant 0 : i32
      %dma_wait3A_84 = arith.constant 0 : i32
      %dma_wait3A_85 = tpu.memref_slice %arg2[%dma_wait3A_83, %dma_wait3A_84] : memref<50176x64xf32, #tpu.memory_space<hbm>> -> memref<50176x64xf32, #tpu.memory_space<hbm>>
      tpu.wait_indirect_dma semaphore(%arg20 : memref<!tpu.dma_semaphore, #tpu.memory_space<semaphore_mem>>) src(%dma_wait3A_85 : memref<50176x64xf32, #tpu.memory_space<hbm>>) dst(%arg10 : memref<64x64xf32, #tpu.memory_space<vmem>>)
      %scan3A_86 = arith.constant 0 : i32
      %scan3A_87 = arith.constant 64 : i32
      %scan3A_88 = arith.addi %scan3A_86, %scan3A_87 : i32
      %scan3A_89 = arith.constant 2 : i32
      scf.for %scan3A_138 = %scan3A_86 to %scan3A_88 step %scan3A_89  : i32 {
        %mul3A_139 = arith.constant 1 : i32
        %mul3A_140 = arith.muli %scan3A_138, %mul3A_139 : i32
        %add3A_141 = arith.constant 0 : i32
        %add3A_142 = arith.addi %add3A_141, %mul3A_140 : i32
        %get3A = arith.index_cast %add3A_142 : i32 to index
        %get3A_143 = arith.constant 0 : index
        %get3A_144 = tpu.vector_load %arg10[%get3A, %get3A_143] {strides = array<i32>} : memref<64x64xf32, #tpu.memory_space<vmem>>, vector<1x16xf32>,
        %get3A_145 = vector.shape_cast %get3A_144 : vector<1x16xf32> to vector<16xf32>
        %get3A_146 = arith.index_cast %add3A_142 : i32 to index
        %get3A_147 = arith.constant 0 : index
        %get3A_148 = tpu.vector_load %arg11[%get3A_146, %get3A_147] {strides = array<i32>} : memref<64x64xf32, #tpu.memory_space<vmem>>, vector<1x16xf32>,
        %get3A_149 = vector.shape_cast %get3A_148 : vector<1x16xf32> to vector<16xf32>
        %mul3A_150 = arith.mulf %get3A_145, %get3A_149 : vector<16xf32>
        %swap3A = arith.index_cast %add3A_142 : i32 to index
        %swap3A_151 = arith.constant 0 : index
        %swap3A_152 = tpu.vector_load %arg12[%swap3A, %swap3A_151] {strides = array<i32>} : memref<64x64xf32, #tpu.memory_space<vmem>>, vector<1x16xf32>,
        %swap3A_153 = vector.shape_cast %swap3A_152 : vector<1x16xf32> to vector<16xf32>
        %swap3A_154 = vector.shape_cast %mul3A_150 : vector<16xf32> to vector<1x16xf32>
        tpu.vector_store %arg12[%swap3A, %swap3A_151], %swap3A_154 {strides = array<i32>} : memref<64x64xf32, #tpu.memory_space<vmem>>, vector<1x16xf32>,
        %get3A_155 = arith.index_cast %add3A_142 : i32 to index
        %get3A_156 = arith.constant 16 : index
        %get3A_157 = tpu.vector_load %arg10[%get3A_155, %get3A_156] {strides = array<i32>} : memref<64x64xf32, #tpu.memory_space<vmem>>, vector<1x16xf32>,
        %get3A_158 = vector.shape_cast %get3A_157 : vector<1x16xf32> to vector<16xf32>
        %get3A_159 = arith.index_cast %add3A_142 : i32 to index
        %get3A_160 = arith.constant 16 : index
        %get3A_161 = tpu.vector_load %arg11[%get3A_159, %get3A_160] {strides = array<i32>} : memref<64x64xf32, #tpu.memory_space<vmem>>, vector<1x16xf32>,
        %get3A_162 = vector.shape_cast %get3A_161 : vector<1x16xf32> to vector<16xf32>
        %mul3A_163 = arith.mulf %get3A_158, %get3A_162 : vector<16xf32>
        %swap3A_164 = arith.index_cast %add3A_142 : i32 to index
        %swap3A_165 = arith.constant 16 : index
        %swap3A_166 = tpu.vector_load %arg12[%swap3A_164, %swap3A_165] {strides = array<i32>} : memref<64x64xf32, #tpu.memory_space<vmem>>, vector<1x16xf32>,
        %swap3A_167 = vector.shape_cast %swap3A_166 : vector<1x16xf32> to vector<16xf32>
        %swap3A_168 = vector.shape_cast %mul3A_163 : vector<16xf32> to vector<1x16xf32>
        tpu.vector_store %arg12[%swap3A_164, %swap3A_165], %swap3A_168 {strides = array<i32>} : memref<64x64xf32, #tpu.memory_space<vmem>>, vector<1x16xf32>,
        %get3A_169 = arith.index_cast %add3A_142 : i32 to index
        %get3A_170 = arith.constant 32 : index
        %get3A_171 = tpu.vector_load %arg10[%get3A_169, %get3A_170] {strides = array<i32>} : memref<64x64xf32, #tpu.memory_space<vmem>>, vector<1x16xf32>,
        %get3A_172 = vector.shape_cast %get3A_171 : vector<1x16xf32> to vector<16xf32>
        %get3A_173 = arith.index_cast %add3A_142 : i32 to index
        %get3A_174 = arith.constant 32 : index
        %get3A_175 = tpu.vector_load %arg11[%get3A_173, %get3A_174] {strides = array<i32>} : memref<64x64xf32, #tpu.memory_space<vmem>>, vector<1x16xf32>,
        %get3A_176 = vector.shape_cast %get3A_175 : vector<1x16xf32> to vector<16xf32>
        %mul3A_177 = arith.mulf %get3A_172, %get3A_176 : vector<16xf32>
        %swap3A_178 = arith.index_cast %add3A_142 : i32 to index
        %swap3A_179 = arith.constant 32 : index
        %swap3A_180 = tpu.vector_load %arg12[%swap3A_178, %swap3A_179] {strides = array<i32>} : memref<64x64xf32, #tpu.memory_space<vmem>>, vector<1x16xf32>,
        %swap3A_181 = vector.shape_cast %swap3A_180 : vector<1x16xf32> to vector<16xf32>
        %swap3A_182 = vector.shape_cast %mul3A_177 : vector<16xf32> to vector<1x16xf32>
        tpu.vector_store %arg12[%swap3A_178, %swap3A_179], %swap3A_182 {strides = array<i32>} : memref<64x64xf32, #tpu.memory_space<vmem>>, vector<1x16xf32>,
        %get3A_183 = arith.index_cast %add3A_142 : i32 to index
        %get3A_184 = arith.constant 48 : index
        %get3A_185 = tpu.vector_load %arg10[%get3A_183, %get3A_184] {strides = array<i32>} : memref<64x64xf32, #tpu.memory_space<vmem>>, vector<1x16xf32>,
        %get3A_186 = vector.shape_cast %get3A_185 : vector<1x16xf32> to vector<16xf32>
        %get3A_187 = arith.index_cast %add3A_142 : i32 to index
        %get3A_188 = arith.constant 48 : index
        %get3A_189 = tpu.vector_load %arg11[%get3A_187, %get3A_188] {strides = array<i32>} : memref<64x64xf32, #tpu.memory_space<vmem>>, vector<1x16xf32>,
        %get3A_190 = vector.shape_cast %get3A_189 : vector<1x16xf32> to vector<16xf32>
        %mul3A_191 = arith.mulf %get3A_186, %get3A_190 : vector<16xf32>
        %swap3A_192 = arith.index_cast %add3A_142 : i32 to index
        %swap3A_193 = arith.constant 48 : index
        %swap3A_194 = tpu.vector_load %arg12[%swap3A_192, %swap3A_193] {strides = array<i32>} : memref<64x64xf32, #tpu.memory_space<vmem>>, vector<1x16xf32>,
        %swap3A_195 = vector.shape_cast %swap3A_194 : vector<1x16xf32> to vector<16xf32>
        %swap3A_196 = vector.shape_cast %mul3A_191 : vector<16xf32> to vector<1x16xf32>
        tpu.vector_store %arg12[%swap3A_192, %swap3A_193], %swap3A_196 {strides = array<i32>} : memref<64x64xf32, #tpu.memory_space<vmem>>, vector<1x16xf32>,
        %scan3A_197 = arith.constant 1 : i32
        %scan3A_198 = arith.addi %scan3A_138, %scan3A_197 : i32
        %mul3A_199 = arith.constant 1 : i32
        %mul3A_200 = arith.muli %scan3A_198, %mul3A_199 : i32
        %add3A_201 = arith.constant 0 : i32
        %add3A_202 = arith.addi %add3A_201, %mul3A_200 : i32
        %get3A_203 = arith.index_cast %add3A_202 : i32 to index
        %get3A_204 = arith.constant 0 : index
        %get3A_205 = tpu.vector_load %arg10[%get3A_203, %get3A_204] {strides = array<i32>} : memref<64x64xf32, #tpu.memory_space<vmem>>, vector<1x16xf32>,
        %get3A_206 = vector.shape_cast %get3A_205 : vector<1x16xf32> to vector<16xf32>
        %get3A_207 = arith.index_cast %add3A_202 : i32 to index
        %get3A_208 = arith.constant 0 : index
        %get3A_209 = tpu.vector_load %arg11[%get3A_207, %get3A_208] {strides = array<i32>} : memref<64x64xf32, #tpu.memory_space<vmem>>, vector<1x16xf32>,
        %get3A_210 = vector.shape_cast %get3A_209 : vector<1x16xf32> to vector<16xf32>
        %mul3A_211 = arith.mulf %get3A_206, %get3A_210 : vector<16xf32>
        %swap3A_212 = arith.index_cast %add3A_202 : i32 to index
        %swap3A_213 = arith.constant 0 : index
        %swap3A_214 = tpu.vector_load %arg12[%swap3A_212, %swap3A_213] {strides = array<i32>} : memref<64x64xf32, #tpu.memory_space<vmem>>, vector<1x16xf32>,
        %swap3A_215 = vector.shape_cast %swap3A_214 : vector<1x16xf32> to vector<16xf32>
        %swap3A_216 = vector.shape_cast %mul3A_211 : vector<16xf32> to vector<1x16xf32>
        tpu.vector_store %arg12[%swap3A_212, %swap3A_213], %swap3A_216 {strides = array<i32>} : memref<64x64xf32, #tpu.memory_space<vmem>>, vector<1x16xf32>,
        %get3A_217 = arith.index_cast %add3A_202 : i32 to index
        %get3A_218 = arith.constant 16 : index
        %get3A_219 = tpu.vector_load %arg10[%get3A_217, %get3A_218] {strides = array<i32>} : memref<64x64xf32, #tpu.memory_space<vmem>>, vector<1x16xf32>,
        %get3A_220 = vector.shape_cast %get3A_219 : vector<1x16xf32> to vector<16xf32>
        %get3A_221 = arith.index_cast %add3A_202 : i32 to index
        %get3A_222 = arith.constant 16 : index
        %get3A_223 = tpu.vector_load %arg11[%get3A_221, %get3A_222] {strides = array<i32>} : memref<64x64xf32, #tpu.memory_space<vmem>>, vector<1x16xf32>,
        %get3A_224 = vector.shape_cast %get3A_223 : vector<1x16xf32> to vector<16xf32>
        %mul3A_225 = arith.mulf %get3A_220, %get3A_224 : vector<16xf32>
        %swap3A_226 = arith.index_cast %add3A_202 : i32 to index
        %swap3A_227 = arith.constant 16 : index
        %swap3A_228 = tpu.vector_load %arg12[%swap3A_226, %swap3A_227] {strides = array<i32>} : memref<64x64xf32, #tpu.memory_space<vmem>>, vector<1x16xf32>,
        %swap3A_229 = vector.shape_cast %swap3A_228 : vector<1x16xf32> to vector<16xf32>
        %swap3A_230 = vector.shape_cast %mul3A_225 : vector<16xf32> to vector<1x16xf32>
        tpu.vector_store %arg12[%swap3A_226, %swap3A_227], %swap3A_230 {strides = array<i32>} : memref<64x64xf32, #tpu.memory_space<vmem>>, vector<1x16xf32>,
        %get3A_231 = arith.index_cast %add3A_202 : i32 to index
        %get3A_232 = arith.constant 32 : index
        %get3A_233 = tpu.vector_load %arg10[%get3A_231, %get3A_232] {strides = array<i32>} : memref<64x64xf32, #tpu.memory_space<vmem>>, vector<1x16xf32>,
        %get3A_234 = vector.shape_cast %get3A_233 : vector<1x16xf32> to vector<16xf32>
        %get3A_235 = arith.index_cast %add3A_202 : i32 to index
        %get3A_236 = arith.constant 32 : index
        %get3A_237 = tpu.vector_load %arg11[%get3A_235, %get3A_236] {strides = array<i32>} : memref<64x64xf32, #tpu.memory_space<vmem>>, vector<1x16xf32>,
        %get3A_238 = vector.shape_cast %get3A_237 : vector<1x16xf32> to vector<16xf32>
        %mul3A_239 = arith.mulf %get3A_234, %get3A_238 : vector<16xf32>
        %swap3A_240 = arith.index_cast %add3A_202 : i32 to index
        %swap3A_241 = arith.constant 32 : index
        %swap3A_242 = tpu.vector_load %arg12[%swap3A_240, %swap3A_241] {strides = array<i32>} : memref<64x64xf32, #tpu.memory_space<vmem>>, vector<1x16xf32>,
        %swap3A_243 = vector.shape_cast %swap3A_242 : vector<1x16xf32> to vector<16xf32>
        %swap3A_244 = vector.shape_cast %mul3A_239 : vector<16xf32> to vector<1x16xf32>
        tpu.vector_store %arg12[%swap3A_240, %swap3A_241], %swap3A_244 {strides = array<i32>} : memref<64x64xf32, #tpu.memory_space<vmem>>, vector<1x16xf32>,
        %get3A_245 = arith.index_cast %add3A_202 : i32 to index
        %get3A_246 = arith.constant 48 : index
        %get3A_247 = tpu.vector_load %arg10[%get3A_245, %get3A_246] {strides = array<i32>} : memref<64x64xf32, #tpu.memory_space<vmem>>, vector<1x16xf32>,
        %get3A_248 = vector.shape_cast %get3A_247 : vector<1x16xf32> to vector<16xf32>
        %get3A_249 = arith.index_cast %add3A_202 : i32 to index
        %get3A_250 = arith.constant 48 : index
        %get3A_251 = tpu.vector_load %arg11[%get3A_249, %get3A_250] {strides = array<i32>} : memref<64x64xf32, #tpu.memory_space<vmem>>, vector<1x16xf32>,
        %get3A_252 = vector.shape_cast %get3A_251 : vector<1x16xf32> to vector<16xf32>
        %mul3A_253 = arith.mulf %get3A_248, %get3A_252 : vector<16xf32>
        %swap3A_254 = arith.index_cast %add3A_202 : i32 to index
        %swap3A_255 = arith.constant 48 : index
        %swap3A_256 = tpu.vector_load %arg12[%swap3A_254, %swap3A_255] {strides = array<i32>} : memref<64x64xf32, #tpu.memory_space<vmem>>, vector<1x16xf32>,
        %swap3A_257 = vector.shape_cast %swap3A_256 : vector<1x16xf32> to vector<16xf32>
        %swap3A_258 = vector.shape_cast %mul3A_253 : vector<16xf32> to vector<1x16xf32>
        tpu.vector_store %arg12[%swap3A_254, %swap3A_255], %swap3A_258 {strides = array<i32>} : memref<64x64xf32, #tpu.memory_space<vmem>>, vector<1x16xf32>,
      }
      %scan3A_90 = arith.constant 64 : i32
      %dma_start3A_91 = arith.constant 0 : i32
      %dma_start3A_92 = arith.constant 0 : i32
      %dma_start3A_93 = tpu.memref_slice %arg25[%dma_start3A_91, %dma_start3A_92] : memref<25104x64xf32, #tpu.memory_space<vmem_shared>> -> memref<25104x64xf32, #tpu.memory_space<vmem_shared>>
      tpu.enqueue_indirect_dma source(%arg12 : memref<64x64xf32, #tpu.memory_space<vmem>>) target(%dma_start3A_93 : memref<25104x64xf32, #tpu.memory_space<vmem_shared>>) offsets(%arg9 : memref<64xi32, #tpu.memory_space<vmem>>) semaphore(%arg21 : memref<!tpu.dma_semaphore, #tpu.memory_space<semaphore_mem>>) {add = true}
      %mul3A_94 = arith.constant 2 : i32
      %mul3A_95 = arith.muli %mul3A_94, %add3A_44 : i32
      %add3A_96 = arith.constant 1 : i32
      %add3A_97 = arith.addi %mul3A_95, %add3A_96 : i32
      %ge3A_98 = arith.constant 1 : i32
      %ge3A_99 = arith.cmpi sge, %add3A_44, %ge3A_98 : i32
      %lt3A = arith.constant 390 : i32
      %lt3A_100 = arith.cmpi slt, %add3A_44, %lt3A : i32
      %mul3A_101 = arith.constant 64 : i32
      %mul3A_102 = arith.muli %add3A_97, %mul3A_101 : i32
      %add3A_103 = arith.addi %mul3A_14, %mul3A_102 : i32
      %multiple_of3A_104 = tpu.assume_multiple %add3A_103, 64 : i32
      %dma_wait3A_105 = tpu.memref_slice %arg4[%multiple_of3A_104] : memref<800768xi32, #tpu.memory_space<hbm>> -> memref<64xi32, #tpu.memory_space<hbm>>
      %dma_wait3A_106 = tpu.memref_slice %arg4[%multiple_of3A_104] : memref<800768xi32, #tpu.memory_space<hbm>> -> memref<64xi32, #tpu.memory_space<hbm>>
      tpu.wait_dma2 semaphore(%arg22 : memref<!tpu.dma_semaphore, #tpu.memory_space<semaphore_mem>>) src(%dma_wait3A_106 : memref<64xi32, #tpu.memory_space<hbm>>) dst(%arg13 : memref<64xi32, #tpu.memory_space<vmem>>)
      %dma_wait3A_107 = tpu.memref_slice %arg5[%multiple_of3A_104] : memref<800768xi32, #tpu.memory_space<hbm>> -> memref<64xi32, #tpu.memory_space<hbm>>
      %dma_wait3A_108 = tpu.memref_slice %arg5[%multiple_of3A_104] : memref<800768xi32, #tpu.memory_space<hbm>> -> memref<64xi32, #tpu.memory_space<hbm>>
      tpu.wait_dma2 semaphore(%arg22 : memref<!tpu.dma_semaphore, #tpu.memory_space<semaphore_mem>>) src(%dma_wait3A_108 : memref<64xi32, #tpu.memory_space<hbm>>) dst(%arg14 : memref<64xi32, #tpu.memory_space<vmem>>)
      %dma_wait3A_109 = arith.constant 0 : i32
      %dma_wait3A_110 = tpu.memref_slice %arg3[%multiple_of3A_104, %dma_wait3A_109] : memref<800768x64xf32, #tpu.memory_space<hbm>> -> memref<64x64xf32, #tpu.memory_space<hbm>>
      %dma_wait3A_111 = arith.constant 0 : i32
      %dma_wait3A_112 = tpu.memref_slice %arg3[%multiple_of3A_104, %dma_wait3A_111] : memref<800768x64xf32, #tpu.memory_space<hbm>> -> memref<64x64xf32, #tpu.memory_space<hbm>>
      tpu.wait_dma2 semaphore(%arg22 : memref<!tpu.dma_semaphore, #tpu.memory_space<semaphore_mem>>) src(%dma_wait3A_112 : memref<64x64xf32, #tpu.memory_space<hbm>>) dst(%arg17 : memref<64x64xf32, #tpu.memory_space<vmem>>)
      %dma_start3A_113 = arith.constant 0 : i32
      %dma_start3A_114 = arith.constant 0 : i32
      %dma_start3A_115 = tpu.memref_slice %arg2[%dma_start3A_113, %dma_start3A_114] : memref<50176x64xf32, #tpu.memory_space<hbm>> -> memref<50176x64xf32, #tpu.memory_space<hbm>>
      tpu.enqueue_indirect_dma source(%dma_start3A_115 : memref<50176x64xf32, #tpu.memory_space<hbm>>) target(%arg16 : memref<64x64xf32, #tpu.memory_space<vmem>>) offsets(%arg13 : memref<64xi32, #tpu.memory_space<vmem>>) semaphore(%arg23 : memref<!tpu.dma_semaphore, #tpu.memory_space<semaphore_mem>>)
      %convert_element_type3A_116 = arith.extui %lt3A_100 : i1 to i32
      %cond3A_117 = arith.constant 0 : i32
      %cond3A_118 = arith.cmpi ne, %convert_element_type3A_116, %cond3A_117 : i32
      scf.if %cond3A_118 {
        %add3A_138 = arith.constant 1 : i32
        %add3A_139 = arith.addi %add3A_97, %add3A_138 : i32
        %mul3A_140 = arith.constant 64 : i32
        %mul3A_141 = arith.muli %add3A_139, %mul3A_140 : i32
        %add3A_142 = arith.addi %mul3A_14, %mul3A_141 : i32
        %multiple_of3A_143 = tpu.assume_multiple %add3A_142, 64 : i32
        %dma_start3A_144 = tpu.memref_slice %arg4[%multiple_of3A_143] : memref<800768xi32, #tpu.memory_space<hbm>> -> memref<64xi32, #tpu.memory_space<hbm>>
        %dma_start3A_145 = tpu.memref_slice %arg4[%multiple_of3A_143] : memref<800768xi32, #tpu.memory_space<hbm>> -> memref<64xi32, #tpu.memory_space<hbm>>
        tpu.enqueue_dma source(%dma_start3A_145 : memref<64xi32, #tpu.memory_space<hbm>>) target(%arg7 : memref<64xi32, #tpu.memory_space<vmem>>) target_semaphore(%arg19 : memref<!tpu.dma_semaphore, #tpu.memory_space<semaphore_mem>>)
        %dma_start3A_146 = tpu.memref_slice %arg5[%multiple_of3A_143] : memref<800768xi32, #tpu.memory_space<hbm>> -> memref<64xi32, #tpu.memory_space<hbm>>
        %dma_start3A_147 = tpu.memref_slice %arg5[%multiple_of3A_143] : memref<800768xi32, #tpu.memory_space<hbm>> -> memref<64xi32, #tpu.memory_space<hbm>>
        tpu.enqueue_dma source(%dma_start3A_147 : memref<64xi32, #tpu.memory_space<hbm>>) target(%arg8 : memref<64xi32, #tpu.memory_space<vmem>>) target_semaphore(%arg19 : memref<!tpu.dma_semaphore, #tpu.memory_space<semaphore_mem>>)
        %dma_start3A_148 = arith.constant 0 : i32
        %dma_start3A_149 = tpu.memref_slice %arg3[%multiple_of3A_143, %dma_start3A_148] : memref<800768x64xf32, #tpu.memory_space<hbm>> -> memref<64x64xf32, #tpu.memory_space<hbm>>
        %dma_start3A_150 = arith.constant 0 : i32
        %dma_start3A_151 = tpu.memref_slice %arg3[%multiple_of3A_143, %dma_start3A_150] : memref<800768x64xf32, #tpu.memory_space<hbm>> -> memref<64x64xf32, #tpu.memory_space<hbm>>
        tpu.enqueue_dma source(%dma_start3A_151 : memref<64x64xf32, #tpu.memory_space<hbm>>) target(%arg11 : memref<64x64xf32, #tpu.memory_space<vmem>>) target_semaphore(%arg19 : memref<!tpu.dma_semaphore, #tpu.memory_space<semaphore_mem>>)
      } else {
      }
      %convert_element_type3A_119 = arith.extui %ge3A_99 : i1 to i32
      %cond3A_120 = arith.constant 0 : i32
      %cond3A_121 = arith.cmpi ne, %convert_element_type3A_119, %cond3A_120 : i32
      scf.if %cond3A_121 {
        %dma_wait3A_138 = arith.constant 0 : i32
        %dma_wait3A_139 = arith.constant 0 : i32
        %dma_wait3A_140 = tpu.memref_slice %arg25[%dma_wait3A_138, %dma_wait3A_139] : memref<25104x64xf32, #tpu.memory_space<vmem_shared>> -> memref<25104x64xf32, #tpu.memory_space<vmem_shared>>
        tpu.wait_indirect_dma semaphore(%arg24 : memref<!tpu.dma_semaphore, #tpu.memory_space<semaphore_mem>>) src(%arg18 : memref<64x64xf32, #tpu.memory_space<vmem>>) dst(%dma_wait3A_140 : memref<25104x64xf32, #tpu.memory_space<vmem_shared>>)
      } else {
      }
      %scan3A_122 = arith.constant 0 : i32
      %scan3A_123 = arith.constant 4 : i32
      %scan3A_124 = arith.addi %scan3A_122, %scan3A_123 : i32
      %scan3A_125 = arith.constant 1 : i32
      scf.for %scan3A_138 = %scan3A_122 to %scan3A_124 step %scan3A_125  : i32 {
        %mul3A_139 = arith.constant 1 : i32
        %mul3A_140 = arith.muli %scan3A_138, %mul3A_139 : i32
        %add3A_141 = arith.constant 0 : i32
        %add3A_142 = arith.addi %add3A_141, %mul3A_140 : i32
        %mul3A_143 = arith.constant 16 : i32
        %mul3A_144 = arith.muli %add3A_142, %mul3A_143 : i32
        %multiple_of3A_145 = tpu.assume_multiple %mul3A_144, 16 : i32
        %get3A = arith.index_cast %multiple_of3A_145 : i32 to index
        %get3A_146 = tpu.vector_load %arg14[%get3A] {strides = array<i32>} : memref<64xi32, #tpu.memory_space<vmem>>, vector<16xi32>,
        %get3A_147 = vector.shape_cast %get3A_146 : vector<16xi32> to vector<16xi32>
        %sub3A = vector.broadcast %mul3A_0 : i32 to vector<16xi32>
        %sub3A_148 = arith.subi %get3A_147, %sub3A : vector<16xi32>
        %ge3A_149 = arith.constant 0 : i32
        %ge3A_150 = vector.broadcast %ge3A_149 : i32 to vector<16xi32>
        %ge3A_151 = arith.cmpi sge, %sub3A_148, %ge3A_150 : vector<16xi32>
        %lt3A_152 = arith.constant 25088 : i32
        %lt3A_153 = vector.broadcast %lt3A_152 : i32 to vector<16xi32>
        %lt3A_154 = arith.cmpi slt, %sub3A_148, %lt3A_153 : vector<16xi32>
        %and3A = arith.andi %ge3A_151, %lt3A_154 : vector<16xi1>
        %jit3A = arith.constant 25088 : i32
        %broadcast_in_dim3A = vector.broadcast %jit3A : i32 to vector<16xi32>
        %select_n3A = arith.select %and3A, %sub3A_148, %broadcast_in_dim3A : vector<16xi1>, vector<16xi32>
        %swap3A = arith.index_cast %multiple_of3A_145 : i32 to index
        %swap3A_155 = tpu.vector_load %arg15[%swap3A] {strides = array<i32>} : memref<64xi32, #tpu.memory_space<vmem>>, vector<16xi32>,
        %swap3A_156 = vector.shape_cast %swap3A_155 : vector<16xi32> to vector<16xi32>
        %swap3A_157 = vector.shape_cast %select_n3A : vector<16xi32> to vector<16xi32>
        tpu.vector_store %arg15[%swap3A], %swap3A_157 {strides = array<i32>} : memref<64xi32, #tpu.memory_space<vmem>>, vector<16xi32>,
      }
      %scan3A_126 = arith.constant 4 : i32
      %dma_wait3A_127 = arith.constant 0 : i32
      %dma_wait3A_128 = arith.constant 0 : i32
      %dma_wait3A_129 = tpu.memref_slice %arg2[%dma_wait3A_127, %dma_wait3A_128] : memref<50176x64xf32, #tpu.memory_space<hbm>> -> memref<50176x64xf32, #tpu.memory_space<hbm>>
      tpu.wait_indirect_dma semaphore(%arg23 : memref<!tpu.dma_semaphore, #tpu.memory_space<semaphore_mem>>) src(%dma_wait3A_129 : memref<50176x64xf32, #tpu.memory_space<hbm>>) dst(%arg16 : memref<64x64xf32, #tpu.memory_space<vmem>>)
      %scan3A_130 = arith.constant 0 : i32
      %scan3A_131 = arith.constant 64 : i32
      %scan3A_132 = arith.addi %scan3A_130, %scan3A_131 : i32
      %scan3A_133 = arith.constant 2 : i32
      scf.for %scan3A_138 = %scan3A_130 to %scan3A_132 step %scan3A_133  : i32 {
        %mul3A_139 = arith.constant 1 : i32
        %mul3A_140 = arith.muli %scan3A_138, %mul3A_139 : i32
        %add3A_141 = arith.constant 0 : i32
        %add3A_142 = arith.addi %add3A_141, %mul3A_140 : i32
        %get3A = arith.index_cast %add3A_142 : i32 to index
        %get3A_143 = arith.constant 0 : index
        %get3A_144 = tpu.vector_load %arg16[%get3A, %get3A_143] {strides = array<i32>} : memref<64x64xf32, #tpu.memory_space<vmem>>, vector<1x16xf32>,
        %get3A_145 = vector.shape_cast %get3A_144 : vector<1x16xf32> to vector<16xf32>
        %get3A_146 = arith.index_cast %add3A_142 : i32 to index
        %get3A_147 = arith.constant 0 : index
        %get3A_148 = tpu.vector_load %arg17[%get3A_146, %get3A_147] {strides = array<i32>} : memref<64x64xf32, #tpu.memory_space<vmem>>, vector<1x16xf32>,
        %get3A_149 = vector.shape_cast %get3A_148 : vector<1x16xf32> to vector<16xf32>
        %mul3A_150 = arith.mulf %get3A_145, %get3A_149 : vector<16xf32>
        %swap3A = arith.index_cast %add3A_142 : i32 to index
        %swap3A_151 = arith.constant 0 : index
        %swap3A_152 = tpu.vector_load %arg18[%swap3A, %swap3A_151] {strides = array<i32>} : memref<64x64xf32, #tpu.memory_space<vmem>>, vector<1x16xf32>,
        %swap3A_153 = vector.shape_cast %swap3A_152 : vector<1x16xf32> to vector<16xf32>
        %swap3A_154 = vector.shape_cast %mul3A_150 : vector<16xf32> to vector<1x16xf32>
        tpu.vector_store %arg18[%swap3A, %swap3A_151], %swap3A_154 {strides = array<i32>} : memref<64x64xf32, #tpu.memory_space<vmem>>, vector<1x16xf32>,
        %get3A_155 = arith.index_cast %add3A_142 : i32 to index
        %get3A_156 = arith.constant 16 : index
        %get3A_157 = tpu.vector_load %arg16[%get3A_155, %get3A_156] {strides = array<i32>} : memref<64x64xf32, #tpu.memory_space<vmem>>, vector<1x16xf32>,
        %get3A_158 = vector.shape_cast %get3A_157 : vector<1x16xf32> to vector<16xf32>
        %get3A_159 = arith.index_cast %add3A_142 : i32 to index
        %get3A_160 = arith.constant 16 : index
        %get3A_161 = tpu.vector_load %arg17[%get3A_159, %get3A_160] {strides = array<i32>} : memref<64x64xf32, #tpu.memory_space<vmem>>, vector<1x16xf32>,
        %get3A_162 = vector.shape_cast %get3A_161 : vector<1x16xf32> to vector<16xf32>
        %mul3A_163 = arith.mulf %get3A_158, %get3A_162 : vector<16xf32>
        %swap3A_164 = arith.index_cast %add3A_142 : i32 to index
        %swap3A_165 = arith.constant 16 : index
        %swap3A_166 = tpu.vector_load %arg18[%swap3A_164, %swap3A_165] {strides = array<i32>} : memref<64x64xf32, #tpu.memory_space<vmem>>, vector<1x16xf32>,
        %swap3A_167 = vector.shape_cast %swap3A_166 : vector<1x16xf32> to vector<16xf32>
        %swap3A_168 = vector.shape_cast %mul3A_163 : vector<16xf32> to vector<1x16xf32>
        tpu.vector_store %arg18[%swap3A_164, %swap3A_165], %swap3A_168 {strides = array<i32>} : memref<64x64xf32, #tpu.memory_space<vmem>>, vector<1x16xf32>,
        %get3A_169 = arith.index_cast %add3A_142 : i32 to index
        %get3A_170 = arith.constant 32 : index
        %get3A_171 = tpu.vector_load %arg16[%get3A_169, %get3A_170] {strides = array<i32>} : memref<64x64xf32, #tpu.memory_space<vmem>>, vector<1x16xf32>,
        %get3A_172 = vector.shape_cast %get3A_171 : vector<1x16xf32> to vector<16xf32>
        %get3A_173 = arith.index_cast %add3A_142 : i32 to index
        %get3A_174 = arith.constant 32 : index
        %get3A_175 = tpu.vector_load %arg17[%get3A_173, %get3A_174] {strides = array<i32>} : memref<64x64xf32, #tpu.memory_space<vmem>>, vector<1x16xf32>,
        %get3A_176 = vector.shape_cast %get3A_175 : vector<1x16xf32> to vector<16xf32>
        %mul3A_177 = arith.mulf %get3A_172, %get3A_176 : vector<16xf32>
        %swap3A_178 = arith.index_cast %add3A_142 : i32 to index
        %swap3A_179 = arith.constant 32 : index
        %swap3A_180 = tpu.vector_load %arg18[%swap3A_178, %swap3A_179] {strides = array<i32>} : memref<64x64xf32, #tpu.memory_space<vmem>>, vector<1x16xf32>,
        %swap3A_181 = vector.shape_cast %swap3A_180 : vector<1x16xf32> to vector<16xf32>
        %swap3A_182 = vector.shape_cast %mul3A_177 : vector<16xf32> to vector<1x16xf32>
        tpu.vector_store %arg18[%swap3A_178, %swap3A_179], %swap3A_182 {strides = array<i32>} : memref<64x64xf32, #tpu.memory_space<vmem>>, vector<1x16xf32>,
        %get3A_183 = arith.index_cast %add3A_142 : i32 to index
        %get3A_184 = arith.constant 48 : index
        %get3A_185 = tpu.vector_load %arg16[%get3A_183, %get3A_184] {strides = array<i32>} : memref<64x64xf32, #tpu.memory_space<vmem>>, vector<1x16xf32>,
        %get3A_186 = vector.shape_cast %get3A_185 : vector<1x16xf32> to vector<16xf32>
        %get3A_187 = arith.index_cast %add3A_142 : i32 to index
        %get3A_188 = arith.constant 48 : index
        %get3A_189 = tpu.vector_load %arg17[%get3A_187, %get3A_188] {strides = array<i32>} : memref<64x64xf32, #tpu.memory_space<vmem>>, vector<1x16xf32>,
        %get3A_190 = vector.shape_cast %get3A_189 : vector<1x16xf32> to vector<16xf32>
        %mul3A_191 = arith.mulf %get3A_186, %get3A_190 : vector<16xf32>
        %swap3A_192 = arith.index_cast %add3A_142 : i32 to index
        %swap3A_193 = arith.constant 48 : index
        %swap3A_194 = tpu.vector_load %arg18[%swap3A_192, %swap3A_193] {strides = array<i32>} : memref<64x64xf32, #tpu.memory_space<vmem>>, vector<1x16xf32>,
        %swap3A_195 = vector.shape_cast %swap3A_194 : vector<1x16xf32> to vector<16xf32>
        %swap3A_196 = vector.shape_cast %mul3A_191 : vector<16xf32> to vector<1x16xf32>
        tpu.vector_store %arg18[%swap3A_192, %swap3A_193], %swap3A_196 {strides = array<i32>} : memref<64x64xf32, #tpu.memory_space<vmem>>, vector<1x16xf32>,
        %scan3A_197 = arith.constant 1 : i32
        %scan3A_198 = arith.addi %scan3A_138, %scan3A_197 : i32
        %mul3A_199 = arith.constant 1 : i32
        %mul3A_200 = arith.muli %scan3A_198, %mul3A_199 : i32
        %add3A_201 = arith.constant 0 : i32
        %add3A_202 = arith.addi %add3A_201, %mul3A_200 : i32
        %get3A_203 = arith.index_cast %add3A_202 : i32 to index
        %get3A_204 = arith.constant 0 : index
        %get3A_205 = tpu.vector_load %arg16[%get3A_203, %get3A_204] {strides = array<i32>} : memref<64x64xf32, #tpu.memory_space<vmem>>, vector<1x16xf32>,
        %get3A_206 = vector.shape_cast %get3A_205 : vector<1x16xf32> to vector<16xf32>
        %get3A_207 = arith.index_cast %add3A_202 : i32 to index
        %get3A_208 = arith.constant 0 : index
        %get3A_209 = tpu.vector_load %arg17[%get3A_207, %get3A_208] {strides = array<i32>} : memref<64x64xf32, #tpu.memory_space<vmem>>, vector<1x16xf32>,
        %get3A_210 = vector.shape_cast %get3A_209 : vector<1x16xf32> to vector<16xf32>
        %mul3A_211 = arith.mulf %get3A_206, %get3A_210 : vector<16xf32>
        %swap3A_212 = arith.index_cast %add3A_202 : i32 to index
        %swap3A_213 = arith.constant 0 : index
        %swap3A_214 = tpu.vector_load %arg18[%swap3A_212, %swap3A_213] {strides = array<i32>} : memref<64x64xf32, #tpu.memory_space<vmem>>, vector<1x16xf32>,
        %swap3A_215 = vector.shape_cast %swap3A_214 : vector<1x16xf32> to vector<16xf32>
        %swap3A_216 = vector.shape_cast %mul3A_211 : vector<16xf32> to vector<1x16xf32>
        tpu.vector_store %arg18[%swap3A_212, %swap3A_213], %swap3A_216 {strides = array<i32>} : memref<64x64xf32, #tpu.memory_space<vmem>>, vector<1x16xf32>,
        %get3A_217 = arith.index_cast %add3A_202 : i32 to index
        %get3A_218 = arith.constant 16 : index
        %get3A_219 = tpu.vector_load %arg16[%get3A_217, %get3A_218] {strides = array<i32>} : memref<64x64xf32, #tpu.memory_space<vmem>>, vector<1x16xf32>,
        %get3A_220 = vector.shape_cast %get3A_219 : vector<1x16xf32> to vector<16xf32>
        %get3A_221 = arith.index_cast %add3A_202 : i32 to index
        %get3A_222 = arith.constant 16 : index
        %get3A_223 = tpu.vector_load %arg17[%get3A_221, %get3A_222] {strides = array<i32>} : memref<64x64xf32, #tpu.memory_space<vmem>>, vector<1x16xf32>,
        %get3A_224 = vector.shape_cast %get3A_223 : vector<1x16xf32> to vector<16xf32>
        %mul3A_225 = arith.mulf %get3A_220, %get3A_224 : vector<16xf32>
        %swap3A_226 = arith.index_cast %add3A_202 : i32 to index
        %swap3A_227 = arith.constant 16 : index
        %swap3A_228 = tpu.vector_load %arg18[%swap3A_226, %swap3A_227] {strides = array<i32>} : memref<64x64xf32, #tpu.memory_space<vmem>>, vector<1x16xf32>,
        %swap3A_229 = vector.shape_cast %swap3A_228 : vector<1x16xf32> to vector<16xf32>
        %swap3A_230 = vector.shape_cast %mul3A_225 : vector<16xf32> to vector<1x16xf32>
        tpu.vector_store %arg18[%swap3A_226, %swap3A_227], %swap3A_230 {strides = array<i32>} : memref<64x64xf32, #tpu.memory_space<vmem>>, vector<1x16xf32>,
        %get3A_231 = arith.index_cast %add3A_202 : i32 to index
        %get3A_232 = arith.constant 32 : index
        %get3A_233 = tpu.vector_load %arg16[%get3A_231, %get3A_232] {strides = array<i32>} : memref<64x64xf32, #tpu.memory_space<vmem>>, vector<1x16xf32>,
        %get3A_234 = vector.shape_cast %get3A_233 : vector<1x16xf32> to vector<16xf32>
        %get3A_235 = arith.index_cast %add3A_202 : i32 to index
        %get3A_236 = arith.constant 32 : index
        %get3A_237 = tpu.vector_load %arg17[%get3A_235, %get3A_236] {strides = array<i32>} : memref<64x64xf32, #tpu.memory_space<vmem>>, vector<1x16xf32>,
        %get3A_238 = vector.shape_cast %get3A_237 : vector<1x16xf32> to vector<16xf32>
        %mul3A_239 = arith.mulf %get3A_234, %get3A_238 : vector<16xf32>
        %swap3A_240 = arith.index_cast %add3A_202 : i32 to index
        %swap3A_241 = arith.constant 32 : index
        %swap3A_242 = tpu.vector_load %arg18[%swap3A_240, %swap3A_241] {strides = array<i32>} : memref<64x64xf32, #tpu.memory_space<vmem>>, vector<1x16xf32>,
        %swap3A_243 = vector.shape_cast %swap3A_242 : vector<1x16xf32> to vector<16xf32>
        %swap3A_244 = vector.shape_cast %mul3A_239 : vector<16xf32> to vector<1x16xf32>
        tpu.vector_store %arg18[%swap3A_240, %swap3A_241], %swap3A_244 {strides = array<i32>} : memref<64x64xf32, #tpu.memory_space<vmem>>, vector<1x16xf32>,
        %get3A_245 = arith.index_cast %add3A_202 : i32 to index
        %get3A_246 = arith.constant 48 : index
        %get3A_247 = tpu.vector_load %arg16[%get3A_245, %get3A_246] {strides = array<i32>} : memref<64x64xf32, #tpu.memory_space<vmem>>, vector<1x16xf32>,
        %get3A_248 = vector.shape_cast %get3A_247 : vector<1x16xf32> to vector<16xf32>
        %get3A_249 = arith.index_cast %add3A_202 : i32 to index
        %get3A_250 = arith.constant 48 : index
        %get3A_251 = tpu.vector_load %arg17[%get3A_249, %get3A_250] {strides = array<i32>} : memref<64x64xf32, #tpu.memory_space<vmem>>, vector<1x16xf32>,
        %get3A_252 = vector.shape_cast %get3A_251 : vector<1x16xf32> to vector<16xf32>
        %mul3A_253 = arith.mulf %get3A_248, %get3A_252 : vector<16xf32>
        %swap3A_254 = arith.index_cast %add3A_202 : i32 to index
        %swap3A_255 = arith.constant 48 : index
        %swap3A_256 = tpu.vector_load %arg18[%swap3A_254, %swap3A_255] {strides = array<i32>} : memref<64x64xf32, #tpu.memory_space<vmem>>, vector<1x16xf32>,
        %swap3A_257 = vector.shape_cast %swap3A_256 : vector<1x16xf32> to vector<16xf32>
        %swap3A_258 = vector.shape_cast %mul3A_253 : vector<16xf32> to vector<1x16xf32>
        tpu.vector_store %arg18[%swap3A_254, %swap3A_255], %swap3A_258 {strides = array<i32>} : memref<64x64xf32, #tpu.memory_space<vmem>>, vector<1x16xf32>,
      }
      %scan3A_134 = arith.constant 64 : i32
      %dma_start3A_135 = arith.constant 0 : i32
      %dma_start3A_136 = arith.constant 0 : i32
      %dma_start3A_137 = tpu.memref_slice %arg25[%dma_start3A_135, %dma_start3A_136] : memref<25104x64xf32, #tpu.memory_space<vmem_shared>> -> memref<25104x64xf32, #tpu.memory_space<vmem_shared>>
      tpu.enqueue_indirect_dma source(%arg18 : memref<64x64xf32, #tpu.memory_space<vmem>>) target(%dma_start3A_137 : memref<25104x64xf32, #tpu.memory_space<vmem_shared>>) offsets(%arg15 : memref<64xi32, #tpu.memory_space<vmem>>) semaphore(%arg24 : memref<!tpu.dma_semaphore, #tpu.memory_space<semaphore_mem>>) {add = true}
    }
    %scan3A_28 = arith.constant 391 : i32
    %dma_wait3A = arith.constant 0 : i32
    %dma_wait3A_29 = arith.constant 0 : i32
    %dma_wait3A_30 = tpu.memref_slice %arg25[%dma_wait3A, %dma_wait3A_29] : memref<25104x64xf32, #tpu.memory_space<vmem_shared>> -> memref<25104x64xf32, #tpu.memory_space<vmem_shared>>
    tpu.wait_indirect_dma semaphore(%arg21 : memref<!tpu.dma_semaphore, #tpu.memory_space<semaphore_mem>>) src(%arg12 : memref<64x64xf32, #tpu.memory_space<vmem>>) dst(%dma_wait3A_30 : memref<25104x64xf32, #tpu.memory_space<vmem_shared>>)
    %dma_wait3A_31 = arith.constant 0 : i32
    %dma_wait3A_32 = arith.constant 0 : i32
    %dma_wait3A_33 = tpu.memref_slice %arg25[%dma_wait3A_31, %dma_wait3A_32] : memref<25104x64xf32, #tpu.memory_space<vmem_shared>> -> memref<25104x64xf32, #tpu.memory_space<vmem_shared>>
    tpu.wait_indirect_dma semaphore(%arg24 : memref<!tpu.dma_semaphore, #tpu.memory_space<semaphore_mem>>) src(%arg18 : memref<64x64xf32, #tpu.memory_space<vmem>>) dst(%dma_wait3A_33 : memref<25104x64xf32, #tpu.memory_space<vmem_shared>>)
    %barrier3A_34 = arith.constant 0 : index
    tpu.barrier barrier_id(%barrier3A_34)
    %scan3A_35 = arith.constant 0 : i32
    %scan3A_36 = arith.constant 14 : i32
    %scan3A_37 = arith.addi %scan3A_35, %scan3A_36 : i32
    %scan3A_38 = arith.constant 1 : i32
    scf.for %scan3A_40 = %scan3A_35 to %scan3A_37 step %scan3A_38  : i32 {
      %mul3A_41 = arith.constant 1 : i32
      %mul3A_42 = arith.muli %scan3A_40, %mul3A_41 : i32
      %add3A_43 = arith.constant 0 : i32
      %add3A_44 = arith.addi %add3A_43, %mul3A_42 : i32
      %mul3A_45 = arith.constant 14 : i32
      %mul3A_46 = arith.muli %arg1, %mul3A_45 : i32
      %add3A_47 = arith.addi %mul3A_46, %add3A_44 : i32
      %mul3A_48 = arith.constant 112 : i32
      %mul3A_49 = arith.muli %add3A_47, %mul3A_48 : i32
      %multiple_of3A_50 = tpu.assume_multiple %mul3A_49, 16 : i32
      %add3A_51 = arith.addi %mul3A_0, %multiple_of3A_50 : i32
      "tpu.region"() ({
        %run_scoped3A = tpu.sem_alloc : memref<!tpu.dma_semaphore, #tpu.memory_space<semaphore_mem>>
        %dma_start3A_52 = arith.constant 0 : i32
        %dma_start3A_53 = tpu.memref_slice %arg6[%add3A_51, %dma_start3A_52] : memref<50176x64xf32, #tpu.memory_space<hbm>> -> memref<112x64xf32, #tpu.memory_space<hbm>>
        %dma_start3A_54 = arith.constant 0 : i32
        %dma_start3A_55 = tpu.memref_slice %arg25[%multiple_of3A_50, %dma_start3A_54] : memref<25104x64xf32, #tpu.memory_space<vmem_shared>> -> memref<112x64xf32, #tpu.memory_space<vmem_shared>>
        tpu.enqueue_dma source(%dma_start3A_55 : memref<112x64xf32, #tpu.memory_space<vmem_shared>>) target(%dma_start3A_53 : memref<112x64xf32, #tpu.memory_space<hbm>>) target_semaphore(%run_scoped3A : memref<!tpu.dma_semaphore, #tpu.memory_space<semaphore_mem>>)
        %dma_wait3A_56 = arith.constant 0 : i32
        %dma_wait3A_57 = tpu.memref_slice %arg6[%add3A_51, %dma_wait3A_56] : memref<50176x64xf32, #tpu.memory_space<hbm>> -> memref<112x64xf32, #tpu.memory_space<hbm>>
        %dma_wait3A_58 = arith.constant 0 : i32
        %dma_wait3A_59 = tpu.memref_slice %arg25[%multiple_of3A_50, %dma_wait3A_58] : memref<25104x64xf32, #tpu.memory_space<vmem_shared>> -> memref<112x64xf32, #tpu.memory_space<vmem_shared>>
        tpu.wait_dma2 semaphore(%run_scoped3A : memref<!tpu.dma_semaphore, #tpu.memory_space<semaphore_mem>>) src(%dma_wait3A_59 : memref<112x64xf32, #tpu.memory_space<vmem_shared>>) dst(%dma_wait3A_57 : memref<112x64xf32, #tpu.memory_space<hbm>>)
        tpu.yield
      }) : () -> ()
    }
    %scan3A_39 = arith.constant 14 : i32
    return
  }
}

#map = affine_map<(d0, d1) -> (0, 0)>
#map1 = affine_map<(d0, d1) -> (0)>
module attributes {stable_mosaic.version = 14 : i64} {
  func.func @_pool_body(%arg0: i32, %arg1: i32, %arg2: memref<50176x64xf32, #tpu.memory_space<hbm>>, %arg3: memref<50176xi32, #tpu.memory_space<hbm>>, %arg4: memref<1056x64xf32, #tpu.memory_space<hbm>>, %arg5: memref<1056x64xf32, #tpu.memory_space<hbm>>, %arg6: memref<112xi32, #tpu.memory_space<vmem>>, %arg7: memref<112x64xf32, #tpu.memory_space<vmem>>, %arg8: memref<112x64xf32, #tpu.memory_space<vmem>>, %arg9: memref<528x64xf32, #tpu.memory_space<vmem_shared>>, %arg10: memref<528x64xf32, #tpu.memory_space<vmem_shared>>) attributes {dimension_semantics = [#tpu.dimension_semantics<core_parallel>, #tpu.dimension_semantics<subcore_parallel>], iteration_bounds = array<i64: 2, 16>, scalar_prefetch = 0 : i64, scratch_operands = 5 : i64, tpu.core_type = #tpu.core_type<sc_vector_subcore>, window_params = [{transform_indices = #map}, {transform_indices = #map1}, {transform_indices = #map}, {transform_indices = #map}]} {
    %scan3A = arith.constant 0 : i32
    %scan3A_0 = arith.constant 112 : i32
    %scan3A_1 = arith.addi %scan3A, %scan3A_0 : i32
    %scan3A_2 = arith.constant 1 : i32
    scf.for %scan3A_25 = %scan3A to %scan3A_1 step %scan3A_2  : i32 {
      %mul3A_26 = arith.constant 1 : i32
      %mul3A_27 = arith.muli %scan3A_25, %mul3A_26 : i32
      %add3A_28 = arith.constant 0 : i32
      %add3A_29 = arith.addi %add3A_28, %mul3A_27 : i32
      %broadcast_in_dim3A = arith.constant 0.000000e+00 : f32
      %broadcast_in_dim3A_30 = vector.broadcast %broadcast_in_dim3A : f32 to vector<16xf32>
      %swap3A = arith.index_cast %add3A_29 : i32 to index
      %swap3A_31 = arith.constant 0 : index
      %swap3A_32 = tpu.vector_load %arg7[%swap3A, %swap3A_31] {strides = array<i32>} : memref<112x64xf32, #tpu.memory_space<vmem>>, vector<1x16xf32>,
      %swap3A_33 = vector.shape_cast %swap3A_32 : vector<1x16xf32> to vector<16xf32>
      %swap3A_34 = vector.shape_cast %broadcast_in_dim3A_30 : vector<16xf32> to vector<1x16xf32>
      tpu.vector_store %arg7[%swap3A, %swap3A_31], %swap3A_34 {strides = array<i32>} : memref<112x64xf32, #tpu.memory_space<vmem>>, vector<1x16xf32>,
      %broadcast_in_dim3A_35 = arith.constant 1.000000e+00 : f32
      %broadcast_in_dim3A_36 = vector.broadcast %broadcast_in_dim3A_35 : f32 to vector<16xf32>
      %swap3A_37 = arith.index_cast %add3A_29 : i32 to index
      %swap3A_38 = arith.constant 0 : index
      %swap3A_39 = tpu.vector_load %arg8[%swap3A_37, %swap3A_38] {strides = array<i32>} : memref<112x64xf32, #tpu.memory_space<vmem>>, vector<1x16xf32>,
      %swap3A_40 = vector.shape_cast %swap3A_39 : vector<1x16xf32> to vector<16xf32>
      %swap3A_41 = vector.shape_cast %broadcast_in_dim3A_36 : vector<16xf32> to vector<1x16xf32>
      tpu.vector_store %arg8[%swap3A_37, %swap3A_38], %swap3A_41 {strides = array<i32>} : memref<112x64xf32, #tpu.memory_space<vmem>>, vector<1x16xf32>,
      %broadcast_in_dim3A_42 = arith.constant 0.000000e+00 : f32
      %broadcast_in_dim3A_43 = vector.broadcast %broadcast_in_dim3A_42 : f32 to vector<16xf32>
      %swap3A_44 = arith.index_cast %add3A_29 : i32 to index
      %swap3A_45 = arith.constant 16 : index
      %swap3A_46 = tpu.vector_load %arg7[%swap3A_44, %swap3A_45] {strides = array<i32>} : memref<112x64xf32, #tpu.memory_space<vmem>>, vector<1x16xf32>,
      %swap3A_47 = vector.shape_cast %swap3A_46 : vector<1x16xf32> to vector<16xf32>
      %swap3A_48 = vector.shape_cast %broadcast_in_dim3A_43 : vector<16xf32> to vector<1x16xf32>
      tpu.vector_store %arg7[%swap3A_44, %swap3A_45], %swap3A_48 {strides = array<i32>} : memref<112x64xf32, #tpu.memory_space<vmem>>, vector<1x16xf32>,
      %broadcast_in_dim3A_49 = arith.constant 1.000000e+00 : f32
      %broadcast_in_dim3A_50 = vector.broadcast %broadcast_in_dim3A_49 : f32 to vector<16xf32>
      %swap3A_51 = arith.index_cast %add3A_29 : i32 to index
      %swap3A_52 = arith.constant 16 : index
      %swap3A_53 = tpu.vector_load %arg8[%swap3A_51, %swap3A_52] {strides = array<i32>} : memref<112x64xf32, #tpu.memory_space<vmem>>, vector<1x16xf32>,
      %swap3A_54 = vector.shape_cast %swap3A_53 : vector<1x16xf32> to vector<16xf32>
      %swap3A_55 = vector.shape_cast %broadcast_in_dim3A_50 : vector<16xf32> to vector<1x16xf32>
      tpu.vector_store %arg8[%swap3A_51, %swap3A_52], %swap3A_55 {strides = array<i32>} : memref<112x64xf32, #tpu.memory_space<vmem>>, vector<1x16xf32>,
      %broadcast_in_dim3A_56 = arith.constant 0.000000e+00 : f32
      %broadcast_in_dim3A_57 = vector.broadcast %broadcast_in_dim3A_56 : f32 to vector<16xf32>
      %swap3A_58 = arith.index_cast %add3A_29 : i32 to index
      %swap3A_59 = arith.constant 32 : index
      %swap3A_60 = tpu.vector_load %arg7[%swap3A_58, %swap3A_59] {strides = array<i32>} : memref<112x64xf32, #tpu.memory_space<vmem>>, vector<1x16xf32>,
      %swap3A_61 = vector.shape_cast %swap3A_60 : vector<1x16xf32> to vector<16xf32>
      %swap3A_62 = vector.shape_cast %broadcast_in_dim3A_57 : vector<16xf32> to vector<1x16xf32>
      tpu.vector_store %arg7[%swap3A_58, %swap3A_59], %swap3A_62 {strides = array<i32>} : memref<112x64xf32, #tpu.memory_space<vmem>>, vector<1x16xf32>,
      %broadcast_in_dim3A_63 = arith.constant 1.000000e+00 : f32
      %broadcast_in_dim3A_64 = vector.broadcast %broadcast_in_dim3A_63 : f32 to vector<16xf32>
      %swap3A_65 = arith.index_cast %add3A_29 : i32 to index
      %swap3A_66 = arith.constant 32 : index
      %swap3A_67 = tpu.vector_load %arg8[%swap3A_65, %swap3A_66] {strides = array<i32>} : memref<112x64xf32, #tpu.memory_space<vmem>>, vector<1x16xf32>,
      %swap3A_68 = vector.shape_cast %swap3A_67 : vector<1x16xf32> to vector<16xf32>
      %swap3A_69 = vector.shape_cast %broadcast_in_dim3A_64 : vector<16xf32> to vector<1x16xf32>
      tpu.vector_store %arg8[%swap3A_65, %swap3A_66], %swap3A_69 {strides = array<i32>} : memref<112x64xf32, #tpu.memory_space<vmem>>, vector<1x16xf32>,
      %broadcast_in_dim3A_70 = arith.constant 0.000000e+00 : f32
      %broadcast_in_dim3A_71 = vector.broadcast %broadcast_in_dim3A_70 : f32 to vector<16xf32>
      %swap3A_72 = arith.index_cast %add3A_29 : i32 to index
      %swap3A_73 = arith.constant 48 : index
      %swap3A_74 = tpu.vector_load %arg7[%swap3A_72, %swap3A_73] {strides = array<i32>} : memref<112x64xf32, #tpu.memory_space<vmem>>, vector<1x16xf32>,
      %swap3A_75 = vector.shape_cast %swap3A_74 : vector<1x16xf32> to vector<16xf32>
      %swap3A_76 = vector.shape_cast %broadcast_in_dim3A_71 : vector<16xf32> to vector<1x16xf32>
      tpu.vector_store %arg7[%swap3A_72, %swap3A_73], %swap3A_76 {strides = array<i32>} : memref<112x64xf32, #tpu.memory_space<vmem>>, vector<1x16xf32>,
      %broadcast_in_dim3A_77 = arith.constant 1.000000e+00 : f32
      %broadcast_in_dim3A_78 = vector.broadcast %broadcast_in_dim3A_77 : f32 to vector<16xf32>
      %swap3A_79 = arith.index_cast %add3A_29 : i32 to index
      %swap3A_80 = arith.constant 48 : index
      %swap3A_81 = tpu.vector_load %arg8[%swap3A_79, %swap3A_80] {strides = array<i32>} : memref<112x64xf32, #tpu.memory_space<vmem>>, vector<1x16xf32>,
      %swap3A_82 = vector.shape_cast %swap3A_81 : vector<1x16xf32> to vector<16xf32>
      %swap3A_83 = vector.shape_cast %broadcast_in_dim3A_78 : vector<16xf32> to vector<1x16xf32>
      tpu.vector_store %arg8[%swap3A_79, %swap3A_80], %swap3A_83 {strides = array<i32>} : memref<112x64xf32, #tpu.memory_space<vmem>>, vector<1x16xf32>,
    }
    %scan3A_3 = arith.constant 112 : i32
    %mul3A = arith.constant 33 : i32
    %mul3A_4 = arith.muli %arg1, %mul3A : i32
    "tpu.region"() ({
      %run_scoped3A = tpu.sem_alloc : memref<!tpu.dma_semaphore, #tpu.memory_space<semaphore_mem>>
      %dma_start3A = arith.constant 0 : i32
      %dma_start3A_25 = arith.constant 0 : i32
      %dma_start3A_26 = tpu.memref_slice %arg7[%dma_start3A, %dma_start3A_25] : memref<112x64xf32, #tpu.memory_space<vmem>> -> memref<33x64xf32, #tpu.memory_space<vmem>>
      %dma_start3A_27 = arith.constant 0 : i32
      %dma_start3A_28 = tpu.memref_slice %arg9[%mul3A_4, %dma_start3A_27] : memref<528x64xf32, #tpu.memory_space<vmem_shared>> -> memref<33x64xf32, #tpu.memory_space<vmem_shared>>
      %dma_start3A_29 = arith.constant 0 : i32
      %dma_start3A_30 = tpu.memref_slice %arg9[%mul3A_4, %dma_start3A_29] : memref<528x64xf32, #tpu.memory_space<vmem_shared>> -> memref<33x64xf32, #tpu.memory_space<vmem_shared>>
      %dma_start3A_31 = arith.constant 0 : i32
      %dma_start3A_32 = arith.constant 0 : i32
      %dma_start3A_33 = tpu.memref_slice %arg7[%dma_start3A_31, %dma_start3A_32] : memref<112x64xf32, #tpu.memory_space<vmem>> -> memref<33x64xf32, #tpu.memory_space<vmem>>
      tpu.enqueue_dma source(%dma_start3A_33 : memref<33x64xf32, #tpu.memory_space<vmem>>) target(%dma_start3A_30 : memref<33x64xf32, #tpu.memory_space<vmem_shared>>) target_semaphore(%run_scoped3A : memref<!tpu.dma_semaphore, #tpu.memory_space<semaphore_mem>>)
      %dma_wait3A = arith.constant 0 : i32
      %dma_wait3A_34 = arith.constant 0 : i32
      %dma_wait3A_35 = tpu.memref_slice %arg7[%dma_wait3A, %dma_wait3A_34] : memref<112x64xf32, #tpu.memory_space<vmem>> -> memref<33x64xf32, #tpu.memory_space<vmem>>
      %dma_wait3A_36 = arith.constant 0 : i32
      %dma_wait3A_37 = tpu.memref_slice %arg9[%mul3A_4, %dma_wait3A_36] : memref<528x64xf32, #tpu.memory_space<vmem_shared>> -> memref<33x64xf32, #tpu.memory_space<vmem_shared>>
      %dma_wait3A_38 = arith.constant 0 : i32
      %dma_wait3A_39 = tpu.memref_slice %arg9[%mul3A_4, %dma_wait3A_38] : memref<528x64xf32, #tpu.memory_space<vmem_shared>> -> memref<33x64xf32, #tpu.memory_space<vmem_shared>>
      %dma_wait3A_40 = arith.constant 0 : i32
      %dma_wait3A_41 = arith.constant 0 : i32
      %dma_wait3A_42 = tpu.memref_slice %arg7[%dma_wait3A_40, %dma_wait3A_41] : memref<112x64xf32, #tpu.memory_space<vmem>> -> memref<33x64xf32, #tpu.memory_space<vmem>>
      tpu.wait_dma2 semaphore(%run_scoped3A : memref<!tpu.dma_semaphore, #tpu.memory_space<semaphore_mem>>) src(%dma_wait3A_42 : memref<33x64xf32, #tpu.memory_space<vmem>>) dst(%dma_wait3A_39 : memref<33x64xf32, #tpu.memory_space<vmem_shared>>)
      tpu.yield
    }) : () -> ()
    %mul3A_5 = arith.constant 33 : i32
    %mul3A_6 = arith.muli %arg1, %mul3A_5 : i32
    "tpu.region"() ({
      %run_scoped3A = tpu.sem_alloc : memref<!tpu.dma_semaphore, #tpu.memory_space<semaphore_mem>>
      %dma_start3A = arith.constant 0 : i32
      %dma_start3A_25 = arith.constant 0 : i32
      %dma_start3A_26 = tpu.memref_slice %arg7[%dma_start3A, %dma_start3A_25] : memref<112x64xf32, #tpu.memory_space<vmem>> -> memref<33x64xf32, #tpu.memory_space<vmem>>
      %dma_start3A_27 = arith.constant 0 : i32
      %dma_start3A_28 = tpu.memref_slice %arg10[%mul3A_6, %dma_start3A_27] : memref<528x64xf32, #tpu.memory_space<vmem_shared>> -> memref<33x64xf32, #tpu.memory_space<vmem_shared>>
      %dma_start3A_29 = arith.constant 0 : i32
      %dma_start3A_30 = tpu.memref_slice %arg10[%mul3A_6, %dma_start3A_29] : memref<528x64xf32, #tpu.memory_space<vmem_shared>> -> memref<33x64xf32, #tpu.memory_space<vmem_shared>>
      %dma_start3A_31 = arith.constant 0 : i32
      %dma_start3A_32 = arith.constant 0 : i32
      %dma_start3A_33 = tpu.memref_slice %arg7[%dma_start3A_31, %dma_start3A_32] : memref<112x64xf32, #tpu.memory_space<vmem>> -> memref<33x64xf32, #tpu.memory_space<vmem>>
      tpu.enqueue_dma source(%dma_start3A_33 : memref<33x64xf32, #tpu.memory_space<vmem>>) target(%dma_start3A_30 : memref<33x64xf32, #tpu.memory_space<vmem_shared>>) target_semaphore(%run_scoped3A : memref<!tpu.dma_semaphore, #tpu.memory_space<semaphore_mem>>)
      %dma_wait3A = arith.constant 0 : i32
      %dma_wait3A_34 = arith.constant 0 : i32
      %dma_wait3A_35 = tpu.memref_slice %arg7[%dma_wait3A, %dma_wait3A_34] : memref<112x64xf32, #tpu.memory_space<vmem>> -> memref<33x64xf32, #tpu.memory_space<vmem>>
      %dma_wait3A_36 = arith.constant 0 : i32
      %dma_wait3A_37 = tpu.memref_slice %arg10[%mul3A_6, %dma_wait3A_36] : memref<528x64xf32, #tpu.memory_space<vmem_shared>> -> memref<33x64xf32, #tpu.memory_space<vmem_shared>>
      %dma_wait3A_38 = arith.constant 0 : i32
      %dma_wait3A_39 = tpu.memref_slice %arg10[%mul3A_6, %dma_wait3A_38] : memref<528x64xf32, #tpu.memory_space<vmem_shared>> -> memref<33x64xf32, #tpu.memory_space<vmem_shared>>
      %dma_wait3A_40 = arith.constant 0 : i32
      %dma_wait3A_41 = arith.constant 0 : i32
      %dma_wait3A_42 = tpu.memref_slice %arg7[%dma_wait3A_40, %dma_wait3A_41] : memref<112x64xf32, #tpu.memory_space<vmem>> -> memref<33x64xf32, #tpu.memory_space<vmem>>
      tpu.wait_dma2 semaphore(%run_scoped3A : memref<!tpu.dma_semaphore, #tpu.memory_space<semaphore_mem>>) src(%dma_wait3A_42 : memref<33x64xf32, #tpu.memory_space<vmem>>) dst(%dma_wait3A_39 : memref<33x64xf32, #tpu.memory_space<vmem_shared>>)
      tpu.yield
    }) : () -> ()
    %barrier3A = arith.constant 0 : index
    tpu.barrier barrier_id(%barrier3A)
    %mul3A_7 = arith.constant 16 : i32
    %mul3A_8 = arith.muli %arg0, %mul3A_7 : i32
    %add3A = arith.addi %mul3A_8, %arg1 : i32
    %mul3A_9 = arith.constant 1568 : i32
    %mul3A_10 = arith.muli %add3A, %mul3A_9 : i32
    %scan3A_11 = arith.constant 0 : i32
    %scan3A_12 = arith.constant 14 : i32
    %scan3A_13 = arith.addi %scan3A_11, %scan3A_12 : i32
    %scan3A_14 = arith.constant 1 : i32
    scf.for %scan3A_25 = %scan3A_11 to %scan3A_13 step %scan3A_14  : i32 {
      %mul3A_26 = arith.constant 1 : i32
      %mul3A_27 = arith.muli %scan3A_25, %mul3A_26 : i32
      %add3A_28 = arith.constant 0 : i32
      %add3A_29 = arith.addi %add3A_28, %mul3A_27 : i32
      %mul3A_30 = arith.constant 112 : i32
      %mul3A_31 = arith.muli %add3A_29, %mul3A_30 : i32
      %add3A_32 = arith.addi %mul3A_10, %mul3A_31 : i32
      %multiple_of3A = tpu.assume_multiple %add3A_32, 16 : i32
      "tpu.region"() ({
        %run_scoped3A = tpu.sem_alloc : memref<!tpu.dma_semaphore, #tpu.memory_space<semaphore_mem>>
        %dma_start3A = tpu.memref_slice %arg3[%multiple_of3A] : memref<50176xi32, #tpu.memory_space<hbm>> -> memref<112xi32, #tpu.memory_space<hbm>>
        %dma_start3A_33 = tpu.memref_slice %arg3[%multiple_of3A] : memref<50176xi32, #tpu.memory_space<hbm>> -> memref<112xi32, #tpu.memory_space<hbm>>
        tpu.enqueue_dma source(%dma_start3A_33 : memref<112xi32, #tpu.memory_space<hbm>>) target(%arg6 : memref<112xi32, #tpu.memory_space<vmem>>) target_semaphore(%run_scoped3A : memref<!tpu.dma_semaphore, #tpu.memory_space<semaphore_mem>>)
        %dma_wait3A = tpu.memref_slice %arg3[%multiple_of3A] : memref<50176xi32, #tpu.memory_space<hbm>> -> memref<112xi32, #tpu.memory_space<hbm>>
        %dma_wait3A_34 = tpu.memref_slice %arg3[%multiple_of3A] : memref<50176xi32, #tpu.memory_space<hbm>> -> memref<112xi32, #tpu.memory_space<hbm>>
        tpu.wait_dma2 semaphore(%run_scoped3A : memref<!tpu.dma_semaphore, #tpu.memory_space<semaphore_mem>>) src(%dma_wait3A_34 : memref<112xi32, #tpu.memory_space<hbm>>) dst(%arg6 : memref<112xi32, #tpu.memory_space<vmem>>)
        tpu.yield
      }) : () -> ()
      "tpu.region"() ({
        %run_scoped3A = tpu.sem_alloc : memref<!tpu.dma_semaphore, #tpu.memory_space<semaphore_mem>>
        %dma_start3A = arith.constant 0 : i32
        %dma_start3A_33 = tpu.memref_slice %arg2[%multiple_of3A, %dma_start3A] : memref<50176x64xf32, #tpu.memory_space<hbm>> -> memref<112x64xf32, #tpu.memory_space<hbm>>
        %dma_start3A_34 = arith.constant 0 : i32
        %dma_start3A_35 = tpu.memref_slice %arg2[%multiple_of3A, %dma_start3A_34] : memref<50176x64xf32, #tpu.memory_space<hbm>> -> memref<112x64xf32, #tpu.memory_space<hbm>>
        tpu.enqueue_dma source(%dma_start3A_35 : memref<112x64xf32, #tpu.memory_space<hbm>>) target(%arg7 : memref<112x64xf32, #tpu.memory_space<vmem>>) target_semaphore(%run_scoped3A : memref<!tpu.dma_semaphore, #tpu.memory_space<semaphore_mem>>)
        %dma_wait3A = arith.constant 0 : i32
        %dma_wait3A_36 = tpu.memref_slice %arg2[%multiple_of3A, %dma_wait3A] : memref<50176x64xf32, #tpu.memory_space<hbm>> -> memref<112x64xf32, #tpu.memory_space<hbm>>
        %dma_wait3A_37 = arith.constant 0 : i32
        %dma_wait3A_38 = tpu.memref_slice %arg2[%multiple_of3A, %dma_wait3A_37] : memref<50176x64xf32, #tpu.memory_space<hbm>> -> memref<112x64xf32, #tpu.memory_space<hbm>>
        tpu.wait_dma2 semaphore(%run_scoped3A : memref<!tpu.dma_semaphore, #tpu.memory_space<semaphore_mem>>) src(%dma_wait3A_38 : memref<112x64xf32, #tpu.memory_space<hbm>>) dst(%arg7 : memref<112x64xf32, #tpu.memory_space<vmem>>)
        tpu.yield
      }) : () -> ()
      "tpu.region"() ({
        %run_scoped3A = tpu.sem_alloc : memref<!tpu.dma_semaphore, #tpu.memory_space<semaphore_mem>>
        %dma_start3A = arith.constant 0 : i32
        %dma_start3A_33 = arith.constant 0 : i32
        %dma_start3A_34 = tpu.memref_slice %arg9[%dma_start3A, %dma_start3A_33] : memref<528x64xf32, #tpu.memory_space<vmem_shared>> -> memref<528x64xf32, #tpu.memory_space<vmem_shared>>
        tpu.enqueue_indirect_dma source(%arg7 : memref<112x64xf32, #tpu.memory_space<vmem>>) target(%dma_start3A_34 : memref<528x64xf32, #tpu.memory_space<vmem_shared>>) offsets(%arg6 : memref<112xi32, #tpu.memory_space<vmem>>) semaphore(%run_scoped3A : memref<!tpu.dma_semaphore, #tpu.memory_space<semaphore_mem>>) {add = true}
        %dma_wait3A = arith.constant 0 : i32
        %dma_wait3A_35 = arith.constant 0 : i32
        %dma_wait3A_36 = tpu.memref_slice %arg9[%dma_wait3A, %dma_wait3A_35] : memref<528x64xf32, #tpu.memory_space<vmem_shared>> -> memref<528x64xf32, #tpu.memory_space<vmem_shared>>
        tpu.wait_indirect_dma semaphore(%run_scoped3A : memref<!tpu.dma_semaphore, #tpu.memory_space<semaphore_mem>>) src(%arg7 : memref<112x64xf32, #tpu.memory_space<vmem>>) dst(%dma_wait3A_36 : memref<528x64xf32, #tpu.memory_space<vmem_shared>>)
        tpu.yield
      }) : () -> ()
      "tpu.region"() ({
        %run_scoped3A = tpu.sem_alloc : memref<!tpu.dma_semaphore, #tpu.memory_space<semaphore_mem>>
        %dma_start3A = arith.constant 0 : i32
        %dma_start3A_33 = arith.constant 0 : i32
        %dma_start3A_34 = tpu.memref_slice %arg10[%dma_start3A, %dma_start3A_33] : memref<528x64xf32, #tpu.memory_space<vmem_shared>> -> memref<528x64xf32, #tpu.memory_space<vmem_shared>>
        tpu.enqueue_indirect_dma source(%arg8 : memref<112x64xf32, #tpu.memory_space<vmem>>) target(%dma_start3A_34 : memref<528x64xf32, #tpu.memory_space<vmem_shared>>) offsets(%arg6 : memref<112xi32, #tpu.memory_space<vmem>>) semaphore(%run_scoped3A : memref<!tpu.dma_semaphore, #tpu.memory_space<semaphore_mem>>) {add = true}
        %dma_wait3A = arith.constant 0 : i32
        %dma_wait3A_35 = arith.constant 0 : i32
        %dma_wait3A_36 = tpu.memref_slice %arg10[%dma_wait3A, %dma_wait3A_35] : memref<528x64xf32, #tpu.memory_space<vmem_shared>> -> memref<528x64xf32, #tpu.memory_space<vmem_shared>>
        tpu.wait_indirect_dma semaphore(%run_scoped3A : memref<!tpu.dma_semaphore, #tpu.memory_space<semaphore_mem>>) src(%arg8 : memref<112x64xf32, #tpu.memory_space<vmem>>) dst(%dma_wait3A_36 : memref<528x64xf32, #tpu.memory_space<vmem_shared>>)
        tpu.yield
      }) : () -> ()
    }
    %scan3A_15 = arith.constant 14 : i32
    %barrier3A_16 = arith.constant 0 : index
    tpu.barrier barrier_id(%barrier3A_16)
    %mul3A_17 = arith.constant 33 : i32
    %mul3A_18 = arith.muli %arg1, %mul3A_17 : i32
    %mul3A_19 = arith.constant 528 : i32
    %mul3A_20 = arith.muli %arg0, %mul3A_19 : i32
    %add3A_21 = arith.addi %mul3A_20, %mul3A_18 : i32
    "tpu.region"() ({
      %run_scoped3A = tpu.sem_alloc : memref<!tpu.dma_semaphore, #tpu.memory_space<semaphore_mem>>
      %dma_start3A = arith.constant 0 : i32
      %dma_start3A_25 = tpu.memref_slice %arg4[%add3A_21, %dma_start3A] : memref<1056x64xf32, #tpu.memory_space<hbm>> -> memref<33x64xf32, #tpu.memory_space<hbm>>
      %dma_start3A_26 = arith.constant 0 : i32
      %dma_start3A_27 = tpu.memref_slice %arg9[%mul3A_18, %dma_start3A_26] : memref<528x64xf32, #tpu.memory_space<vmem_shared>> -> memref<33x64xf32, #tpu.memory_space<vmem_shared>>
      tpu.enqueue_dma source(%dma_start3A_27 : memref<33x64xf32, #tpu.memory_space<vmem_shared>>) target(%dma_start3A_25 : memref<33x64xf32, #tpu.memory_space<hbm>>) target_semaphore(%run_scoped3A : memref<!tpu.dma_semaphore, #tpu.memory_space<semaphore_mem>>)
      %dma_wait3A = arith.constant 0 : i32
      %dma_wait3A_28 = tpu.memref_slice %arg4[%add3A_21, %dma_wait3A] : memref<1056x64xf32, #tpu.memory_space<hbm>> -> memref<33x64xf32, #tpu.memory_space<hbm>>
      %dma_wait3A_29 = arith.constant 0 : i32
      %dma_wait3A_30 = tpu.memref_slice %arg9[%mul3A_18, %dma_wait3A_29] : memref<528x64xf32, #tpu.memory_space<vmem_shared>> -> memref<33x64xf32, #tpu.memory_space<vmem_shared>>
      tpu.wait_dma2 semaphore(%run_scoped3A : memref<!tpu.dma_semaphore, #tpu.memory_space<semaphore_mem>>) src(%dma_wait3A_30 : memref<33x64xf32, #tpu.memory_space<vmem_shared>>) dst(%dma_wait3A_28 : memref<33x64xf32, #tpu.memory_space<hbm>>)
      tpu.yield
    }) : () -> ()
    %mul3A_22 = arith.constant 528 : i32
    %mul3A_23 = arith.muli %arg0, %mul3A_22 : i32
    %add3A_24 = arith.addi %mul3A_23, %mul3A_18 : i32
    "tpu.region"() ({
      %run_scoped3A = tpu.sem_alloc : memref<!tpu.dma_semaphore, #tpu.memory_space<semaphore_mem>>
      %dma_start3A = arith.constant 0 : i32
      %dma_start3A_25 = tpu.memref_slice %arg5[%add3A_24, %dma_start3A] : memref<1056x64xf32, #tpu.memory_space<hbm>> -> memref<33x64xf32, #tpu.memory_space<hbm>>
      %dma_start3A_26 = arith.constant 0 : i32
      %dma_start3A_27 = tpu.memref_slice %arg10[%mul3A_18, %dma_start3A_26] : memref<528x64xf32, #tpu.memory_space<vmem_shared>> -> memref<33x64xf32, #tpu.memory_space<vmem_shared>>
      tpu.enqueue_dma source(%dma_start3A_27 : memref<33x64xf32, #tpu.memory_space<vmem_shared>>) target(%dma_start3A_25 : memref<33x64xf32, #tpu.memory_space<hbm>>) target_semaphore(%run_scoped3A : memref<!tpu.dma_semaphore, #tpu.memory_space<semaphore_mem>>)
      %dma_wait3A = arith.constant 0 : i32
      %dma_wait3A_28 = tpu.memref_slice %arg5[%add3A_24, %dma_wait3A] : memref<1056x64xf32, #tpu.memory_space<hbm>> -> memref<33x64xf32, #tpu.memory_space<hbm>>
      %dma_wait3A_29 = arith.constant 0 : i32
      %dma_wait3A_30 = tpu.memref_slice %arg10[%mul3A_18, %dma_wait3A_29] : memref<528x64xf32, #tpu.memory_space<vmem_shared>> -> memref<33x64xf32, #tpu.memory_space<vmem_shared>>
      tpu.wait_dma2 semaphore(%run_scoped3A : memref<!tpu.dma_semaphore, #tpu.memory_space<semaphore_mem>>) src(%dma_wait3A_30 : memref<33x64xf32, #tpu.memory_space<vmem_shared>>) dst(%dma_wait3A_28 : memref<33x64xf32, #tpu.memory_space<hbm>>)
      tpu.yield
    }) : () -> ()
    return
  }
}

module attributes {stable_mosaic.version = 14 : i64} {
  func.func @_emb_body(%arg0: i32, %arg1: memref<1024x4xf32, #tpu.memory_space<vmem>>, %arg2: memref<4x64xf32, #tpu.memory_space<vmem>>, %arg3: memref<1x64xf32, #tpu.memory_space<vmem>>, %arg4: memref<64x64xf32, #tpu.memory_space<vmem>>, %arg5: memref<1x64xf32, #tpu.memory_space<vmem>>, %arg6: memref<1024x64xf32, #tpu.memory_space<vmem>>, %arg7: memref<1024x64xf32, #tpu.memory_space<vmem>>) attributes {dimension_semantics = [#tpu.dimension_semantics<arbitrary>], iteration_bounds = array<i64: 49>, scalar_prefetch = 0 : i64, scratch_operands = 0 : i64, tpu.core_type = #tpu.core_type<tc>, window_params = [{transform_indices = @transform_0, window_bounds = array<i64: 1024, 4>}, {pipeline_mode = #tpu.pipeline_mode<synchronous>, transform_indices = @transform_1, window_bounds = array<i64: 4, 64>}, {pipeline_mode = #tpu.pipeline_mode<synchronous>, transform_indices = @transform_2, window_bounds = array<i64: 1, 64>}, {pipeline_mode = #tpu.pipeline_mode<synchronous>, transform_indices = @transform_3, window_bounds = array<i64: 64, 64>}, {pipeline_mode = #tpu.pipeline_mode<synchronous>, transform_indices = @transform_4, window_bounds = array<i64: 1, 64>}, {transform_indices = @transform_5, window_bounds = array<i64: 1024, 64>}, {transform_indices = @transform_6, window_bounds = array<i64: 1024, 64>}]} {
    %get3A = arith.constant 0 : index
    %get3A_0 = arith.constant 0 : index
    %get3A_1 = vector.load %arg1[%get3A, %get3A_0] : memref<1024x4xf32, #tpu.memory_space<vmem>>, vector<1024x4xf32>
    %get3A_2 = arith.constant 0 : index
    %get3A_3 = arith.constant 0 : index
    %get3A_4 = vector.load %arg2[%get3A_2, %get3A_3] : memref<4x64xf32, #tpu.memory_space<vmem>>, vector<4x64xf32>
    %dot_general3A = arith.constant dense<0.000000e+00> : vector<1024x64xf32>
    %dot_general3A_5 = tpu.matmul %get3A_1, %get3A_4, %dot_general3A {dimension_numbers = #tpu.dot_dimension_numbers<[1], [0], [0], [1], [0, 0, 1, 1], [], []>, transpose_lhs_hint = false} : vector<1024x4xf32>, vector<4x64xf32>, vector<1024x64xf32> -> vector<1024x64xf32>
    %get3A_6 = arith.constant 0 : index
    %get3A_7 = arith.constant 0 : index
    %get3A_8 = vector.load %arg3[%get3A_6, %get3A_7] : memref<1x64xf32, #tpu.memory_space<vmem>>, vector<1x64xf32>
    %add3A = vector.broadcast %get3A_8 : vector<1x64xf32> to vector<1024x64xf32>
    %add3A_9 = arith.addf %dot_general3A_5, %add3A : vector<1024x64xf32>
    %swap3A = arith.constant 0 : index
    %swap3A_10 = arith.constant 0 : index
    %swap3A_11 = vector.load %arg6[%swap3A, %swap3A_10] : memref<1024x64xf32, #tpu.memory_space<vmem>>, vector<1024x64xf32>
    tpu.vector_store %arg6[%swap3A, %swap3A_10], %add3A_9 {strides = array<i32>} : memref<1024x64xf32, #tpu.memory_space<vmem>>, vector<1024x64xf32>,
    %get3A_12 = arith.constant 0 : index
    %get3A_13 = arith.constant 0 : index
    %get3A_14 = vector.load %arg4[%get3A_12, %get3A_13] : memref<64x64xf32, #tpu.memory_space<vmem>>, vector<64x64xf32>
    %dot_general3A_15 = arith.constant dense<0.000000e+00> : vector<1024x64xf32>
    %dot_general3A_16 = tpu.matmul %add3A_9, %get3A_14, %dot_general3A_15 {dimension_numbers = #tpu.dot_dimension_numbers<[1], [0], [0], [1], [0, 0, 1, 1], [], []>, transpose_lhs_hint = false} : vector<1024x64xf32>, vector<64x64xf32>, vector<1024x64xf32> -> vector<1024x64xf32>
    %get3A_17 = arith.constant 0 : index
    %get3A_18 = arith.constant 0 : index
    %get3A_19 = vector.load %arg5[%get3A_17, %get3A_18] : memref<1x64xf32, #tpu.memory_space<vmem>>, vector<1x64xf32>
    %add3A_20 = vector.broadcast %get3A_19 : vector<1x64xf32> to vector<1024x64xf32>
    %add3A_21 = arith.addf %dot_general3A_16, %add3A_20 : vector<1024x64xf32>
    %swap3A_22 = arith.constant 0 : index
    %swap3A_23 = arith.constant 0 : index
    %swap3A_24 = vector.load %arg7[%swap3A_22, %swap3A_23] : memref<1024x64xf32, #tpu.memory_space<vmem>>, vector<1024x64xf32>
    tpu.vector_store %arg7[%swap3A_22, %swap3A_23], %add3A_21 {strides = array<i32>} : memref<1024x64xf32, #tpu.memory_space<vmem>>, vector<1024x64xf32>,
    return
  }
  func.func @transform_0(%arg0: i32) -> (i32, i32) {
    %c0_i32 = arith.constant 0 : i32
    %c0_i32_0 = arith.constant 0 : i32
    return %arg0, %c0_i32 : i32, i32
  }
  func.func @transform_1(%arg0: i32) -> (i32, i32) {
    %c0_i32 = arith.constant 0 : i32
    %c0_i32_0 = arith.constant 0 : i32
    %c0_i32_1 = arith.constant 0 : i32
    return %c0_i32, %c0_i32_0 : i32, i32
  }
  func.func @transform_2(%arg0: i32) -> (i32, i32) {
    %c0_i32 = arith.constant 0 : i32
    %c0_i32_0 = arith.constant 0 : i32
    %c0_i32_1 = arith.constant 0 : i32
    return %c0_i32, %c0_i32_0 : i32, i32
  }
  func.func @transform_3(%arg0: i32) -> (i32, i32) {
    %c0_i32 = arith.constant 0 : i32
    %c0_i32_0 = arith.constant 0 : i32
    %c0_i32_1 = arith.constant 0 : i32
    return %c0_i32, %c0_i32_0 : i32, i32
  }
  func.func @transform_4(%arg0: i32) -> (i32, i32) {
    %c0_i32 = arith.constant 0 : i32
    %c0_i32_0 = arith.constant 0 : i32
    %c0_i32_1 = arith.constant 0 : i32
    return %c0_i32, %c0_i32_0 : i32, i32
  }
  func.func @transform_5(%arg0: i32) -> (i32, i32) {
    %c0_i32 = arith.constant 0 : i32
    %c0_i32_0 = arith.constant 0 : i32
    return %arg0, %c0_i32 : i32, i32
  }
  func.func @transform_6(%arg0: i32) -> (i32, i32) {
    %c0_i32 = arith.constant 0 : i32
    %c0_i32_0 = arith.constant 0 : i32
    return %arg0, %c0_i32 : i32, i32
  }
}

module attributes {stable_mosaic.version = 14 : i64} {
  func.func @_ef_body(%arg0: i32, %arg1: memref<1x1x2048xf32, #tpu.memory_space<vmem>>, %arg2: memref<3x10x64xf32, #tpu.memory_space<vmem>>, %arg3: memref<3x64xf32, #tpu.memory_space<vmem>>, %arg4: memref<2048x64xf32, #tpu.memory_space<vmem>>, %arg5: memref<2048x64xf32, #tpu.memory_space<vmem>>, %arg6: memref<2048x64xf32, #tpu.memory_space<vmem>>) attributes {dimension_semantics = [#tpu.dimension_semantics<arbitrary>], iteration_bounds = array<i64: 391>, scalar_prefetch = 0 : i64, scratch_operands = 0 : i64, tpu.core_type = #tpu.core_type<tc>, window_params = [{transform_indices = @transform_0, window_bounds = array<i64: 1, 1, 2048>}, {pipeline_mode = #tpu.pipeline_mode<synchronous>, transform_indices = @transform_1, window_bounds = array<i64: 3, 10, 64>}, {pipeline_mode = #tpu.pipeline_mode<synchronous>, transform_indices = @transform_2, window_bounds = array<i64: 3, 64>}, {transform_indices = @transform_3, window_bounds = array<i64: 2048, 64>}, {transform_indices = @transform_4, window_bounds = array<i64: 2048, 64>}, {transform_indices = @transform_5, window_bounds = array<i64: 2048, 64>}]} {
    %get3A = arith.constant 0 : index
    %get3A_0 = arith.constant 0 : index
    %get3A_1 = arith.constant 0 : index
    %get3A_2 = vector.load %arg1[%get3A, %get3A_0, %get3A_1] : memref<1x1x2048xf32, #tpu.memory_space<vmem>>, vector<1x1x2048xf32>
    %get3A_3 = vector.shape_cast %get3A_2 : vector<1x1x2048xf32> to vector<2048xf32>
    %iota3A = tpu.iota {dimensions = array<i32: 1>} : vector<1x10xi32>
    %iota3A_4 = vector.shape_cast %iota3A : vector<1x10xi32> to vector<10xi32>
    %convert_element_type3A = arith.sitofp %iota3A_4 : vector<10xi32> to vector<10xf32>
    %mul3A = arith.constant 0.666666686 : f32
    %mul3A_5 = vector.broadcast %mul3A : f32 to vector<10xf32>
    %mul3A_6 = arith.mulf %convert_element_type3A, %mul3A_5 : vector<10xf32>
    %broadcast_in_dim3A = vector.shape_cast %get3A_3 : vector<2048xf32> to vector<2048x1xf32>
    %broadcast_in_dim3A_7 = vector.shape_cast %mul3A_6 : vector<10xf32> to vector<1x10xf32>
    %sub3A = vector.broadcast %broadcast_in_dim3A : vector<2048x1xf32> to vector<2048x10xf32>
    %sub3A_8 = vector.broadcast %broadcast_in_dim3A_7 : vector<1x10xf32> to vector<2048x10xf32>
    %sub3A_9 = arith.subf %sub3A, %sub3A_8 : vector<2048x10xf32>
    %mul3A_10 = arith.constant -1.125000e+00 : f32
    %mul3A_11 = vector.broadcast %mul3A_10 : f32 to vector<2048x10xf32>
    %mul3A_12 = arith.mulf %mul3A_11, %sub3A_9 : vector<2048x10xf32>
    %mul3A_13 = arith.mulf %mul3A_12, %sub3A_9 : vector<2048x10xf32>
    %exp3A = math.exp %mul3A_13 : vector<2048x10xf32>
    %get3A_14 = arith.constant 0 : index
    %get3A_15 = arith.constant 0 : index
    %get3A_16 = arith.constant 0 : index
    %get3A_17 = vector.load %arg2[%get3A_14, %get3A_15, %get3A_16] : memref<3x10x64xf32, #tpu.memory_space<vmem>>, vector<1x10x64xf32>
    %get3A_18 = vector.shape_cast %get3A_17 : vector<1x10x64xf32> to vector<10x64xf32>
    %dot_general3A = arith.constant dense<0.000000e+00> : vector<2048x64xf32>
    %dot_general3A_19 = tpu.matmul %exp3A, %get3A_18, %dot_general3A {dimension_numbers = #tpu.dot_dimension_numbers<[1], [0], [0], [1], [0, 0, 1, 1], [], []>, transpose_lhs_hint = false} : vector<2048x10xf32>, vector<10x64xf32>, vector<2048x64xf32> -> vector<2048x64xf32>
    %get3A_20 = arith.constant 0 : index
    %get3A_21 = arith.constant 0 : index
    %get3A_22 = vector.load %arg3[%get3A_20, %get3A_21] : memref<3x64xf32, #tpu.memory_space<vmem>>, vector<1x64xf32>
    %get3A_23 = vector.shape_cast %get3A_22 : vector<1x64xf32> to vector<64xf32>
    %broadcast_in_dim3A_24 = vector.shape_cast %get3A_23 : vector<64xf32> to vector<1x64xf32>
    %add3A = vector.broadcast %broadcast_in_dim3A_24 : vector<1x64xf32> to vector<2048x64xf32>
    %add3A_25 = arith.addf %dot_general3A_19, %add3A : vector<2048x64xf32>
    %swap3A = arith.constant 0 : index
    %swap3A_26 = arith.constant 0 : index
    %swap3A_27 = vector.load %arg4[%swap3A, %swap3A_26] : memref<2048x64xf32, #tpu.memory_space<vmem>>, vector<2048x64xf32>
    tpu.vector_store %arg4[%swap3A, %swap3A_26], %add3A_25 {strides = array<i32>} : memref<2048x64xf32, #tpu.memory_space<vmem>>, vector<2048x64xf32>,
    %get3A_28 = arith.constant 1 : index
    %get3A_29 = arith.constant 0 : index
    %get3A_30 = arith.constant 0 : index
    %get3A_31 = vector.load %arg2[%get3A_28, %get3A_29, %get3A_30] : memref<3x10x64xf32, #tpu.memory_space<vmem>>, vector<1x10x64xf32>
    %get3A_32 = vector.shape_cast %get3A_31 : vector<1x10x64xf32> to vector<10x64xf32>
    %dot_general3A_33 = arith.constant dense<0.000000e+00> : vector<2048x64xf32>
    %dot_general3A_34 = tpu.matmul %exp3A, %get3A_32, %dot_general3A_33 {dimension_numbers = #tpu.dot_dimension_numbers<[1], [0], [0], [1], [0, 0, 1, 1], [], []>, transpose_lhs_hint = false} : vector<2048x10xf32>, vector<10x64xf32>, vector<2048x64xf32> -> vector<2048x64xf32>
    %get3A_35 = arith.constant 1 : index
    %get3A_36 = arith.constant 0 : index
    %get3A_37 = vector.load %arg3[%get3A_35, %get3A_36] : memref<3x64xf32, #tpu.memory_space<vmem>>, vector<1x64xf32>
    %get3A_38 = vector.shape_cast %get3A_37 : vector<1x64xf32> to vector<64xf32>
    %broadcast_in_dim3A_39 = vector.shape_cast %get3A_38 : vector<64xf32> to vector<1x64xf32>
    %add3A_40 = vector.broadcast %broadcast_in_dim3A_39 : vector<1x64xf32> to vector<2048x64xf32>
    %add3A_41 = arith.addf %dot_general3A_34, %add3A_40 : vector<2048x64xf32>
    %swap3A_42 = arith.constant 0 : index
    %swap3A_43 = arith.constant 0 : index
    %swap3A_44 = vector.load %arg5[%swap3A_42, %swap3A_43] : memref<2048x64xf32, #tpu.memory_space<vmem>>, vector<2048x64xf32>
    tpu.vector_store %arg5[%swap3A_42, %swap3A_43], %add3A_41 {strides = array<i32>} : memref<2048x64xf32, #tpu.memory_space<vmem>>, vector<2048x64xf32>,
    %get3A_45 = arith.constant 2 : index
    %get3A_46 = arith.constant 0 : index
    %get3A_47 = arith.constant 0 : index
    %get3A_48 = vector.load %arg2[%get3A_45, %get3A_46, %get3A_47] : memref<3x10x64xf32, #tpu.memory_space<vmem>>, vector<1x10x64xf32>
    %get3A_49 = vector.shape_cast %get3A_48 : vector<1x10x64xf32> to vector<10x64xf32>
    %dot_general3A_50 = arith.constant dense<0.000000e+00> : vector<2048x64xf32>
    %dot_general3A_51 = tpu.matmul %exp3A, %get3A_49, %dot_general3A_50 {dimension_numbers = #tpu.dot_dimension_numbers<[1], [0], [0], [1], [0, 0, 1, 1], [], []>, transpose_lhs_hint = false} : vector<2048x10xf32>, vector<10x64xf32>, vector<2048x64xf32> -> vector<2048x64xf32>
    %get3A_52 = arith.constant 2 : index
    %get3A_53 = arith.constant 0 : index
    %get3A_54 = vector.load %arg3[%get3A_52, %get3A_53] : memref<3x64xf32, #tpu.memory_space<vmem>>, vector<1x64xf32>
    %get3A_55 = vector.shape_cast %get3A_54 : vector<1x64xf32> to vector<64xf32>
    %broadcast_in_dim3A_56 = vector.shape_cast %get3A_55 : vector<64xf32> to vector<1x64xf32>
    %add3A_57 = vector.broadcast %broadcast_in_dim3A_56 : vector<1x64xf32> to vector<2048x64xf32>
    %add3A_58 = arith.addf %dot_general3A_51, %add3A_57 : vector<2048x64xf32>
    %swap3A_59 = arith.constant 0 : index
    %swap3A_60 = arith.constant 0 : index
    %swap3A_61 = vector.load %arg6[%swap3A_59, %swap3A_60] : memref<2048x64xf32, #tpu.memory_space<vmem>>, vector<2048x64xf32>
    tpu.vector_store %arg6[%swap3A_59, %swap3A_60], %add3A_58 {strides = array<i32>} : memref<2048x64xf32, #tpu.memory_space<vmem>>, vector<2048x64xf32>,
    return
  }
  func.func @transform_0(%arg0: i32) -> (i32, i32, i32) {
    %c0_i32 = arith.constant 0 : i32
    %c0_i32_0 = arith.constant 0 : i32
    %c0_i32_1 = arith.constant 0 : i32
    return %arg0, %c0_i32, %c0_i32_0 : i32, i32, i32
  }
  func.func @transform_1(%arg0: i32) -> (i32, i32, i32) {
    %c0_i32 = arith.constant 0 : i32
    %c0_i32_0 = arith.constant 0 : i32
    %c0_i32_1 = arith.constant 0 : i32
    %c0_i32_2 = arith.constant 0 : i32
    return %c0_i32, %c0_i32_0, %c0_i32_1 : i32, i32, i32
  }
  func.func @transform_2(%arg0: i32) -> (i32, i32) {
    %c0_i32 = arith.constant 0 : i32
    %c0_i32_0 = arith.constant 0 : i32
    %c0_i32_1 = arith.constant 0 : i32
    return %c0_i32, %c0_i32_0 : i32, i32
  }
  func.func @transform_3(%arg0: i32) -> (i32, i32) {
    %c0_i32 = arith.constant 0 : i32
    %c0_i32_0 = arith.constant 0 : i32
    return %arg0, %c0_i32 : i32, i32
  }
  func.func @transform_4(%arg0: i32) -> (i32, i32) {
    %c0_i32 = arith.constant 0 : i32
    %c0_i32_0 = arith.constant 0 : i32
    return %arg0, %c0_i32 : i32, i32
  }
  func.func @transform_5(%arg0: i32) -> (i32, i32) {
    %c0_i32 = arith.constant 0 : i32
    %c0_i32_0 = arith.constant 0 : i32
    return %arg0, %c0_i32 : i32, i32
  }
}

module attributes {stable_mosaic.version = 14 : i64} {
  func.func @_post_body(%arg0: i32, %arg1: memref<1024x64xf32, #tpu.memory_space<vmem>>, %arg2: memref<1024x64xf32, #tpu.memory_space<vmem>>, %arg3: memref<64x64xf32, #tpu.memory_space<vmem>>, %arg4: memref<1x64xf32, #tpu.memory_space<vmem>>, %arg5: memref<64x64xf32, #tpu.memory_space<vmem>>, %arg6: memref<1x64xf32, #tpu.memory_space<vmem>>, %arg7: memref<1024x64xf32, #tpu.memory_space<vmem>>, %arg8: memref<1024x64xf32, #tpu.memory_space<vmem>>) attributes {dimension_semantics = [#tpu.dimension_semantics<arbitrary>], iteration_bounds = array<i64: 49>, scalar_prefetch = 0 : i64, scratch_operands = 0 : i64, tpu.core_type = #tpu.core_type<tc>, window_params = [{transform_indices = @transform_0, window_bounds = array<i64: 1024, 64>}, {transform_indices = @transform_1, window_bounds = array<i64: 1024, 64>}, {pipeline_mode = #tpu.pipeline_mode<synchronous>, transform_indices = @transform_2, window_bounds = array<i64: 64, 64>}, {pipeline_mode = #tpu.pipeline_mode<synchronous>, transform_indices = @transform_3, window_bounds = array<i64: 1, 64>}, {pipeline_mode = #tpu.pipeline_mode<synchronous>, transform_indices = @transform_4, window_bounds = array<i64: 64, 64>}, {pipeline_mode = #tpu.pipeline_mode<synchronous>, transform_indices = @transform_5, window_bounds = array<i64: 1, 64>}, {transform_indices = @transform_6, window_bounds = array<i64: 1024, 64>}, {transform_indices = @transform_7, window_bounds = array<i64: 1024, 64>}]} {
    %get3A = arith.constant 0 : index
    %get3A_0 = arith.constant 0 : index
    %get3A_1 = vector.load %arg1[%get3A, %get3A_0] : memref<1024x64xf32, #tpu.memory_space<vmem>>, vector<1024x64xf32>
    %get3A_2 = arith.constant 0 : index
    %get3A_3 = arith.constant 0 : index
    %get3A_4 = vector.load %arg2[%get3A_2, %get3A_3] : memref<1024x64xf32, #tpu.memory_space<vmem>>, vector<1024x64xf32>
    %get3A_5 = arith.constant 0 : index
    %get3A_6 = arith.constant 0 : index
    %get3A_7 = vector.load %arg3[%get3A_5, %get3A_6] : memref<64x64xf32, #tpu.memory_space<vmem>>, vector<64x64xf32>
    %dot_general3A = arith.constant dense<0.000000e+00> : vector<1024x64xf32>
    %dot_general3A_8 = tpu.matmul %get3A_4, %get3A_7, %dot_general3A {dimension_numbers = #tpu.dot_dimension_numbers<[1], [0], [0], [1], [0, 0, 1, 1], [], []>, transpose_lhs_hint = false} : vector<1024x64xf32>, vector<64x64xf32>, vector<1024x64xf32> -> vector<1024x64xf32>
    %add3A = arith.addf %get3A_1, %dot_general3A_8 : vector<1024x64xf32>
    %get3A_9 = arith.constant 0 : index
    %get3A_10 = arith.constant 0 : index
    %get3A_11 = vector.load %arg4[%get3A_9, %get3A_10] : memref<1x64xf32, #tpu.memory_space<vmem>>, vector<1x64xf32>
    %add3A_12 = vector.broadcast %get3A_11 : vector<1x64xf32> to vector<1024x64xf32>
    %add3A_13 = arith.addf %add3A, %add3A_12 : vector<1024x64xf32>
    %max3A = arith.constant 0.000000e+00 : f32
    %max3A_14 = vector.broadcast %max3A : f32 to vector<1024x64xf32>
    %max3A_15 = arith.maximumf %add3A_13, %max3A_14 : vector<1024x64xf32>
    %abs3A = math.absf %add3A_13 : vector<1024x64xf32>
    %neg3A = arith.constant 0.000000e+00 : f32
    %neg3A_16 = vector.broadcast %neg3A : f32 to vector<1024x64xf32>
    %neg3A_17 = arith.subf %neg3A_16, %abs3A : vector<1024x64xf32>
    %exp3A = math.exp %neg3A_17 : vector<1024x64xf32>
    %log1p3A = math.log1p %exp3A : vector<1024x64xf32>
    %add3A_18 = arith.addf %max3A_15, %log1p3A : vector<1024x64xf32>
    %swap3A = arith.constant 0 : index
    %swap3A_19 = arith.constant 0 : index
    %swap3A_20 = vector.load %arg7[%swap3A, %swap3A_19] : memref<1024x64xf32, #tpu.memory_space<vmem>>, vector<1024x64xf32>
    tpu.vector_store %arg7[%swap3A, %swap3A_19], %add3A_18 {strides = array<i32>} : memref<1024x64xf32, #tpu.memory_space<vmem>>, vector<1024x64xf32>,
    %get3A_21 = arith.constant 0 : index
    %get3A_22 = arith.constant 0 : index
    %get3A_23 = vector.load %arg5[%get3A_21, %get3A_22] : memref<64x64xf32, #tpu.memory_space<vmem>>, vector<64x64xf32>
    %dot_general3A_24 = arith.constant dense<0.000000e+00> : vector<1024x64xf32>
    %dot_general3A_25 = tpu.matmul %add3A_18, %get3A_23, %dot_general3A_24 {dimension_numbers = #tpu.dot_dimension_numbers<[1], [0], [0], [1], [0, 0, 1, 1], [], []>, transpose_lhs_hint = false} : vector<1024x64xf32>, vector<64x64xf32>, vector<1024x64xf32> -> vector<1024x64xf32>
    %get3A_26 = arith.constant 0 : index
    %get3A_27 = arith.constant 0 : index
    %get3A_28 = vector.load %arg6[%get3A_26, %get3A_27] : memref<1x64xf32, #tpu.memory_space<vmem>>, vector<1x64xf32>
    %add3A_29 = vector.broadcast %get3A_28 : vector<1x64xf32> to vector<1024x64xf32>
    %add3A_30 = arith.addf %dot_general3A_25, %add3A_29 : vector<1024x64xf32>
    %swap3A_31 = arith.constant 0 : index
    %swap3A_32 = arith.constant 0 : index
    %swap3A_33 = vector.load %arg8[%swap3A_31, %swap3A_32] : memref<1024x64xf32, #tpu.memory_space<vmem>>, vector<1024x64xf32>
    tpu.vector_store %arg8[%swap3A_31, %swap3A_32], %add3A_30 {strides = array<i32>} : memref<1024x64xf32, #tpu.memory_space<vmem>>, vector<1024x64xf32>,
    return
  }
  func.func @transform_0(%arg0: i32) -> (i32, i32) {
    %c0_i32 = arith.constant 0 : i32
    %c0_i32_0 = arith.constant 0 : i32
    return %arg0, %c0_i32 : i32, i32
  }
  func.func @transform_1(%arg0: i32) -> (i32, i32) {
    %c0_i32 = arith.constant 0 : i32
    %c0_i32_0 = arith.constant 0 : i32
    return %arg0, %c0_i32 : i32, i32
  }
  func.func @transform_2(%arg0: i32) -> (i32, i32) {
    %c0_i32 = arith.constant 0 : i32
    %c0_i32_0 = arith.constant 0 : i32
    %c0_i32_1 = arith.constant 0 : i32
    return %c0_i32, %c0_i32_0 : i32, i32
  }
  func.func @transform_3(%arg0: i32) -> (i32, i32) {
    %c0_i32 = arith.constant 0 : i32
    %c0_i32_0 = arith.constant 0 : i32
    %c0_i32_1 = arith.constant 0 : i32
    return %c0_i32, %c0_i32_0 : i32, i32
  }
  func.func @transform_4(%arg0: i32) -> (i32, i32) {
    %c0_i32 = arith.constant 0 : i32
    %c0_i32_0 = arith.constant 0 : i32
    %c0_i32_1 = arith.constant 0 : i32
    return %c0_i32, %c0_i32_0 : i32, i32
  }
  func.func @transform_5(%arg0: i32) -> (i32, i32) {
    %c0_i32 = arith.constant 0 : i32
    %c0_i32_0 = arith.constant 0 : i32
    %c0_i32_1 = arith.constant 0 : i32
    return %c0_i32, %c0_i32_0 : i32, i32
  }
  func.func @transform_6(%arg0: i32) -> (i32, i32) {
    %c0_i32 = arith.constant 0 : i32
    %c0_i32_0 = arith.constant 0 : i32
    return %arg0, %c0_i32 : i32, i32
  }
  func.func @transform_7(%arg0: i32) -> (i32, i32) {
    %c0_i32 = arith.constant 0 : i32
    %c0_i32_0 = arith.constant 0 : i32
    return %arg0, %c0_i32 : i32, i32
  }
}

module attributes {stable_mosaic.version = 14 : i64} {
  func.func @_post_last_body(%arg0: i32, %arg1: memref<1024x64xf32, #tpu.memory_space<vmem>>, %arg2: memref<1024x64xf32, #tpu.memory_space<vmem>>, %arg3: memref<64x64xf32, #tpu.memory_space<vmem>>, %arg4: memref<1x64xf32, #tpu.memory_space<vmem>>, %arg5: memref<1024x64xf32, #tpu.memory_space<vmem>>) attributes {dimension_semantics = [#tpu.dimension_semantics<arbitrary>], iteration_bounds = array<i64: 49>, scalar_prefetch = 0 : i64, scratch_operands = 0 : i64, tpu.core_type = #tpu.core_type<tc>, window_params = [{transform_indices = @transform_0, window_bounds = array<i64: 1024, 64>}, {transform_indices = @transform_1, window_bounds = array<i64: 1024, 64>}, {pipeline_mode = #tpu.pipeline_mode<synchronous>, transform_indices = @transform_2, window_bounds = array<i64: 64, 64>}, {pipeline_mode = #tpu.pipeline_mode<synchronous>, transform_indices = @transform_3, window_bounds = array<i64: 1, 64>}, {transform_indices = @transform_4, window_bounds = array<i64: 1024, 64>}]} {
    %get3A = arith.constant 0 : index
    %get3A_0 = arith.constant 0 : index
    %get3A_1 = vector.load %arg1[%get3A, %get3A_0] : memref<1024x64xf32, #tpu.memory_space<vmem>>, vector<1024x64xf32>
    %get3A_2 = arith.constant 0 : index
    %get3A_3 = arith.constant 0 : index
    %get3A_4 = vector.load %arg2[%get3A_2, %get3A_3] : memref<1024x64xf32, #tpu.memory_space<vmem>>, vector<1024x64xf32>
    %get3A_5 = arith.constant 0 : index
    %get3A_6 = arith.constant 0 : index
    %get3A_7 = vector.load %arg3[%get3A_5, %get3A_6] : memref<64x64xf32, #tpu.memory_space<vmem>>, vector<64x64xf32>
    %dot_general3A = arith.constant dense<0.000000e+00> : vector<1024x64xf32>
    %dot_general3A_8 = tpu.matmul %get3A_4, %get3A_7, %dot_general3A {dimension_numbers = #tpu.dot_dimension_numbers<[1], [0], [0], [1], [0, 0, 1, 1], [], []>, transpose_lhs_hint = false} : vector<1024x64xf32>, vector<64x64xf32>, vector<1024x64xf32> -> vector<1024x64xf32>
    %add3A = arith.addf %get3A_1, %dot_general3A_8 : vector<1024x64xf32>
    %get3A_9 = arith.constant 0 : index
    %get3A_10 = arith.constant 0 : index
    %get3A_11 = vector.load %arg4[%get3A_9, %get3A_10] : memref<1x64xf32, #tpu.memory_space<vmem>>, vector<1x64xf32>
    %add3A_12 = vector.broadcast %get3A_11 : vector<1x64xf32> to vector<1024x64xf32>
    %add3A_13 = arith.addf %add3A, %add3A_12 : vector<1024x64xf32>
    %max3A = arith.constant 0.000000e+00 : f32
    %max3A_14 = vector.broadcast %max3A : f32 to vector<1024x64xf32>
    %max3A_15 = arith.maximumf %add3A_13, %max3A_14 : vector<1024x64xf32>
    %abs3A = math.absf %add3A_13 : vector<1024x64xf32>
    %neg3A = arith.constant 0.000000e+00 : f32
    %neg3A_16 = vector.broadcast %neg3A : f32 to vector<1024x64xf32>
    %neg3A_17 = arith.subf %neg3A_16, %abs3A : vector<1024x64xf32>
    %exp3A = math.exp %neg3A_17 : vector<1024x64xf32>
    %log1p3A = math.log1p %exp3A : vector<1024x64xf32>
    %add3A_18 = arith.addf %max3A_15, %log1p3A : vector<1024x64xf32>
    %swap3A = arith.constant 0 : index
    %swap3A_19 = arith.constant 0 : index
    %swap3A_20 = vector.load %arg5[%swap3A, %swap3A_19] : memref<1024x64xf32, #tpu.memory_space<vmem>>, vector<1024x64xf32>
    tpu.vector_store %arg5[%swap3A, %swap3A_19], %add3A_18 {strides = array<i32>} : memref<1024x64xf32, #tpu.memory_space<vmem>>, vector<1024x64xf32>,
    return
  }
  func.func @transform_0(%arg0: i32) -> (i32, i32) {
    %c0_i32 = arith.constant 0 : i32
    %c0_i32_0 = arith.constant 0 : i32
    return %arg0, %c0_i32 : i32, i32
  }
  func.func @transform_1(%arg0: i32) -> (i32, i32) {
    %c0_i32 = arith.constant 0 : i32
    %c0_i32_0 = arith.constant 0 : i32
    return %arg0, %c0_i32 : i32, i32
  }
  func.func @transform_2(%arg0: i32) -> (i32, i32) {
    %c0_i32 = arith.constant 0 : i32
    %c0_i32_0 = arith.constant 0 : i32
    %c0_i32_1 = arith.constant 0 : i32
    return %c0_i32, %c0_i32_0 : i32, i32
  }
  func.func @transform_3(%arg0: i32) -> (i32, i32) {
    %c0_i32 = arith.constant 0 : i32
    %c0_i32_0 = arith.constant 0 : i32
    %c0_i32_1 = arith.constant 0 : i32
    return %c0_i32, %c0_i32_0 : i32, i32
  }
  func.func @transform_4(%arg0: i32) -> (i32, i32) {
    %c0_i32 = arith.constant 0 : i32
    %c0_i32_0 = arith.constant 0 : i32
    return %arg0, %c0_i32 : i32, i32
  }
}

module attributes {stable_mosaic.version = 14 : i64} {
  func.func @_head_body(%arg0: memref<1056x64xf32, #tpu.memory_space<vmem>>, %arg1: memref<1056x64xf32, #tpu.memory_space<vmem>>, %arg2: memref<512x2xf32, #tpu.memory_space<vmem>>, %arg3: memref<66x128xf32, #tpu.memory_space<vmem>>, %arg4: memref<1x128xf32, #tpu.memory_space<vmem>>, %arg5: memref<128x64xf32, #tpu.memory_space<vmem>>, %arg6: memref<1x64xf32, #tpu.memory_space<vmem>>, %arg7: memref<64x1xf32, #tpu.memory_space<vmem>>, %arg8: memref<1x1xf32, #tpu.memory_space<vmem>>, %arg9: memref<128x64xf32, #tpu.memory_space<vmem>>, %arg10: memref<1x64xf32, #tpu.memory_space<vmem>>, %arg11: memref<64x1xf32, #tpu.memory_space<vmem>>, %arg12: memref<1x1xf32, #tpu.memory_space<vmem>>, %arg13: memref<512x1xf32, #tpu.memory_space<vmem>>, %arg14: memref<512x1xf32, #tpu.memory_space<vmem>>) attributes {dimension_semantics = [], scalar_prefetch = 0 : i64, scratch_operands = 0 : i64, tpu.core_type = #tpu.core_type<tc>} {
    %get3A = arith.constant 0 : index
    %get3A_0 = arith.constant 0 : index
    %get3A_1 = vector.load %arg0[%get3A, %get3A_0] : memref<1056x64xf32, #tpu.memory_space<vmem>>, vector<512x64xf32>
    %get3A_2 = arith.constant 528 : index
    %get3A_3 = arith.constant 0 : index
    %get3A_4 = vector.load %arg0[%get3A_2, %get3A_3] : memref<1056x64xf32, #tpu.memory_space<vmem>>, vector<512x64xf32>
    %add3A = arith.addf %get3A_1, %get3A_4 : vector<512x64xf32>
    %get3A_5 = arith.constant 0 : index
    %get3A_6 = arith.constant 0 : index
    %get3A_7 = vector.load %arg1[%get3A_5, %get3A_6] : memref<1056x64xf32, #tpu.memory_space<vmem>>, vector<512x1xf32>
    %get3A_8 = arith.constant 528 : index
    %get3A_9 = arith.constant 0 : index
    %get3A_10 = vector.load %arg1[%get3A_8, %get3A_9] : memref<1056x64xf32, #tpu.memory_space<vmem>>, vector<512x1xf32>
    %add3A_11 = arith.addf %get3A_7, %get3A_10 : vector<512x1xf32>
    %max3A = arith.constant 1.000000e+00 : f32
    %max3A_12 = vector.broadcast %max3A : f32 to vector<512x1xf32>
    %max3A_13 = arith.maximumf %add3A_11, %max3A_12 : vector<512x1xf32>
    %div3A = vector.broadcast %max3A_13 : vector<512x1xf32> to vector<512x64xf32>
    %div3A_14 = arith.divf %add3A, %div3A : vector<512x64xf32>
    %get3A_15 = arith.constant 0 : index
    %get3A_16 = arith.constant 0 : index
    %get3A_17 = vector.load %arg3[%get3A_15, %get3A_16] : memref<66x128xf32, #tpu.memory_space<vmem>>, vector<66x128xf32>
    %slice3A = vector.extract_strided_slice %get3A_17 {offsets = [0, 0], sizes = [64, 128], strides = [1, 1]} : vector<66x128xf32> to vector<64x128xf32>
    %dot_general3A = arith.constant dense<0.000000e+00> : vector<512x128xf32>
    %dot_general3A_18 = tpu.matmul %div3A_14, %slice3A, %dot_general3A {dimension_numbers = #tpu.dot_dimension_numbers<[1], [0], [0], [1], [0, 0, 1, 1], [], []>, transpose_lhs_hint = false} : vector<512x64xf32>, vector<64x128xf32>, vector<512x128xf32> -> vector<512x128xf32>
    %get3A_19 = arith.constant 0 : index
    %get3A_20 = arith.constant 0 : index
    %get3A_21 = vector.load %arg2[%get3A_19, %get3A_20] : memref<512x2xf32, #tpu.memory_space<vmem>>, vector<512x2xf32>
    %slice3A_22 = vector.extract_strided_slice %get3A_17 {offsets = [64, 0], sizes = [2, 128], strides = [1, 1]} : vector<66x128xf32> to vector<2x128xf32>
    %dot_general3A_23 = arith.constant dense<0.000000e+00> : vector<512x128xf32>
    %dot_general3A_24 = tpu.matmul %get3A_21, %slice3A_22, %dot_general3A_23 {dimension_numbers = #tpu.dot_dimension_numbers<[1], [0], [0], [1], [0, 0, 1, 1], [], []>, transpose_lhs_hint = false} : vector<512x2xf32>, vector<2x128xf32>, vector<512x128xf32> -> vector<512x128xf32>
    %add3A_25 = arith.addf %dot_general3A_18, %dot_general3A_24 : vector<512x128xf32>
    %get3A_26 = arith.constant 0 : index
    %get3A_27 = arith.constant 0 : index
    %get3A_28 = vector.load %arg4[%get3A_26, %get3A_27] : memref<1x128xf32, #tpu.memory_space<vmem>>, vector<1x128xf32>
    %add3A_29 = vector.broadcast %get3A_28 : vector<1x128xf32> to vector<512x128xf32>
    %add3A_30 = arith.addf %add3A_25, %add3A_29 : vector<512x128xf32>
    %max3A_31 = arith.constant 0.000000e+00 : f32
    %max3A_32 = vector.broadcast %max3A_31 : f32 to vector<512x128xf32>
    %max3A_33 = arith.maximumf %add3A_30, %max3A_32 : vector<512x128xf32>
    %get3A_34 = arith.constant 0 : index
    %get3A_35 = arith.constant 0 : index
    %get3A_36 = vector.load %arg5[%get3A_34, %get3A_35] : memref<128x64xf32, #tpu.memory_space<vmem>>, vector<128x64xf32>
    %dot_general3A_37 = arith.constant dense<0.000000e+00> : vector<512x64xf32>
    %dot_general3A_38 = tpu.matmul %max3A_33, %get3A_36, %dot_general3A_37 {dimension_numbers = #tpu.dot_dimension_numbers<[1], [0], [0], [1], [0, 0, 1, 1], [], []>, transpose_lhs_hint = false} : vector<512x128xf32>, vector<128x64xf32>, vector<512x64xf32> -> vector<512x64xf32>
    %get3A_39 = arith.constant 0 : index
    %get3A_40 = arith.constant 0 : index
    %get3A_41 = vector.load %arg6[%get3A_39, %get3A_40] : memref<1x64xf32, #tpu.memory_space<vmem>>, vector<1x64xf32>
    %add3A_42 = vector.broadcast %get3A_41 : vector<1x64xf32> to vector<512x64xf32>
    %add3A_43 = arith.addf %dot_general3A_38, %add3A_42 : vector<512x64xf32>
    %max3A_44 = arith.constant 0.000000e+00 : f32
    %max3A_45 = vector.broadcast %max3A_44 : f32 to vector<512x64xf32>
    %max3A_46 = arith.maximumf %add3A_43, %max3A_45 : vector<512x64xf32>
    %get3A_47 = arith.constant 0 : index
    %get3A_48 = arith.constant 0 : index
    %get3A_49 = vector.load %arg7[%get3A_47, %get3A_48] : memref<64x1xf32, #tpu.memory_space<vmem>>, vector<64x1xf32>
    %dot_general3A_50 = arith.constant dense<0.000000e+00> : vector<512x1xf32>
    %dot_general3A_51 = tpu.matmul %max3A_46, %get3A_49, %dot_general3A_50 {dimension_numbers = #tpu.dot_dimension_numbers<[1], [0], [0], [1], [0, 0, 1, 1], [], []>, transpose_lhs_hint = false} : vector<512x64xf32>, vector<64x1xf32>, vector<512x1xf32> -> vector<512x1xf32>
    %get3A_52 = arith.constant 0 : index
    %get3A_53 = arith.constant 0 : index
    %get3A_54 = vector.load %arg8[%get3A_52, %get3A_53] : memref<1x1xf32, #tpu.memory_space<vmem>>, vector<1x1xf32>
    %add3A_55 = vector.broadcast %get3A_54 : vector<1x1xf32> to vector<512x1xf32>
    %add3A_56 = arith.addf %dot_general3A_51, %add3A_55 : vector<512x1xf32>
    %max3A_57 = arith.constant 0.000000e+00 : f32
    %max3A_58 = vector.broadcast %max3A_57 : f32 to vector<512x1xf32>
    %max3A_59 = arith.maximumf %add3A_56, %max3A_58 : vector<512x1xf32>
    %log1p3A = math.log1p %max3A_59 : vector<512x1xf32>
    %swap3A = arith.constant 0 : index
    %swap3A_60 = arith.constant 0 : index
    %swap3A_61 = vector.load %arg13[%swap3A, %swap3A_60] : memref<512x1xf32, #tpu.memory_space<vmem>>, vector<512x1xf32>
    tpu.vector_store %arg13[%swap3A, %swap3A_60], %log1p3A {strides = array<i32>} : memref<512x1xf32, #tpu.memory_space<vmem>>, vector<512x1xf32>,
    %get3A_62 = arith.constant 0 : index
    %get3A_63 = arith.constant 0 : index
    %get3A_64 = vector.load %arg9[%get3A_62, %get3A_63] : memref<128x64xf32, #tpu.memory_space<vmem>>, vector<128x64xf32>
    %dot_general3A_65 = arith.constant dense<0.000000e+00> : vector<512x64xf32>
    %dot_general3A_66 = tpu.matmul %max3A_33, %get3A_64, %dot_general3A_65 {dimension_numbers = #tpu.dot_dimension_numbers<[1], [0], [0], [1], [0, 0, 1, 1], [], []>, transpose_lhs_hint = false} : vector<512x128xf32>, vector<128x64xf32>, vector<512x64xf32> -> vector<512x64xf32>
    %get3A_67 = arith.constant 0 : index
    %get3A_68 = arith.constant 0 : index
    %get3A_69 = vector.load %arg10[%get3A_67, %get3A_68] : memref<1x64xf32, #tpu.memory_space<vmem>>, vector<1x64xf32>
    %add3A_70 = vector.broadcast %get3A_69 : vector<1x64xf32> to vector<512x64xf32>
    %add3A_71 = arith.addf %dot_general3A_66, %add3A_70 : vector<512x64xf32>
    %max3A_72 = arith.constant 0.000000e+00 : f32
    %max3A_73 = vector.broadcast %max3A_72 : f32 to vector<512x64xf32>
    %max3A_74 = arith.maximumf %add3A_71, %max3A_73 : vector<512x64xf32>
    %get3A_75 = arith.constant 0 : index
    %get3A_76 = arith.constant 0 : index
    %get3A_77 = vector.load %arg11[%get3A_75, %get3A_76] : memref<64x1xf32, #tpu.memory_space<vmem>>, vector<64x1xf32>
    %dot_general3A_78 = arith.constant dense<0.000000e+00> : vector<512x1xf32>
    %dot_general3A_79 = tpu.matmul %max3A_74, %get3A_77, %dot_general3A_78 {dimension_numbers = #tpu.dot_dimension_numbers<[1], [0], [0], [1], [0, 0, 1, 1], [], []>, transpose_lhs_hint = false} : vector<512x64xf32>, vector<64x1xf32>, vector<512x1xf32> -> vector<512x1xf32>
    %get3A_80 = arith.constant 0 : index
    %get3A_81 = arith.constant 0 : index
    %get3A_82 = vector.load %arg12[%get3A_80, %get3A_81] : memref<1x1xf32, #tpu.memory_space<vmem>>, vector<1x1xf32>
    %add3A_83 = vector.broadcast %get3A_82 : vector<1x1xf32> to vector<512x1xf32>
    %add3A_84 = arith.addf %dot_general3A_79, %add3A_83 : vector<512x1xf32>
    %swap3A_85 = arith.constant 0 : index
    %swap3A_86 = arith.constant 0 : index
    %swap3A_87 = vector.load %arg14[%swap3A_85, %swap3A_86] : memref<512x1xf32, #tpu.memory_space<vmem>>, vector<512x1xf32>
    tpu.vector_store %arg14[%swap3A_85, %swap3A_86], %add3A_84 {strides = array<i32>} : memref<512x1xf32, #tpu.memory_space<vmem>>, vector<512x1xf32>,
    return
  }
}

</mosaic_0001>

<sc_bundles>
// kernel: kernel.12.cloned.1.call-start
scs
__scs_entry_jumppad:
0x0: {  	(pc) =	sbr.rel $0x88, $3  }
0x1: {  	(tag) =	ssettag $0x0;
	lr =	simm.s32 $0x1  }
0x2: {  	[smem:$0x3F8A] =	sst lr;
	_ =	strace $0xD0000000  }
0x3: {  	_ = 	snop  }
0x4: {  	_ = 	snop  }
0x5: {  	_ = 	snop  }
0x6: {  	_ = 	snop  }
0x7: {  	_ = 	snop  }
__scs_overlays_trampoline_lowered:
0x8: {  	[smem:$0x3F99] =	sst s0  }
0x9: {  	[smem:$0x3F9A] =	sst s1  }
0xa: {  	[smem:$0x3F9B] =	sst s2  }
0xb: {  	[smem:$0x3F9C] =	sst s3  }
0xc: {  	[smem:$0x3F9D] =	sst s4  }
0xd: {  	[smem:$0x3F9E] =	sst s5  }
0xe: {  	[smem:$0x3F9F] =	sst s6  }
0xf: {  	[smem:$0x3FA0] =	sst s7  }
0x10: {  	[smem:$0x3FA1] =	sst s8  }
0x11: {  	[smem:$0x3FA2] =	sst s9;
	s0 =	simm.s32 @!p0 $0x0  }
0x12: {  	s1 =	sld [smem:$0x3F88];
	s0 =	simm.s32 @p0 $0x1  }
0x13: {  	[smem:$0x3FA3] =	sst s0;
	s0 =	simm.s32 @!p1 $0x0  }
0x14: {  	s2 =	sld [smem:$0x3F87];
	s0 =	simm.s32 @p1 $0x1  }
0x15: {  	[smem:$0x3FA4] =	sst s0;
	s0 =	simm.s32 @!p2 $0x0  }
0x16: {  	s3 =	sld [smem:$0x3FDB];
	s0 =	simm.s32 @p2 $0x1  }
0x17: {  	s4 =	simm.s32 $0x1BF5;
	[smem:$0x3FA6] =	sst s0  }
0x18: {  	s0 =	sld [smem:$0x3F89];
	_ =	swait.ge [sflag:s4], $0x0  }
0x19: {  	s7 =	sld [smem:$0x3F8A]  }
0x1a: {  	s8 =	sadd.s32 $0xFFFFE003, lr  }
0x1b: {  	s9 =	sadd.s32 $0xFFFFFEF7, lr;
	s5 =	simm.s32 $0xFFFFFFFF;
	p2 =	slt.u32 s8, $0xFFFFF086  }
0x1c: {  	p1 =	slt.u32 s9, $0xF7A;
	s5 =	simm.s32 @!p2 $0x0  }
0x1d: {  	s5 =	simm.s32 @p1 $0x1;
	p0 =	seq.s32 s7, s2  }
0x1e: {  	s7 =	smul.u32 @!p0 $0xF7A, s2;
	p2 =	seq.s32 @!p0 s5, $0x0  }
0x1f: {  	s9 =	smul.u32 $0xF7A, s1;
	s8 =	simm.s32 @!p0 $0x1BF5;
	p2 =	por !p2, p0  }
0x20: {  	[sflag:s8] =	ssyncset.s32 @!p0 $0xFFFFF086;
	s6 =	sadd.s32 @!p0 s3, s7;
	s7 =	simm.s32 @!p0 $0x108  }
0x21: {  	s3 =	sadd.s32 s3, s9;
	s6 =	sadd.s32 @!p0 $0x88, s6;
	s7 =	simm.s32 @p2 $0x1082  }
0x22: {  	[simem:s7], [sflag:s8] =	dma.local @!p0 [hbm:s6], $0xF7A  }
0x23: {  	s9 =	sor.u32 $0xD0000000, s2;
	s6 =	simm.s32 $0x108;
	_ =	swait.ge @!p0 [sflag:s8], $0x0  }
0x24: {  	s3 =	sadd.s32 $0x88, s3;
	s6 =	simm.s32 @!p1 $0x1082;
	[sflag:s4] =	ssyncset.s32 $0xFFFFF086  }
0x25: {  	[simem:s6], [sflag:s4] =	dma.local [hbm:s3], $0xF7A  }
0x26: {  	[smem:$0x3F8A] =	sst s1;
	(tag) =	ssettag s2;
	_ =	strace s9  }
0x27: {  	s1 =	sld [smem:$0x3F9A]  }
0x28: {  	s2 =	sld [smem:$0x3F9B]  }
0x29: {  	s4 =	sld [smem:$0x3F9D]  }
0x2a: {  	p0 =	seq.s32 s5, $0x0;
	s5 =	sld [smem:$0x3F9E]  }
0x2b: {  	s6 =	sld [smem:$0x3F9F]  }
0x2c: {  	s7 =	sld [smem:$0x3FA0]  }
0x2d: {  	s3 =	simm.s32 $0x108;
	s8 =	sld [smem:$0x3FA1]  }
0x2e: {  	s3 =	simm.s32 @!p0 $0x1082;
	s9 =	sld [smem:$0x3FA2]  }
0x2f: {  	lr =	sadd.s32 s0, s3;
	s0 =	sld [smem:$0x3F99]  }
0x30: {  	s3 =	sld [smem:$0x3F9C]  }
0x31: {  	[smem:$0x3FA5] =	sst s10  }
0x32: {  	s10 =	sld [smem:$0x3FA3];
	_ =	sdelay $0x3  }
0x33: {  	p0 =	seq.s32 s10, $0x1;
	s10 =	sld [smem:$0x3FA5];
	_ =	sdelay $0x3  }
0x34: {  	[smem:$0x3FA5] =	sst s10  }
0x35: {  	s10 =	sld [smem:$0x3FA4];
	_ =	sdelay $0x3  }
0x36: {  	p1 =	seq.s32 s10, $0x1;
	s10 =	sld [smem:$0x3FA5];
	_ =	sdelay $0x3  }
0x37: {  	[smem:$0x3FA5] =	sst s10  }
0x38: {  	s10 =	sld [smem:$0x3FA6]  }
0x39: {  	_ = 	snop;
	(pc) =	sbr.ind lr, $3  }
0x3a: {  	_ = 	snop  }
0x3b: {  	_ = 	snop  }
0x3c: {  	p2 =	seq.s32 s10, $0x1;
	s10 =	sld [smem:$0x3FA5]  }
0x3d: {  	_ =	shalt  }
0x3e: {  	_ =	shalt  }
0x3f: {  	_ =	shalt  }
0x40: {  	_ =	shalt  }
0x41: {  	_ =	shalt  }
0x42: {  	_ =	shalt  }
0x43: {  	_ =	shalt  }
0x44: {  	_ =	shalt  }
0x45: {  	_ =	shalt  }
0x46: {  	_ =	shalt  }
0x47: {  	_ =	shalt  }
0x48: {  	_ =	shalt  }
0x49: {  	_ =	shalt  }
0x4a: {  	_ =	shalt  }
0x4b: {  	_ =	shalt  }
0x4c: {  	_ =	shalt  }
0x4d: {  	_ =	shalt  }
0x4e: {  	_ =	shalt  }
0x4f: {  	_ =	shalt  }
0x50: {  	_ =	shalt  }
0x51: {  	_ =	shalt  }
0x52: {  	_ =	shalt  }
0x53: {  	_ =	shalt  }
0x54: {  	_ =	shalt  }
0x55: {  	_ =	shalt  }
0x56: {  	_ =	shalt  }
0x57: {  	_ =	shalt  }
0x58: {  	_ =	shalt  }
0x59: {  	_ =	shalt  }
0x5a: {  	_ =	shalt  }
0x5b: {  	_ =	shalt  }
0x5c: {  	_ =	shalt  }
0x5d: {  	_ =	shalt  }
0x5e: {  	_ =	shalt  }
0x5f: {  	_ =	shalt  }
0x60: {  	_ =	shalt  }
0x61: {  	_ =	shalt  }
0x62: {  	_ =	shalt  }
0x63: {  	_ =	shalt  }
0x64: {  	_ =	shalt  }
0x65: {  	_ =	shalt  }
0x66: {  	_ =	shalt  }
0x67: {  	_ =	shalt  }
0x68: {  	_ =	shalt  }
0x69: {  	_ =	shalt  }
0x6a: {  	_ =	shalt  }
0x6b: {  	_ =	shalt  }
0x6c: {  	_ =	shalt  }
0x6d: {  	_ =	shalt  }
0x6e: {  	_ =	shalt  }
0x6f: {  	_ =	shalt  }
0x70: {  	_ =	shalt  }
0x71: {  	_ =	shalt  }
0x72: {  	_ =	shalt  }
0x73: {  	_ =	shalt  }
0x74: {  	_ =	shalt  }
0x75: {  	_ =	shalt  }
0x76: {  	_ =	shalt  }
0x77: {  	_ =	shalt  }
0x78: {  	_ =	shalt  }
0x79: {  	_ =	shalt  }
0x7a: {  	_ =	shalt  }
0x7b: {  	_ =	shalt  }
0x7c: {  	_ =	shalt  }
0x7d: {  	_ =	shalt  }
0x7e: {  	_ =	shalt  }
0x7f: {  	_ =	shalt  }
0x80: {  	_ =	shalt  }
0x81: {  	_ =	shalt  }
0x82: {  	_ =	shalt  }
0x83: {  	_ =	shalt  }
0x84: {  	_ =	shalt  }
0x85: {  	_ =	shalt  }
0x86: {  	_ =	shalt  }
0x87: {  	_ =	shalt  }
.Lfunc_end0:
.L_simem_size_0:
called_computation_lowered:
.L_overlay_start_0:
0x88: {  	s2 =	sld [smem:$0x3FD9]  }
0x89: {  	s3 =	sld [smem:$0x3FFE];
	_ =	sdelay $0x1  }
0x8a: {  	s1 =	srdreg.scid  }
0x8b: {  	s0 =	sand.u32 $0x1, s1  }
0x8c: {  	s16 =	sshll.u32 s0, $0xA;
	s2 =	sadd.s32 s3, s2  }
0x8d: {  	s2 =	sadd.s32 s2, s16  }
0x8e: {  	[smem:$0x3FB1] =	sst s2  }
0x8f: {  	_ = 	snop  }
0x90: {  	(tm) =	ssettm $0x1  }
0x91: {  	s17 =	sld [smem:$0x3FFB];
	_ =	sdelay $0x3  }
0x92: {  	_ =	strace s17  }
0x93: {  	s2 =	sld [smem:$0x3FFC];
	_ =	sdelay $0x3  }
0x94: {  	_ =	strace s2  }
0x95: {  	s2 =	sld [smem:$0x3FFD];
	_ =	sdelay $0x3  }
0x96: {  	_ =	strace s2  }
0x97: {  	_ =	strace $0x8FFFFFFF  }
0x98: {  	s18 =	sld [smem:$0x3FDB];
	_ =	sdelay $0x1  }
0x99: {  	s19 =	simm.s32 $_scs_section_size  }
0x9a: {  	s4 =	simm.s32 $_size__tile_overlayer_lowered;
	s5 =	simm.s32 $_tile_overlayer_lowered  }
0x9b: {  	s22 =	simm.s32 $0x1BFF;
	s21 =	sshll.u32 s5, $0x1;
	s2 =	sadd.s32 s19, s18  }
0x9c: {  	s6 =	simm.s32 $0x0;
	s20 =	sshll.u32 s4, $0x1;
	s4 =	sadd.s32 s21, s2  }
0x9d: {  	[timem:s6], [sflag:s22] =	dma.local [hbm:s4], s20  }
0x9e: {  	_ =	swait.ge [sflag:s22], s20  }
0x9f: {  	s3 =	ssub.s32 $0x0, s20;
	[sflag:s22] =	ssyncset.done $0x0  }
0xa0: {  	[sflag:s22] =	ssyncadd.s32 s3;
	_ =	sdelay $0x1  }
0xa1: {  	s23 =	simm.s32 $0x1B8B  }
0xa2: {  	_ =	swait.ge [sflag:s23], $0x1  }
0xa3: {  	[sflag:s23] =	ssyncset.done $0x0  }
0xa4: {  	s25 =	simm.s32 $0x1B8E;
	s24 =	sld [smem:$0x3FFE];
	[sflag:s23] =	ssyncadd.s32 $0xFFFFFFFF  }
0xa5: {  	s26 =	simm.s32 $execute0_lowered;
	[smem:$0x3FD2] =	sst s25  }
0xa6: {  	s4 =	sshll.u32 s26, $0x1;
	_ =	strace $0x80000046;
	[dreg:$0x1] =	wrdreg $0xFFFFFFFF  }
0xa7: {  	s28 =	simm.s32 $_size_execute0_lowered;
	s2 =	sadd.s32 s2, s4;
	[dreg:$0x0] =	wrdreg $0x0  }
0xa8: {  	s4 =	sshll.u32 s28, $0x1;
	[dreg:$0x2] =	wrdreg s2  }
0xa9: {  	[dreg:$0x3] =	wrdreg s4  }
0xaa: {  	[dreg:$0x4] =	wrdreg $0xC0  }
0xab: {  	_ =	task [dreg:s6], $0x5FFFF  }
0xac: {  	[dreg:$0x1] =	wrdreg $0xFFFFFFFF  }
0xad: {  	[dreg:$0x0] =	wrdreg $0x60  }
0xae: {  	[dreg:$0x2] =	wrdreg s24  }
0xaf: {  	[dreg:$0x3] =	wrdreg $0x61800  }
0xb0: {  	[dreg:$0x4] =	wrdreg $0x9  }
0xb1: {  	_ =	task.clear_ibuf [dreg:s6], $0x5FFFF;
	_ =	strace $0x90000046  }
0xb2: {  	s29 =	simm.s32 $0x9;
	_ =	strace $0x80000048  }
0xb3: {  	_ =	swait.ge [sflag:s29], $0x1  }
0xb4: {  	[sflag:s29] =	ssyncadd.s32 $0xFFFFFFFF  }
0xb5: {  	_ =	strace $0x90000048  }
0xb6: {  	_ =	sfence  }
0xb7: {  	s30 =	sld [smem:$0x0];
	_ =	sdelay $0x2  }
0xb8: {  	s31 =	sshll.u32 s1, $0xD;
	s1 =	sshrl.u32 s1, $0x2  }
0xb9: {  	s3 =	sand.u32 $0x4000, s31;
	s1 =	sadd.s32 s1, s30  }
0xba: {  	s0 =	sor.u32 s3, s0;
	s1 =	sshll.u32 s1, $0x11  }
0xbb: {  	s0 =	sor.u32 s1, s0  }
0xbc: {  	s0 =	sadd.s32 $0x8F2B, s0  }
0xbd: {  	[sflag:s0] =	ssyncadd.remote.s32 $0x1  }
0xbe: {  	_ =	sfence.sel $0xFFFF  }
0xbf: {  	[dreg:$0x0] =	wrdreg $0xFFFFFFFF;
	(pc) =	sbr.abs _section_cstart, $3  }
0xc0: {  	[dreg:$0x1] =	wrdreg $0xFFFFFFFF  }
0xc1: {  	_ =	task.clear_ibuf [dreg:s6], $0x2FFFF;
	_ =	strace $0x9FFFFFFF  }
0xc2: {  	(tm) =	ssettm $0x7FFFFFFF  }
0xc3: {  	_ =	shalt  }
tec
execute0_lowered:
.L_overlay_start_1:
0x0: {  	(tag) =	ssettag $0x1  }
0x1: {  	s0 =	rddreg [dreg:$0x0]  }
0x2: {  	s1 =	rddreg [dreg:$0x1];
	s12 =	stileid.u32  }
0x3: {  	s2 =	simm.s32 $0x0;
	s4 =	srdreg.scid;
	s10 =	smul.u32 $0x62100, s12  }
0x4: {  	[smem:$0x7FF] =	sst s2;
	s4 =	sand.u32 $0x1, s4;
	s25 =	smul.u32 $0x61C00, s12  }
0x5: {  	s5 =	sadd.s32 $0x26FB000, s0;
	_ =	strace $0x80000047;
	s9 =	ssub.s32 $0x2, s4  }
0x6: {  	s11 =	sshrl.u32 s9, $0x1;
	s23 =	sshrl.u32 s10, $0x2;
	s15 =	sadd.s32 s5, s25  }
0x7: {  	s9 =	ssub.s32 s9, s11;
	s11 =	sadd.s32 s23, s1;
	[dreg:$0x7] =	wrdreg s15  }
0x8: {  	s28 =	simm.s32 $0x3100;
	s14 =	sadd.s32 $0x18000, s11;
	[dreg:$0x3] =	wrdreg s11  }
0x9: {  	s29 =	simm.s32 $0x4180;
	s16 =	smax.u32 s9, $0x1;
	[dreg:$0x4] =	wrdreg s14  }
0xa: {  	s30 =	simm.s32 $0x2;
	s17 =	sadd.s32 $0x1000, s11;
	[dreg:$0x8] =	wrdreg s16  }
0xb: {  	s3 =	sadd.s32 $0x5600, s0;
	s18 =	sadd.s32 $0x2000, s11;
	[dreg:$0x9] =	wrdreg s17  }
0xc: {  	s6 =	sadd.s32 $0x67600, s0;
	s20 =	sadd.s32 $0x3000, s11;
	[dreg:$0xa] =	wrdreg s18  }
0xd: {  	s7 =	sadd.s32 $0x7FE00, s0;
	s21 =	sadd.s32 $0x4000, s11;
	[dreg:$0xb] =	wrdreg s20  }
0xe: {  	s19 =	smul.u32 $0x62000, s12;
	s23 =	sadd.s32 $0x5000, s11;
	[dreg:$0xc] =	wrdreg s21  }
0xf: {  	s8 =	smul.u32 $0x31000, s4;
	s25 =	sadd.s32 $0x7000, s11;
	[dreg:$0xd] =	wrdreg s23  }
0x10: {  	s22 =	smul.u32 $0x3100, s12;
	s9 =	sadd.s32 $0xA000, s11;
	[dreg:$0xf] =	wrdreg s25  }
0x11: {  	s0 =	sadd.s32 s8, s0;
	s10 =	sadd.s32 $0xB000, s11;
	[dreg:$0x13] =	wrdreg s9  }
0x12: {  	s8 =	smul.u32 $0xC380, s12;
	s12 =	sadd.s32 $0xC000, s11;
	[dreg:$0x14] =	wrdreg s10  }
0x13: {  	s13 =	smul.u32 $0x6200, s4;
	s15 =	sadd.s32 $0xD000, s11;
	[dreg:$0x15] =	wrdreg s12  }
0x14: {  	s0 =	sadd.s32 s22, s0;
	s22 =	sadd.s32 $0x14000, s11;
	[dreg:$0x16] =	wrdreg s15  }
0x15: {  	s31 =	simm.s32 $0x80;
	s16 =	sadd.s32 $0xE000, s11;
	[dreg:$0x1d] =	wrdreg s22  }
0x16: {  	v0 =	vmov s13;
	s13 =	simm.s32 $0x0;
	s17 =	sadd.s32 $0xF000, s11;
	[dreg:$0x17] =	wrdreg s16  }
0x17: {  	s24 =	sshrl.u32 s8, $0x3;
	s18 =	sadd.s32 $0x10000, s11;
	[dreg:$0x18] =	wrdreg s17  }
0x18: {  	s14 =	sadd.s32 $0x80, s8;
	s20 =	sadd.s32 $0x12000, s11;
	[dreg:$0x19] =	wrdreg s18  }
0x19: {  	s21 =	sadd.s32 $0x13000, s11;
	s23 =	sadd.s32 $0x15000, s11;
	[dreg:$0x1b] =	wrdreg s20  }
0x1a: {  	s25 =	sadd.s32 $0x16000, s11;
	s22 =	simm.s32 $0x1;
	[dreg:$0x1c] =	wrdreg s21  }
0x1b: {  	s10 =	simm.s32 $0x5;
	s12 =	simm.s32 $0x5180;
	[dreg:$0x1e] =	wrdreg s23  }
0x1c: {  	s15 =	simm.s32 $0x6;
	s26 =	sadd.s32 s6, s24;
	[dreg:$0x1f] =	wrdreg s25  }
0x1d: {  	s4 =	sadd.s32 s7, s24;
	s24 =	sadd.s32 $0x6000, s11;
	[dreg:$0x5] =	wrdreg s26  }
0x1e: {  	s20 =	simm.s32 $0x7;
	s21 =	simm.s32 $0x40;
	[dreg:$0x6] =	wrdreg s4  }
0x1f: {  	[dreg:$0xe] =	wrdreg s24;
	s4 =	sshrl.u32 s19, $0x2;
	s26 =	sadd.s32 $0x8000, s11  }
0x20: {  	s24 =	sadd.s32 $0xCB000, s0;
	s19 =	sadd.s32 $0x11000, s11;
	[dreg:$0x11] =	wrdreg s26  }
0x21: {  	s0 =	simm.s32 $0x4;
	s4 =	sadd.s32 s4, s1;
	[dreg:$0x1a] =	wrdreg s19  }
0x22: {  	s26 =	sadd.s32 $0x17000, s11;
	s19 =	simm.s32 $0x20C0;
	[dreg:$0x10] =	wrdreg s4  }
0x23: {  	s4 =	sadd.s32 $0x9000, s11;
	[smem:$0x7FD] =	sst s26;
	s26 =	simm.s32 $0x30C0  }
0x24: {  	v1 =	vimm.f32 $0.0e+00;
	s11 =	simm.s32 $0x3140;
	[dreg:$0x12] =	wrdreg s4;
	s4 =	simm.s32 $0x3180  }
.LBB2_1:
0x25: {  	[smem:$0x7FC] =	sst s13;
	s13 =	simm.s32 $0x100;
	s9 =	simm.s32 $0x0  }
.LBB2_2:
0x26: {  	p0 =	sne.s32 s13, $0x3F00;
	[tilespmem:s9+$0x20F0] =	vst v1;
	s16 =	smov.u32 s13;
	s13 =	sadd.s32 $0x100, s13  }
.Ltmp0:
0x27: {  	[tilespmem:s9+$0x20E0] =	vst v1;
	(pc) =	sbr.rel @p0 .LBB2_2-.Ltmp0, $3  }
0x28: {  	[tilespmem:s9+$0x20C0] =	vst v1  }
0x29: {  	[tilespmem:s9+$0x20D0] =	vst v1;
	_ =	sdelay $0x1  }
0x2a: {  	s9 =	sshra.s32 s16, $0x2  }
0x2b: {  	[tilespmem:s9+$0x20F0] =	vst v1  }
0x2c: {  	[tilespmem:s9+$0x20E0] =	vst v1  }
0x2d: {  	[tilespmem:s9+$0x20C0] =	vst v1  }
0x2e: {  	[tilespmem:s9+$0x20D0] =	vst v1;
	s17 =	rddreg [dreg:$0x3]  }
0x2f: {  	[spmem:s17] =	stream.linear.scatter [tilespmem:s19], [sflag:$0x7], $0x1000, $0x38;
	[tilespmem:$0x1E9C0] =	vst v63  }
0x30: {  	_ =	swait.ge [sflag:s20], $0x1000  }
0x31: {  	[sflag:s20] =	ssyncset.done $0x0  }
0x32: {  	s18 =	rddreg [dreg:$0x9];
	[sflag:s20] =	ssyncadd.s32 $0xFFFFF000  }
0x33: {  	[spmem:s18] =	stream.linear.scatter [tilespmem:s19], [sflag:$0x7], $0x1000, $0x38;
	[tilespmem:$0x1E9C0] =	vst v63  }
0x34: {  	_ =	swait.ge [sflag:s20], $0x1000  }
0x35: {  	[sflag:s20] =	ssyncset.done $0x0  }
0x36: {  	s23 =	rddreg [dreg:$0xa];
	[sflag:s20] =	ssyncadd.s32 $0xFFFFF000  }
0x37: {  	[spmem:s23] =	stream.linear.scatter [tilespmem:s19], [sflag:$0x7], $0x1000, $0x38;
	[tilespmem:$0x1E9C0] =	vst v63  }
0x38: {  	_ =	swait.ge [sflag:s20], $0x1000  }
0x39: {  	[sflag:s20] =	ssyncset.done $0x0  }
0x3a: {  	s25 =	rddreg [dreg:$0xb];
	[sflag:s20] =	ssyncadd.s32 $0xFFFFF000  }
0x3b: {  	[spmem:s25] =	stream.linear.scatter [tilespmem:s19], [sflag:$0x7], $0x1000, $0x38;
	[tilespmem:$0x1E9C0] =	vst v63  }
0x3c: {  	_ =	swait.ge [sflag:s20], $0x1000  }
0x3d: {  	[sflag:s20] =	ssyncset.done $0x0  }
0x3e: {  	s13 =	rddreg [dreg:$0xc];
	[sflag:s20] =	ssyncadd.s32 $0xFFFFF000  }
0x3f: {  	[spmem:s13] =	stream.linear.scatter [tilespmem:s19], [sflag:$0x7], $0x1000, $0x38;
	[tilespmem:$0x1E9C0] =	vst v63  }
0x40: {  	_ =	swait.ge [sflag:s20], $0x1000  }
0x41: {  	[sflag:s20] =	ssyncset.done $0x0  }
0x42: {  	s16 =	rddreg [dreg:$0xd];
	[sflag:s20] =	ssyncadd.s32 $0xFFFFF000  }
0x43: {  	[spmem:s16] =	stream.linear.scatter [tilespmem:s19], [sflag:$0x7], $0x1000, $0x38;
	[tilespmem:$0x1E9C0] =	vst v63  }
0x44: {  	_ =	swait.ge [sflag:s20], $0x1000  }
0x45: {  	[sflag:s20] =	ssyncset.done $0x0  }
0x46: {  	s17 =	rddreg [dreg:$0xe];
	[sflag:s20] =	ssyncadd.s32 $0xFFFFF000  }
0x47: {  	[spmem:s17] =	stream.linear.scatter [tilespmem:s19], [sflag:$0x7], $0x1000, $0x38;
	[tilespmem:$0x1E9C0] =	vst v63  }
0x48: {  	_ =	swait.ge [sflag:s20], $0x1000  }
0x49: {  	[sflag:s20] =	ssyncset.done $0x0  }
0x4a: {  	s18 =	rddreg [dreg:$0xf];
	[sflag:s20] =	ssyncadd.s32 $0xFFFFF000  }
0x4b: {  	[spmem:s18] =	stream.linear.scatter [tilespmem:s19], [sflag:$0x7], $0x1000, $0x38;
	[tilespmem:$0x1E9C0] =	vst v63  }
0x4c: {  	_ =	swait.ge [sflag:s20], $0x1000  }
0x4d: {  	[sflag:s20] =	ssyncset.done $0x0  }
0x4e: {  	s23 =	rddreg [dreg:$0x11];
	[sflag:s20] =	ssyncadd.s32 $0xFFFFF000  }
0x4f: {  	[spmem:s23] =	stream.linear.scatter [tilespmem:s19], [sflag:$0x7], $0x1000, $0x38;
	[tilespmem:$0x1E9C0] =	vst v63  }
0x50: {  	_ =	swait.ge [sflag:s20], $0x1000  }
0x51: {  	[sflag:s20] =	ssyncset.done $0x0  }
0x52: {  	s25 =	rddreg [dreg:$0x12];
	[sflag:s20] =	ssyncadd.s32 $0xFFFFF000  }
0x53: {  	[spmem:s25] =	stream.linear.scatter [tilespmem:s19], [sflag:$0x7], $0x1000, $0x38;
	[tilespmem:$0x1E9C0] =	vst v63  }
0x54: {  	_ =	swait.ge [sflag:s20], $0x1000  }
0x55: {  	[sflag:s20] =	ssyncset.done $0x0  }
0x56: {  	s13 =	rddreg [dreg:$0x13];
	[sflag:s20] =	ssyncadd.s32 $0xFFFFF000  }
0x57: {  	[spmem:s13] =	stream.linear.scatter [tilespmem:s19], [sflag:$0x7], $0x1000, $0x38;
	[tilespmem:$0x1E9C0] =	vst v63  }
0x58: {  	_ =	swait.ge [sflag:s20], $0x1000  }
0x59: {  	[sflag:s20] =	ssyncset.done $0x0  }
0x5a: {  	s16 =	rddreg [dreg:$0x14];
	[sflag:s20] =	ssyncadd.s32 $0xFFFFF000  }
0x5b: {  	[spmem:s16] =	stream.linear.scatter [tilespmem:s19], [sflag:$0x7], $0x1000, $0x38;
	[tilespmem:$0x1E9C0] =	vst v63  }
0x5c: {  	_ =	swait.ge [sflag:s20], $0x1000  }
0x5d: {  	[sflag:s20] =	ssyncset.done $0x0  }
0x5e: {  	s17 =	rddreg [dreg:$0x15];
	[sflag:s20] =	ssyncadd.s32 $0xFFFFF000  }
0x5f: {  	[spmem:s17] =	stream.linear.scatter [tilespmem:s19], [sflag:$0x7], $0x1000, $0x38;
	[tilespmem:$0x1E9C0] =	vst v63  }
0x60: {  	_ =	swait.ge [sflag:s20], $0x1000  }
0x61: {  	[sflag:s20] =	ssyncset.done $0x0  }
0x62: {  	s18 =	rddreg [dreg:$0x16];
	[sflag:s20] =	ssyncadd.s32 $0xFFFFF000  }
0x63: {  	[spmem:s18] =	stream.linear.scatter [tilespmem:s19], [sflag:$0x7], $0x1000, $0x38;
	[tilespmem:$0x1E9C0] =	vst v63  }
0x64: {  	_ =	swait.ge [sflag:s20], $0x1000  }
0x65: {  	[sflag:s20] =	ssyncset.done $0x0  }
0x66: {  	s23 =	rddreg [dreg:$0x17];
	[sflag:s20] =	ssyncadd.s32 $0xFFFFF000  }
0x67: {  	[spmem:s23] =	stream.linear.scatter [tilespmem:s19], [sflag:$0x7], $0x1000, $0x38;
	[tilespmem:$0x1E9C0] =	vst v63  }
0x68: {  	_ =	swait.ge [sflag:s20], $0x1000  }
0x69: {  	[sflag:s20] =	ssyncset.done $0x0  }
0x6a: {  	s25 =	rddreg [dreg:$0x18];
	[sflag:s20] =	ssyncadd.s32 $0xFFFFF000  }
0x6b: {  	[spmem:s25] =	stream.linear.scatter [tilespmem:s19], [sflag:$0x7], $0x1000, $0x38;
	[tilespmem:$0x1E9C0] =	vst v63  }
0x6c: {  	_ =	swait.ge [sflag:s20], $0x1000  }
0x6d: {  	[sflag:s20] =	ssyncset.done $0x0  }
0x6e: {  	s13 =	rddreg [dreg:$0x19];
	[sflag:s20] =	ssyncadd.s32 $0xFFFFF000  }
0x6f: {  	[spmem:s13] =	stream.linear.scatter [tilespmem:s19], [sflag:$0x7], $0x1000, $0x38;
	[tilespmem:$0x1E9C0] =	vst v63  }
0x70: {  	_ =	swait.ge [sflag:s20], $0x1000  }
0x71: {  	[sflag:s20] =	ssyncset.done $0x0  }
0x72: {  	s16 =	rddreg [dreg:$0x1a];
	[sflag:s20] =	ssyncadd.s32 $0xFFFFF000  }
0x73: {  	[spmem:s16] =	stream.linear.scatter [tilespmem:s19], [sflag:$0x7], $0x1000, $0x38;
	[tilespmem:$0x1E9C0] =	vst v63  }
0x74: {  	_ =	swait.ge [sflag:s20], $0x1000  }
0x75: {  	[sflag:s20] =	ssyncset.done $0x0  }
0x76: {  	s17 =	rddreg [dreg:$0x1b];
	[sflag:s20] =	ssyncadd.s32 $0xFFFFF000  }
0x77: {  	[spmem:s17] =	stream.linear.scatter [tilespmem:s19], [sflag:$0x7], $0x1000, $0x38;
	[tilespmem:$0x1E9C0] =	vst v63  }
0x78: {  	_ =	swait.ge [sflag:s20], $0x1000  }
0x79: {  	[sflag:s20] =	ssyncset.done $0x0  }
0x7a: {  	s18 =	rddreg [dreg:$0x1c];
	[sflag:s20] =	ssyncadd.s32 $0xFFFFF000  }
0x7b: {  	[spmem:s18] =	stream.linear.scatter [tilespmem:s19], [sflag:$0x7], $0x1000, $0x38;
	[tilespmem:$0x1E9C0] =	vst v63  }
0x7c: {  	_ =	swait.ge [sflag:s20], $0x1000  }
0x7d: {  	[sflag:s20] =	ssyncset.done $0x0  }
0x7e: {  	s23 =	rddreg [dreg:$0x1d];
	[sflag:s20] =	ssyncadd.s32 $0xFFFFF000  }
0x7f: {  	[spmem:s23] =	stream.linear.scatter [tilespmem:s19], [sflag:$0x7], $0x1000, $0x38;
	[tilespmem:$0x1E9C0] =	vst v63  }
0x80: {  	_ =	swait.ge [sflag:s20], $0x1000  }
0x81: {  	[sflag:s20] =	ssyncset.done $0x0  }
0x82: {  	s25 =	rddreg [dreg:$0x1e];
	[sflag:s20] =	ssyncadd.s32 $0xFFFFF000  }
0x83: {  	[spmem:s25] =	stream.linear.scatter [tilespmem:s19], [sflag:$0x7], $0x1000, $0x38;
	[tilespmem:$0x1E9C0] =	vst v63  }
0x84: {  	_ =	swait.ge [sflag:s20], $0x1000  }
0x85: {  	[sflag:s20] =	ssyncset.done $0x0  }
0x86: {  	s13 =	rddreg [dreg:$0x1f];
	[sflag:s20] =	ssyncadd.s32 $0xFFFFF000  }
0x87: {  	[spmem:s13] =	stream.linear.scatter [tilespmem:s19], [sflag:$0x7], $0x1000, $0x38;
	[tilespmem:$0x1E9C0] =	vst v63  }
0x88: {  	_ =	swait.ge [sflag:s20], $0x1000  }
0x89: {  	s16 =	sld [smem:$0x7FD]  }
0x8a: {  	[sflag:s20] =	ssyncset.done $0x0  }
0x8b: {  	[sflag:s20] =	ssyncadd.s32 $0xFFFFF000  }
0x8c: {  	[spmem:s16] =	stream.linear.scatter [tilespmem:s19], [sflag:$0x7], $0x1000, $0x38;
	[tilespmem:$0x1E9C0] =	vst v63  }
0x8d: {  	_ =	swait.ge [sflag:s20], $0x1000  }
0x8e: {  	[sflag:s20] =	ssyncset.done $0x0  }
0x8f: {  	s17 =	rddreg [dreg:$0x4];
	[sflag:s20] =	ssyncadd.s32 $0xFFFFF000  }
0x90: {  	[spmem:s17] =	stream.linear.scatter [tilespmem:s19], [sflag:$0x7], $0x840, $0x38;
	[tilespmem:$0x1E9C0] =	vst v63  }
0x91: {  	_ =	swait.ge [sflag:s20], $0x840  }
0x92: {  	[sflag:s20] =	ssyncset.done $0x0  }
0x93: {  	[sflag:s20] =	ssyncadd.s32 $0xFFFFF7C0  }
0x94: {  	[bflag:$0x0] =	sbarrier.arrive $0xFFFF  }
0x95: {  	s17 =	simm.s32 $0x0;
	s18 =	rddreg [dreg:$0x5]  }
0x96: {  	[tilespmem:s17], [sflag:$0x1] =	stream.linear.gather [hbm4b:s18+s17], $0x40, $0x38;
	[tilespmem:$0x1E9C0] =	vst v63  }
0x97: {  	s23 =	rddreg [dreg:$0x6]  }
0x98: {  	[tilespmem:s21], [sflag:$0x1] =	stream.linear.gather [hbm4b:s23+s17], $0x40, $0x38;
	[tilespmem:$0x1E9C0] =	vst v63  }
0x99: {  	s13 =	simm.s32 $0x10C0;
	s25 =	rddreg [dreg:$0x7]  }
0x9a: {  	[tilespmem:s13], [sflag:$0x1] =	stream.linear.gather [hbm4b:s25+s17], $0x1000, $0x38;
	[tilespmem:$0x1E9C0] =	vst v63  }
.LBB2_4:
0x9b: {  	_ =	swait.ge [sflag:s22], $0x40  }
0x9c: {  	[sflag:s22] =	ssyncset.done $0x0  }
0x9d: {  	[sflag:s22] =	ssyncadd.s32 $0xFFFFFFC0  }
0x9e: {  	_ =	swait.ge [sflag:s22], $0x40  }
0x9f: {  	[sflag:s22] =	ssyncset.done $0x0  }
0xa0: {  	[sflag:s22] =	ssyncadd.s32 $0xFFFFFFC0  }
0xa1: {  	_ =	swait.ge [sflag:s22], $0x1000  }
0xa2: {  	s18 =	sshll.u32 s17, $0x7;
	[sflag:s22] =	ssyncset.done $0x0  }
0xa3: {  	s9 =	simm.s32 $0xC0;
	s23 =	sadd.s32 s18, s8;
	[sflag:s22] =	ssyncadd.s32 $0xFFFFF000  }
0xa4: {  	[tilespmem:s9], [sflag:$0x2] =	stream.indirect.gather [hbm4b:s3+s21], $0x40, s2, s21, $0xb8;
	[tilespmem:$0x1E9C0] =	vst v63  }
0xa5: {  	s9 =	sadd.s32 $0x40, s23  }
0xa6: {  	s13 =	sshrl.u32 s9, $0x3  }
0xa7: {  	s16 =	sadd.s32 s6, s13  }
0xa8: {  	[tilespmem:s26], [sflag:$0x4] =	stream.linear.gather [hbm4b:s16+s2], $0x40, $0x38;
	[tilespmem:$0x1E9C0] =	vst v63  }
0xa9: {  	s9 =	sshll.u32 s9, $0x3;
	s13 =	sadd.s32 s7, s13  }
0xaa: {  	[tilespmem:s28], [sflag:$0x4] =	stream.linear.gather [hbm4b:s13+s2], $0x40, $0x38;
	[tilespmem:$0x1E9C0] =	vst v63  }
0xab: {  	p0 =	seq.s32 s17, $0x0;
	s9 =	sadd.s32 s5, s9  }
0xac: {  	[tilespmem:s29], [sflag:$0x4] =	stream.linear.gather [hbm4b:s9+s2], $0x1000, $0x38;
	[tilespmem:$0x1E9C0] =	vst v63  }
0xad: {  	s9 =	simm.s32 @!p0 $0x3  }
0xae: {  	_ =	swait.ge @!p0 [sflag:s9], $0x1000  }
0xaf: {  	[sflag:s9] =	ssyncset.done @!p0 $0x0  }
0xb0: {  	[sflag:s9] =	ssyncadd.s32 @!p0 $0xFFFFF000  }
0xb1: {  	v2 =	vld [tilespmem:$0x40]  }
0xb2: {  	v3 =	vld [tilespmem:$0x50]  }
0xb3: {  	v4 =	vld [tilespmem:$0x60]  }
0xb4: {  	v5 =	vld [tilespmem:$0x70];
	_ =	sdelay $0x1  }
0xb5: {  	v2 =	vsub.s32 v2, v0  }
0xb6: {  	v3 =	vsub.s32 v3, v0;
	v2 =	vmin.u32 v2, $0x6200  }
0xb7: {  	[tilespmem:$0x80] =	vst v2;
	v2 =	vmin.u32 v3, $0x6200;
	v3 =	vsub.s32 v4, v0  }
0xb8: {  	[tilespmem:$0x90] =	vst v2;
	v2 =	vmin.u32 v3, $0x6200;
	v3 =	vsub.s32 v5, v0  }
0xb9: {  	[tilespmem:$0xA0] =	vst v2;
	v2 =	vmin.u32 v3, $0x6200  }
0xba: {  	[tilespmem:$0xB0] =	vst v2  }
0xbb: {  	_ =	swait.ge [sflag:s30], $0x1000  }
0xbc: {  	[sflag:s30] =	ssyncset.done $0x0  }
0xbd: {  	s25 =	simm.s32 $0x100;
	[sflag:s30] =	ssyncadd.s32 $0xFFFFF000  }
0xbe: {  	s13 =	simm.s32 $0x1100;
	v2 =	vld [tilespmem:s25+$0xFFFFFFC0]  }
0xbf: {  	v3 =	vld [tilespmem:s13+$0xFFFFFFC0];
	_ =	sdelay $0x4  }
0xc0: {  	v2 =	vmul.f32 v3, v2  }
0xc1: {  	s9 =	simm.s32 $0x2100  }
0xc2: {  	[tilespmem:s9+$0xFFFFFFC0] =	vst v2  }
0xc3: {  	v2 =	vld [tilespmem:s13+$0xFFFFFFD0]  }
0xc4: {  	v3 =	vld [tilespmem:s25+$0xFFFFFFD0];
	_ =	sdelay $0x4  }
0xc5: {  	v2 =	vmul.f32 v2, v3;
	_ =	sdelay $0x1  }
0xc6: {  	[tilespmem:s9+$0xFFFFFFD0] =	vst v2  }
0xc7: {  	v2 =	vld [tilespmem:s25+$0xFFFFFFE0]  }
0xc8: {  	v3 =	vld [tilespmem:s13+$0xFFFFFFE0];
	_ =	sdelay $0x4  }
0xc9: {  	v2 =	vmul.f32 v3, v2;
	_ =	sdelay $0x1  }
0xca: {  	[tilespmem:s9+$0xFFFFFFE0] =	vst v2  }
0xcb: {  	v2 =	vld [tilespmem:s25+$0xFFFFFFF0]  }
0xcc: {  	v3 =	vld [tilespmem:s13+$0xFFFFFFF0];
	_ =	sdelay $0x4  }
0xcd: {  	v2 =	vmul.f32 v3, v2;
	_ =	sdelay $0x1  }
0xce: {  	[tilespmem:s9+$0xFFFFFFF0] =	vst v2  }
0xcf: {  	v2 =	vld [tilespmem:s25+$0x0]  }
0xd0: {  	v3 =	vld [tilespmem:s13+$0x0];
	_ =	sdelay $0x4  }
0xd1: {  	v2 =	vmul.f32 v3, v2;
	_ =	sdelay $0x1  }
0xd2: {  	[tilespmem:s9+$0x0] =	vst v2  }
0xd3: {  	v2 =	vld [tilespmem:s25+$0x10]  }
0xd4: {  	v3 =	vld [tilespmem:s13+$0x10];
	_ =	sdelay $0x4  }
0xd5: {  	v2 =	vmul.f32 v3, v2;
	_ =	sdelay $0x1  }
0xd6: {  	[tilespmem:s9+$0x10] =	vst v2  }
0xd7: {  	v2 =	vld [tilespmem:s25+$0x20]  }
0xd8: {  	v3 =	vld [tilespmem:s13+$0x20];
	_ =	sdelay $0x4  }
0xd9: {  	v2 =	vmul.f32 v3, v2;
	_ =	sdelay $0x1  }
0xda: {  	[tilespmem:s9+$0x20] =	vst v2  }
0xdb: {  	s23 =	simm.s32 $0x0;
	s16 =	simm.s32 $0x2100;
	v2 =	vld [tilespmem:s25+$0x30];
	s25 =	simm.s32 $0x180  }
.LBB2_5:
0xdc: {  	s23 =	sadd.s32 $0x2, s23;
	v3 =	vld [tilespmem:s13+$0x30];
	s9 =	sadd.s32 $0x80, s9;
	s13 =	sadd.s32 $0x80, s13  }
0xdd: {  	p0 =	slt.u32 s23, $0x3E;
	_ =	sdelay $0x3  }
0xde: {  	v2 =	vmul.f32 v3, v2;
	_ =	sdelay $0x1  }
0xdf: {  	[tilespmem:s16+$0x30] =	vst v2;
	s16 =	smov.u32 s9  }
0xe0: {  	v2 =	vld [tilespmem:s25+$0xFFFFFFC0]  }
0xe1: {  	v3 =	vld [tilespmem:s13+$0xFFFFFFC0];
	_ =	sdelay $0x4  }
0xe2: {  	v2 =	vmul.f32 v3, v2;
	_ =	sdelay $0x1  }
0xe3: {  	[tilespmem:s9+$0xFFFFFFC0] =	vst v2  }
0xe4: {  	v2 =	vld [tilespmem:s13+$0xFFFFFFD0]  }
0xe5: {  	v3 =	vld [tilespmem:s25+$0xFFFFFFD0];
	_ =	sdelay $0x4  }
0xe6: {  	v2 =	vmul.f32 v2, v3;
	_ =	sdelay $0x1  }
0xe7: {  	[tilespmem:s9+$0xFFFFFFD0] =	vst v2  }
0xe8: {  	v2 =	vld [tilespmem:s25+$0xFFFFFFE0]  }
0xe9: {  	v3 =	vld [tilespmem:s13+$0xFFFFFFE0];
	_ =	sdelay $0x4  }
0xea: {  	v2 =	vmul.f32 v3, v2;
	_ =	sdelay $0x1  }
0xeb: {  	[tilespmem:s9+$0xFFFFFFE0] =	vst v2  }
0xec: {  	v2 =	vld [tilespmem:s25+$0xFFFFFFF0]  }
0xed: {  	v3 =	vld [tilespmem:s13+$0xFFFFFFF0];
	_ =	sdelay $0x4  }
0xee: {  	v2 =	vmul.f32 v3, v2;
	_ =	sdelay $0x1  }
0xef: {  	[tilespmem:s9+$0xFFFFFFF0] =	vst v2  }
0xf0: {  	v2 =	vld [tilespmem:s25+$0x0]  }
0xf1: {  	v3 =	vld [tilespmem:s13+$0x0];
	_ =	sdelay $0x4  }
0xf2: {  	v2 =	vmul.f32 v3, v2;
	_ =	sdelay $0x1  }
0xf3: {  	[tilespmem:s9+$0x0] =	vst v2  }
0xf4: {  	v2 =	vld [tilespmem:s25+$0x10]  }
0xf5: {  	v3 =	vld [tilespmem:s13+$0x10];
	_ =	sdelay $0x4  }
0xf6: {  	v2 =	vmul.f32 v3, v2;
	_ =	sdelay $0x1  }
0xf7: {  	[tilespmem:s9+$0x10] =	vst v2  }
0xf8: {  	v2 =	vld [tilespmem:s25+$0x20]  }
0xf9: {  	v3 =	vld [tilespmem:s13+$0x20];
	_ =	sdelay $0x3  }
.Ltmp1:
0xfa: {  	(pc) =	sbr.rel @p0 .LBB2_5-.Ltmp1, $3  }
0xfb: {  	v2 =	vmul.f32 v3, v2;
	_ =	sdelay $0x1  }
0xfc: {  	[tilespmem:s9+$0x20] =	vst v2  }
0xfd: {  	v2 =	vld [tilespmem:s25+$0x30];
	s25 =	sadd.s32 $0x80, s25  }
0xfe: {  	v3 =	vld [tilespmem:s13+$0x30];
	_ =	sdelay $0x4  }
0xff: {  	v2 =	vmul.f32 v3, v2;
	_ =	sdelay $0x1  }
0x100: {  	[tilespmem:s16+$0x30] =	vst v2  }
0x101: {  	[spmem:s1] =	stream.indirect.scatter.add.f32 [tilespmem:s19], [sflag:$0x3], $0x40, s31, s21, $0xb8;
	[tilespmem:$0x1E9C0] =	vst v63  }
0x102: {  	_ =	swait.ge [sflag:s0], $0x40  }
0x103: {  	[sflag:s0] =	ssyncset.done $0x0  }
0x104: {  	[sflag:s0] =	ssyncadd.s32 $0xFFFFFFC0  }
0x105: {  	_ =	swait.ge [sflag:s0], $0x40  }
0x106: {  	[sflag:s0] =	ssyncset.done $0x0  }
0x107: {  	[sflag:s0] =	ssyncadd.s32 $0xFFFFFFC0  }
0x108: {  	p0 =	seq.s32 s17, $0x186;
	_ =	swait.ge [sflag:s0], $0x1000  }
0x109: {  	s9 =	sadd.s32 @!p0 s18, s14;
	[sflag:s0] =	ssyncset.done $0x0  }
0x10a: {  	s13 =	sshrl.u32 @!p0 s9, $0x3;
	[sflag:s0] =	ssyncadd.s32 $0xFFFFF000  }
0x10b: {  	[tilespmem:s4], [sflag:$0x5] =	stream.indirect.gather [hbm4b:s3+s21], $0x40, s26, s21, $0xb8;
	[tilespmem:$0x1E9C0] =	vst v63  }
0x10c: {  	s18 =	simm.s32 @!p0 $0x0;
	s16 =	sadd.s32 @!p0 s6, s13  }
0x10d: {  	[tilespmem:s18], [sflag:$0x1] =	stream.linear.gather @!p0 [hbm4b:s16+s18], $0x40, $0x38;
	[tilespmem:$0x1E9C0] =	vst v63  }
0x10e: {  	s9 =	sshll.u32 @!p0 s9, $0x3;
	s13 =	sadd.s32 @!p0 s7, s13;
	s16 =	simm.s32 @!p0 $0x40  }
0x10f: {  	[tilespmem:s16], [sflag:$0x1] =	stream.linear.gather @!p0 [hbm4b:s13+s18], $0x40, $0x38;
	[tilespmem:$0x1E9C0] =	vst v63  }
0x110: {  	p1 =	seq.s32 @!p0 s17, $0x0;
	s9 =	sadd.s32 @!p0 s5, s9;
	s13 =	simm.s32 @!p0 $0x10C0  }
0x111: {  	[tilespmem:s13], [sflag:$0x1] =	stream.linear.gather @!p0 [hbm4b:s9+s18], $0x1000, $0x38;
	[tilespmem:$0x1E9C0] =	vst v63  }
0x112: {  	p0 =	por p0, !p1  }
0x113: {  	_ =	swait.ge @p0 [sflag:s15], $0x1000  }
0x114: {  	[sflag:s15] =	ssyncset.done @p0 $0x0  }
0x115: {  	[sflag:s15] =	ssyncadd.s32 @p0 $0xFFFFF000  }
0x116: {  	v2 =	vld [tilespmem:$0x3100]  }
0x117: {  	v3 =	vld [tilespmem:$0x3110]  }
0x118: {  	v4 =	vld [tilespmem:$0x3120]  }
0x119: {  	v5 =	vld [tilespmem:$0x3130];
	_ =	sdelay $0x1  }
0x11a: {  	v2 =	vsub.s32 v2, v0  }
0x11b: {  	v3 =	vsub.s32 v3, v0;
	v2 =	vmin.u32 v2, $0x6200  }
0x11c: {  	[tilespmem:$0x3140] =	vst v2;
	v2 =	vmin.u32 v3, $0x6200;
	v3 =	vsub.s32 v4, v0  }
0x11d: {  	[tilespmem:$0x3150] =	vst v2;
	v2 =	vmin.u32 v3, $0x6200;
	v3 =	vsub.s32 v5, v0  }
0x11e: {  	[tilespmem:$0x3160] =	vst v2;
	v2 =	vmin.u32 v3, $0x6200  }
0x11f: {  	[tilespmem:$0x3170] =	vst v2  }
0x120: {  	_ =	swait.ge [sflag:s10], $0x1000  }
0x121: {  	[sflag:s10] =	ssyncset.done $0x0  }
0x122: {  	s25 =	simm.s32 $0x31C0;
	[sflag:s10] =	ssyncadd.s32 $0xFFFFF000  }
0x123: {  	s13 =	simm.s32 $0x41C0;
	v2 =	vld [tilespmem:s25+$0xFFFFFFC0]  }
0x124: {  	v3 =	vld [tilespmem:s13+$0xFFFFFFC0];
	_ =	sdelay $0x4  }
0x125: {  	v2 =	vmul.f32 v3, v2  }
0x126: {  	s9 =	simm.s32 $0x51C0  }
0x127: {  	[tilespmem:s9+$0xFFFFFFC0] =	vst v2  }
0x128: {  	v2 =	vld [tilespmem:s13+$0xFFFFFFD0]  }
0x129: {  	v3 =	vld [tilespmem:s25+$0xFFFFFFD0];
	_ =	sdelay $0x4  }
0x12a: {  	v2 =	vmul.f32 v2, v3;
	_ =	sdelay $0x1  }
0x12b: {  	[tilespmem:s9+$0xFFFFFFD0] =	vst v2  }
0x12c: {  	v2 =	vld [tilespmem:s25+$0xFFFFFFE0]  }
0x12d: {  	v3 =	vld [tilespmem:s13+$0xFFFFFFE0];
	_ =	sdelay $0x4  }
0x12e: {  	v2 =	vmul.f32 v3, v2;
	_ =	sdelay $0x1  }
0x12f: {  	[tilespmem:s9+$0xFFFFFFE0] =	vst v2  }
0x130: {  	v2 =	vld [tilespmem:s25+$0xFFFFFFF0]  }
0x131: {  	v3 =	vld [tilespmem:s13+$0xFFFFFFF0];
	_ =	sdelay $0x4  }
0x132: {  	v2 =	vmul.f32 v3, v2;
	_ =	sdelay $0x1  }
0x133: {  	[tilespmem:s9+$0xFFFFFFF0] =	vst v2  }
0x134: {  	v2 =	vld [tilespmem:s25+$0x0]  }
0x135: {  	v3 =	vld [tilespmem:s13+$0x0];
	_ =	sdelay $0x4  }
0x136: {  	v2 =	vmul.f32 v3, v2;
	_ =	sdelay $0x1  }
0x137: {  	[tilespmem:s9+$0x0] =	vst v2  }
0x138: {  	v2 =	vld [tilespmem:s25+$0x10]  }
0x139: {  	v3 =	vld [tilespmem:s13+$0x10];
	_ =	sdelay $0x4  }
0x13a: {  	v2 =	vmul.f32 v3, v2;
	_ =	sdelay $0x1  }
0x13b: {  	[tilespmem:s9+$0x10] =	vst v2  }
0x13c: {  	v2 =	vld [tilespmem:s25+$0x20]  }
0x13d: {  	v3 =	vld [tilespmem:s13+$0x20];
	_ =	sdelay $0x4  }
0x13e: {  	v2 =	vmul.f32 v3, v2;
	_ =	sdelay $0x1  }
0x13f: {  	[tilespmem:s9+$0x20] =	vst v2  }
0x140: {  	s23 =	simm.s32 $0x3240;
	s16 =	simm.s32 $0x51C0;
	s18 =	simm.s32 $0x0;
	v2 =	vld [tilespmem:s25+$0x30]  }
.LBB2_7:
0x141: {  	s18 =	sadd.s32 $0x2, s18;
	v3 =	vld [tilespmem:s13+$0x30];
	s9 =	sadd.s32 $0x80, s9;
	s13 =	sadd.s32 $0x80, s13  }
0x142: {  	p0 =	slt.u32 s18, $0x3E;
	_ =	sdelay $0x3  }
0x143: {  	v2 =	vmul.f32 v3, v2;
	_ =	sdelay $0x1  }
0x144: {  	[tilespmem:s16+$0x30] =	vst v2;
	s16 =	smov.u32 s9  }
0x145: {  	v2 =	vld [tilespmem:s23+$0xFFFFFFC0]  }
0x146: {  	v3 =	vld [tilespmem:s13+$0xFFFFFFC0];
	_ =	sdelay $0x4  }
0x147: {  	v2 =	vmul.f32 v3, v2;
	_ =	sdelay $0x1  }
0x148: {  	[tilespmem:s9+$0xFFFFFFC0] =	vst v2  }
0x149: {  	v2 =	vld [tilespmem:s13+$0xFFFFFFD0]  }
0x14a: {  	v3 =	vld [tilespmem:s23+$0xFFFFFFD0];
	_ =	sdelay $0x4  }
0x14b: {  	v2 =	vmul.f32 v2, v3;
	_ =	sdelay $0x1  }
0x14c: {  	[tilespmem:s9+$0xFFFFFFD0] =	vst v2  }
0x14d: {  	v2 =	vld [tilespmem:s23+$0xFFFFFFE0]  }
0x14e: {  	v3 =	vld [tilespmem:s13+$0xFFFFFFE0];
	_ =	sdelay $0x4  }
0x14f: {  	v2 =	vmul.f32 v3, v2;
	_ =	sdelay $0x1  }
0x150: {  	[tilespmem:s9+$0xFFFFFFE0] =	vst v2  }
0x151: {  	v2 =	vld [tilespmem:s23+$0xFFFFFFF0]  }
0x152: {  	v3 =	vld [tilespmem:s13+$0xFFFFFFF0];
	_ =	sdelay $0x4  }
0x153: {  	v2 =	vmul.f32 v3, v2;
	_ =	sdelay $0x1  }
0x154: {  	[tilespmem:s9+$0xFFFFFFF0] =	vst v2  }
0x155: {  	v2 =	vld [tilespmem:s23+$0x0]  }
0x156: {  	v3 =	vld [tilespmem:s13+$0x0];
	_ =	sdelay $0x4  }
0x157: {  	v2 =	vmul.f32 v3, v2;
	_ =	sdelay $0x1  }
0x158: {  	[tilespmem:s9+$0x0] =	vst v2  }
0x159: {  	v2 =	vld [tilespmem:s23+$0x10]  }
0x15a: {  	v3 =	vld [tilespmem:s13+$0x10];
	_ =	sdelay $0x4  }
0x15b: {  	v2 =	vmul.f32 v3, v2;
	_ =	sdelay $0x1  }
0x15c: {  	[tilespmem:s9+$0x10] =	vst v2  }
0x15d: {  	v2 =	vld [tilespmem:s23+$0x20]  }
0x15e: {  	v3 =	vld [tilespmem:s13+$0x20];
	_ =	sdelay $0x3  }
.Ltmp2:
0x15f: {  	(pc) =	sbr.rel @p0 .LBB2_7-.Ltmp2, $3  }
0x160: {  	v2 =	vmul.f32 v3, v2;
	_ =	sdelay $0x1  }
0x161: {  	[tilespmem:s9+$0x20] =	vst v2  }
0x162: {  	v2 =	vld [tilespmem:s23+$0x30];
	s23 =	sadd.s32 $0x80, s23  }
0x163: {  	v3 =	vld [tilespmem:s13+$0x30];
	_ =	sdelay $0x1  }
0x164: {  	s17 =	sadd.s32 $0x1, s17  }
0x165: {  	p0 =	sne.s32 s17, $0x187  }
.Ltmp3:
0x166: {  	_ = 	snop;
	(pc) =	sbr.rel @p0 .LBB2_4-.Ltmp3, $3  }
0x167: {  	v2 =	vmul.f32 v3, v2;
	_ =	sdelay $0x1  }
0x168: {  	[tilespmem:s16+$0x30] =	vst v2  }
0x169: {  	[spmem:s1] =	stream.indirect.scatter.add.f32 [tilespmem:s12], [sflag:$0x6], $0x40, s11, s21, $0xb8;
	[tilespmem:$0x1E9C0] =	vst v63  }
0x16a: {  	s9 =	simm.s32 $0x3  }
0x16b: {  	_ =	swait.ge [sflag:s9], $0x1000  }
0x16c: {  	[sflag:s9] =	ssyncset.done $0x0  }
0x16d: {  	[sflag:s9] =	ssyncadd.s32 $0xFFFFF000  }
0x16e: {  	_ =	swait.ge [sflag:s15], $0x1000  }
0x16f: {  	[sflag:s15] =	ssyncset.done $0x0  }
0x170: {  	[sflag:s15] =	ssyncadd.s32 $0xFFFFF000  }
0x171: {  	s25 =	stileid.u32;
	[bflag:$0x0] =	sbarrier.arrive $0xFFFF  }
0x172: {  	s9 =	sshll.u32 s25, $0x6;
	s17 =	rddreg [dreg:$0x10]  }
0x173: {  	s13 =	sadd.s32 $0x0, s24;
	s9 =	sor.u32 $0x1C07, s9;
	s16 =	sshrl.u32 s17, $0x3  }
0x174: {  	[hbm:s13], [sflag:s9] =	dma.local [spmem:s16], $0x380  }
0x175: {  	s13 =	simm.s32 $0x380;
	s16 =	sadd.s32 $0x1C00, s17;
	_ =	swait.ge [sflag:s20], $0x380  }
.LBB2_10:
0x176: {  	s17 =	sadd.s32 s13, s24;
	[sflag:s20] =	ssyncset.done $0x0;
	p0 =	sne.s32 s13, $0x2D80  }
.Ltmp4:
0x177: {  	s18 =	sshrl.u32 s16, $0x3;
	[sflag:s20] =	ssyncadd.s32 $0xFFFFFC80;
	(pc) =	sbr.rel @p0 .LBB2_10-.Ltmp4, $3  }
0x178: {  	[hbm:s17], [sflag:s9] =	dma.local [spmem:s18], $0x380  }
0x179: {  	s13 =	sadd.s32 $0x380, s13;
	_ =	sdelay $0x1  }
0x17a: {  	s16 =	sadd.s32 $0x1C00, s16;
	_ =	swait.ge [sflag:s20], $0x380  }
0x17b: {  	s13 =	sld [smem:$0x7FC];
	_ =	sdelay $0x2  }
0x17c: {  	s9 =	rddreg [dreg:$0x8];
	s13 =	sadd.s32 $0x1, s13  }
0x17d: {  	p0 =	sne.s32 s13, s9  }
.Ltmp5:
0x17e: {  	_ = 	snop;
	(pc) =	sbr.rel @p0 .LBB2_1-.Ltmp5, $3  }
0x17f: {  	_ =	sdelay $0x1  }
0x180: {  	[sflag:s20] =	ssyncset.done $0x0  }
0x181: {  	[sflag:s20] =	ssyncadd.s32 $0xFFFFFC80  }
0x182: {  	_ =	sfence.sel $0x180000  }
0x183: {  	[bflag:$0x0] =	sbarrier.arrive $0xFFFF  }
0x184: {  	_ =	strace $0x90000047  }
0x185: {  	s0 =	stileid.u32;
	[bflag:$0x2] =	sbarrier.arrive $0xFFFF  }
0x186: {  	p0 =	sne.s32 s0, $0x0;
	s0 =	rddreg [dreg:$0x2]  }
0x187: {  	s0 =	sadd.s32 @!p0 $0x100000, s0  }
0x188: {  	[sflag:s0] =	ssyncadd.tile.s32 @!p0 $0x1;
	_ =	shalt  }
.Lfunc_end2:
_tile_overlayer_lowered:
.L_overlay_start_2:
0x189: {  	(tag) =	ssettag $0x2  }
0x18a: {  	s0 =	rddreg [dreg:$0x0];
	s2 =	stileid.u32  }
0x18b: {  	s1 =	rddreg [dreg:$0x1];
	p0 =	sne.s32 s2, $0x0  }
0x18c: {  	s3 =	rddreg [dreg:$0x2];
	[bflag:$0x3] =	sbarrier.arrive $0xFFFF;
	s2 =	simm.s32 @!p0 $0x1C07  }
0x18d: {  	[timem:s3], [sflag:s2] =	dma.local @!p0 [hbm:s0], s1  }
0x18e: {  	s0 =	simm.s32 @!p0 $0x7  }
0x18f: {  	_ =	swait.ge @!p0 [sflag:s0], s1  }
0x190: {  	s1 =	ssub.s32 @!p0 $0x0, s1;
	[sflag:s0] =	ssyncset.done @!p0 $0x0  }
0x191: {  	[sflag:s0] =	ssyncadd.s32 @!p0 s1  }
0x192: {  	[bflag:$0x3] =	sbarrier.arrive $0xFFFF  }
0x193: {  	_ =	shalt  }

// kernel: kernel.15.cloned.1.call-start
scs
__scs_entry_jumppad:
0x0: {  	(pc) =	sbr.rel $0x88, $3  }
0x1: {  	(tag) =	ssettag $0x0;
	lr =	simm.s32 $0x1  }
0x2: {  	[smem:$0x3F8A] =	sst lr;
	_ =	strace $0xD0000000  }
0x3: {  	_ = 	snop  }
0x4: {  	_ = 	snop  }
0x5: {  	_ = 	snop  }
0x6: {  	_ = 	snop  }
0x7: {  	_ = 	snop  }
__scs_overlays_trampoline_lowered:
0x8: {  	[smem:$0x3F99] =	sst s0  }
0x9: {  	[smem:$0x3F9A] =	sst s1  }
0xa: {  	[smem:$0x3F9B] =	sst s2  }
0xb: {  	[smem:$0x3F9C] =	sst s3  }
0xc: {  	[smem:$0x3F9D] =	sst s4  }
0xd: {  	[smem:$0x3F9E] =	sst s5  }
0xe: {  	[smem:$0x3F9F] =	sst s6  }
0xf: {  	[smem:$0x3FA0] =	sst s7  }
0x10: {  	[smem:$0x3FA1] =	sst s8  }
0x11: {  	[smem:$0x3FA2] =	sst s9;
	s0 =	simm.s32 @!p0 $0x0  }
0x12: {  	s1 =	sld [smem:$0x3F88];
	s0 =	simm.s32 @p0 $0x1  }
0x13: {  	[smem:$0x3FA3] =	sst s0;
	s0 =	simm.s32 @!p1 $0x0  }
0x14: {  	s2 =	sld [smem:$0x3F87];
	s0 =	simm.s32 @p1 $0x1  }
0x15: {  	[smem:$0x3FA4] =	sst s0;
	s0 =	simm.s32 @!p2 $0x0  }
0x16: {  	s3 =	sld [smem:$0x3FDB];
	s0 =	simm.s32 @p2 $0x1  }
0x17: {  	s4 =	simm.s32 $0x1BF5;
	[smem:$0x3FA6] =	sst s0  }
0x18: {  	s0 =	sld [smem:$0x3F89];
	_ =	swait.ge [sflag:s4], $0x0  }
0x19: {  	s7 =	sld [smem:$0x3F8A]  }
0x1a: {  	s8 =	sadd.s32 $0xFFFFE003, lr  }
0x1b: {  	s9 =	sadd.s32 $0xFFFFFEF7, lr;
	s5 =	simm.s32 $0xFFFFFFFF;
	p2 =	slt.u32 s8, $0xFFFFF086  }
0x1c: {  	p1 =	slt.u32 s9, $0xF7A;
	s5 =	simm.s32 @!p2 $0x0  }
0x1d: {  	s5 =	simm.s32 @p1 $0x1;
	p0 =	seq.s32 s7, s2  }
0x1e: {  	s7 =	smul.u32 @!p0 $0xF7A, s2;
	p2 =	seq.s32 @!p0 s5, $0x0  }
0x1f: {  	s9 =	smul.u32 $0xF7A, s1;
	s8 =	simm.s32 @!p0 $0x1BF5;
	p2 =	por !p2, p0  }
0x20: {  	[sflag:s8] =	ssyncset.s32 @!p0 $0xFFFFF086;
	s6 =	sadd.s32 @!p0 s3, s7;
	s7 =	simm.s32 @!p0 $0x108  }
0x21: {  	s3 =	sadd.s32 s3, s9;
	s6 =	sadd.s32 @!p0 $0x88, s6;
	s7 =	simm.s32 @p2 $0x1082  }
0x22: {  	[simem:s7], [sflag:s8] =	dma.local @!p0 [hbm:s6], $0xF7A  }
0x23: {  	s9 =	sor.u32 $0xD0000000, s2;
	s6 =	simm.s32 $0x108;
	_ =	swait.ge @!p0 [sflag:s8], $0x0  }
0x24: {  	s3 =	sadd.s32 $0x88, s3;
	s6 =	simm.s32 @!p1 $0x1082;
	[sflag:s4] =	ssyncset.s32 $0xFFFFF086  }
0x25: {  	[simem:s6], [sflag:s4] =	dma.local [hbm:s3], $0xF7A  }
0x26: {  	[smem:$0x3F8A] =	sst s1;
	(tag) =	ssettag s2;
	_ =	strace s9  }
0x27: {  	s1 =	sld [smem:$0x3F9A]  }
0x28: {  	s2 =	sld [smem:$0x3F9B]  }
0x29: {  	s4 =	sld [smem:$0x3F9D]  }
0x2a: {  	p0 =	seq.s32 s5, $0x0;
	s5 =	sld [smem:$0x3F9E]  }
0x2b: {  	s6 =	sld [smem:$0x3F9F]  }
0x2c: {  	s7 =	sld [smem:$0x3FA0]  }
0x2d: {  	s3 =	simm.s32 $0x108;
	s8 =	sld [smem:$0x3FA1]  }
0x2e: {  	s3 =	simm.s32 @!p0 $0x1082;
	s9 =	sld [smem:$0x3FA2]  }
0x2f: {  	lr =	sadd.s32 s0, s3;
	s0 =	sld [smem:$0x3F99]  }
0x30: {  	s3 =	sld [smem:$0x3F9C]  }
0x31: {  	[smem:$0x3FA5] =	sst s10  }
0x32: {  	s10 =	sld [smem:$0x3FA3];
	_ =	sdelay $0x3  }
0x33: {  	p0 =	seq.s32 s10, $0x1;
	s10 =	sld [smem:$0x3FA5];
	_ =	sdelay $0x3  }
0x34: {  	[smem:$0x3FA5] =	sst s10  }
0x35: {  	s10 =	sld [smem:$0x3FA4];
	_ =	sdelay $0x3  }
0x36: {  	p1 =	seq.s32 s10, $0x1;
	s10 =	sld [smem:$0x3FA5];
	_ =	sdelay $0x3  }
0x37: {  	[smem:$0x3FA5] =	sst s10  }
0x38: {  	s10 =	sld [smem:$0x3FA6]  }
0x39: {  	_ = 	snop;
	(pc) =	sbr.ind lr, $3  }
0x3a: {  	_ = 	snop  }
0x3b: {  	_ = 	snop  }
0x3c: {  	p2 =	seq.s32 s10, $0x1;
	s10 =	sld [smem:$0x3FA5]  }
0x3d: {  	_ =	shalt  }
0x3e: {  	_ =	shalt  }
0x3f: {  	_ =	shalt  }
0x40: {  	_ =	shalt  }
0x41: {  	_ =	shalt  }
0x42: {  	_ =	shalt  }
0x43: {  	_ =	shalt  }
0x44: {  	_ =	shalt  }
0x45: {  	_ =	shalt  }
0x46: {  	_ =	shalt  }
0x47: {  	_ =	shalt  }
0x48: {  	_ =	shalt  }
0x49: {  	_ =	shalt  }
0x4a: {  	_ =	shalt  }
0x4b: {  	_ =	shalt  }
0x4c: {  	_ =	shalt  }
0x4d: {  	_ =	shalt  }
0x4e: {  	_ =	shalt  }
0x4f: {  	_ =	shalt  }
0x50: {  	_ =	shalt  }
0x51: {  	_ =	shalt  }
0x52: {  	_ =	shalt  }
0x53: {  	_ =	shalt  }
0x54: {  	_ =	shalt  }
0x55: {  	_ =	shalt  }
0x56: {  	_ =	shalt  }
0x57: {  	_ =	shalt  }
0x58: {  	_ =	shalt  }
0x59: {  	_ =	shalt  }
0x5a: {  	_ =	shalt  }
0x5b: {  	_ =	shalt  }
0x5c: {  	_ =	shalt  }
0x5d: {  	_ =	shalt  }
0x5e: {  	_ =	shalt  }
0x5f: {  	_ =	shalt  }
0x60: {  	_ =	shalt  }
0x61: {  	_ =	shalt  }
0x62: {  	_ =	shalt  }
0x63: {  	_ =	shalt  }
0x64: {  	_ =	shalt  }
0x65: {  	_ =	shalt  }
0x66: {  	_ =	shalt  }
0x67: {  	_ =	shalt  }
0x68: {  	_ =	shalt  }
0x69: {  	_ =	shalt  }
0x6a: {  	_ =	shalt  }
0x6b: {  	_ =	shalt  }
0x6c: {  	_ =	shalt  }
0x6d: {  	_ =	shalt  }
0x6e: {  	_ =	shalt  }
0x6f: {  	_ =	shalt  }
0x70: {  	_ =	shalt  }
0x71: {  	_ =	shalt  }
0x72: {  	_ =	shalt  }
0x73: {  	_ =	shalt  }
0x74: {  	_ =	shalt  }
0x75: {  	_ =	shalt  }
0x76: {  	_ =	shalt  }
0x77: {  	_ =	shalt  }
0x78: {  	_ =	shalt  }
0x79: {  	_ =	shalt  }
0x7a: {  	_ =	shalt  }
0x7b: {  	_ =	shalt  }
0x7c: {  	_ =	shalt  }
0x7d: {  	_ =	shalt  }
0x7e: {  	_ =	shalt  }
0x7f: {  	_ =	shalt  }
0x80: {  	_ =	shalt  }
0x81: {  	_ =	shalt  }
0x82: {  	_ =	shalt  }
0x83: {  	_ =	shalt  }
0x84: {  	_ =	shalt  }
0x85: {  	_ =	shalt  }
0x86: {  	_ =	shalt  }
0x87: {  	_ =	shalt  }
.Lfunc_end0:
.L_simem_size_0:
called_computation.1_lowered:
.L_overlay_start_0:
0x88: {  	s2 =	sld [smem:$0x3FD9]  }
0x89: {  	s3 =	sld [smem:$0x3FFE];
	_ =	sdelay $0x1  }
0x8a: {  	s1 =	srdreg.scid  }
0x8b: {  	s0 =	sand.u32 $0x1, s1  }
0x8c: {  	s16 =	sshll.u32 s0, $0xA;
	s2 =	sadd.s32 s3, s2  }
0x8d: {  	s2 =	sadd.s32 s2, s16  }
0x8e: {  	[smem:$0x3FB1] =	sst s2  }
0x8f: {  	_ = 	snop  }
0x90: {  	(tm) =	ssettm $0x1  }
0x91: {  	s17 =	sld [smem:$0x3FFB];
	_ =	sdelay $0x3  }
0x92: {  	_ =	strace s17  }
0x93: {  	s2 =	sld [smem:$0x3FFC];
	_ =	sdelay $0x3  }
0x94: {  	_ =	strace s2  }
0x95: {  	s2 =	sld [smem:$0x3FFD];
	_ =	sdelay $0x3  }
0x96: {  	_ =	strace s2  }
0x97: {  	_ =	strace $0x8FFFFFFF  }
0x98: {  	s18 =	sld [smem:$0x3FDB];
	_ =	sdelay $0x1  }
0x99: {  	s19 =	simm.s32 $_scs_section_size  }
0x9a: {  	s4 =	simm.s32 $_size__tile_overlayer_lowered;
	s5 =	simm.s32 $_tile_overlayer_lowered  }
0x9b: {  	s22 =	simm.s32 $0x1BFF;
	s21 =	sshll.u32 s5, $0x1;
	s2 =	sadd.s32 s19, s18  }
0x9c: {  	s6 =	simm.s32 $0x0;
	s20 =	sshll.u32 s4, $0x1;
	s4 =	sadd.s32 s21, s2  }
0x9d: {  	[timem:s6], [sflag:s22] =	dma.local [hbm:s4], s20  }
0x9e: {  	_ =	swait.ge [sflag:s22], s20  }
0x9f: {  	s3 =	ssub.s32 $0x0, s20;
	[sflag:s22] =	ssyncset.done $0x0  }
0xa0: {  	[sflag:s22] =	ssyncadd.s32 s3;
	_ =	sdelay $0x1  }
0xa1: {  	s23 =	simm.s32 $0x1B8B  }
0xa2: {  	_ =	swait.ge [sflag:s23], $0x1  }
0xa3: {  	[sflag:s23] =	ssyncset.done $0x0  }
0xa4: {  	s25 =	simm.s32 $0x1B8E;
	s24 =	sld [smem:$0x3FFE];
	[sflag:s23] =	ssyncadd.s32 $0xFFFFFFFF  }
0xa5: {  	s26 =	simm.s32 $execute0_lowered;
	[smem:$0x3FD2] =	sst s25  }
0xa6: {  	s4 =	sshll.u32 s26, $0x1;
	_ =	strace $0x80000049;
	[dreg:$0x1] =	wrdreg $0xFFFFFFFF  }
0xa7: {  	s28 =	simm.s32 $_size_execute0_lowered;
	s2 =	sadd.s32 s2, s4;
	[dreg:$0x0] =	wrdreg $0x0  }
0xa8: {  	s4 =	sshll.u32 s28, $0x1;
	[dreg:$0x2] =	wrdreg s2  }
0xa9: {  	[dreg:$0x3] =	wrdreg s4  }
0xaa: {  	[dreg:$0x4] =	wrdreg $0xC0  }
0xab: {  	_ =	task [dreg:s6], $0x5FFFF  }
0xac: {  	[dreg:$0x1] =	wrdreg $0xFFFFFFFF  }
0xad: {  	[dreg:$0x0] =	wrdreg $0x60  }
0xae: {  	[dreg:$0x2] =	wrdreg s24  }
0xaf: {  	[dreg:$0x3] =	wrdreg $0x61800  }
0xb0: {  	[dreg:$0x4] =	wrdreg $0x9  }
0xb1: {  	_ =	task.clear_ibuf [dreg:s6], $0x5FFFF;
	_ =	strace $0x90000049  }
0xb2: {  	s29 =	simm.s32 $0x9;
	_ =	strace $0x8000004B  }
0xb3: {  	_ =	swait.ge [sflag:s29], $0x1  }
0xb4: {  	[sflag:s29] =	ssyncadd.s32 $0xFFFFFFFF  }
0xb5: {  	_ =	strace $0x9000004B  }
0xb6: {  	_ =	sfence  }
0xb7: {  	s30 =	sld [smem:$0x0];
	_ =	sdelay $0x2  }
0xb8: {  	s31 =	sshll.u32 s1, $0xD;
	s1 =	sshrl.u32 s1, $0x2  }
0xb9: {  	s3 =	sand.u32 $0x4000, s31;
	s1 =	sadd.s32 s1, s30  }
0xba: {  	s0 =	sor.u32 s3, s0;
	s1 =	sshll.u32 s1, $0x11  }
0xbb: {  	s0 =	sor.u32 s1, s0  }
0xbc: {  	s0 =	sadd.s32 $0x8F2B, s0  }
0xbd: {  	[sflag:s0] =	ssyncadd.remote.s32 $0x1  }
0xbe: {  	_ =	sfence.sel $0xFFFF  }
0xbf: {  	[dreg:$0x0] =	wrdreg $0xFFFFFFFF;
	(pc) =	sbr.abs _section_cstart, $3  }
0xc0: {  	[dreg:$0x1] =	wrdreg $0xFFFFFFFF  }
0xc1: {  	_ =	task.clear_ibuf [dreg:s6], $0x2FFFF;
	_ =	strace $0x9FFFFFFF  }
0xc2: {  	(tm) =	ssettm $0x7FFFFFFF  }
0xc3: {  	_ =	shalt  }
tec
execute0_lowered:
.L_overlay_start_1:
0x0: {  	(tag) =	ssettag $0x1  }
0x1: {  	s0 =	rddreg [dreg:$0x0]  }
0x2: {  	s1 =	rddreg [dreg:$0x1];
	s12 =	stileid.u32  }
0x3: {  	s2 =	simm.s32 $0x0;
	s4 =	srdreg.scid;
	s10 =	smul.u32 $0x62100, s12  }
0x4: {  	[smem:$0x7FF] =	sst s2;
	s4 =	sand.u32 $0x1, s4;
	s25 =	smul.u32 $0x61C00, s12  }
0x5: {  	s5 =	sadd.s32 $0x253000, s0;
	_ =	strace $0x8000004A;
	s9 =	ssub.s32 $0x2, s4  }
0x6: {  	s11 =	sshrl.u32 s9, $0x1;
	s23 =	sshrl.u32 s10, $0x2;
	s15 =	sadd.s32 s5, s25  }
0x7: {  	s9 =	ssub.s32 s9, s11;
	s11 =	sadd.s32 s23, s1;
	[dreg:$0x7] =	wrdreg s15  }
0x8: {  	s28 =	simm.s32 $0x3100;
	s14 =	sadd.s32 $0x18000, s11;
	[dreg:$0x3] =	wrdreg s11  }
0x9: {  	s29 =	simm.s32 $0x4180;
	s16 =	smax.u32 s9, $0x1;
	[dreg:$0x4] =	wrdreg s14  }
0xa: {  	s30 =	simm.s32 $0x2;
	s17 =	sadd.s32 $0x1000, s11;
	[dreg:$0x8] =	wrdreg s16  }
0xb: {  	s3 =	sadd.s32 $0x5600, s0;
	s18 =	sadd.s32 $0x2000, s11;
	[dreg:$0x9] =	wrdreg s17  }
0xc: {  	s6 =	sadd.s32 $0x67600, s0;
	s20 =	sadd.s32 $0x3000, s11;
	[dreg:$0xa] =	wrdreg s18  }
0xd: {  	s7 =	sadd.s32 $0x7FE00, s0;
	s21 =	sadd.s32 $0x4000, s11;
	[dreg:$0xb] =	wrdreg s20  }
0xe: {  	s19 =	smul.u32 $0x62000, s12;
	s23 =	sadd.s32 $0x5000, s11;
	[dreg:$0xc] =	wrdreg s21  }
0xf: {  	s8 =	smul.u32 $0x31000, s4;
	s25 =	sadd.s32 $0x7000, s11;
	[dreg:$0xd] =	wrdreg s23  }
0x10: {  	s22 =	smul.u32 $0x3100, s12;
	s9 =	sadd.s32 $0xA000, s11;
	[dreg:$0xf] =	wrdreg s25  }
0x11: {  	s0 =	sadd.s32 s8, s0;
	s10 =	sadd.s32 $0xB000, s11;
	[dreg:$0x13] =	wrdreg s9  }
0x12: {  	s8 =	smul.u32 $0xC380, s12;
	s12 =	sadd.s32 $0xC000, s11;
	[dreg:$0x14] =	wrdreg s10  }
0x13: {  	s13 =	smul.u32 $0x6200, s4;
	s15 =	sadd.s32 $0xD000, s11;
	[dreg:$0x15] =	wrdreg s12  }
0x14: {  	s0 =	sadd.s32 s22, s0;
	s22 =	sadd.s32 $0x14000, s11;
	[dreg:$0x16] =	wrdreg s15  }
0x15: {  	s31 =	simm.s32 $0x80;
	s16 =	sadd.s32 $0xE000, s11;
	[dreg:$0x1d] =	wrdreg s22  }
0x16: {  	v0 =	vmov s13;
	s13 =	simm.s32 $0x0;
	s17 =	sadd.s32 $0xF000, s11;
	[dreg:$0x17] =	wrdreg s16  }
0x17: {  	s24 =	sshrl.u32 s8, $0x3;
	s18 =	sadd.s32 $0x10000, s11;
	[dreg:$0x18] =	wrdreg s17  }
0x18: {  	s14 =	sadd.s32 $0x80, s8;
	s20 =	sadd.s32 $0x12000, s11;
	[dreg:$0x19] =	wrdreg s18  }
0x19: {  	s21 =	sadd.s32 $0x13000, s11;
	s23 =	sadd.s32 $0x15000, s11;
	[dreg:$0x1b] =	wrdreg s20  }
0x1a: {  	s25 =	sadd.s32 $0x16000, s11;
	s22 =	simm.s32 $0x1;
	[dreg:$0x1c] =	wrdreg s21  }
0x1b: {  	s10 =	simm.s32 $0x5;
	s12 =	simm.s32 $0x5180;
	[dreg:$0x1e] =	wrdreg s23  }
0x1c: {  	s15 =	simm.s32 $0x6;
	s26 =	sadd.s32 s6, s24;
	[dreg:$0x1f] =	wrdreg s25  }
0x1d: {  	s4 =	sadd.s32 s7, s24;
	s24 =	sadd.s32 $0x6000, s11;
	[dreg:$0x5] =	wrdreg s26  }
0x1e: {  	s20 =	simm.s32 $0x7;
	s21 =	simm.s32 $0x40;
	[dreg:$0x6] =	wrdreg s4  }
0x1f: {  	[dreg:$0xe] =	wrdreg s24;
	s4 =	sshrl.u32 s19, $0x2;
	s26 =	sadd.s32 $0x8000, s11  }
0x20: {  	s24 =	sadd.s32 $0x86F000, s0;
	s19 =	sadd.s32 $0x11000, s11;
	[dreg:$0x11] =	wrdreg s26  }
0x21: {  	s0 =	simm.s32 $0x4;
	s4 =	sadd.s32 s4, s1;
	[dreg:$0x1a] =	wrdreg s19  }
0x22: {  	s26 =	sadd.s32 $0x17000, s11;
	s19 =	simm.s32 $0x20C0;
	[dreg:$0x10] =	wrdreg s4  }
0x23: {  	s4 =	sadd.s32 $0x9000, s11;
	[smem:$0x7FD] =	sst s26;
	s26 =	simm.s32 $0x30C0  }
0x24: {  	v1 =	vimm.f32 $0.0e+00;
	s11 =	simm.s32 $0x3140;
	[dreg:$0x12] =	wrdreg s4;
	s4 =	simm.s32 $0x3180  }
.LBB2_1:
0x25: {  	[smem:$0x7FC] =	sst s13;
	s13 =	simm.s32 $0x100;
	s9 =	simm.s32 $0x0  }
.LBB2_2:
0x26: {  	p0 =	sne.s32 s13, $0x3F00;
	[tilespmem:s9+$0x20F0] =	vst v1;
	s16 =	smov.u32 s13;
	s13 =	sadd.s32 $0x100, s13  }
.Ltmp0:
0x27: {  	[tilespmem:s9+$0x20E0] =	vst v1;
	(pc) =	sbr.rel @p0 .LBB2_2-.Ltmp0, $3  }
0x28: {  	[tilespmem:s9+$0x20C0] =	vst v1  }
0x29: {  	[tilespmem:s9+$0x20D0] =	vst v1;
	_ =	sdelay $0x1  }
0x2a: {  	s9 =	sshra.s32 s16, $0x2  }
0x2b: {  	[tilespmem:s9+$0x20F0] =	vst v1  }
0x2c: {  	[tilespmem:s9+$0x20E0] =	vst v1  }
0x2d: {  	[tilespmem:s9+$0x20C0] =	vst v1  }
0x2e: {  	[tilespmem:s9+$0x20D0] =	vst v1;
	s17 =	rddreg [dreg:$0x3]  }
0x2f: {  	[spmem:s17] =	stream.linear.scatter [tilespmem:s19], [sflag:$0x7], $0x1000, $0x38;
	[tilespmem:$0x1E9C0] =	vst v63  }
0x30: {  	_ =	swait.ge [sflag:s20], $0x1000  }
0x31: {  	[sflag:s20] =	ssyncset.done $0x0  }
0x32: {  	s18 =	rddreg [dreg:$0x9];
	[sflag:s20] =	ssyncadd.s32 $0xFFFFF000  }
0x33: {  	[spmem:s18] =	stream.linear.scatter [tilespmem:s19], [sflag:$0x7], $0x1000, $0x38;
	[tilespmem:$0x1E9C0] =	vst v63  }
0x34: {  	_ =	swait.ge [sflag:s20], $0x1000  }
0x35: {  	[sflag:s20] =	ssyncset.done $0x0  }
0x36: {  	s23 =	rddreg [dreg:$0xa];
	[sflag:s20] =	ssyncadd.s32 $0xFFFFF000  }
0x37: {  	[spmem:s23] =	stream.linear.scatter [tilespmem:s19], [sflag:$0x7], $0x1000, $0x38;
	[tilespmem:$0x1E9C0] =	vst v63  }
0x38: {  	_ =	swait.ge [sflag:s20], $0x1000  }
0x39: {  	[sflag:s20] =	ssyncset.done $0x0  }
0x3a: {  	s25 =	rddreg [dreg:$0xb];
	[sflag:s20] =	ssyncadd.s32 $0xFFFFF000  }
0x3b: {  	[spmem:s25] =	stream.linear.scatter [tilespmem:s19], [sflag:$0x7], $0x1000, $0x38;
	[tilespmem:$0x1E9C0] =	vst v63  }
0x3c: {  	_ =	swait.ge [sflag:s20], $0x1000  }
0x3d: {  	[sflag:s20] =	ssyncset.done $0x0  }
0x3e: {  	s13 =	rddreg [dreg:$0xc];
	[sflag:s20] =	ssyncadd.s32 $0xFFFFF000  }
0x3f: {  	[spmem:s13] =	stream.linear.scatter [tilespmem:s19], [sflag:$0x7], $0x1000, $0x38;
	[tilespmem:$0x1E9C0] =	vst v63  }
0x40: {  	_ =	swait.ge [sflag:s20], $0x1000  }
0x41: {  	[sflag:s20] =	ssyncset.done $0x0  }
0x42: {  	s16 =	rddreg [dreg:$0xd];
	[sflag:s20] =	ssyncadd.s32 $0xFFFFF000  }
0x43: {  	[spmem:s16] =	stream.linear.scatter [tilespmem:s19], [sflag:$0x7], $0x1000, $0x38;
	[tilespmem:$0x1E9C0] =	vst v63  }
0x44: {  	_ =	swait.ge [sflag:s20], $0x1000  }
0x45: {  	[sflag:s20] =	ssyncset.done $0x0  }
0x46: {  	s17 =	rddreg [dreg:$0xe];
	[sflag:s20] =	ssyncadd.s32 $0xFFFFF000  }
0x47: {  	[spmem:s17] =	stream.linear.scatter [tilespmem:s19], [sflag:$0x7], $0x1000, $0x38;
	[tilespmem:$0x1E9C0] =	vst v63  }
0x48: {  	_ =	swait.ge [sflag:s20], $0x1000  }
0x49: {  	[sflag:s20] =	ssyncset.done $0x0  }
0x4a: {  	s18 =	rddreg [dreg:$0xf];
	[sflag:s20] =	ssyncadd.s32 $0xFFFFF000  }
0x4b: {  	[spmem:s18] =	stream.linear.scatter [tilespmem:s19], [sflag:$0x7], $0x1000, $0x38;
	[tilespmem:$0x1E9C0] =	vst v63  }
0x4c: {  	_ =	swait.ge [sflag:s20], $0x1000  }
0x4d: {  	[sflag:s20] =	ssyncset.done $0x0  }
0x4e: {  	s23 =	rddreg [dreg:$0x11];
	[sflag:s20] =	ssyncadd.s32 $0xFFFFF000  }
0x4f: {  	[spmem:s23] =	stream.linear.scatter [tilespmem:s19], [sflag:$0x7], $0x1000, $0x38;
	[tilespmem:$0x1E9C0] =	vst v63  }
0x50: {  	_ =	swait.ge [sflag:s20], $0x1000  }
0x51: {  	[sflag:s20] =	ssyncset.done $0x0  }
0x52: {  	s25 =	rddreg [dreg:$0x12];
	[sflag:s20] =	ssyncadd.s32 $0xFFFFF000  }
0x53: {  	[spmem:s25] =	stream.linear.scatter [tilespmem:s19], [sflag:$0x7], $0x1000, $0x38;
	[tilespmem:$0x1E9C0] =	vst v63  }
0x54: {  	_ =	swait.ge [sflag:s20], $0x1000  }
0x55: {  	[sflag:s20] =	ssyncset.done $0x0  }
0x56: {  	s13 =	rddreg [dreg:$0x13];
	[sflag:s20] =	ssyncadd.s32 $0xFFFFF000  }
0x57: {  	[spmem:s13] =	stream.linear.scatter [tilespmem:s19], [sflag:$0x7], $0x1000, $0x38;
	[tilespmem:$0x1E9C0] =	vst v63  }
0x58: {  	_ =	swait.ge [sflag:s20], $0x1000  }
0x59: {  	[sflag:s20] =	ssyncset.done $0x0  }
0x5a: {  	s16 =	rddreg [dreg:$0x14];
	[sflag:s20] =	ssyncadd.s32 $0xFFFFF000  }
0x5b: {  	[spmem:s16] =	stream.linear.scatter [tilespmem:s19], [sflag:$0x7], $0x1000, $0x38;
	[tilespmem:$0x1E9C0] =	vst v63  }
0x5c: {  	_ =	swait.ge [sflag:s20], $0x1000  }
0x5d: {  	[sflag:s20] =	ssyncset.done $0x0  }
0x5e: {  	s17 =	rddreg [dreg:$0x15];
	[sflag:s20] =	ssyncadd.s32 $0xFFFFF000  }
0x5f: {  	[spmem:s17] =	stream.linear.scatter [tilespmem:s19], [sflag:$0x7], $0x1000, $0x38;
	[tilespmem:$0x1E9C0] =	vst v63  }
0x60: {  	_ =	swait.ge [sflag:s20], $0x1000  }
0x61: {  	[sflag:s20] =	ssyncset.done $0x0  }
0x62: {  	s18 =	rddreg [dreg:$0x16];
	[sflag:s20] =	ssyncadd.s32 $0xFFFFF000  }
0x63: {  	[spmem:s18] =	stream.linear.scatter [tilespmem:s19], [sflag:$0x7], $0x1000, $0x38;
	[tilespmem:$0x1E9C0] =	vst v63  }
0x64: {  	_ =	swait.ge [sflag:s20], $0x1000  }
0x65: {  	[sflag:s20] =	ssyncset.done $0x0  }
0x66: {  	s23 =	rddreg [dreg:$0x17];
	[sflag:s20] =	ssyncadd.s32 $0xFFFFF000  }
0x67: {  	[spmem:s23] =	stream.linear.scatter [tilespmem:s19], [sflag:$0x7], $0x1000, $0x38;
	[tilespmem:$0x1E9C0] =	vst v63  }
0x68: {  	_ =	swait.ge [sflag:s20], $0x1000  }
0x69: {  	[sflag:s20] =	ssyncset.done $0x0  }
0x6a: {  	s25 =	rddreg [dreg:$0x18];
	[sflag:s20] =	ssyncadd.s32 $0xFFFFF000  }
0x6b: {  	[spmem:s25] =	stream.linear.scatter [tilespmem:s19], [sflag:$0x7], $0x1000, $0x38;
	[tilespmem:$0x1E9C0] =	vst v63  }
0x6c: {  	_ =	swait.ge [sflag:s20], $0x1000  }
0x6d: {  	[sflag:s20] =	ssyncset.done $0x0  }
0x6e: {  	s13 =	rddreg [dreg:$0x19];
	[sflag:s20] =	ssyncadd.s32 $0xFFFFF000  }
0x6f: {  	[spmem:s13] =	stream.linear.scatter [tilespmem:s19], [sflag:$0x7], $0x1000, $0x38;
	[tilespmem:$0x1E9C0] =	vst v63  }
0x70: {  	_ =	swait.ge [sflag:s20], $0x1000  }
0x71: {  	[sflag:s20] =	ssyncset.done $0x0  }
0x72: {  	s16 =	rddreg [dreg:$0x1a];
	[sflag:s20] =	ssyncadd.s32 $0xFFFFF000  }
0x73: {  	[spmem:s16] =	stream.linear.scatter [tilespmem:s19], [sflag:$0x7], $0x1000, $0x38;
	[tilespmem:$0x1E9C0] =	vst v63  }
0x74: {  	_ =	swait.ge [sflag:s20], $0x1000  }
0x75: {  	[sflag:s20] =	ssyncset.done $0x0  }
0x76: {  	s17 =	rddreg [dreg:$0x1b];
	[sflag:s20] =	ssyncadd.s32 $0xFFFFF000  }
0x77: {  	[spmem:s17] =	stream.linear.scatter [tilespmem:s19], [sflag:$0x7], $0x1000, $0x38;
	[tilespmem:$0x1E9C0] =	vst v63  }
0x78: {  	_ =	swait.ge [sflag:s20], $0x1000  }
0x79: {  	[sflag:s20] =	ssyncset.done $0x0  }
0x7a: {  	s18 =	rddreg [dreg:$0x1c];
	[sflag:s20] =	ssyncadd.s32 $0xFFFFF000  }
0x7b: {  	[spmem:s18] =	stream.linear.scatter [tilespmem:s19], [sflag:$0x7], $0x1000, $0x38;
	[tilespmem:$0x1E9C0] =	vst v63  }
0x7c: {  	_ =	swait.ge [sflag:s20], $0x1000  }
0x7d: {  	[sflag:s20] =	ssyncset.done $0x0  }
0x7e: {  	s23 =	rddreg [dreg:$0x1d];
	[sflag:s20] =	ssyncadd.s32 $0xFFFFF000  }
0x7f: {  	[spmem:s23] =	stream.linear.scatter [tilespmem:s19], [sflag:$0x7], $0x1000, $0x38;
	[tilespmem:$0x1E9C0] =	vst v63  }
0x80: {  	_ =	swait.ge [sflag:s20], $0x1000  }
0x81: {  	[sflag:s20] =	ssyncset.done $0x0  }
0x82: {  	s25 =	rddreg [dreg:$0x1e];
	[sflag:s20] =	ssyncadd.s32 $0xFFFFF000  }
0x83: {  	[spmem:s25] =	stream.linear.scatter [tilespmem:s19], [sflag:$0x7], $0x1000, $0x38;
	[tilespmem:$0x1E9C0] =	vst v63  }
0x84: {  	_ =	swait.ge [sflag:s20], $0x1000  }
0x85: {  	[sflag:s20] =	ssyncset.done $0x0  }
0x86: {  	s13 =	rddreg [dreg:$0x1f];
	[sflag:s20] =	ssyncadd.s32 $0xFFFFF000  }
0x87: {  	[spmem:s13] =	stream.linear.scatter [tilespmem:s19], [sflag:$0x7], $0x1000, $0x38;
	[tilespmem:$0x1E9C0] =	vst v63  }
0x88: {  	_ =	swait.ge [sflag:s20], $0x1000  }
0x89: {  	s16 =	sld [smem:$0x7FD]  }
0x8a: {  	[sflag:s20] =	ssyncset.done $0x0  }
0x8b: {  	[sflag:s20] =	ssyncadd.s32 $0xFFFFF000  }
0x8c: {  	[spmem:s16] =	stream.linear.scatter [tilespmem:s19], [sflag:$0x7], $0x1000, $0x38;
	[tilespmem:$0x1E9C0] =	vst v63  }
0x8d: {  	_ =	swait.ge [sflag:s20], $0x1000  }
0x8e: {  	[sflag:s20] =	ssyncset.done $0x0  }
0x8f: {  	s17 =	rddreg [dreg:$0x4];
	[sflag:s20] =	ssyncadd.s32 $0xFFFFF000  }
0x90: {  	[spmem:s17] =	stream.linear.scatter [tilespmem:s19], [sflag:$0x7], $0x840, $0x38;
	[tilespmem:$0x1E9C0] =	vst v63  }
0x91: {  	_ =	swait.ge [sflag:s20], $0x840  }
0x92: {  	[sflag:s20] =	ssyncset.done $0x0  }
0x93: {  	[sflag:s20] =	ssyncadd.s32 $0xFFFFF7C0  }
0x94: {  	[bflag:$0x0] =	sbarrier.arrive $0xFFFF  }
0x95: {  	s17 =	simm.s32 $0x0;
	s18 =	rddreg [dreg:$0x5]  }
0x96: {  	[tilespmem:s17], [sflag:$0x1] =	stream.linear.gather [hbm4b:s18+s17], $0x40, $0x38;
	[tilespmem:$0x1E9C0] =	vst v63  }
0x97: {  	s23 =	rddreg [dreg:$0x6]  }
0x98: {  	[tilespmem:s21], [sflag:$0x1] =	stream.linear.gather [hbm4b:s23+s17], $0x40, $0x38;
	[tilespmem:$0x1E9C0] =	vst v63  }
0x99: {  	s13 =	simm.s32 $0x10C0;
	s25 =	rddreg [dreg:$0x7]  }
0x9a: {  	[tilespmem:s13], [sflag:$0x1] =	stream.linear.gather [hbm4b:s25+s17], $0x1000, $0x38;
	[tilespmem:$0x1E9C0] =	vst v63  }
.LBB2_4:
0x9b: {  	_ =	swait.ge [sflag:s22], $0x40  }
0x9c: {  	[sflag:s22] =	ssyncset.done $0x0  }
0x9d: {  	[sflag:s22] =	ssyncadd.s32 $0xFFFFFFC0  }
0x9e: {  	_ =	swait.ge [sflag:s22], $0x40  }
0x9f: {  	[sflag:s22] =	ssyncset.done $0x0  }
0xa0: {  	[sflag:s22] =	ssyncadd.s32 $0xFFFFFFC0  }
0xa1: {  	_ =	swait.ge [sflag:s22], $0x1000  }
0xa2: {  	s18 =	sshll.u32 s17, $0x7;
	[sflag:s22] =	ssyncset.done $0x0  }
0xa3: {  	s9 =	simm.s32 $0xC0;
	s23 =	sadd.s32 s18, s8;
	[sflag:s22] =	ssyncadd.s32 $0xFFFFF000  }
0xa4: {  	[tilespmem:s9], [sflag:$0x2] =	stream.indirect.gather [hbm4b:s3+s21], $0x40, s2, s21, $0xb8;
	[tilespmem:$0x1E9C0] =	vst v63  }
0xa5: {  	s9 =	sadd.s32 $0x40, s23  }
0xa6: {  	s13 =	sshrl.u32 s9, $0x3  }
0xa7: {  	s16 =	sadd.s32 s6, s13  }
0xa8: {  	[tilespmem:s26], [sflag:$0x4] =	stream.linear.gather [hbm4b:s16+s2], $0x40, $0x38;
	[tilespmem:$0x1E9C0] =	vst v63  }
0xa9: {  	s9 =	sshll.u32 s9, $0x3;
	s13 =	sadd.s32 s7, s13  }
0xaa: {  	[tilespmem:s28], [sflag:$0x4] =	stream.linear.gather [hbm4b:s13+s2], $0x40, $0x38;
	[tilespmem:$0x1E9C0] =	vst v63  }
0xab: {  	p0 =	seq.s32 s17, $0x0;
	s9 =	sadd.s32 s5, s9  }
0xac: {  	[tilespmem:s29], [sflag:$0x4] =	stream.linear.gather [hbm4b:s9+s2], $0x1000, $0x38;
	[tilespmem:$0x1E9C0] =	vst v63  }
0xad: {  	s9 =	simm.s32 @!p0 $0x3  }
0xae: {  	_ =	swait.ge @!p0 [sflag:s9], $0x1000  }
0xaf: {  	[sflag:s9] =	ssyncset.done @!p0 $0x0  }
0xb0: {  	[sflag:s9] =	ssyncadd.s32 @!p0 $0xFFFFF000  }
0xb1: {  	v2 =	vld [tilespmem:$0x40]  }
0xb2: {  	v3 =	vld [tilespmem:$0x50]  }
0xb3: {  	v4 =	vld [tilespmem:$0x60]  }
0xb4: {  	v5 =	vld [tilespmem:$0x70];
	_ =	sdelay $0x1  }
0xb5: {  	v2 =	vsub.s32 v2, v0  }
0xb6: {  	v3 =	vsub.s32 v3, v0;
	v2 =	vmin.u32 v2, $0x6200  }
0xb7: {  	[tilespmem:$0x80] =	vst v2;
	v2 =	vmin.u32 v3, $0x6200;
	v3 =	vsub.s32 v4, v0  }
0xb8: {  	[tilespmem:$0x90] =	vst v2;
	v2 =	vmin.u32 v3, $0x6200;
	v3 =	vsub.s32 v5, v0  }
0xb9: {  	[tilespmem:$0xA0] =	vst v2;
	v2 =	vmin.u32 v3, $0x6200  }
0xba: {  	[tilespmem:$0xB0] =	vst v2  }
0xbb: {  	_ =	swait.ge [sflag:s30], $0x1000  }
0xbc: {  	[sflag:s30] =	ssyncset.done $0x0  }
0xbd: {  	s25 =	simm.s32 $0x100;
	[sflag:s30] =	ssyncadd.s32 $0xFFFFF000  }
0xbe: {  	s13 =	simm.s32 $0x1100;
	v2 =	vld [tilespmem:s25+$0xFFFFFFC0]  }
0xbf: {  	v3 =	vld [tilespmem:s13+$0xFFFFFFC0];
	_ =	sdelay $0x4  }
0xc0: {  	v2 =	vmul.f32 v3, v2  }
0xc1: {  	s9 =	simm.s32 $0x2100  }
0xc2: {  	[tilespmem:s9+$0xFFFFFFC0] =	vst v2  }
0xc3: {  	v2 =	vld [tilespmem:s13+$0xFFFFFFD0]  }
0xc4: {  	v3 =	vld [tilespmem:s25+$0xFFFFFFD0];
	_ =	sdelay $0x4  }
0xc5: {  	v2 =	vmul.f32 v2, v3;
	_ =	sdelay $0x1  }
0xc6: {  	[tilespmem:s9+$0xFFFFFFD0] =	vst v2  }
0xc7: {  	v2 =	vld [tilespmem:s25+$0xFFFFFFE0]  }
0xc8: {  	v3 =	vld [tilespmem:s13+$0xFFFFFFE0];
	_ =	sdelay $0x4  }
0xc9: {  	v2 =	vmul.f32 v3, v2;
	_ =	sdelay $0x1  }
0xca: {  	[tilespmem:s9+$0xFFFFFFE0] =	vst v2  }
0xcb: {  	v2 =	vld [tilespmem:s25+$0xFFFFFFF0]  }
0xcc: {  	v3 =	vld [tilespmem:s13+$0xFFFFFFF0];
	_ =	sdelay $0x4  }
0xcd: {  	v2 =	vmul.f32 v3, v2;
	_ =	sdelay $0x1  }
0xce: {  	[tilespmem:s9+$0xFFFFFFF0] =	vst v2  }
0xcf: {  	v2 =	vld [tilespmem:s25+$0x0]  }
0xd0: {  	v3 =	vld [tilespmem:s13+$0x0];
	_ =	sdelay $0x4  }
0xd1: {  	v2 =	vmul.f32 v3, v2;
	_ =	sdelay $0x1  }
0xd2: {  	[tilespmem:s9+$0x0] =	vst v2  }
0xd3: {  	v2 =	vld [tilespmem:s25+$0x10]  }
0xd4: {  	v3 =	vld [tilespmem:s13+$0x10];
	_ =	sdelay $0x4  }
0xd5: {  	v2 =	vmul.f32 v3, v2;
	_ =	sdelay $0x1  }
0xd6: {  	[tilespmem:s9+$0x10] =	vst v2  }
0xd7: {  	v2 =	vld [tilespmem:s25+$0x20]  }
0xd8: {  	v3 =	vld [tilespmem:s13+$0x20];
	_ =	sdelay $0x4  }
0xd9: {  	v2 =	vmul.f32 v3, v2;
	_ =	sdelay $0x1  }
0xda: {  	[tilespmem:s9+$0x20] =	vst v2  }
0xdb: {  	s23 =	simm.s32 $0x0;
	s16 =	simm.s32 $0x2100;
	v2 =	vld [tilespmem:s25+$0x30];
	s25 =	simm.s32 $0x180  }
.LBB2_5:
0xdc: {  	s23 =	sadd.s32 $0x2, s23;
	v3 =	vld [tilespmem:s13+$0x30];
	s9 =	sadd.s32 $0x80, s9;
	s13 =	sadd.s32 $0x80, s13  }
0xdd: {  	p0 =	slt.u32 s23, $0x3E;
	_ =	sdelay $0x3  }
0xde: {  	v2 =	vmul.f32 v3, v2;
	_ =	sdelay $0x1  }
0xdf: {  	[tilespmem:s16+$0x30] =	vst v2;
	s16 =	smov.u32 s9  }
0xe0: {  	v2 =	vld [tilespmem:s25+$0xFFFFFFC0]  }
0xe1: {  	v3 =	vld [tilespmem:s13+$0xFFFFFFC0];
	_ =	sdelay $0x4  }
0xe2: {  	v2 =	vmul.f32 v3, v2;
	_ =	sdelay $0x1  }
0xe3: {  	[tilespmem:s9+$0xFFFFFFC0] =	vst v2  }
0xe4: {  	v2 =	vld [tilespmem:s13+$0xFFFFFFD0]  }
0xe5: {  	v3 =	vld [tilespmem:s25+$0xFFFFFFD0];
	_ =	sdelay $0x4  }
0xe6: {  	v2 =	vmul.f32 v2, v3;
	_ =	sdelay $0x1  }
0xe7: {  	[tilespmem:s9+$0xFFFFFFD0] =	vst v2  }
0xe8: {  	v2 =	vld [tilespmem:s25+$0xFFFFFFE0]  }
0xe9: {  	v3 =	vld [tilespmem:s13+$0xFFFFFFE0];
	_ =	sdelay $0x4  }
0xea: {  	v2 =	vmul.f32 v3, v2;
	_ =	sdelay $0x1  }
0xeb: {  	[tilespmem:s9+$0xFFFFFFE0] =	vst v2  }
0xec: {  	v2 =	vld [tilespmem:s25+$0xFFFFFFF0]  }
0xed: {  	v3 =	vld [tilespmem:s13+$0xFFFFFFF0];
	_ =	sdelay $0x4  }
0xee: {  	v2 =	vmul.f32 v3, v2;
	_ =	sdelay $0x1  }
0xef: {  	[tilespmem:s9+$0xFFFFFFF0] =	vst v2  }
0xf0: {  	v2 =	vld [tilespmem:s25+$0x0]  }
0xf1: {  	v3 =	vld [tilespmem:s13+$0x0];
	_ =	sdelay $0x4  }
0xf2: {  	v2 =	vmul.f32 v3, v2;
	_ =	sdelay $0x1  }
0xf3: {  	[tilespmem:s9+$0x0] =	vst v2  }
0xf4: {  	v2 =	vld [tilespmem:s25+$0x10]  }
0xf5: {  	v3 =	vld [tilespmem:s13+$0x10];
	_ =	sdelay $0x4  }
0xf6: {  	v2 =	vmul.f32 v3, v2;
	_ =	sdelay $0x1  }
0xf7: {  	[tilespmem:s9+$0x10] =	vst v2  }
0xf8: {  	v2 =	vld [tilespmem:s25+$0x20]  }
0xf9: {  	v3 =	vld [tilespmem:s13+$0x20];
	_ =	sdelay $0x3  }
.Ltmp1:
0xfa: {  	(pc) =	sbr.rel @p0 .LBB2_5-.Ltmp1, $3  }
0xfb: {  	v2 =	vmul.f32 v3, v2;
	_ =	sdelay $0x1  }
0xfc: {  	[tilespmem:s9+$0x20] =	vst v2  }
0xfd: {  	v2 =	vld [tilespmem:s25+$0x30];
	s25 =	sadd.s32 $0x80, s25  }
0xfe: {  	v3 =	vld [tilespmem:s13+$0x30];
	_ =	sdelay $0x4  }
0xff: {  	v2 =	vmul.f32 v3, v2;
	_ =	sdelay $0x1  }
0x100: {  	[tilespmem:s16+$0x30] =	vst v2  }
0x101: {  	[spmem:s1] =	stream.indirect.scatter.add.f32 [tilespmem:s19], [sflag:$0x3], $0x40, s31, s21, $0xb8;
	[tilespmem:$0x1E9C0] =	vst v63  }
0x102: {  	_ =	swait.ge [sflag:s0], $0x40  }
0x103: {  	[sflag:s0] =	ssyncset.done $0x0  }
0x104: {  	[sflag:s0] =	ssyncadd.s32 $0xFFFFFFC0  }
0x105: {  	_ =	swait.ge [sflag:s0], $0x40  }
0x106: {  	[sflag:s0] =	ssyncset.done $0x0  }
0x107: {  	[sflag:s0] =	ssyncadd.s32 $0xFFFFFFC0  }
0x108: {  	p0 =	seq.s32 s17, $0x186;
	_ =	swait.ge [sflag:s0], $0x1000  }
0x109: {  	s9 =	sadd.s32 @!p0 s18, s14;
	[sflag:s0] =	ssyncset.done $0x0  }
0x10a: {  	s13 =	sshrl.u32 @!p0 s9, $0x3;
	[sflag:s0] =	ssyncadd.s32 $0xFFFFF000  }
0x10b: {  	[tilespmem:s4], [sflag:$0x5] =	stream.indirect.gather [hbm4b:s3+s21], $0x40, s26, s21, $0xb8;
	[tilespmem:$0x1E9C0] =	vst v63  }
0x10c: {  	s18 =	simm.s32 @!p0 $0x0;
	s16 =	sadd.s32 @!p0 s6, s13  }
0x10d: {  	[tilespmem:s18], [sflag:$0x1] =	stream.linear.gather @!p0 [hbm4b:s16+s18], $0x40, $0x38;
	[tilespmem:$0x1E9C0] =	vst v63  }
0x10e: {  	s9 =	sshll.u32 @!p0 s9, $0x3;
	s13 =	sadd.s32 @!p0 s7, s13;
	s16 =	simm.s32 @!p0 $0x40  }
0x10f: {  	[tilespmem:s16], [sflag:$0x1] =	stream.linear.gather @!p0 [hbm4b:s13+s18], $0x40, $0x38;
	[tilespmem:$0x1E9C0] =	vst v63  }
0x110: {  	p1 =	seq.s32 @!p0 s17, $0x0;
	s9 =	sadd.s32 @!p0 s5, s9;
	s13 =	simm.s32 @!p0 $0x10C0  }
0x111: {  	[tilespmem:s13], [sflag:$0x1] =	stream.linear.gather @!p0 [hbm4b:s9+s18], $0x1000, $0x38;
	[tilespmem:$0x1E9C0] =	vst v63  }
0x112: {  	p0 =	por p0, !p1  }
0x113: {  	_ =	swait.ge @p0 [sflag:s15], $0x1000  }
0x114: {  	[sflag:s15] =	ssyncset.done @p0 $0x0  }
0x115: {  	[sflag:s15] =	ssyncadd.s32 @p0 $0xFFFFF000  }
0x116: {  	v2 =	vld [tilespmem:$0x3100]  }
0x117: {  	v3 =	vld [tilespmem:$0x3110]  }
0x118: {  	v4 =	vld [tilespmem:$0x3120]  }
0x119: {  	v5 =	vld [tilespmem:$0x3130];
	_ =	sdelay $0x1  }
0x11a: {  	v2 =	vsub.s32 v2, v0  }
0x11b: {  	v3 =	vsub.s32 v3, v0;
	v2 =	vmin.u32 v2, $0x6200  }
0x11c: {  	[tilespmem:$0x3140] =	vst v2;
	v2 =	vmin.u32 v3, $0x6200;
	v3 =	vsub.s32 v4, v0  }
0x11d: {  	[tilespmem:$0x3150] =	vst v2;
	v2 =	vmin.u32 v3, $0x6200;
	v3 =	vsub.s32 v5, v0  }
0x11e: {  	[tilespmem:$0x3160] =	vst v2;
	v2 =	vmin.u32 v3, $0x6200  }
0x11f: {  	[tilespmem:$0x3170] =	vst v2  }
0x120: {  	_ =	swait.ge [sflag:s10], $0x1000  }
0x121: {  	[sflag:s10] =	ssyncset.done $0x0  }
0x122: {  	s25 =	simm.s32 $0x31C0;
	[sflag:s10] =	ssyncadd.s32 $0xFFFFF000  }
0x123: {  	s13 =	simm.s32 $0x41C0;
	v2 =	vld [tilespmem:s25+$0xFFFFFFC0]  }
0x124: {  	v3 =	vld [tilespmem:s13+$0xFFFFFFC0];
	_ =	sdelay $0x4  }
0x125: {  	v2 =	vmul.f32 v3, v2  }
0x126: {  	s9 =	simm.s32 $0x51C0  }
0x127: {  	[tilespmem:s9+$0xFFFFFFC0] =	vst v2  }
0x128: {  	v2 =	vld [tilespmem:s13+$0xFFFFFFD0]  }
0x129: {  	v3 =	vld [tilespmem:s25+$0xFFFFFFD0];
	_ =	sdelay $0x4  }
0x12a: {  	v2 =	vmul.f32 v2, v3;
	_ =	sdelay $0x1  }
0x12b: {  	[tilespmem:s9+$0xFFFFFFD0] =	vst v2  }
0x12c: {  	v2 =	vld [tilespmem:s25+$0xFFFFFFE0]  }
0x12d: {  	v3 =	vld [tilespmem:s13+$0xFFFFFFE0];
	_ =	sdelay $0x4  }
0x12e: {  	v2 =	vmul.f32 v3, v2;
	_ =	sdelay $0x1  }
0x12f: {  	[tilespmem:s9+$0xFFFFFFE0] =	vst v2  }
0x130: {  	v2 =	vld [tilespmem:s25+$0xFFFFFFF0]  }
0x131: {  	v3 =	vld [tilespmem:s13+$0xFFFFFFF0];
	_ =	sdelay $0x4  }
0x132: {  	v2 =	vmul.f32 v3, v2;
	_ =	sdelay $0x1  }
0x133: {  	[tilespmem:s9+$0xFFFFFFF0] =	vst v2  }
0x134: {  	v2 =	vld [tilespmem:s25+$0x0]  }
0x135: {  	v3 =	vld [tilespmem:s13+$0x0];
	_ =	sdelay $0x4  }
0x136: {  	v2 =	vmul.f32 v3, v2;
	_ =	sdelay $0x1  }
0x137: {  	[tilespmem:s9+$0x0] =	vst v2  }
0x138: {  	v2 =	vld [tilespmem:s25+$0x10]  }
0x139: {  	v3 =	vld [tilespmem:s13+$0x10];
	_ =	sdelay $0x4  }
0x13a: {  	v2 =	vmul.f32 v3, v2;
	_ =	sdelay $0x1  }
0x13b: {  	[tilespmem:s9+$0x10] =	vst v2  }
0x13c: {  	v2 =	vld [tilespmem:s25+$0x20]  }
0x13d: {  	v3 =	vld [tilespmem:s13+$0x20];
	_ =	sdelay $0x4  }
0x13e: {  	v2 =	vmul.f32 v3, v2;
	_ =	sdelay $0x1  }
0x13f: {  	[tilespmem:s9+$0x20] =	vst v2  }
0x140: {  	s23 =	simm.s32 $0x3240;
	s16 =	simm.s32 $0x51C0;
	s18 =	simm.s32 $0x0;
	v2 =	vld [tilespmem:s25+$0x30]  }
.LBB2_7:
0x141: {  	s18 =	sadd.s32 $0x2, s18;
	v3 =	vld [tilespmem:s13+$0x30];
	s9 =	sadd.s32 $0x80, s9;
	s13 =	sadd.s32 $0x80, s13  }
0x142: {  	p0 =	slt.u32 s18, $0x3E;
	_ =	sdelay $0x3  }
0x143: {  	v2 =	vmul.f32 v3, v2;
	_ =	sdelay $0x1  }
0x144: {  	[tilespmem:s16+$0x30] =	vst v2;
	s16 =	smov.u32 s9  }
0x145: {  	v2 =	vld [tilespmem:s23+$0xFFFFFFC0]  }
0x146: {  	v3 =	vld [tilespmem:s13+$0xFFFFFFC0];
	_ =	sdelay $0x4  }
0x147: {  	v2 =	vmul.f32 v3, v2;
	_ =	sdelay $0x1  }
0x148: {  	[tilespmem:s9+$0xFFFFFFC0] =	vst v2  }
0x149: {  	v2 =	vld [tilespmem:s13+$0xFFFFFFD0]  }
0x14a: {  	v3 =	vld [tilespmem:s23+$0xFFFFFFD0];
	_ =	sdelay $0x4  }
0x14b: {  	v2 =	vmul.f32 v2, v3;
	_ =	sdelay $0x1  }
0x14c: {  	[tilespmem:s9+$0xFFFFFFD0] =	vst v2  }
0x14d: {  	v2 =	vld [tilespmem:s23+$0xFFFFFFE0]  }
0x14e: {  	v3 =	vld [tilespmem:s13+$0xFFFFFFE0];
	_ =	sdelay $0x4  }
0x14f: {  	v2 =	vmul.f32 v3, v2;
	_ =	sdelay $0x1  }
0x150: {  	[tilespmem:s9+$0xFFFFFFE0] =	vst v2  }
0x151: {  	v2 =	vld [tilespmem:s23+$0xFFFFFFF0]  }
0x152: {  	v3 =	vld [tilespmem:s13+$0xFFFFFFF0];
	_ =	sdelay $0x4  }
0x153: {  	v2 =	vmul.f32 v3, v2;
	_ =	sdelay $0x1  }
0x154: {  	[tilespmem:s9+$0xFFFFFFF0] =	vst v2  }
0x155: {  	v2 =	vld [tilespmem:s23+$0x0]  }
0x156: {  	v3 =	vld [tilespmem:s13+$0x0];
	_ =	sdelay $0x4  }
0x157: {  	v2 =	vmul.f32 v3, v2;
	_ =	sdelay $0x1  }
0x158: {  	[tilespmem:s9+$0x0] =	vst v2  }
0x159: {  	v2 =	vld [tilespmem:s23+$0x10]  }
0x15a: {  	v3 =	vld [tilespmem:s13+$0x10];
	_ =	sdelay $0x4  }
0x15b: {  	v2 =	vmul.f32 v3, v2;
	_ =	sdelay $0x1  }
0x15c: {  	[tilespmem:s9+$0x10] =	vst v2  }
0x15d: {  	v2 =	vld [tilespmem:s23+$0x20]  }
0x15e: {  	v3 =	vld [tilespmem:s13+$0x20];
	_ =	sdelay $0x3  }
.Ltmp2:
0x15f: {  	(pc) =	sbr.rel @p0 .LBB2_7-.Ltmp2, $3  }
0x160: {  	v2 =	vmul.f32 v3, v2;
	_ =	sdelay $0x1  }
0x161: {  	[tilespmem:s9+$0x20] =	vst v2  }
0x162: {  	v2 =	vld [tilespmem:s23+$0x30];
	s23 =	sadd.s32 $0x80, s23  }
0x163: {  	v3 =	vld [tilespmem:s13+$0x30];
	_ =	sdelay $0x1  }
0x164: {  	s17 =	sadd.s32 $0x1, s17  }
0x165: {  	p0 =	sne.s32 s17, $0x187  }
.Ltmp3:
0x166: {  	_ = 	snop;
	(pc) =	sbr.rel @p0 .LBB2_4-.Ltmp3, $3  }
0x167: {  	v2 =	vmul.f32 v3, v2;
	_ =	sdelay $0x1  }
0x168: {  	[tilespmem:s16+$0x30] =	vst v2  }
0x169: {  	[spmem:s1] =	stream.indirect.scatter.add.f32 [tilespmem:s12], [sflag:$0x6], $0x40, s11, s21, $0xb8;
	[tilespmem:$0x1E9C0] =	vst v63  }
0x16a: {  	s9 =	simm.s32 $0x3  }
0x16b: {  	_ =	swait.ge [sflag:s9], $0x1000  }
0x16c: {  	[sflag:s9] =	ssyncset.done $0x0  }
0x16d: {  	[sflag:s9] =	ssyncadd.s32 $0xFFFFF000  }
0x16e: {  	_ =	swait.ge [sflag:s15], $0x1000  }
0x16f: {  	[sflag:s15] =	ssyncset.done $0x0  }
0x170: {  	[sflag:s15] =	ssyncadd.s32 $0xFFFFF000  }
0x171: {  	s25 =	stileid.u32;
	[bflag:$0x0] =	sbarrier.arrive $0xFFFF  }
0x172: {  	s9 =	sshll.u32 s25, $0x6;
	s17 =	rddreg [dreg:$0x10]  }
0x173: {  	s13 =	sadd.s32 $0x0, s24;
	s9 =	sor.u32 $0x1C07, s9;
	s16 =	sshrl.u32 s17, $0x3  }
0x174: {  	[hbm:s13], [sflag:s9] =	dma.local [spmem:s16], $0x380  }
0x175: {  	s13 =	simm.s32 $0x380;
	s16 =	sadd.s32 $0x1C00, s17;
	_ =	swait.ge [sflag:s20], $0x380  }
.LBB2_10:
0x176: {  	s17 =	sadd.s32 s13, s24;
	[sflag:s20] =	ssyncset.done $0x0;
	p0 =	sne.s32 s13, $0x2D80  }
.Ltmp4:
0x177: {  	s18 =	sshrl.u32 s16, $0x3;
	[sflag:s20] =	ssyncadd.s32 $0xFFFFFC80;
	(pc) =	sbr.rel @p0 .LBB2_10-.Ltmp4, $3  }
0x178: {  	[hbm:s17], [sflag:s9] =	dma.local [spmem:s18], $0x380  }
0x179: {  	s13 =	sadd.s32 $0x380, s13;
	_ =	sdelay $0x1  }
0x17a: {  	s16 =	sadd.s32 $0x1C00, s16;
	_ =	swait.ge [sflag:s20], $0x380  }
0x17b: {  	s13 =	sld [smem:$0x7FC];
	_ =	sdelay $0x2  }
0x17c: {  	s9 =	rddreg [dreg:$0x8];
	s13 =	sadd.s32 $0x1, s13  }
0x17d: {  	p0 =	sne.s32 s13, s9  }
.Ltmp5:
0x17e: {  	_ = 	snop;
	(pc) =	sbr.rel @p0 .LBB2_1-.Ltmp5, $3  }
0x17f: {  	_ =	sdelay $0x1  }
0x180: {  	[sflag:s20] =	ssyncset.done $0x0  }
0x181: {  	[sflag:s20] =	ssyncadd.s32 $0xFFFFFC80  }
0x182: {  	_ =	sfence.sel $0x180000  }
0x183: {  	[bflag:$0x0] =	sbarrier.arrive $0xFFFF  }
0x184: {  	_ =	strace $0x9000004A  }
0x185: {  	s0 =	stileid.u32;
	[bflag:$0x2] =	sbarrier.arrive $0xFFFF  }
0x186: {  	p0 =	sne.s32 s0, $0x0;
	s0 =	rddreg [dreg:$0x2]  }
0x187: {  	s0 =	sadd.s32 @!p0 $0x100000, s0  }
0x188: {  	[sflag:s0] =	ssyncadd.tile.s32 @!p0 $0x1;
	_ =	shalt  }
.Lfunc_end2:
_tile_overlayer_lowered:
.L_overlay_start_2:
0x189: {  	(tag) =	ssettag $0x2  }
0x18a: {  	s0 =	rddreg [dreg:$0x0];
	s2 =	stileid.u32  }
0x18b: {  	s1 =	rddreg [dreg:$0x1];
	p0 =	sne.s32 s2, $0x0  }
0x18c: {  	s3 =	rddreg [dreg:$0x2];
	[bflag:$0x3] =	sbarrier.arrive $0xFFFF;
	s2 =	simm.s32 @!p0 $0x1C07  }
0x18d: {  	[timem:s3], [sflag:s2] =	dma.local @!p0 [hbm:s0], s1  }
0x18e: {  	s0 =	simm.s32 @!p0 $0x7  }
0x18f: {  	_ =	swait.ge @!p0 [sflag:s0], s1  }
0x190: {  	s1 =	ssub.s32 @!p0 $0x0, s1;
	[sflag:s0] =	ssyncset.done @!p0 $0x0  }
0x191: {  	[sflag:s0] =	ssyncadd.s32 @!p0 s1  }
0x192: {  	[bflag:$0x3] =	sbarrier.arrive $0xFFFF  }
0x193: {  	_ =	shalt  }

// kernel: kernel.18.cloned.1.call-start
scs
__scs_entry_jumppad:
0x0: {  	(pc) =	sbr.rel $0x88, $3  }
0x1: {  	(tag) =	ssettag $0x0;
	lr =	simm.s32 $0x1  }
0x2: {  	[smem:$0x3F8A] =	sst lr;
	_ =	strace $0xD0000000  }
0x3: {  	_ = 	snop  }
0x4: {  	_ = 	snop  }
0x5: {  	_ = 	snop  }
0x6: {  	_ = 	snop  }
0x7: {  	_ = 	snop  }
__scs_overlays_trampoline_lowered:
0x8: {  	[smem:$0x3F99] =	sst s0  }
0x9: {  	[smem:$0x3F9A] =	sst s1  }
0xa: {  	[smem:$0x3F9B] =	sst s2  }
0xb: {  	[smem:$0x3F9C] =	sst s3  }
0xc: {  	[smem:$0x3F9D] =	sst s4  }
0xd: {  	[smem:$0x3F9E] =	sst s5  }
0xe: {  	[smem:$0x3F9F] =	sst s6  }
0xf: {  	[smem:$0x3FA0] =	sst s7  }
0x10: {  	[smem:$0x3FA1] =	sst s8  }
0x11: {  	[smem:$0x3FA2] =	sst s9;
	s0 =	simm.s32 @!p0 $0x0  }
0x12: {  	s1 =	sld [smem:$0x3F88];
	s0 =	simm.s32 @p0 $0x1  }
0x13: {  	[smem:$0x3FA3] =	sst s0;
	s0 =	simm.s32 @!p1 $0x0  }
0x14: {  	s2 =	sld [smem:$0x3F87];
	s0 =	simm.s32 @p1 $0x1  }
0x15: {  	[smem:$0x3FA4] =	sst s0;
	s0 =	simm.s32 @!p2 $0x0  }
0x16: {  	s3 =	sld [smem:$0x3FDB];
	s0 =	simm.s32 @p2 $0x1  }
0x17: {  	s4 =	simm.s32 $0x1BF5;
	[smem:$0x3FA6] =	sst s0  }
0x18: {  	s0 =	sld [smem:$0x3F89];
	_ =	swait.ge [sflag:s4], $0x0  }
0x19: {  	s7 =	sld [smem:$0x3F8A]  }
0x1a: {  	s8 =	sadd.s32 $0xFFFFE003, lr  }
0x1b: {  	s9 =	sadd.s32 $0xFFFFFEF7, lr;
	s5 =	simm.s32 $0xFFFFFFFF;
	p2 =	slt.u32 s8, $0xFFFFF086  }
0x1c: {  	p1 =	slt.u32 s9, $0xF7A;
	s5 =	simm.s32 @!p2 $0x0  }
0x1d: {  	s5 =	simm.s32 @p1 $0x1;
	p0 =	seq.s32 s7, s2  }
0x1e: {  	s7 =	smul.u32 @!p0 $0xF7A, s2;
	p2 =	seq.s32 @!p0 s5, $0x0  }
0x1f: {  	s9 =	smul.u32 $0xF7A, s1;
	s8 =	simm.s32 @!p0 $0x1BF5;
	p2 =	por !p2, p0  }
0x20: {  	[sflag:s8] =	ssyncset.s32 @!p0 $0xFFFFF086;
	s6 =	sadd.s32 @!p0 s3, s7;
	s7 =	simm.s32 @!p0 $0x108  }
0x21: {  	s3 =	sadd.s32 s3, s9;
	s6 =	sadd.s32 @!p0 $0x88, s6;
	s7 =	simm.s32 @p2 $0x1082  }
0x22: {  	[simem:s7], [sflag:s8] =	dma.local @!p0 [hbm:s6], $0xF7A  }
0x23: {  	s9 =	sor.u32 $0xD0000000, s2;
	s6 =	simm.s32 $0x108;
	_ =	swait.ge @!p0 [sflag:s8], $0x0  }
0x24: {  	s3 =	sadd.s32 $0x88, s3;
	s6 =	simm.s32 @!p1 $0x1082;
	[sflag:s4] =	ssyncset.s32 $0xFFFFF086  }
0x25: {  	[simem:s6], [sflag:s4] =	dma.local [hbm:s3], $0xF7A  }
0x26: {  	[smem:$0x3F8A] =	sst s1;
	(tag) =	ssettag s2;
	_ =	strace s9  }
0x27: {  	s1 =	sld [smem:$0x3F9A]  }
0x28: {  	s2 =	sld [smem:$0x3F9B]  }
0x29: {  	s4 =	sld [smem:$0x3F9D]  }
0x2a: {  	p0 =	seq.s32 s5, $0x0;
	s5 =	sld [smem:$0x3F9E]  }
0x2b: {  	s6 =	sld [smem:$0x3F9F]  }
0x2c: {  	s7 =	sld [smem:$0x3FA0]  }
0x2d: {  	s3 =	simm.s32 $0x108;
	s8 =	sld [smem:$0x3FA1]  }
0x2e: {  	s3 =	simm.s32 @!p0 $0x1082;
	s9 =	sld [smem:$0x3FA2]  }
0x2f: {  	lr =	sadd.s32 s0, s3;
	s0 =	sld [smem:$0x3F99]  }
0x30: {  	s3 =	sld [smem:$0x3F9C]  }
0x31: {  	[smem:$0x3FA5] =	sst s10  }
0x32: {  	s10 =	sld [smem:$0x3FA3];
	_ =	sdelay $0x3  }
0x33: {  	p0 =	seq.s32 s10, $0x1;
	s10 =	sld [smem:$0x3FA5];
	_ =	sdelay $0x3  }
0x34: {  	[smem:$0x3FA5] =	sst s10  }
0x35: {  	s10 =	sld [smem:$0x3FA4];
	_ =	sdelay $0x3  }
0x36: {  	p1 =	seq.s32 s10, $0x1;
	s10 =	sld [smem:$0x3FA5];
	_ =	sdelay $0x3  }
0x37: {  	[smem:$0x3FA5] =	sst s10  }
0x38: {  	s10 =	sld [smem:$0x3FA6]  }
0x39: {  	_ = 	snop;
	(pc) =	sbr.ind lr, $3  }
0x3a: {  	_ = 	snop  }
0x3b: {  	_ = 	snop  }
0x3c: {  	p2 =	seq.s32 s10, $0x1;
	s10 =	sld [smem:$0x3FA5]  }
0x3d: {  	_ =	shalt  }
0x3e: {  	_ =	shalt  }
0x3f: {  	_ =	shalt  }
0x40: {  	_ =	shalt  }
0x41: {  	_ =	shalt  }
0x42: {  	_ =	shalt  }
0x43: {  	_ =	shalt  }
0x44: {  	_ =	shalt  }
0x45: {  	_ =	shalt  }
0x46: {  	_ =	shalt  }
0x47: {  	_ =	shalt  }
0x48: {  	_ =	shalt  }
0x49: {  	_ =	shalt  }
0x4a: {  	_ =	shalt  }
0x4b: {  	_ =	shalt  }
0x4c: {  	_ =	shalt  }
0x4d: {  	_ =	shalt  }
0x4e: {  	_ =	shalt  }
0x4f: {  	_ =	shalt  }
0x50: {  	_ =	shalt  }
0x51: {  	_ =	shalt  }
0x52: {  	_ =	shalt  }
0x53: {  	_ =	shalt  }
0x54: {  	_ =	shalt  }
0x55: {  	_ =	shalt  }
0x56: {  	_ =	shalt  }
0x57: {  	_ =	shalt  }
0x58: {  	_ =	shalt  }
0x59: {  	_ =	shalt  }
0x5a: {  	_ =	shalt  }
0x5b: {  	_ =	shalt  }
0x5c: {  	_ =	shalt  }
0x5d: {  	_ =	shalt  }
0x5e: {  	_ =	shalt  }
0x5f: {  	_ =	shalt  }
0x60: {  	_ =	shalt  }
0x61: {  	_ =	shalt  }
0x62: {  	_ =	shalt  }
0x63: {  	_ =	shalt  }
0x64: {  	_ =	shalt  }
0x65: {  	_ =	shalt  }
0x66: {  	_ =	shalt  }
0x67: {  	_ =	shalt  }
0x68: {  	_ =	shalt  }
0x69: {  	_ =	shalt  }
0x6a: {  	_ =	shalt  }
0x6b: {  	_ =	shalt  }
0x6c: {  	_ =	shalt  }
0x6d: {  	_ =	shalt  }
0x6e: {  	_ =	shalt  }
0x6f: {  	_ =	shalt  }
0x70: {  	_ =	shalt  }
0x71: {  	_ =	shalt  }
0x72: {  	_ =	shalt  }
0x73: {  	_ =	shalt  }
0x74: {  	_ =	shalt  }
0x75: {  	_ =	shalt  }
0x76: {  	_ =	shalt  }
0x77: {  	_ =	shalt  }
0x78: {  	_ =	shalt  }
0x79: {  	_ =	shalt  }
0x7a: {  	_ =	shalt  }
0x7b: {  	_ =	shalt  }
0x7c: {  	_ =	shalt  }
0x7d: {  	_ =	shalt  }
0x7e: {  	_ =	shalt  }
0x7f: {  	_ =	shalt  }
0x80: {  	_ =	shalt  }
0x81: {  	_ =	shalt  }
0x82: {  	_ =	shalt  }
0x83: {  	_ =	shalt  }
0x84: {  	_ =	shalt  }
0x85: {  	_ =	shalt  }
0x86: {  	_ =	shalt  }
0x87: {  	_ =	shalt  }
.Lfunc_end0:
.L_simem_size_0:
called_computation.2_lowered:
.L_overlay_start_0:
0x88: {  	s2 =	sld [smem:$0x3FD9]  }
0x89: {  	s3 =	sld [smem:$0x3FFE];
	_ =	sdelay $0x1  }
0x8a: {  	s1 =	srdreg.scid  }
0x8b: {  	s0 =	sand.u32 $0x1, s1  }
0x8c: {  	s16 =	sshll.u32 s0, $0xA;
	s2 =	sadd.s32 s3, s2  }
0x8d: {  	s2 =	sadd.s32 s2, s16  }
0x8e: {  	[smem:$0x3FB1] =	sst s2  }
0x8f: {  	_ = 	snop  }
0x90: {  	(tm) =	ssettm $0x1  }
0x91: {  	s17 =	sld [smem:$0x3FFB];
	_ =	sdelay $0x3  }
0x92: {  	_ =	strace s17  }
0x93: {  	s2 =	sld [smem:$0x3FFC];
	_ =	sdelay $0x3  }
0x94: {  	_ =	strace s2  }
0x95: {  	s2 =	sld [smem:$0x3FFD];
	_ =	sdelay $0x3  }
0x96: {  	_ =	strace s2  }
0x97: {  	_ =	strace $0x8FFFFFFF  }
0x98: {  	s18 =	sld [smem:$0x3FDB];
	_ =	sdelay $0x1  }
0x99: {  	s19 =	simm.s32 $_scs_section_size  }
0x9a: {  	s4 =	simm.s32 $_size__tile_overlayer_lowered;
	s5 =	simm.s32 $_tile_overlayer_lowered  }
0x9b: {  	s22 =	simm.s32 $0x1BFF;
	s21 =	sshll.u32 s5, $0x1;
	s2 =	sadd.s32 s19, s18  }
0x9c: {  	s6 =	simm.s32 $0x0;
	s20 =	sshll.u32 s4, $0x1;
	s4 =	sadd.s32 s21, s2  }
0x9d: {  	[timem:s6], [sflag:s22] =	dma.local [hbm:s4], s20  }
0x9e: {  	_ =	swait.ge [sflag:s22], s20  }
0x9f: {  	s3 =	ssub.s32 $0x0, s20;
	[sflag:s22] =	ssyncset.done $0x0  }
0xa0: {  	[sflag:s22] =	ssyncadd.s32 s3;
	_ =	sdelay $0x1  }
0xa1: {  	s23 =	simm.s32 $0x1B8B  }
0xa2: {  	_ =	swait.ge [sflag:s23], $0x1  }
0xa3: {  	[sflag:s23] =	ssyncset.done $0x0  }
0xa4: {  	s25 =	simm.s32 $0x1B8E;
	s24 =	sld [smem:$0x3FFE];
	[sflag:s23] =	ssyncadd.s32 $0xFFFFFFFF  }
0xa5: {  	s26 =	simm.s32 $execute0_lowered;
	[smem:$0x3FD2] =	sst s25  }
0xa6: {  	s4 =	sshll.u32 s26, $0x1;
	_ =	strace $0x8000004C;
	[dreg:$0x1] =	wrdreg $0xFFFFFFFF  }
0xa7: {  	s28 =	simm.s32 $_size_execute0_lowered;
	s2 =	sadd.s32 s2, s4;
	[dreg:$0x0] =	wrdreg $0x0  }
0xa8: {  	s4 =	sshll.u32 s28, $0x1;
	[dreg:$0x2] =	wrdreg s2  }
0xa9: {  	[dreg:$0x3] =	wrdreg s4  }
0xaa: {  	[dreg:$0x4] =	wrdreg $0xC0  }
0xab: {  	_ =	task [dreg:s6], $0x5FFFF  }
0xac: {  	[dreg:$0x1] =	wrdreg $0xFFFFFFFF  }
0xad: {  	[dreg:$0x0] =	wrdreg $0x60  }
0xae: {  	[dreg:$0x2] =	wrdreg s24  }
0xaf: {  	[dreg:$0x3] =	wrdreg $0x61800  }
0xb0: {  	[dreg:$0x4] =	wrdreg $0x9  }
0xb1: {  	_ =	task.clear_ibuf [dreg:s6], $0x5FFFF;
	_ =	strace $0x9000004C  }
0xb2: {  	s29 =	simm.s32 $0x9;
	_ =	strace $0x8000004E  }
0xb3: {  	_ =	swait.ge [sflag:s29], $0x1  }
0xb4: {  	[sflag:s29] =	ssyncadd.s32 $0xFFFFFFFF  }
0xb5: {  	_ =	strace $0x9000004E  }
0xb6: {  	_ =	sfence  }
0xb7: {  	s30 =	sld [smem:$0x0];
	_ =	sdelay $0x2  }
0xb8: {  	s31 =	sshll.u32 s1, $0xD;
	s1 =	sshrl.u32 s1, $0x2  }
0xb9: {  	s3 =	sand.u32 $0x4000, s31;
	s1 =	sadd.s32 s1, s30  }
0xba: {  	s0 =	sor.u32 s3, s0;
	s1 =	sshll.u32 s1, $0x11  }
0xbb: {  	s0 =	sor.u32 s1, s0  }
0xbc: {  	s0 =	sadd.s32 $0x8F2B, s0  }
0xbd: {  	[sflag:s0] =	ssyncadd.remote.s32 $0x1  }
0xbe: {  	_ =	sfence.sel $0xFFFF  }
0xbf: {  	[dreg:$0x0] =	wrdreg $0xFFFFFFFF;
	(pc) =	sbr.abs _section_cstart, $3  }
0xc0: {  	[dreg:$0x1] =	wrdreg $0xFFFFFFFF  }
0xc1: {  	_ =	task.clear_ibuf [dreg:s6], $0x2FFFF;
	_ =	strace $0x9FFFFFFF  }
0xc2: {  	(tm) =	ssettm $0x7FFFFFFF  }
0xc3: {  	_ =	shalt  }
tec
execute0_lowered:
.L_overlay_start_1:
0x0: {  	(tag) =	ssettag $0x1  }
0x1: {  	s0 =	rddreg [dreg:$0x0]  }
0x2: {  	s1 =	rddreg [dreg:$0x1];
	s12 =	stileid.u32  }
0x3: {  	s2 =	simm.s32 $0x0;
	s4 =	srdreg.scid;
	s10 =	smul.u32 $0x62100, s12  }
0x4: {  	[smem:$0x7FF] =	sst s2;
	s4 =	sand.u32 $0x1, s4;
	s25 =	smul.u32 $0x61C00, s12  }
0x5: {  	s5 =	sadd.s32 $0x9F7000, s0;
	_ =	strace $0x8000004D;
	s9 =	ssub.s32 $0x2, s4  }
0x6: {  	s11 =	sshrl.u32 s9, $0x1;
	s23 =	sshrl.u32 s10, $0x2;
	s15 =	sadd.s32 s5, s25  }
0x7: {  	s9 =	ssub.s32 s9, s11;
	s11 =	sadd.s32 s23, s1;
	[dreg:$0x7] =	wrdreg s15  }
0x8: {  	s28 =	simm.s32 $0x3100;
	s14 =	sadd.s32 $0x18000, s11;
	[dreg:$0x3] =	wrdreg s11  }
0x9: {  	s29 =	simm.s32 $0x4180;
	s16 =	smax.u32 s9, $0x1;
	[dreg:$0x4] =	wrdreg s14  }
0xa: {  	s30 =	simm.s32 $0x2;
	s17 =	sadd.s32 $0x1000, s11;
	[dreg:$0x8] =	wrdreg s16  }
0xb: {  	s3 =	sadd.s32 $0x5600, s0;
	s18 =	sadd.s32 $0x2000, s11;
	[dreg:$0x9] =	wrdreg s17  }
0xc: {  	s6 =	sadd.s32 $0x67600, s0;
	s20 =	sadd.s32 $0x3000, s11;
	[dreg:$0xa] =	wrdreg s18  }
0xd: {  	s7 =	sadd.s32 $0x7FE00, s0;
	s21 =	sadd.s32 $0x4000, s11;
	[dreg:$0xb] =	wrdreg s20  }
0xe: {  	s19 =	smul.u32 $0x62000, s12;
	s23 =	sadd.s32 $0x5000, s11;
	[dreg:$0xc] =	wrdreg s21  }
0xf: {  	s8 =	smul.u32 $0x31000, s4;
	s25 =	sadd.s32 $0x7000, s11;
	[dreg:$0xd] =	wrdreg s23  }
0x10: {  	s22 =	smul.u32 $0x3100, s12;
	s9 =	sadd.s32 $0xA000, s11;
	[dreg:$0xf] =	wrdreg s25  }
0x11: {  	s0 =	sadd.s32 s8, s0;
	s10 =	sadd.s32 $0xB000, s11;
	[dreg:$0x13] =	wrdreg s9  }
0x12: {  	s8 =	smul.u32 $0xC380, s12;
	s12 =	sadd.s32 $0xC000, s11;
	[dreg:$0x14] =	wrdreg s10  }
0x13: {  	s13 =	smul.u32 $0x6200, s4;
	s15 =	sadd.s32 $0xD000, s11;
	[dreg:$0x15] =	wrdreg s12  }
0x14: {  	s0 =	sadd.s32 s22, s0;
	s22 =	sadd.s32 $0x14000, s11;
	[dreg:$0x16] =	wrdreg s15  }
0x15: {  	s31 =	simm.s32 $0x80;
	s16 =	sadd.s32 $0xE000, s11;
	[dreg:$0x1d] =	wrdreg s22  }
0x16: {  	v0 =	vmov s13;
	s13 =	simm.s32 $0x0;
	s17 =	sadd.s32 $0xF000, s11;
	[dreg:$0x17] =	wrdreg s16  }
0x17: {  	s24 =	sshrl.u32 s8, $0x3;
	s18 =	sadd.s32 $0x10000, s11;
	[dreg:$0x18] =	wrdreg s17  }
0x18: {  	s14 =	sadd.s32 $0x80, s8;
	s20 =	sadd.s32 $0x12000, s11;
	[dreg:$0x19] =	wrdreg s18  }
0x19: {  	s21 =	sadd.s32 $0x13000, s11;
	s23 =	sadd.s32 $0x15000, s11;
	[dreg:$0x1b] =	wrdreg s20  }
0x1a: {  	s25 =	sadd.s32 $0x16000, s11;
	s22 =	simm.s32 $0x1;
	[dreg:$0x1c] =	wrdreg s21  }
0x1b: {  	s10 =	simm.s32 $0x5;
	s12 =	simm.s32 $0x5180;
	[dreg:$0x1e] =	wrdreg s23  }
0x1c: {  	s15 =	simm.s32 $0x6;
	s26 =	sadd.s32 s6, s24;
	[dreg:$0x1f] =	wrdreg s25  }
0x1d: {  	s4 =	sadd.s32 s7, s24;
	s24 =	sadd.s32 $0x6000, s11;
	[dreg:$0x5] =	wrdreg s26  }
0x1e: {  	s20 =	simm.s32 $0x7;
	s21 =	simm.s32 $0x40;
	[dreg:$0x6] =	wrdreg s4  }
0x1f: {  	[dreg:$0xe] =	wrdreg s24;
	s4 =	sshrl.u32 s19, $0x2;
	s26 =	sadd.s32 $0x8000, s11  }
0x20: {  	s24 =	sadd.s32 $0xCAA00, s0;
	s19 =	sadd.s32 $0x11000, s11;
	[dreg:$0x11] =	wrdreg s26  }
0x21: {  	s0 =	simm.s32 $0x4;
	s4 =	sadd.s32 s4, s1;
	[dreg:$0x1a] =	wrdreg s19  }
0x22: {  	s26 =	sadd.s32 $0x17000, s11;
	s19 =	simm.s32 $0x20C0;
	[dreg:$0x10] =	wrdreg s4  }
0x23: {  	s4 =	sadd.s32 $0x9000, s11;
	[smem:$0x7FD] =	sst s26;
	s26 =	simm.s32 $0x30C0  }
0x24: {  	v1 =	vimm.f32 $0.0e+00;
	s11 =	simm.s32 $0x3140;
	[dreg:$0x12] =	wrdreg s4;
	s4 =	simm.s32 $0x3180  }
.LBB2_1:
0x25: {  	[smem:$0x7FC] =	sst s13;
	s13 =	simm.s32 $0x100;
	s9 =	simm.s32 $0x0  }
.LBB2_2:
0x26: {  	p0 =	sne.s32 s13, $0x3F00;
	[tilespmem:s9+$0x20F0] =	vst v1;
	s16 =	smov.u32 s13;
	s13 =	sadd.s32 $0x100, s13  }
.Ltmp0:
0x27: {  	[tilespmem:s9+$0x20E0] =	vst v1;
	(pc) =	sbr.rel @p0 .LBB2_2-.Ltmp0, $3  }
0x28: {  	[tilespmem:s9+$0x20C0] =	vst v1  }
0x29: {  	[tilespmem:s9+$0x20D0] =	vst v1;
	_ =	sdelay $0x1  }
0x2a: {  	s9 =	sshra.s32 s16, $0x2  }
0x2b: {  	[tilespmem:s9+$0x20F0] =	vst v1  }
0x2c: {  	[tilespmem:s9+$0x20E0] =	vst v1  }
0x2d: {  	[tilespmem:s9+$0x20C0] =	vst v1  }
0x2e: {  	[tilespmem:s9+$0x20D0] =	vst v1;
	s17 =	rddreg [dreg:$0x3]  }
0x2f: {  	[spmem:s17] =	stream.linear.scatter [tilespmem:s19], [sflag:$0x7], $0x1000, $0x38;
	[tilespmem:$0x1E9C0] =	vst v63  }
0x30: {  	_ =	swait.ge [sflag:s20], $0x1000  }
0x31: {  	[sflag:s20] =	ssyncset.done $0x0  }
0x32: {  	s18 =	rddreg [dreg:$0x9];
	[sflag:s20] =	ssyncadd.s32 $0xFFFFF000  }
0x33: {  	[spmem:s18] =	stream.linear.scatter [tilespmem:s19], [sflag:$0x7], $0x1000, $0x38;
	[tilespmem:$0x1E9C0] =	vst v63  }
0x34: {  	_ =	swait.ge [sflag:s20], $0x1000  }
0x35: {  	[sflag:s20] =	ssyncset.done $0x0  }
0x36: {  	s23 =	rddreg [dreg:$0xa];
	[sflag:s20] =	ssyncadd.s32 $0xFFFFF000  }
0x37: {  	[spmem:s23] =	stream.linear.scatter [tilespmem:s19], [sflag:$0x7], $0x1000, $0x38;
	[tilespmem:$0x1E9C0] =	vst v63  }
0x38: {  	_ =	swait.ge [sflag:s20], $0x1000  }
0x39: {  	[sflag:s20] =	ssyncset.done $0x0  }
0x3a: {  	s25 =	rddreg [dreg:$0xb];
	[sflag:s20] =	ssyncadd.s32 $0xFFFFF000  }
0x3b: {  	[spmem:s25] =	stream.linear.scatter [tilespmem:s19], [sflag:$0x7], $0x1000, $0x38;
	[tilespmem:$0x1E9C0] =	vst v63  }
0x3c: {  	_ =	swait.ge [sflag:s20], $0x1000  }
0x3d: {  	[sflag:s20] =	ssyncset.done $0x0  }
0x3e: {  	s13 =	rddreg [dreg:$0xc];
	[sflag:s20] =	ssyncadd.s32 $0xFFFFF000  }
0x3f: {  	[spmem:s13] =	stream.linear.scatter [tilespmem:s19], [sflag:$0x7], $0x1000, $0x38;
	[tilespmem:$0x1E9C0] =	vst v63  }
0x40: {  	_ =	swait.ge [sflag:s20], $0x1000  }
0x41: {  	[sflag:s20] =	ssyncset.done $0x0  }
0x42: {  	s16 =	rddreg [dreg:$0xd];
	[sflag:s20] =	ssyncadd.s32 $0xFFFFF000  }
0x43: {  	[spmem:s16] =	stream.linear.scatter [tilespmem:s19], [sflag:$0x7], $0x1000, $0x38;
	[tilespmem:$0x1E9C0] =	vst v63  }
0x44: {  	_ =	swait.ge [sflag:s20], $0x1000  }
0x45: {  	[sflag:s20] =	ssyncset.done $0x0  }
0x46: {  	s17 =	rddreg [dreg:$0xe];
	[sflag:s20] =	ssyncadd.s32 $0xFFFFF000  }
0x47: {  	[spmem:s17] =	stream.linear.scatter [tilespmem:s19], [sflag:$0x7], $0x1000, $0x38;
	[tilespmem:$0x1E9C0] =	vst v63  }
0x48: {  	_ =	swait.ge [sflag:s20], $0x1000  }
0x49: {  	[sflag:s20] =	ssyncset.done $0x0  }
0x4a: {  	s18 =	rddreg [dreg:$0xf];
	[sflag:s20] =	ssyncadd.s32 $0xFFFFF000  }
0x4b: {  	[spmem:s18] =	stream.linear.scatter [tilespmem:s19], [sflag:$0x7], $0x1000, $0x38;
	[tilespmem:$0x1E9C0] =	vst v63  }
0x4c: {  	_ =	swait.ge [sflag:s20], $0x1000  }
0x4d: {  	[sflag:s20] =	ssyncset.done $0x0  }
0x4e: {  	s23 =	rddreg [dreg:$0x11];
	[sflag:s20] =	ssyncadd.s32 $0xFFFFF000  }
0x4f: {  	[spmem:s23] =	stream.linear.scatter [tilespmem:s19], [sflag:$0x7], $0x1000, $0x38;
	[tilespmem:$0x1E9C0] =	vst v63  }
0x50: {  	_ =	swait.ge [sflag:s20], $0x1000  }
0x51: {  	[sflag:s20] =	ssyncset.done $0x0  }
0x52: {  	s25 =	rddreg [dreg:$0x12];
	[sflag:s20] =	ssyncadd.s32 $0xFFFFF000  }
0x53: {  	[spmem:s25] =	stream.linear.scatter [tilespmem:s19], [sflag:$0x7], $0x1000, $0x38;
	[tilespmem:$0x1E9C0] =	vst v63  }
0x54: {  	_ =	swait.ge [sflag:s20], $0x1000  }
0x55: {  	[sflag:s20] =	ssyncset.done $0x0  }
0x56: {  	s13 =	rddreg [dreg:$0x13];
	[sflag:s20] =	ssyncadd.s32 $0xFFFFF000  }
0x57: {  	[spmem:s13] =	stream.linear.scatter [tilespmem:s19], [sflag:$0x7], $0x1000, $0x38;
	[tilespmem:$0x1E9C0] =	vst v63  }
0x58: {  	_ =	swait.ge [sflag:s20], $0x1000  }
0x59: {  	[sflag:s20] =	ssyncset.done $0x0  }
0x5a: {  	s16 =	rddreg [dreg:$0x14];
	[sflag:s20] =	ssyncadd.s32 $0xFFFFF000  }
0x5b: {  	[spmem:s16] =	stream.linear.scatter [tilespmem:s19], [sflag:$0x7], $0x1000, $0x38;
	[tilespmem:$0x1E9C0] =	vst v63  }
0x5c: {  	_ =	swait.ge [sflag:s20], $0x1000  }
0x5d: {  	[sflag:s20] =	ssyncset.done $0x0  }
0x5e: {  	s17 =	rddreg [dreg:$0x15];
	[sflag:s20] =	ssyncadd.s32 $0xFFFFF000  }
0x5f: {  	[spmem:s17] =	stream.linear.scatter [tilespmem:s19], [sflag:$0x7], $0x1000, $0x38;
	[tilespmem:$0x1E9C0] =	vst v63  }
0x60: {  	_ =	swait.ge [sflag:s20], $0x1000  }
0x61: {  	[sflag:s20] =	ssyncset.done $0x0  }
0x62: {  	s18 =	rddreg [dreg:$0x16];
	[sflag:s20] =	ssyncadd.s32 $0xFFFFF000  }
0x63: {  	[spmem:s18] =	stream.linear.scatter [tilespmem:s19], [sflag:$0x7], $0x1000, $0x38;
	[tilespmem:$0x1E9C0] =	vst v63  }
0x64: {  	_ =	swait.ge [sflag:s20], $0x1000  }
0x65: {  	[sflag:s20] =	ssyncset.done $0x0  }
0x66: {  	s23 =	rddreg [dreg:$0x17];
	[sflag:s20] =	ssyncadd.s32 $0xFFFFF000  }
0x67: {  	[spmem:s23] =	stream.linear.scatter [tilespmem:s19], [sflag:$0x7], $0x1000, $0x38;
	[tilespmem:$0x1E9C0] =	vst v63  }
0x68: {  	_ =	swait.ge [sflag:s20], $0x1000  }
0x69: {  	[sflag:s20] =	ssyncset.done $0x0  }
0x6a: {  	s25 =	rddreg [dreg:$0x18];
	[sflag:s20] =	ssyncadd.s32 $0xFFFFF000  }
0x6b: {  	[spmem:s25] =	stream.linear.scatter [tilespmem:s19], [sflag:$0x7], $0x1000, $0x38;
	[tilespmem:$0x1E9C0] =	vst v63  }
0x6c: {  	_ =	swait.ge [sflag:s20], $0x1000  }
0x6d: {  	[sflag:s20] =	ssyncset.done $0x0  }
0x6e: {  	s13 =	rddreg [dreg:$0x19];
	[sflag:s20] =	ssyncadd.s32 $0xFFFFF000  }
0x6f: {  	[spmem:s13] =	stream.linear.scatter [tilespmem:s19], [sflag:$0x7], $0x1000, $0x38;
	[tilespmem:$0x1E9C0] =	vst v63  }
0x70: {  	_ =	swait.ge [sflag:s20], $0x1000  }
0x71: {  	[sflag:s20] =	ssyncset.done $0x0  }
0x72: {  	s16 =	rddreg [dreg:$0x1a];
	[sflag:s20] =	ssyncadd.s32 $0xFFFFF000  }
0x73: {  	[spmem:s16] =	stream.linear.scatter [tilespmem:s19], [sflag:$0x7], $0x1000, $0x38;
	[tilespmem:$0x1E9C0] =	vst v63  }
0x74: {  	_ =	swait.ge [sflag:s20], $0x1000  }
0x75: {  	[sflag:s20] =	ssyncset.done $0x0  }
0x76: {  	s17 =	rddreg [dreg:$0x1b];
	[sflag:s20] =	ssyncadd.s32 $0xFFFFF000  }
0x77: {  	[spmem:s17] =	stream.linear.scatter [tilespmem:s19], [sflag:$0x7], $0x1000, $0x38;
	[tilespmem:$0x1E9C0] =	vst v63  }
0x78: {  	_ =	swait.ge [sflag:s20], $0x1000  }
0x79: {  	[sflag:s20] =	ssyncset.done $0x0  }
0x7a: {  	s18 =	rddreg [dreg:$0x1c];
	[sflag:s20] =	ssyncadd.s32 $0xFFFFF000  }
0x7b: {  	[spmem:s18] =	stream.linear.scatter [tilespmem:s19], [sflag:$0x7], $0x1000, $0x38;
	[tilespmem:$0x1E9C0] =	vst v63  }
0x7c: {  	_ =	swait.ge [sflag:s20], $0x1000  }
0x7d: {  	[sflag:s20] =	ssyncset.done $0x0  }
0x7e: {  	s23 =	rddreg [dreg:$0x1d];
	[sflag:s20] =	ssyncadd.s32 $0xFFFFF000  }
0x7f: {  	[spmem:s23] =	stream.linear.scatter [tilespmem:s19], [sflag:$0x7], $0x1000, $0x38;
	[tilespmem:$0x1E9C0] =	vst v63  }
0x80: {  	_ =	swait.ge [sflag:s20], $0x1000  }
0x81: {  	[sflag:s20] =	ssyncset.done $0x0  }
0x82: {  	s25 =	rddreg [dreg:$0x1e];
	[sflag:s20] =	ssyncadd.s32 $0xFFFFF000  }
0x83: {  	[spmem:s25] =	stream.linear.scatter [tilespmem:s19], [sflag:$0x7], $0x1000, $0x38;
	[tilespmem:$0x1E9C0] =	vst v63  }
0x84: {  	_ =	swait.ge [sflag:s20], $0x1000  }
0x85: {  	[sflag:s20] =	ssyncset.done $0x0  }
0x86: {  	s13 =	rddreg [dreg:$0x1f];
	[sflag:s20] =	ssyncadd.s32 $0xFFFFF000  }
0x87: {  	[spmem:s13] =	stream.linear.scatter [tilespmem:s19], [sflag:$0x7], $0x1000, $0x38;
	[tilespmem:$0x1E9C0] =	vst v63  }
0x88: {  	_ =	swait.ge [sflag:s20], $0x1000  }
0x89: {  	s16 =	sld [smem:$0x7FD]  }
0x8a: {  	[sflag:s20] =	ssyncset.done $0x0  }
0x8b: {  	[sflag:s20] =	ssyncadd.s32 $0xFFFFF000  }
0x8c: {  	[spmem:s16] =	stream.linear.scatter [tilespmem:s19], [sflag:$0x7], $0x1000, $0x38;
	[tilespmem:$0x1E9C0] =	vst v63  }
0x8d: {  	_ =	swait.ge [sflag:s20], $0x1000  }
0x8e: {  	[sflag:s20] =	ssyncset.done $0x0  }
0x8f: {  	s17 =	rddreg [dreg:$0x4];
	[sflag:s20] =	ssyncadd.s32 $0xFFFFF000  }
0x90: {  	[spmem:s17] =	stream.linear.scatter [tilespmem:s19], [sflag:$0x7], $0x840, $0x38;
	[tilespmem:$0x1E9C0] =	vst v63  }
0x91: {  	_ =	swait.ge [sflag:s20], $0x840  }
0x92: {  	[sflag:s20] =	ssyncset.done $0x0  }
0x93: {  	[sflag:s20] =	ssyncadd.s32 $0xFFFFF7C0  }
0x94: {  	[bflag:$0x0] =	sbarrier.arrive $0xFFFF  }
0x95: {  	s17 =	simm.s32 $0x0;
	s18 =	rddreg [dreg:$0x5]  }
0x96: {  	[tilespmem:s17], [sflag:$0x1] =	stream.linear.gather [hbm4b:s18+s17], $0x40, $0x38;
	[tilespmem:$0x1E9C0] =	vst v63  }
0x97: {  	s23 =	rddreg [dreg:$0x6]  }
0x98: {  	[tilespmem:s21], [sflag:$0x1] =	stream.linear.gather [hbm4b:s23+s17], $0x40, $0x38;
	[tilespmem:$0x1E9C0] =	vst v63  }
0x99: {  	s13 =	simm.s32 $0x10C0;
	s25 =	rddreg [dreg:$0x7]  }
0x9a: {  	[tilespmem:s13], [sflag:$0x1] =	stream.linear.gather [hbm4b:s25+s17], $0x1000, $0x38;
	[tilespmem:$0x1E9C0] =	vst v63  }
.LBB2_4:
0x9b: {  	_ =	swait.ge [sflag:s22], $0x40  }
0x9c: {  	[sflag:s22] =	ssyncset.done $0x0  }
0x9d: {  	[sflag:s22] =	ssyncadd.s32 $0xFFFFFFC0  }
0x9e: {  	_ =	swait.ge [sflag:s22], $0x40  }
0x9f: {  	[sflag:s22] =	ssyncset.done $0x0  }
0xa0: {  	[sflag:s22] =	ssyncadd.s32 $0xFFFFFFC0  }
0xa1: {  	_ =	swait.ge [sflag:s22], $0x1000  }
0xa2: {  	s18 =	sshll.u32 s17, $0x7;
	[sflag:s22] =	ssyncset.done $0x0  }
0xa3: {  	s9 =	simm.s32 $0xC0;
	s23 =	sadd.s32 s18, s8;
	[sflag:s22] =	ssyncadd.s32 $0xFFFFF000  }
0xa4: {  	[tilespmem:s9], [sflag:$0x2] =	stream.indirect.gather [hbm4b:s3+s21], $0x40, s2, s21, $0xb8;
	[tilespmem:$0x1E9C0] =	vst v63  }
0xa5: {  	s9 =	sadd.s32 $0x40, s23  }
0xa6: {  	s13 =	sshrl.u32 s9, $0x3  }
0xa7: {  	s16 =	sadd.s32 s6, s13  }
0xa8: {  	[tilespmem:s26], [sflag:$0x4] =	stream.linear.gather [hbm4b:s16+s2], $0x40, $0x38;
	[tilespmem:$0x1E9C0] =	vst v63  }
0xa9: {  	s9 =	sshll.u32 s9, $0x3;
	s13 =	sadd.s32 s7, s13  }
0xaa: {  	[tilespmem:s28], [sflag:$0x4] =	stream.linear.gather [hbm4b:s13+s2], $0x40, $0x38;
	[tilespmem:$0x1E9C0] =	vst v63  }
0xab: {  	p0 =	seq.s32 s17, $0x0;
	s9 =	sadd.s32 s5, s9  }
0xac: {  	[tilespmem:s29], [sflag:$0x4] =	stream.linear.gather [hbm4b:s9+s2], $0x1000, $0x38;
	[tilespmem:$0x1E9C0] =	vst v63  }
0xad: {  	s9 =	simm.s32 @!p0 $0x3  }
0xae: {  	_ =	swait.ge @!p0 [sflag:s9], $0x1000  }
0xaf: {  	[sflag:s9] =	ssyncset.done @!p0 $0x0  }
0xb0: {  	[sflag:s9] =	ssyncadd.s32 @!p0 $0xFFFFF000  }
0xb1: {  	v2 =	vld [tilespmem:$0x40]  }
0xb2: {  	v3 =	vld [tilespmem:$0x50]  }
0xb3: {  	v4 =	vld [tilespmem:$0x60]  }
0xb4: {  	v5 =	vld [tilespmem:$0x70];
	_ =	sdelay $0x1  }
0xb5: {  	v2 =	vsub.s32 v2, v0  }
0xb6: {  	v3 =	vsub.s32 v3, v0;
	v2 =	vmin.u32 v2, $0x6200  }
0xb7: {  	[tilespmem:$0x80] =	vst v2;
	v2 =	vmin.u32 v3, $0x6200;
	v3 =	vsub.s32 v4, v0  }
0xb8: {  	[tilespmem:$0x90] =	vst v2;
	v2 =	vmin.u32 v3, $0x6200;
	v3 =	vsub.s32 v5, v0  }
0xb9: {  	[tilespmem:$0xA0] =	vst v2;
	v2 =	vmin.u32 v3, $0x6200  }
0xba: {  	[tilespmem:$0xB0] =	vst v2  }
0xbb: {  	_ =	swait.ge [sflag:s30], $0x1000  }
0xbc: {  	[sflag:s30] =	ssyncset.done $0x0  }
0xbd: {  	s25 =	simm.s32 $0x100;
	[sflag:s30] =	ssyncadd.s32 $0xFFFFF000  }
0xbe: {  	s13 =	simm.s32 $0x1100;
	v2 =	vld [tilespmem:s25+$0xFFFFFFC0]  }
0xbf: {  	v3 =	vld [tilespmem:s13+$0xFFFFFFC0];
	_ =	sdelay $0x4  }
0xc0: {  	v2 =	vmul.f32 v3, v2  }
0xc1: {  	s9 =	simm.s32 $0x2100  }
0xc2: {  	[tilespmem:s9+$0xFFFFFFC0] =	vst v2  }
0xc3: {  	v2 =	vld [tilespmem:s13+$0xFFFFFFD0]  }
0xc4: {  	v3 =	vld [tilespmem:s25+$0xFFFFFFD0];
	_ =	sdelay $0x4  }
0xc5: {  	v2 =	vmul.f32 v2, v3;
	_ =	sdelay $0x1  }
0xc6: {  	[tilespmem:s9+$0xFFFFFFD0] =	vst v2  }
0xc7: {  	v2 =	vld [tilespmem:s25+$0xFFFFFFE0]  }
0xc8: {  	v3 =	vld [tilespmem:s13+$0xFFFFFFE0];
	_ =	sdelay $0x4  }
0xc9: {  	v2 =	vmul.f32 v3, v2;
	_ =	sdelay $0x1  }
0xca: {  	[tilespmem:s9+$0xFFFFFFE0] =	vst v2  }
0xcb: {  	v2 =	vld [tilespmem:s25+$0xFFFFFFF0]  }
0xcc: {  	v3 =	vld [tilespmem:s13+$0xFFFFFFF0];
	_ =	sdelay $0x4  }
0xcd: {  	v2 =	vmul.f32 v3, v2;
	_ =	sdelay $0x1  }
0xce: {  	[tilespmem:s9+$0xFFFFFFF0] =	vst v2  }
0xcf: {  	v2 =	vld [tilespmem:s25+$0x0]  }
0xd0: {  	v3 =	vld [tilespmem:s13+$0x0];
	_ =	sdelay $0x4  }
0xd1: {  	v2 =	vmul.f32 v3, v2;
	_ =	sdelay $0x1  }
0xd2: {  	[tilespmem:s9+$0x0] =	vst v2  }
0xd3: {  	v2 =	vld [tilespmem:s25+$0x10]  }
0xd4: {  	v3 =	vld [tilespmem:s13+$0x10];
	_ =	sdelay $0x4  }
0xd5: {  	v2 =	vmul.f32 v3, v2;
	_ =	sdelay $0x1  }
0xd6: {  	[tilespmem:s9+$0x10] =	vst v2  }
0xd7: {  	v2 =	vld [tilespmem:s25+$0x20]  }
0xd8: {  	v3 =	vld [tilespmem:s13+$0x20];
	_ =	sdelay $0x4  }
0xd9: {  	v2 =	vmul.f32 v3, v2;
	_ =	sdelay $0x1  }
0xda: {  	[tilespmem:s9+$0x20] =	vst v2  }
0xdb: {  	s23 =	simm.s32 $0x0;
	s16 =	simm.s32 $0x2100;
	v2 =	vld [tilespmem:s25+$0x30];
	s25 =	simm.s32 $0x180  }
.LBB2_5:
0xdc: {  	s23 =	sadd.s32 $0x2, s23;
	v3 =	vld [tilespmem:s13+$0x30];
	s9 =	sadd.s32 $0x80, s9;
	s13 =	sadd.s32 $0x80, s13  }
0xdd: {  	p0 =	slt.u32 s23, $0x3E;
	_ =	sdelay $0x3  }
0xde: {  	v2 =	vmul.f32 v3, v2;
	_ =	sdelay $0x1  }
0xdf: {  	[tilespmem:s16+$0x30] =	vst v2;
	s16 =	smov.u32 s9  }
0xe0: {  	v2 =	vld [tilespmem:s25+$0xFFFFFFC0]  }
0xe1: {  	v3 =	vld [tilespmem:s13+$0xFFFFFFC0];
	_ =	sdelay $0x4  }
0xe2: {  	v2 =	vmul.f32 v3, v2;
	_ =	sdelay $0x1  }
0xe3: {  	[tilespmem:s9+$0xFFFFFFC0] =	vst v2  }
0xe4: {  	v2 =	vld [tilespmem:s13+$0xFFFFFFD0]  }
0xe5: {  	v3 =	vld [tilespmem:s25+$0xFFFFFFD0];
	_ =	sdelay $0x4  }
0xe6: {  	v2 =	vmul.f32 v2, v3;
	_ =	sdelay $0x1  }
0xe7: {  	[tilespmem:s9+$0xFFFFFFD0] =	vst v2  }
0xe8: {  	v2 =	vld [tilespmem:s25+$0xFFFFFFE0]  }
0xe9: {  	v3 =	vld [tilespmem:s13+$0xFFFFFFE0];
	_ =	sdelay $0x4  }
0xea: {  	v2 =	vmul.f32 v3, v2;
	_ =	sdelay $0x1  }
0xeb: {  	[tilespmem:s9+$0xFFFFFFE0] =	vst v2  }
0xec: {  	v2 =	vld [tilespmem:s25+$0xFFFFFFF0]  }
0xed: {  	v3 =	vld [tilespmem:s13+$0xFFFFFFF0];
	_ =	sdelay $0x4  }
0xee: {  	v2 =	vmul.f32 v3, v2;
	_ =	sdelay $0x1  }
0xef: {  	[tilespmem:s9+$0xFFFFFFF0] =	vst v2  }
0xf0: {  	v2 =	vld [tilespmem:s25+$0x0]  }
0xf1: {  	v3 =	vld [tilespmem:s13+$0x0];
	_ =	sdelay $0x4  }
0xf2: {  	v2 =	vmul.f32 v3, v2;
	_ =	sdelay $0x1  }
0xf3: {  	[tilespmem:s9+$0x0] =	vst v2  }
0xf4: {  	v2 =	vld [tilespmem:s25+$0x10]  }
0xf5: {  	v3 =	vld [tilespmem:s13+$0x10];
	_ =	sdelay $0x4  }
0xf6: {  	v2 =	vmul.f32 v3, v2;
	_ =	sdelay $0x1  }
0xf7: {  	[tilespmem:s9+$0x10] =	vst v2  }
0xf8: {  	v2 =	vld [tilespmem:s25+$0x20]  }
0xf9: {  	v3 =	vld [tilespmem:s13+$0x20];
	_ =	sdelay $0x3  }
.Ltmp1:
0xfa: {  	(pc) =	sbr.rel @p0 .LBB2_5-.Ltmp1, $3  }
0xfb: {  	v2 =	vmul.f32 v3, v2;
	_ =	sdelay $0x1  }
0xfc: {  	[tilespmem:s9+$0x20] =	vst v2  }
0xfd: {  	v2 =	vld [tilespmem:s25+$0x30];
	s25 =	sadd.s32 $0x80, s25  }
0xfe: {  	v3 =	vld [tilespmem:s13+$0x30];
	_ =	sdelay $0x4  }
0xff: {  	v2 =	vmul.f32 v3, v2;
	_ =	sdelay $0x1  }
0x100: {  	[tilespmem:s16+$0x30] =	vst v2  }
0x101: {  	[spmem:s1] =	stream.indirect.scatter.add.f32 [tilespmem:s19], [sflag:$0x3], $0x40, s31, s21, $0xb8;
	[tilespmem:$0x1E9C0] =	vst v63  }
0x102: {  	_ =	swait.ge [sflag:s0], $0x40  }
0x103: {  	[sflag:s0] =	ssyncset.done $0x0  }
0x104: {  	[sflag:s0] =	ssyncadd.s32 $0xFFFFFFC0  }
0x105: {  	_ =	swait.ge [sflag:s0], $0x40  }
0x106: {  	[sflag:s0] =	ssyncset.done $0x0  }
0x107: {  	[sflag:s0] =	ssyncadd.s32 $0xFFFFFFC0  }
0x108: {  	p0 =	seq.s32 s17, $0x186;
	_ =	swait.ge [sflag:s0], $0x1000  }
0x109: {  	s9 =	sadd.s32 @!p0 s18, s14;
	[sflag:s0] =	ssyncset.done $0x0  }
0x10a: {  	s13 =	sshrl.u32 @!p0 s9, $0x3;
	[sflag:s0] =	ssyncadd.s32 $0xFFFFF000  }
0x10b: {  	[tilespmem:s4], [sflag:$0x5] =	stream.indirect.gather [hbm4b:s3+s21], $0x40, s26, s21, $0xb8;
	[tilespmem:$0x1E9C0] =	vst v63  }
0x10c: {  	s18 =	simm.s32 @!p0 $0x0;
	s16 =	sadd.s32 @!p0 s6, s13  }
0x10d: {  	[tilespmem:s18], [sflag:$0x1] =	stream.linear.gather @!p0 [hbm4b:s16+s18], $0x40, $0x38;
	[tilespmem:$0x1E9C0] =	vst v63  }
0x10e: {  	s9 =	sshll.u32 @!p0 s9, $0x3;
	s13 =	sadd.s32 @!p0 s7, s13;
	s16 =	simm.s32 @!p0 $0x40  }
0x10f: {  	[tilespmem:s16], [sflag:$0x1] =	stream.linear.gather @!p0 [hbm4b:s13+s18], $0x40, $0x38;
	[tilespmem:$0x1E9C0] =	vst v63  }
0x110: {  	p1 =	seq.s32 @!p0 s17, $0x0;
	s9 =	sadd.s32 @!p0 s5, s9;
	s13 =	simm.s32 @!p0 $0x10C0  }
0x111: {  	[tilespmem:s13], [sflag:$0x1] =	stream.linear.gather @!p0 [hbm4b:s9+s18], $0x1000, $0x38;
	[tilespmem:$0x1E9C0] =	vst v63  }
0x112: {  	p0 =	por p0, !p1  }
0x113: {  	_ =	swait.ge @p0 [sflag:s15], $0x1000  }
0x114: {  	[sflag:s15] =	ssyncset.done @p0 $0x0  }
0x115: {  	[sflag:s15] =	ssyncadd.s32 @p0 $0xFFFFF000  }
0x116: {  	v2 =	vld [tilespmem:$0x3100]  }
0x117: {  	v3 =	vld [tilespmem:$0x3110]  }
0x118: {  	v4 =	vld [tilespmem:$0x3120]  }
0x119: {  	v5 =	vld [tilespmem:$0x3130];
	_ =	sdelay $0x1  }
0x11a: {  	v2 =	vsub.s32 v2, v0  }
0x11b: {  	v3 =	vsub.s32 v3, v0;
	v2 =	vmin.u32 v2, $0x6200  }
0x11c: {  	[tilespmem:$0x3140] =	vst v2;
	v2 =	vmin.u32 v3, $0x6200;
	v3 =	vsub.s32 v4, v0  }
0x11d: {  	[tilespmem:$0x3150] =	vst v2;
	v2 =	vmin.u32 v3, $0x6200;
	v3 =	vsub.s32 v5, v0  }
0x11e: {  	[tilespmem:$0x3160] =	vst v2;
	v2 =	vmin.u32 v3, $0x6200  }
0x11f: {  	[tilespmem:$0x3170] =	vst v2  }
0x120: {  	_ =	swait.ge [sflag:s10], $0x1000  }
0x121: {  	[sflag:s10] =	ssyncset.done $0x0  }
0x122: {  	s25 =	simm.s32 $0x31C0;
	[sflag:s10] =	ssyncadd.s32 $0xFFFFF000  }
0x123: {  	s13 =	simm.s32 $0x41C0;
	v2 =	vld [tilespmem:s25+$0xFFFFFFC0]  }
0x124: {  	v3 =	vld [tilespmem:s13+$0xFFFFFFC0];
	_ =	sdelay $0x4  }
0x125: {  	v2 =	vmul.f32 v3, v2  }
0x126: {  	s9 =	simm.s32 $0x51C0  }
0x127: {  	[tilespmem:s9+$0xFFFFFFC0] =	vst v2  }
0x128: {  	v2 =	vld [tilespmem:s13+$0xFFFFFFD0]  }
0x129: {  	v3 =	vld [tilespmem:s25+$0xFFFFFFD0];
	_ =	sdelay $0x4  }
0x12a: {  	v2 =	vmul.f32 v2, v3;
	_ =	sdelay $0x1  }
0x12b: {  	[tilespmem:s9+$0xFFFFFFD0] =	vst v2  }
0x12c: {  	v2 =	vld [tilespmem:s25+$0xFFFFFFE0]  }
0x12d: {  	v3 =	vld [tilespmem:s13+$0xFFFFFFE0];
	_ =	sdelay $0x4  }
0x12e: {  	v2 =	vmul.f32 v3, v2;
	_ =	sdelay $0x1  }
0x12f: {  	[tilespmem:s9+$0xFFFFFFE0] =	vst v2  }
0x130: {  	v2 =	vld [tilespmem:s25+$0xFFFFFFF0]  }
0x131: {  	v3 =	vld [tilespmem:s13+$0xFFFFFFF0];
	_ =	sdelay $0x4  }
0x132: {  	v2 =	vmul.f32 v3, v2;
	_ =	sdelay $0x1  }
0x133: {  	[tilespmem:s9+$0xFFFFFFF0] =	vst v2  }
0x134: {  	v2 =	vld [tilespmem:s25+$0x0]  }
0x135: {  	v3 =	vld [tilespmem:s13+$0x0];
	_ =	sdelay $0x4  }
0x136: {  	v2 =	vmul.f32 v3, v2;
	_ =	sdelay $0x1  }
0x137: {  	[tilespmem:s9+$0x0] =	vst v2  }
0x138: {  	v2 =	vld [tilespmem:s25+$0x10]  }
0x139: {  	v3 =	vld [tilespmem:s13+$0x10];
	_ =	sdelay $0x4  }
0x13a: {  	v2 =	vmul.f32 v3, v2;
	_ =	sdelay $0x1  }
0x13b: {  	[tilespmem:s9+$0x10] =	vst v2  }
0x13c: {  	v2 =	vld [tilespmem:s25+$0x20]  }
0x13d: {  	v3 =	vld [tilespmem:s13+$0x20];
	_ =	sdelay $0x4  }
0x13e: {  	v2 =	vmul.f32 v3, v2;
	_ =	sdelay $0x1  }
0x13f: {  	[tilespmem:s9+$0x20] =	vst v2  }
0x140: {  	s23 =	simm.s32 $0x3240;
	s16 =	simm.s32 $0x51C0;
	s18 =	simm.s32 $0x0;
	v2 =	vld [tilespmem:s25+$0x30]  }
.LBB2_7:
0x141: {  	s18 =	sadd.s32 $0x2, s18;
	v3 =	vld [tilespmem:s13+$0x30];
	s9 =	sadd.s32 $0x80, s9;
	s13 =	sadd.s32 $0x80, s13  }
0x142: {  	p0 =	slt.u32 s18, $0x3E;
	_ =	sdelay $0x3  }
0x143: {  	v2 =	vmul.f32 v3, v2;
	_ =	sdelay $0x1  }
0x144: {  	[tilespmem:s16+$0x30] =	vst v2;
	s16 =	smov.u32 s9  }
0x145: {  	v2 =	vld [tilespmem:s23+$0xFFFFFFC0]  }
0x146: {  	v3 =	vld [tilespmem:s13+$0xFFFFFFC0];
	_ =	sdelay $0x4  }
0x147: {  	v2 =	vmul.f32 v3, v2;
	_ =	sdelay $0x1  }
0x148: {  	[tilespmem:s9+$0xFFFFFFC0] =	vst v2  }
0x149: {  	v2 =	vld [tilespmem:s13+$0xFFFFFFD0]  }
0x14a: {  	v3 =	vld [tilespmem:s23+$0xFFFFFFD0];
	_ =	sdelay $0x4  }
0x14b: {  	v2 =	vmul.f32 v2, v3;
	_ =	sdelay $0x1  }
0x14c: {  	[tilespmem:s9+$0xFFFFFFD0] =	vst v2  }
0x14d: {  	v2 =	vld [tilespmem:s23+$0xFFFFFFE0]  }
0x14e: {  	v3 =	vld [tilespmem:s13+$0xFFFFFFE0];
	_ =	sdelay $0x4  }
0x14f: {  	v2 =	vmul.f32 v3, v2;
	_ =	sdelay $0x1  }
0x150: {  	[tilespmem:s9+$0xFFFFFFE0] =	vst v2  }
0x151: {  	v2 =	vld [tilespmem:s23+$0xFFFFFFF0]  }
0x152: {  	v3 =	vld [tilespmem:s13+$0xFFFFFFF0];
	_ =	sdelay $0x4  }
0x153: {  	v2 =	vmul.f32 v3, v2;
	_ =	sdelay $0x1  }
0x154: {  	[tilespmem:s9+$0xFFFFFFF0] =	vst v2  }
0x155: {  	v2 =	vld [tilespmem:s23+$0x0]  }
0x156: {  	v3 =	vld [tilespmem:s13+$0x0];
	_ =	sdelay $0x4  }
0x157: {  	v2 =	vmul.f32 v3, v2;
	_ =	sdelay $0x1  }
0x158: {  	[tilespmem:s9+$0x0] =	vst v2  }
0x159: {  	v2 =	vld [tilespmem:s23+$0x10]  }
0x15a: {  	v3 =	vld [tilespmem:s13+$0x10];
	_ =	sdelay $0x4  }
0x15b: {  	v2 =	vmul.f32 v3, v2;
	_ =	sdelay $0x1  }
0x15c: {  	[tilespmem:s9+$0x10] =	vst v2  }
0x15d: {  	v2 =	vld [tilespmem:s23+$0x20]  }
0x15e: {  	v3 =	vld [tilespmem:s13+$0x20];
	_ =	sdelay $0x3  }
.Ltmp2:
0x15f: {  	(pc) =	sbr.rel @p0 .LBB2_7-.Ltmp2, $3  }
0x160: {  	v2 =	vmul.f32 v3, v2;
	_ =	sdelay $0x1  }
0x161: {  	[tilespmem:s9+$0x20] =	vst v2  }
0x162: {  	v2 =	vld [tilespmem:s23+$0x30];
	s23 =	sadd.s32 $0x80, s23  }
0x163: {  	v3 =	vld [tilespmem:s13+$0x30];
	_ =	sdelay $0x1  }
0x164: {  	s17 =	sadd.s32 $0x1, s17  }
0x165: {  	p0 =	sne.s32 s17, $0x187  }
.Ltmp3:
0x166: {  	_ = 	snop;
	(pc) =	sbr.rel @p0 .LBB2_4-.Ltmp3, $3  }
0x167: {  	v2 =	vmul.f32 v3, v2;
	_ =	sdelay $0x1  }
0x168: {  	[tilespmem:s16+$0x30] =	vst v2  }
0x169: {  	[spmem:s1] =	stream.indirect.scatter.add.f32 [tilespmem:s12], [sflag:$0x6], $0x40, s11, s21, $0xb8;
	[tilespmem:$0x1E9C0] =	vst v63  }
0x16a: {  	s9 =	simm.s32 $0x3  }
0x16b: {  	_ =	swait.ge [sflag:s9], $0x1000  }
0x16c: {  	[sflag:s9] =	ssyncset.done $0x0  }
0x16d: {  	[sflag:s9] =	ssyncadd.s32 $0xFFFFF000  }
0x16e: {  	_ =	swait.ge [sflag:s15], $0x1000  }
0x16f: {  	[sflag:s15] =	ssyncset.done $0x0  }
0x170: {  	[sflag:s15] =	ssyncadd.s32 $0xFFFFF000  }
0x171: {  	s25 =	stileid.u32;
	[bflag:$0x0] =	sbarrier.arrive $0xFFFF  }
0x172: {  	s9 =	sshll.u32 s25, $0x6;
	s17 =	rddreg [dreg:$0x10]  }
0x173: {  	s13 =	sadd.s32 $0x0, s24;
	s9 =	sor.u32 $0x1C07, s9;
	s16 =	sshrl.u32 s17, $0x3  }
0x174: {  	[hbm:s13], [sflag:s9] =	dma.local [spmem:s16], $0x380  }
0x175: {  	s13 =	simm.s32 $0x380;
	s16 =	sadd.s32 $0x1C00, s17;
	_ =	swait.ge [sflag:s20], $0x380  }
.LBB2_10:
0x176: {  	s17 =	sadd.s32 s13, s24;
	[sflag:s20] =	ssyncset.done $0x0;
	p0 =	sne.s32 s13, $0x2D80  }
.Ltmp4:
0x177: {  	s18 =	sshrl.u32 s16, $0x3;
	[sflag:s20] =	ssyncadd.s32 $0xFFFFFC80;
	(pc) =	sbr.rel @p0 .LBB2_10-.Ltmp4, $3  }
0x178: {  	[hbm:s17], [sflag:s9] =	dma.local [spmem:s18], $0x380  }
0x179: {  	s13 =	sadd.s32 $0x380, s13;
	_ =	sdelay $0x1  }
0x17a: {  	s16 =	sadd.s32 $0x1C00, s16;
	_ =	swait.ge [sflag:s20], $0x380  }
0x17b: {  	s13 =	sld [smem:$0x7FC];
	_ =	sdelay $0x2  }
0x17c: {  	s9 =	rddreg [dreg:$0x8];
	s13 =	sadd.s32 $0x1, s13  }
0x17d: {  	p0 =	sne.s32 s13, s9  }
.Ltmp5:
0x17e: {  	_ = 	snop;
	(pc) =	sbr.rel @p0 .LBB2_1-.Ltmp5, $3  }
0x17f: {  	_ =	sdelay $0x1  }
0x180: {  	[sflag:s20] =	ssyncset.done $0x0  }
0x181: {  	[sflag:s20] =	ssyncadd.s32 $0xFFFFFC80  }
0x182: {  	_ =	sfence.sel $0x180000  }
0x183: {  	[bflag:$0x0] =	sbarrier.arrive $0xFFFF  }
0x184: {  	_ =	strace $0x9000004D  }
0x185: {  	s0 =	stileid.u32;
	[bflag:$0x2] =	sbarrier.arrive $0xFFFF  }
0x186: {  	p0 =	sne.s32 s0, $0x0;
	s0 =	rddreg [dreg:$0x2]  }
0x187: {  	s0 =	sadd.s32 @!p0 $0x100000, s0  }
0x188: {  	[sflag:s0] =	ssyncadd.tile.s32 @!p0 $0x1;
	_ =	shalt  }
.Lfunc_end2:
_tile_overlayer_lowered:
.L_overlay_start_2:
0x189: {  	(tag) =	ssettag $0x2  }
0x18a: {  	s0 =	rddreg [dreg:$0x0];
	s2 =	stileid.u32  }
0x18b: {  	s1 =	rddreg [dreg:$0x1];
	p0 =	sne.s32 s2, $0x0  }
0x18c: {  	s3 =	rddreg [dreg:$0x2];
	[bflag:$0x3] =	sbarrier.arrive $0xFFFF;
	s2 =	simm.s32 @!p0 $0x1C07  }
0x18d: {  	[timem:s3], [sflag:s2] =	dma.local @!p0 [hbm:s0], s1  }
0x18e: {  	s0 =	simm.s32 @!p0 $0x7  }
0x18f: {  	_ =	swait.ge @!p0 [sflag:s0], s1  }
0x190: {  	s1 =	ssub.s32 @!p0 $0x0, s1;
	[sflag:s0] =	ssyncset.done @!p0 $0x0  }
0x191: {  	[sflag:s0] =	ssyncadd.s32 @!p0 s1  }
0x192: {  	[bflag:$0x3] =	sbarrier.arrive $0xFFFF  }
0x193: {  	_ =	shalt  }

// kernel: kernel.21.cloned.1.call-start
scs
__scs_entry_jumppad:
0x0: {  	(pc) =	sbr.rel $0x88, $3  }
0x1: {  	(tag) =	ssettag $0x0;
	lr =	simm.s32 $0x1  }
0x2: {  	[smem:$0x3F8A] =	sst lr;
	_ =	strace $0xD0000000  }
0x3: {  	_ = 	snop  }
0x4: {  	_ = 	snop  }
0x5: {  	_ = 	snop  }
0x6: {  	_ = 	snop  }
0x7: {  	_ = 	snop  }
__scs_overlays_trampoline_lowered:
0x8: {  	[smem:$0x3F99] =	sst s0  }
0x9: {  	[smem:$0x3F9A] =	sst s1  }
0xa: {  	[smem:$0x3F9B] =	sst s2  }
0xb: {  	[smem:$0x3F9C] =	sst s3  }
0xc: {  	[smem:$0x3F9D] =	sst s4  }
0xd: {  	[smem:$0x3F9E] =	sst s5  }
0xe: {  	[smem:$0x3F9F] =	sst s6  }
0xf: {  	[smem:$0x3FA0] =	sst s7  }
0x10: {  	[smem:$0x3FA1] =	sst s8  }
0x11: {  	[smem:$0x3FA2] =	sst s9;
	s0 =	simm.s32 @!p0 $0x0  }
0x12: {  	s1 =	sld [smem:$0x3F88];
	s0 =	simm.s32 @p0 $0x1  }
0x13: {  	[smem:$0x3FA3] =	sst s0;
	s0 =	simm.s32 @!p1 $0x0  }
0x14: {  	s2 =	sld [smem:$0x3F87];
	s0 =	simm.s32 @p1 $0x1  }
0x15: {  	[smem:$0x3FA4] =	sst s0;
	s0 =	simm.s32 @!p2 $0x0  }
0x16: {  	s3 =	sld [smem:$0x3FDB];
	s0 =	simm.s32 @p2 $0x1  }
0x17: {  	s4 =	simm.s32 $0x1BF5;
	[smem:$0x3FA6] =	sst s0  }
0x18: {  	s0 =	sld [smem:$0x3F89];
	_ =	swait.ge [sflag:s4], $0x0  }
0x19: {  	s7 =	sld [smem:$0x3F8A]  }
0x1a: {  	s8 =	sadd.s32 $0xFFFFE003, lr  }
0x1b: {  	s9 =	sadd.s32 $0xFFFFFEF7, lr;
	s5 =	simm.s32 $0xFFFFFFFF;
	p2 =	slt.u32 s8, $0xFFFFF086  }
0x1c: {  	p1 =	slt.u32 s9, $0xF7A;
	s5 =	simm.s32 @!p2 $0x0  }
0x1d: {  	s5 =	simm.s32 @p1 $0x1;
	p0 =	seq.s32 s7, s2  }
0x1e: {  	s7 =	smul.u32 @!p0 $0xF7A, s2;
	p2 =	seq.s32 @!p0 s5, $0x0  }
0x1f: {  	s9 =	smul.u32 $0xF7A, s1;
	s8 =	simm.s32 @!p0 $0x1BF5;
	p2 =	por !p2, p0  }
0x20: {  	[sflag:s8] =	ssyncset.s32 @!p0 $0xFFFFF086;
	s6 =	sadd.s32 @!p0 s3, s7;
	s7 =	simm.s32 @!p0 $0x108  }
0x21: {  	s3 =	sadd.s32 s3, s9;
	s6 =	sadd.s32 @!p0 $0x88, s6;
	s7 =	simm.s32 @p2 $0x1082  }
0x22: {  	[simem:s7], [sflag:s8] =	dma.local @!p0 [hbm:s6], $0xF7A  }
0x23: {  	s9 =	sor.u32 $0xD0000000, s2;
	s6 =	simm.s32 $0x108;
	_ =	swait.ge @!p0 [sflag:s8], $0x0  }
0x24: {  	s3 =	sadd.s32 $0x88, s3;
	s6 =	simm.s32 @!p1 $0x1082;
	[sflag:s4] =	ssyncset.s32 $0xFFFFF086  }
0x25: {  	[simem:s6], [sflag:s4] =	dma.local [hbm:s3], $0xF7A  }
0x26: {  	[smem:$0x3F8A] =	sst s1;
	(tag) =	ssettag s2;
	_ =	strace s9  }
0x27: {  	s1 =	sld [smem:$0x3F9A]  }
0x28: {  	s2 =	sld [smem:$0x3F9B]  }
0x29: {  	s4 =	sld [smem:$0x3F9D]  }
0x2a: {  	p0 =	seq.s32 s5, $0x0;
	s5 =	sld [smem:$0x3F9E]  }
0x2b: {  	s6 =	sld [smem:$0x3F9F]  }
0x2c: {  	s7 =	sld [smem:$0x3FA0]  }
0x2d: {  	s3 =	simm.s32 $0x108;
	s8 =	sld [smem:$0x3FA1]  }
0x2e: {  	s3 =	simm.s32 @!p0 $0x1082;
	s9 =	sld [smem:$0x3FA2]  }
0x2f: {  	lr =	sadd.s32 s0, s3;
	s0 =	sld [smem:$0x3F99]  }
0x30: {  	s3 =	sld [smem:$0x3F9C]  }
0x31: {  	[smem:$0x3FA5] =	sst s10  }
0x32: {  	s10 =	sld [smem:$0x3FA3];
	_ =	sdelay $0x3  }
0x33: {  	p0 =	seq.s32 s10, $0x1;
	s10 =	sld [smem:$0x3FA5];
	_ =	sdelay $0x3  }
0x34: {  	[smem:$0x3FA5] =	sst s10  }
0x35: {  	s10 =	sld [smem:$0x3FA4];
	_ =	sdelay $0x3  }
0x36: {  	p1 =	seq.s32 s10, $0x1;
	s10 =	sld [smem:$0x3FA5];
	_ =	sdelay $0x3  }
0x37: {  	[smem:$0x3FA5] =	sst s10  }
0x38: {  	s10 =	sld [smem:$0x3FA6]  }
0x39: {  	_ = 	snop;
	(pc) =	sbr.ind lr, $3  }
0x3a: {  	_ = 	snop  }
0x3b: {  	_ = 	snop  }
0x3c: {  	p2 =	seq.s32 s10, $0x1;
	s10 =	sld [smem:$0x3FA5]  }
0x3d: {  	_ =	shalt  }
0x3e: {  	_ =	shalt  }
0x3f: {  	_ =	shalt  }
0x40: {  	_ =	shalt  }
0x41: {  	_ =	shalt  }
0x42: {  	_ =	shalt  }
0x43: {  	_ =	shalt  }
0x44: {  	_ =	shalt  }
0x45: {  	_ =	shalt  }
0x46: {  	_ =	shalt  }
0x47: {  	_ =	shalt  }
0x48: {  	_ =	shalt  }
0x49: {  	_ =	shalt  }
0x4a: {  	_ =	shalt  }
0x4b: {  	_ =	shalt  }
0x4c: {  	_ =	shalt  }
0x4d: {  	_ =	shalt  }
0x4e: {  	_ =	shalt  }
0x4f: {  	_ =	shalt  }
0x50: {  	_ =	shalt  }
0x51: {  	_ =	shalt  }
0x52: {  	_ =	shalt  }
0x53: {  	_ =	shalt  }
0x54: {  	_ =	shalt  }
0x55: {  	_ =	shalt  }
0x56: {  	_ =	shalt  }
0x57: {  	_ =	shalt  }
0x58: {  	_ =	shalt  }
0x59: {  	_ =	shalt  }
0x5a: {  	_ =	shalt  }
0x5b: {  	_ =	shalt  }
0x5c: {  	_ =	shalt  }
0x5d: {  	_ =	shalt  }
0x5e: {  	_ =	shalt  }
0x5f: {  	_ =	shalt  }
0x60: {  	_ =	shalt  }
0x61: {  	_ =	shalt  }
0x62: {  	_ =	shalt  }
0x63: {  	_ =	shalt  }
0x64: {  	_ =	shalt  }
0x65: {  	_ =	shalt  }
0x66: {  	_ =	shalt  }
0x67: {  	_ =	shalt  }
0x68: {  	_ =	shalt  }
0x69: {  	_ =	shalt  }
0x6a: {  	_ =	shalt  }
0x6b: {  	_ =	shalt  }
0x6c: {  	_ =	shalt  }
0x6d: {  	_ =	shalt  }
0x6e: {  	_ =	shalt  }
0x6f: {  	_ =	shalt  }
0x70: {  	_ =	shalt  }
0x71: {  	_ =	shalt  }
0x72: {  	_ =	shalt  }
0x73: {  	_ =	shalt  }
0x74: {  	_ =	shalt  }
0x75: {  	_ =	shalt  }
0x76: {  	_ =	shalt  }
0x77: {  	_ =	shalt  }
0x78: {  	_ =	shalt  }
0x79: {  	_ =	shalt  }
0x7a: {  	_ =	shalt  }
0x7b: {  	_ =	shalt  }
0x7c: {  	_ =	shalt  }
0x7d: {  	_ =	shalt  }
0x7e: {  	_ =	shalt  }
0x7f: {  	_ =	shalt  }
0x80: {  	_ =	shalt  }
0x81: {  	_ =	shalt  }
0x82: {  	_ =	shalt  }
0x83: {  	_ =	shalt  }
0x84: {  	_ =	shalt  }
0x85: {  	_ =	shalt  }
0x86: {  	_ =	shalt  }
0x87: {  	_ =	shalt  }
.Lfunc_end0:
.L_simem_size_0:
called_computation.3_lowered:
.L_overlay_start_0:
0x88: {  	s2 =	sld [smem:$0x3FD9]  }
0x89: {  	s3 =	sld [smem:$0x3FFE];
	_ =	sdelay $0x1  }
0x8a: {  	s1 =	srdreg.scid  }
0x8b: {  	s0 =	sand.u32 $0x1, s1  }
0x8c: {  	s16 =	sshll.u32 s0, $0xA;
	s2 =	sadd.s32 s3, s2  }
0x8d: {  	s2 =	sadd.s32 s2, s16  }
0x8e: {  	[smem:$0x3FB1] =	sst s2  }
0x8f: {  	_ = 	snop  }
0x90: {  	(tm) =	ssettm $0x1  }
0x91: {  	s17 =	sld [smem:$0x3FFB];
	_ =	sdelay $0x3  }
0x92: {  	_ =	strace s17  }
0x93: {  	s2 =	sld [smem:$0x3FFC];
	_ =	sdelay $0x3  }
0x94: {  	_ =	strace s2  }
0x95: {  	s2 =	sld [smem:$0x3FFD];
	_ =	sdelay $0x3  }
0x96: {  	_ =	strace s2  }
0x97: {  	_ =	strace $0x8FFFFFFF  }
0x98: {  	s18 =	sld [smem:$0x3FDB];
	_ =	sdelay $0x1  }
0x99: {  	s19 =	simm.s32 $_scs_section_size  }
0x9a: {  	s4 =	simm.s32 $_size__tile_overlayer_lowered;
	s5 =	simm.s32 $_tile_overlayer_lowered  }
0x9b: {  	s22 =	simm.s32 $0x1BFF;
	s21 =	sshll.u32 s5, $0x1;
	s2 =	sadd.s32 s19, s18  }
0x9c: {  	s6 =	simm.s32 $0x0;
	s20 =	sshll.u32 s4, $0x1;
	s4 =	sadd.s32 s21, s2  }
0x9d: {  	[timem:s6], [sflag:s22] =	dma.local [hbm:s4], s20  }
0x9e: {  	_ =	swait.ge [sflag:s22], s20  }
0x9f: {  	s3 =	ssub.s32 $0x0, s20;
	[sflag:s22] =	ssyncset.done $0x0  }
0xa0: {  	[sflag:s22] =	ssyncadd.s32 s3;
	_ =	sdelay $0x1  }
0xa1: {  	s23 =	simm.s32 $0x1B8B  }
0xa2: {  	_ =	swait.ge [sflag:s23], $0x1  }
0xa3: {  	[sflag:s23] =	ssyncset.done $0x0  }
0xa4: {  	s25 =	simm.s32 $0x1B8E;
	s24 =	sld [smem:$0x3FFE];
	[sflag:s23] =	ssyncadd.s32 $0xFFFFFFFF  }
0xa5: {  	s26 =	simm.s32 $execute0_lowered;
	[smem:$0x3FD2] =	sst s25  }
0xa6: {  	s4 =	sshll.u32 s26, $0x1;
	_ =	strace $0x8000004F;
	[dreg:$0x1] =	wrdreg $0xFFFFFFFF  }
0xa7: {  	s28 =	simm.s32 $_size_execute0_lowered;
	s2 =	sadd.s32 s2, s4;
	[dreg:$0x0] =	wrdreg $0x0  }
0xa8: {  	s4 =	sshll.u32 s28, $0x1;
	[dreg:$0x2] =	wrdreg s2  }
0xa9: {  	[dreg:$0x3] =	wrdreg s4  }
0xaa: {  	[dreg:$0x4] =	wrdreg $0xC0  }
0xab: {  	_ =	task [dreg:s6], $0x5FFFF  }
0xac: {  	[dreg:$0x1] =	wrdreg $0xFFFFFFFF  }
0xad: {  	[dreg:$0x0] =	wrdreg $0x60  }
0xae: {  	[dreg:$0x2] =	wrdreg s24  }
0xaf: {  	[dreg:$0x3] =	wrdreg $0x38700  }
0xb0: {  	[dreg:$0x4] =	wrdreg $0x40B00  }
0xb1: {  	[dreg:$0x5] =	wrdreg $0x9  }
0xb2: {  	_ =	task.clear_ibuf [dreg:s6], $0x6FFFF;
	_ =	strace $0x9000004F  }
0xb3: {  	s29 =	simm.s32 $0x9;
	_ =	strace $0x80000051  }
0xb4: {  	_ =	swait.ge [sflag:s29], $0x1  }
0xb5: {  	[sflag:s29] =	ssyncadd.s32 $0xFFFFFFFF  }
0xb6: {  	_ =	strace $0x90000051  }
0xb7: {  	_ =	sfence  }
0xb8: {  	s30 =	sld [smem:$0x0];
	_ =	sdelay $0x2  }
0xb9: {  	s31 =	sshll.u32 s1, $0xD;
	s1 =	sshrl.u32 s1, $0x2  }
0xba: {  	s3 =	sand.u32 $0x4000, s31;
	s1 =	sadd.s32 s1, s30  }
0xbb: {  	s0 =	sor.u32 s3, s0;
	s1 =	sshll.u32 s1, $0x11  }
0xbc: {  	s0 =	sor.u32 s1, s0  }
0xbd: {  	s0 =	sadd.s32 $0x8F2B, s0  }
0xbe: {  	[sflag:s0] =	ssyncadd.remote.s32 $0x1  }
0xbf: {  	_ =	sfence.sel $0xFFFF  }
0xc0: {  	[dreg:$0x0] =	wrdreg $0xFFFFFFFF;
	(pc) =	sbr.abs _section_cstart, $3  }
0xc1: {  	[dreg:$0x1] =	wrdreg $0xFFFFFFFF  }
0xc2: {  	_ =	task.clear_ibuf [dreg:s6], $0x2FFFF;
	_ =	strace $0x9FFFFFFF  }
0xc3: {  	(tm) =	ssettm $0x7FFFFFFF  }
tec
execute0_lowered:
.L_overlay_start_1:
0x0: {  	(tag) =	ssettag $0x1  }
0x1: {  	s5 =	rddreg [dreg:$0x0];
	s0 =	srdreg.scid  }
0x2: {  	s2 =	rddreg [dreg:$0x1];
	s6 =	sand.u32 $0x1, s0  }
0x3: {  	s0 =	stileid.u32;
	s7 =	smul.u32 $0x6200, s6  }
0x4: {  	s3 =	rddreg [dreg:$0x2];
	s8 =	smul.u32 $0x620, s0  }
0x5: {  	s1 =	rddreg [dreg:$0x3];
	s9 =	smul.u32 $0x31000, s6  }
0x6: {  	s4 =	simm.s32 $0x0;
	s14 =	simm.s32 $0x1C70;
	s28 =	smul.u32 $0x21, s0  }
0x7: {  	s18 =	simm.s32 $0x0;
	[smem:$0x7FF] =	sst s4;
	s10 =	smul.u32 $0x210, s6  }
0x8: {  	_ =	strace $0x80000050;
	s6 =	ssub.s32 $0x2, s6;
	s30 =	smul.u32 $0x840, s0  }
0x9: {  	s12 =	smul.u32 $0x3100, s0;
	s15 =	sshll.u32 s0, $0x6;
	s31 =	sshrl.u32 s6, $0x1  }
0xa: {  	s15 =	sor.u32 $0x1C01, s15;
	s7 =	sadd.s32 s8, s7;
	s9 =	sadd.s32 s9, s5  }
0xb: {  	s29 =	sadd.s32 s28, s10;
	s10 =	ssub.s32 s6, s31;
	s6 =	sadd.s32 s30, s3  }
0xc: {  	s7 =	sshrl.u32 s7, $0x3;
	s12 =	sadd.s32 s12, s9;
	s9 =	smax.u32 s10, $0x1  }
0xd: {  	s17 =	sshrl.u32 s6, $0x3;
	s11 =	sadd.s32 s7, s5;
	s7 =	sshll.u32 s29, $0x3  }
0xe: {  	s10 =	sadd.s32 $0x5600, s12;
	s12 =	simm.s32 $0x70;
	s13 =	sadd.s32 s7, s5  }
0xf: {  	s5 =	sadd.s32 s30, s2;
	s11 =	sadd.s32 $0x98600, s11;
	s7 =	sadd.s32 $0x67600, s13  }
0x10: {  	v0 =	vimm.f32 $0.0e+00;
	v1 =	vimm.f32 $1.000000000e+00;
	s8 =	sadd.s32 $0x69800, s13;
	s13 =	simm.s32 $0x1;
	s16 =	sshrl.u32 s5, $0x3  }
.LBB2_1:
0x11: {  	s19 =	simm.s32 $0x0;
	s20 =	simm.s32 $0x100  }
.LBB2_2:
0x12: {  	p0 =	sne.s32 s20, $0x6F00;
	[tilespmem:s19+$0x1CA0] =	vst v1  }
0x13: {  	[tilespmem:s19+$0x70] =	vst v0  }
0x14: {  	[tilespmem:s19+$0x1C70] =	vst v1  }
.Ltmp0:
0x15: {  	[tilespmem:s19+$0x80] =	vst v0;
	(pc) =	sbr.rel @p0 .LBB2_2-.Ltmp0, $4  }
0x16: {  	[tilespmem:s19+$0x1C80] =	vst v1  }
0x17: {  	[tilespmem:s19+$0x90] =	vst v0  }
0x18: {  	[tilespmem:s19+$0x1C90] =	vst v1  }
0x19: {  	[tilespmem:s19+$0xA0] =	vst v0;
	s19 =	sshra.s32 s20, $0x2;
	s20 =	sadd.s32 $0x100, s20  }
0x1a: {  	[tilespmem:s19+$0x1CA0] =	vst v1  }
0x1b: {  	[tilespmem:s19+$0x70] =	vst v0  }
0x1c: {  	[tilespmem:s19+$0x1C70] =	vst v1  }
0x1d: {  	[tilespmem:s19+$0x80] =	vst v0  }
0x1e: {  	[tilespmem:s19+$0x1C80] =	vst v1  }
0x1f: {  	[tilespmem:s19+$0x90] =	vst v0  }
0x20: {  	[tilespmem:s19+$0x1C90] =	vst v1  }
0x21: {  	[tilespmem:s19+$0xA0] =	vst v0  }
0x22: {  	[spmem:s5] =	stream.linear.scatter [tilespmem:s12], [sflag:$0x1], $0x840, $0x38;
	[tilespmem:$0x48F0] =	vst v63  }
0x23: {  	_ =	swait.ge [sflag:s13], $0x840  }
0x24: {  	[sflag:s13] =	ssyncset.done $0x0  }
0x25: {  	[sflag:s13] =	ssyncadd.s32 $0xFFFFF7C0  }
0x26: {  	[spmem:s6] =	stream.linear.scatter [tilespmem:s12], [sflag:$0x1], $0x840, $0x38;
	[tilespmem:$0x48F0] =	vst v63  }
0x27: {  	_ =	swait.ge [sflag:s13], $0x840  }
0x28: {  	[sflag:s13] =	ssyncset.done $0x0  }
0x29: {  	[sflag:s13] =	ssyncadd.s32 $0xFFFFF7C0  }
0x2a: {  	s31 =	sadd.s32 $0x0, s11;
	[bflag:$0x0] =	sbarrier.arrive $0xFFFF  }
0x2b: {  	[tilespmem:s4], [sflag:$0x1] =	stream.linear.gather [hbm4b:s31+s4], $0x70, $0x38;
	[tilespmem:$0x48F0] =	vst v63  }
0x2c: {  	_ =	swait.ge [sflag:s13], $0x70  }
0x2d: {  	[sflag:s13] =	ssyncset.done $0x0  }
0x2e: {  	[sflag:s13] =	ssyncadd.s32 $0xFFFFFF90  }
0x2f: {  	[tilespmem:s12], [sflag:$0x1] =	stream.linear.gather [hbm4b:s10+s4], $0x1C00, $0x38;
	[tilespmem:$0x48F0] =	vst v63  }
0x30: {  	_ =	swait.ge [sflag:s13], $0x1C00  }
0x31: {  	[sflag:s13] =	ssyncset.done $0x0  }
0x32: {  	[sflag:s13] =	ssyncadd.s32 $0xFFFFE400  }
0x33: {  	[spmem:s2] =	stream.indirect.scatter.add.f32 [tilespmem:s12], [sflag:$0x1], $0x40, s4, s12, $0xb8;
	[tilespmem:$0x48F0] =	vst v63  }
0x34: {  	_ =	swait.ge [sflag:s13], $0x1C00  }
0x35: {  	[sflag:s13] =	ssyncset.done $0x0  }
0x36: {  	[sflag:s13] =	ssyncadd.s32 $0xFFFFE400  }
0x37: {  	[spmem:s3] =	stream.indirect.scatter.add.f32 [tilespmem:s14], [sflag:$0x1], $0x40, s4, s12, $0xb8;
	[tilespmem:$0x48F0] =	vst v63  }
0x38: {  	s20 =	simm.s32 $0xE;
	_ =	swait.ge [sflag:s13], $0x1C00  }
0x39: {  	s21 =	simm.s32 $0x1C;
	s19 =	sadd.s32 $0x380, s10;
	[sflag:s13] =	ssyncset.done $0x0  }
.LBB2_4:
0x3a: {  	s22 =	sadd.s32 s20, s11  }
0x3b: {  	[sflag:s13] =	ssyncadd.s32 $0xFFFFE400;
	s20 =	smov.u32 s21;
	s23 =	sadd.s32 $0xE, s21  }
0x3c: {  	[tilespmem:s4], [sflag:$0x1] =	stream.linear.gather [hbm4b:s22+s4], $0x70, $0x38;
	[tilespmem:$0x48F0] =	vst v63  }
0x3d: {  	p0 =	sne.s32 s21, $0xB6;
	_ =	swait.ge [sflag:s13], $0x70  }
0x3e: {  	[sflag:s13] =	ssyncset.done $0x0  }
0x3f: {  	[sflag:s13] =	ssyncadd.s32 $0xFFFFFF90  }
0x40: {  	[tilespmem:s12], [sflag:$0x1] =	stream.linear.gather [hbm4b:s19+s4], $0x1C00, $0x38;
	[tilespmem:$0x48F0] =	vst v63  }
0x41: {  	_ =	swait.ge [sflag:s13], $0x1C00  }
0x42: {  	[sflag:s13] =	ssyncset.done $0x0  }
0x43: {  	[sflag:s13] =	ssyncadd.s32 $0xFFFFE400  }
0x44: {  	[spmem:s2] =	stream.indirect.scatter.add.f32 [tilespmem:s12], [sflag:$0x1], $0x40, s4, s12, $0xb8;
	[tilespmem:$0x48F0] =	vst v63  }
0x45: {  	_ =	swait.ge [sflag:s13], $0x1C00  }
.Ltmp1:
0x46: {  	[sflag:s13] =	ssyncset.done $0x0;
	(pc) =	sbr.rel @p0 .LBB2_4-.Ltmp1, $4  }
0x47: {  	[sflag:s13] =	ssyncadd.s32 $0xFFFFE400  }
0x48: {  	[spmem:s3] =	stream.indirect.scatter.add.f32 [tilespmem:s14], [sflag:$0x1], $0x40, s4, s12, $0xb8;
	[tilespmem:$0x48F0] =	vst v63  }
0x49: {  	_ =	swait.ge [sflag:s13], $0x1C00  }
0x4a: {  	s21 =	smov.u32 s23;
	s19 =	sadd.s32 $0x380, s19;
	[sflag:s13] =	ssyncset.done $0x0  }
0x4b: {  	s20 =	sadd.s32 s20, s11;
	[sflag:s13] =	ssyncadd.s32 $0xFFFFE400  }
0x4c: {  	[tilespmem:s4], [sflag:$0x1] =	stream.linear.gather [hbm4b:s20+s4], $0x70, $0x38;
	[tilespmem:$0x48F0] =	vst v63  }
0x4d: {  	_ =	swait.ge [sflag:s13], $0x70  }
0x4e: {  	[sflag:s13] =	ssyncset.done $0x0  }
0x4f: {  	[sflag:s13] =	ssyncadd.s32 $0xFFFFFF90  }
0x50: {  	[tilespmem:s12], [sflag:$0x1] =	stream.linear.gather [hbm4b:s19+s4], $0x1C00, $0x38;
	[tilespmem:$0x48F0] =	vst v63  }
0x51: {  	_ =	swait.ge [sflag:s13], $0x1C00  }
0x52: {  	[sflag:s13] =	ssyncset.done $0x0  }
0x53: {  	[sflag:s13] =	ssyncadd.s32 $0xFFFFE400  }
0x54: {  	[spmem:s2] =	stream.indirect.scatter.add.f32 [tilespmem:s12], [sflag:$0x1], $0x40, s4, s12, $0xb8;
	[tilespmem:$0x48F0] =	vst v63  }
0x55: {  	_ =	swait.ge [sflag:s13], $0x1C00  }
0x56: {  	[sflag:s13] =	ssyncset.done $0x0  }
0x57: {  	[sflag:s13] =	ssyncadd.s32 $0xFFFFE400  }
0x58: {  	[spmem:s3] =	stream.indirect.scatter.add.f32 [tilespmem:s14], [sflag:$0x1], $0x40, s4, s12, $0xb8;
	[tilespmem:$0x48F0] =	vst v63  }
0x59: {  	_ =	swait.ge [sflag:s13], $0x1C00  }
0x5a: {  	[sflag:s13] =	ssyncset.done $0x0  }
0x5b: {  	[sflag:s13] =	ssyncadd.s32 $0xFFFFE400  }
0x5c: {  	[bflag:$0x0] =	sbarrier.arrive $0xFFFF  }
0x5d: {  	[hbm:s7], [sflag:s15] =	dma.local [spmem:s16], $0x108  }
0x5e: {  	s18 =	sadd.s32 $0x1, s18;
	_ =	swait.ge [sflag:s13], $0x108  }
0x5f: {  	p0 =	sne.s32 s18, s9;
	[sflag:s13] =	ssyncset.done $0x0  }
.Ltmp2:
0x60: {  	[sflag:s13] =	ssyncadd.s32 $0xFFFFFEF8;
	(pc) =	sbr.rel @p0 .LBB2_1-.Ltmp2, $4  }
0x61: {  	[hbm:s8], [sflag:s15] =	dma.local [spmem:s17], $0x108  }
0x62: {  	_ =	swait.ge [sflag:s13], $0x108  }
0x63: {  	[sflag:s13] =	ssyncset.done $0x0  }
0x64: {  	[sflag:s13] =	ssyncadd.s32 $0xFFFFFEF8  }
0x65: {  	_ =	sfence.sel $0x180000  }
0x66: {  	[bflag:$0x0] =	sbarrier.arrive $0xFFFF  }
0x67: {  	p0 =	sne.s32 s0, $0x0;
	_ =	strace $0x90000050  }
0x68: {  	s0 =	sadd.s32 @!p0 $0x100000, s1;
	[bflag:$0x2] =	sbarrier.arrive $0xFFFF  }
0x69: {  	[sflag:s0] =	ssyncadd.tile.s32 @!p0 $0x1;
	_ =	shalt  }
.Lfunc_end2:
_tile_overlayer_lowered:
.L_overlay_start_2:
0x6a: {  	(tag) =	ssettag $0x2  }
0x6b: {  	s0 =	rddreg [dreg:$0x0];
	s2 =	stileid.u32  }
0x6c: {  	s1 =	rddreg [dreg:$0x1];
	p0 =	sne.s32 s2, $0x0  }
0x6d: {  	s3 =	rddreg [dreg:$0x2];
	[bflag:$0x3] =	sbarrier.arrive $0xFFFF;
	s2 =	simm.s32 @!p0 $0x1C01  }
0x6e: {  	[timem:s3], [sflag:s2] =	dma.local @!p0 [hbm:s0], s1  }
0x6f: {  	s0 =	simm.s32 @!p0 $0x1  }
0x70: {  	_ =	swait.ge @!p0 [sflag:s0], s1  }
0x71: {  	s1 =	ssub.s32 @!p0 $0x0, s1;
	[sflag:s0] =	ssyncset.done @!p0 $0x0  }
0x72: {  	[sflag:s0] =	ssyncadd.s32 @!p0 s1  }
0x73: {  	[bflag:$0x3] =	sbarrier.arrive $0xFFFF  }
0x74: {  	_ =	shalt  }

</sc_bundles>
